<compile_context>
chip_gen: v7x
topology: tpu7x:2x2x1
jax: 0.10.2.dev20260603
libtpu: 0.0.44.dev20260713+nightly
codegen_flags: <defaults>
</compile_context>

<pallas_src>
import functools

import jax
import jax.numpy as jnp
import numpy as np
from jax import lax
from jax.experimental import pallas as pl
from jax.experimental.pallas import tpu as pltpu
from jax.experimental.pallas import tpu_sc as plsc

B = 8
N1 = 1250
N1P = 1280
M1 = 625
M1P = 640
M2 = 157
M2P = 160
K = 32
CAP = 48
R1SQ = float(np.float32(0.2) * np.float32(0.2))
R2SQ = float(np.float32(0.4) * np.float32(0.4))
NEG = float("-inf")

NSUB = 32
PARTS = NSUB // B
Q1 = M1P // PARTS
Q2 = M2P // PARTS
FAR = 1.0e9



def _fps_body(n, m, px_ref, py_ref, pz_ref, out_ref):
    px = px_ref[...]
    py = py_ref[...]
    pz = pz_ref[...]
    npad = px.shape[1]
    P = jnp.concatenate([px, py, pz], axis=0)
    lane = jax.lax.broadcasted_iota(jnp.int32, (B, npad), 1)
    mind0 = jnp.where(lane >= n, NEG, jnp.inf)
    eye = (jax.lax.broadcasted_iota(jnp.int32, (B, B), 0)
           == jax.lax.broadcasted_iota(jnp.int32, (B, B), 1)
           ).astype(jnp.float32)

    def tr(v):
        return jnp.sum(v * eye, axis=0, keepdims=True)

    def store_row(i, cs, idxf):
        row = jnp.concatenate(
            [tr(cs[0:8]), tr(cs[8:16]), tr(cs[16:24]), tr(idxf)], axis=1)
        out_ref[pl.ds(i, 1), :] = row

    cs0 = P[:, 0:1]
    store_row(0, cs0, jnp.zeros((B, 1), jnp.float32))

    def body(i, st):
        cs, mind = st
        D = P - cs
        DD = D * D
        d = DD[0:8] + DD[8:16] + DD[16:24]
        mind = jnp.minimum(mind, d)
        v = jnp.max(mind, axis=1, keepdims=True)
        sel = mind == v
        self32 = sel.astype(jnp.float32)
        idx = jnp.min(jnp.where(sel, lane, npad), axis=1, keepdims=True)
        nsel = jnp.sum(self32, axis=1, keepdims=True)
        sel3 = jnp.concatenate([self32, self32, self32], axis=0)
        cs_fast = jnp.sum(P * sel3, axis=1, keepdims=True)

        def tiepath(_):
            hot = lane == idx
            hot3 = jnp.concatenate([hot, hot, hot], axis=0)
            return -jnp.min(jnp.where(hot3, -P, jnp.inf), axis=1,
                            keepdims=True)

        cs = lax.cond(jnp.max(nsel) > 1.5, tiepath, lambda _: cs_fast, 0)
        store_row(i, cs, idx.astype(jnp.float32))
        return cs, mind

    jax.lax.fori_loop(1, m, body, (cs0, mind0))


def _run_fps(px, py, pz, n, m, interpret=False):
    out = pl.pallas_call(
        functools.partial(_fps_body, n, m),
        out_shape=jax.ShapeDtypeStruct((m, 32), jnp.float32),
        interpret=interpret,
    )(px, py, pz)
    r = out.reshape(m, 4, 8)
    posq = jnp.transpose(r[:, 0:3, :], (2, 0, 1))
    idx = jnp.transpose(r[:, 3, :], (1, 0)).astype(jnp.int32)
    return posq, idx



def _sc_wid():
    return lax.axis_index("c") * 16 + lax.axis_index("s")


QI = 4


def _scan_query4(qg, r2, qxv, qyv, qzv, qiv, sxv, syv, szv, nbrv, nchunk):
    i16 = jnp.arange(16, dtype=jnp.int32)
    qxs, qys, qzs = [], [], []
    for j in range(QI):
        qsel = jnp.full((16,), qg * QI + j, jnp.int32)
        qxs.append(plsc.load_gather(qxv, [qsel]))
        qys.append(plsc.load_gather(qyv, [qsel]))
        qzs.append(plsc.load_gather(qzv, [qsel]))
        selfi = plsc.load_gather(qiv, [qsel])
        for t in range(CAP // 16):
            nbrv[pl.ds(j * CAP + 16 * t, 16)] = selfi

    G = 4

    def group(g, cnts):
        ms = [[] for _ in range(QI)]
        idxs = []
        for u in range(G):
            k = g * G + u
            s_x = sxv[pl.ds(k * 16, 16)]
            s_y = syv[pl.ds(k * 16, 16)]
            s_z = szv[pl.ds(k * 16, 16)]
            idxs.append(i16 + k * 16)
            for j in range(QI):
                dx = s_x - qxs[j]
                dy = s_y - qys[j]
                dz = s_z - qzs[j]
                d2 = dx * dx + dy * dy + dz * dz
                ms[j].append(d2 <= r2)
        anym = ms[0][0]
        for j in range(QI):
            for u in range(G):
                if j or u:
                    anym = jnp.logical_or(anym, ms[j][u])

        def hitpath(cnts):
            out = []
            for j in range(QI):
                c = cnts[j]
                for u in range(G):
                    hits = jnp.sum(ms[j][u].astype(jnp.int32))
                    ok = c <= K - 1

                    @pl.when(jnp.logical_and(ok, hits > 0))
                    def _(j=j, u=u, c=c):
                        plsc.store_compressed(
                            nbrv.at[pl.ds(j * CAP + c, 16)], idxs[u],
                            mask=ms[j][u])

                    c = jnp.where(ok, c + hits, c)
                out.append(c)
            return tuple(out)

        return lax.cond(jnp.any(anym), hitpath, lambda c: c, cnts)

    zero = jnp.int32(0)
    lax.fori_loop(0, nchunk // G, group, (zero,) * QI)
    return qxs, qys, qzs


def _rel_scatter(q, qxs, qys, qzs, sxv, syv, szv, nbrv, nbase, gv):
    i16 = jnp.arange(16, dtype=jnp.int32)
    zero = jnp.zeros((16,), jnp.float32)
    for t in range(K // 16):
        nb = nbrv[pl.ds(nbase + 16 * t, 16)]
        gx = plsc.load_gather(sxv, [nb])
        gy = plsc.load_gather(syv, [nb])
        gz = plsc.load_gather(szv, [nb])
        eidx = (q * K + t * 16 + i16) * 4
        plsc.store_scatter(gv, [eidx], gx - qxs)
        plsc.store_scatter(gv, [eidx + 1], gy - qys)
        plsc.store_scatter(gv, [eidx + 2], gz - qzs)
        plsc.store_scatter(gv, [eidx + 3], zero)


def _sc_sel1_body(sx, sy, sz, qx, qy, qz, qi, g1,
                  sxv, syv, szv, qxv, qyv, qzv, qiv, nbrv, gv, sem):
    w = _sc_wid()
    c = w // PARTS
    part = w % PARTS
    pltpu.sync_copy(sx.at[pl.ds(c * N1P, N1P)], sxv)
    pltpu.sync_copy(sy.at[pl.ds(c * N1P, N1P)], syv)
    pltpu.sync_copy(sz.at[pl.ds(c * N1P, N1P)], szv)
    qoff = c * M1P + part * Q1
    pltpu.sync_copy(qx.at[pl.ds(qoff, Q1)], qxv)
    pltpu.sync_copy(qy.at[pl.ds(qoff, Q1)], qyv)
    pltpu.sync_copy(qz.at[pl.ds(qoff, Q1)], qzv)
    pltpu.sync_copy(qi.at[pl.ds(qoff, Q1)], qiv)

    def per_qg(qg, carry):
        qxs, qys, qzs = _scan_query4(
            qg, R1SQ, qxv, qyv, qzv, qiv, sxv, syv, szv, nbrv, N1P // 16)
        for j in range(QI):
            _rel_scatter(qg * QI + j, qxs[j], qys[j], qzs[j],
                         sxv, syv, szv, nbrv, j * CAP, gv)
        return carry

    lax.fori_loop(0, Q1 // QI, per_qg, jnp.int32(0))
    pltpu.sync_copy(gv, g1.at[pl.ds(w * (Q1 * K * 4), Q1 * K * 4)])


def _sc_select_gather1(sx, sy, sz, qx, qy, qz, qi):
    mesh = plsc.VectorSubcoreMesh(core_axis_name="c", subcore_axis_name="s")
    fn = pl.kernel(
        _sc_sel1_body,
        out_type=jax.ShapeDtypeStruct((NSUB * Q1 * K * 4,), jnp.float32),
        mesh=mesh,
        compiler_params=pltpu.CompilerParams(needs_layout_passes=False),
        scratch_types=[
            pltpu.VMEM((N1P,), jnp.float32),
            pltpu.VMEM((N1P,), jnp.float32),
            pltpu.VMEM((N1P,), jnp.float32),
            pltpu.VMEM((Q1,), jnp.float32),
            pltpu.VMEM((Q1,), jnp.float32),
            pltpu.VMEM((Q1,), jnp.float32),
            pltpu.VMEM((Q1,), jnp.int32),
            pltpu.VMEM((QI * CAP,), jnp.int32),
            pltpu.VMEM((Q1 * K * 4,), jnp.float32),
            pltpu.SemaphoreType.DMA,
        ],
    )
    return fn(sx, sy, sz, qx, qy, qz, qi)


def _sc_sel2_body(sx, sy, sz, qx, qy, qz, qi, x1, g2rel, g2x,
                  sxv, syv, szv, qxv, qyv, qzv, qiv, nbrv, gv, nbrall,
                  rowsv, gsem, osem):
    w = _sc_wid()
    c = w // PARTS
    part = w % PARTS
    pltpu.sync_copy(sx.at[pl.ds(c * M1P, M1P)], sxv)
    pltpu.sync_copy(sy.at[pl.ds(c * M1P, M1P)], syv)
    pltpu.sync_copy(sz.at[pl.ds(c * M1P, M1P)], szv)
    qoff = c * M2P + part * Q2
    pltpu.sync_copy(qx.at[pl.ds(qoff, Q2)], qxv)
    pltpu.sync_copy(qy.at[pl.ds(qoff, Q2)], qyv)
    pltpu.sync_copy(qz.at[pl.ds(qoff, Q2)], qzv)
    pltpu.sync_copy(qi.at[pl.ds(qoff, Q2)], qiv)
    cbase = c * M1P

    def per_qg(qg, carry):
        qxs, qys, qzs = _scan_query4(
            qg, R2SQ, qxv, qyv, qzv, qiv, sxv, syv, szv, nbrv, M1P // 16)
        for j in range(QI):
            q = qg * QI + j
            _rel_scatter(q, qxs[j], qys[j], qzs[j],
                         sxv, syv, szv, nbrv, j * CAP, gv)
            for t in range(K // 16):
                nb = nbrv[pl.ds(j * CAP + t * 16, 16)]
                nbrall[pl.ds(q * K + t * 16, 16)] = nb + cbase
        return carry

    lax.fori_loop(0, Q2 // QI, per_qg, jnp.int32(0))
    pltpu.sync_copy(gv, g2rel.at[pl.ds(w * (Q2 * K * 4), Q2 * K * 4)])

    nrow = Q2 * K
    rbase = w * nrow
    ng = nrow // 128

    def gather(g, buf):
        return pltpu.make_async_copy(
            x1.at[nbrall.at[pl.ds(g * 128, 128)]], rowsv.at[buf], gsem)

    def wback(g, buf):
        return pltpu.make_async_copy(
            rowsv.at[buf], g2x.at[pl.ds(rbase + g * 128, 128)], osem)

    gather(0, 0).start()
    for g in range(ng):
        par = g % 2
        if g + 1 < ng:
            if g >= 1:
                wback(g - 1, 1 - par).wait()
            gather(g + 1, 1 - par).start()
        gather(g, par).wait()
        wback(g, par).start()
    wback(ng - 2, ng % 2).wait()
    wback(ng - 1, 1 - ng % 2).wait()


def _sc_select_gather2(sx, sy, sz, qx, qy, qz, qi, x1):
    mesh = plsc.VectorSubcoreMesh(core_axis_name="c", subcore_axis_name="s")
    fn = pl.kernel(
        _sc_sel2_body,
        out_type=(
            jax.ShapeDtypeStruct((NSUB * Q2 * K * 4,), jnp.float32),
            jax.ShapeDtypeStruct((NSUB * Q2 * K, 128), jnp.float32),
        ),
        mesh=mesh,
        compiler_params=pltpu.CompilerParams(needs_layout_passes=False),
        scratch_types=[
            pltpu.VMEM((M1P,), jnp.float32),
            pltpu.VMEM((M1P,), jnp.float32),
            pltpu.VMEM((M1P,), jnp.float32),
            pltpu.VMEM((Q2,), jnp.float32),
            pltpu.VMEM((Q2,), jnp.float32),
            pltpu.VMEM((Q2,), jnp.float32),
            pltpu.VMEM((Q2,), jnp.int32),
            pltpu.VMEM((QI * CAP,), jnp.int32),
            pltpu.VMEM((Q2 * K * 4,), jnp.float32),
            pltpu.VMEM((Q2 * K,), jnp.int32),
            pltpu.VMEM((2, 128, 128), jnp.float32),
            pltpu.SemaphoreType.DMA,
            pltpu.SemaphoreType.DMA,
        ],
    )
    return fn(sx, sy, sz, qx, qy, qz, qi, x1)



def _dot(a, b):
    return jnp.dot(a, b, preferred_element_type=jnp.float32)


def _mlp1_body(g1_ref, w1_ref, b1_ref, w2_ref, b2_ref, w3_ref, b3_ref,
               out_ref):
    h = _dot(g1_ref[...], w1_ref[...]) + b1_ref[...]
    h = jnp.maximum(h, 0.0)
    h = _dot(h, w2_ref[...]) + b2_ref[...]
    h = jnp.maximum(h, 0.0)
    h = _dot(h, w3_ref[...]) + b3_ref[...]
    nq = h.shape[0] // K
    out_ref[...] = jnp.max(h.reshape(nq, K, h.shape[1]), axis=1)


def _run_mlp1(g1, w1, b1, w2, b2, w3, b3, interpret=False):
    rows = g1.shape[0]
    rb = 8192
    grid = rows // rb
    return pl.pallas_call(
        _mlp1_body,
        grid=(grid,),
        in_specs=[
            pl.BlockSpec((rb, 4), lambda i: (i, 0)),
            pl.BlockSpec((4, 64), lambda i: (0, 0)),
            pl.BlockSpec((1, 64), lambda i: (0, 0)),
            pl.BlockSpec((64, 64), lambda i: (0, 0)),
            pl.BlockSpec((1, 64), lambda i: (0, 0)),
            pl.BlockSpec((64, 128), lambda i: (0, 0)),
            pl.BlockSpec((1, 128), lambda i: (0, 0)),
        ],
        out_specs=pl.BlockSpec((rb // K, 128), lambda i: (i, 0)),
        out_shape=jax.ShapeDtypeStruct((rows // K, 128), jnp.float32),
        interpret=interpret,
    )(g1, w1, b1, w2, b2, w3, b3)


def _mlp2_body(nsteps, g2x_ref, g2r_ref, pq_ref,
               w1x_ref, w1r_ref, b1_ref, w2_ref, b2_ref, w3_ref, b3_ref,
               u1x_ref, u1p_ref, c1_ref, u2_ref, c2_ref, u3_ref, c3_ref,
               p1_ref, pb1_ref, p2_ref, pb2_ref, p3_ref, pb3_ref,
               v1_ref, vb1_ref, v2_ref, vb2_ref, v3_ref, vb3_ref,
               pi_ref, val_ref, x2acc):
    i = pl.program_id(0)
    h = _dot(g2x_ref[...], w1x_ref[...]) + _dot(g2r_ref[...], w1r_ref[...])
    h = jnp.maximum(h + b1_ref[...], 0.0)
    h = jnp.maximum(_dot(h, w2_ref[...]) + b2_ref[...], 0.0)
    h = _dot(h, w3_ref[...]) + b3_ref[...]
    nq = h.shape[0] // K
    x2 = jnp.max(h.reshape(nq, K, h.shape[1]), axis=1)
    x2acc[pl.ds(i * nq, nq), :] = x2

    @pl.when(i == nsteps - 1)
    def _():
        xx = x2acc[...]
        hh = _dot(xx, u1x_ref[...]) + _dot(pq_ref[...], u1p_ref[...])
        hh = jnp.maximum(hh + c1_ref[...], 0.0)
        hh = jnp.maximum(_dot(hh, u2_ref[...]) + c2_ref[...], 0.0)
        hh = _dot(hh, u3_ref[...]) + c3_ref[...]
        rows = hh.shape[0]
        rid = jax.lax.broadcasted_iota(jnp.int32, (rows, 1), 0)
        ok = (rid % M2P) < M2
        hh = jnp.where(ok, hh, NEG)
        xg = jnp.max(hh.reshape(B, M2P, 1024), axis=1)

        pi = _dot(xg, p1_ref[...]) + pb1_ref[...]
        pi = _dot(pi, p2_ref[...]) + pb2_ref[...]
        pi = _dot(pi, p3_ref[...]) + pb3_ref[...]
        lid = jax.lax.broadcasted_iota(jnp.int32, (B, 128), 1)
        pi = jnp.where(lid < 8, pi, NEG)
        mx = jnp.max(pi, axis=1, keepdims=True)
        e = jnp.exp(pi - mx)
        pi_ref[...] = e / jnp.sum(e, axis=1, keepdims=True)

        v = _dot(xg, v1_ref[...]) + vb1_ref[...]
        v = _dot(v, v2_ref[...]) + vb2_ref[...]
        v = _dot(v, v3_ref[...]) + vb3_ref[...]
        val_ref[...] = v


def _run_mlp2(g2x, g2r, pq, wdict, interpret=False):
    rows = g2x.shape[0]
    rb = 8192
    grid = rows // rb
    full = lambda s: pl.BlockSpec(s, lambda i: tuple(0 for _ in s))
    names = ["w1x", "w1r", "b1", "w2", "b2", "w3", "b3",
             "u1x", "u1p", "c1", "u2", "c2", "u3", "c3",
             "p1", "pb1", "p2", "pb2", "p3", "pb3",
             "v1", "vb1", "v2", "vb2", "v3", "vb3"]
    ws = [wdict[n] for n in names]
    return pl.pallas_call(
        functools.partial(_mlp2_body, grid),
        grid=(grid,),
        in_specs=[
            pl.BlockSpec((rb, 128), lambda i: (i, 0)),
            pl.BlockSpec((rb, 4), lambda i: (i, 0)),
            full((B * M2P, 4)),
        ] + [full(w.shape) for w in ws],
        out_specs=(
            pl.BlockSpec((B, 128), lambda i: (0, 0)),
            pl.BlockSpec((B, 128), lambda i: (0, 0)),
        ),
        out_shape=(
            jax.ShapeDtypeStruct((B, 128), jnp.float32),
            jax.ShapeDtypeStruct((B, 128), jnp.float32),
        ),
        scratch_shapes=[pltpu.VMEM((B * M2P, 256), jnp.float32)],
        interpret=interpret,
    )(g2x, g2r, pq, *ws)



def _pad2(w, r, c):
    return jnp.pad(w, ((0, r - w.shape[0]), (0, c - w.shape[1])))


def _row(b, c=None):
    c = c if c is not None else b.shape[0]
    return jnp.pad(b.reshape(1, -1), ((0, 0), (0, c - b.shape[0])))


def _prep_weights(params):
    (w1, b1), (w2, b2), (w3, b3) = params["sa1"]
    sa1 = dict(w1=_pad2(w1, 4, 64), b1=_row(b1), w2=w2, b2=_row(b2),
               w3=w3, b3=_row(b3))
    (v1, c1), (v2, c2), (v3, c3) = params["sa2"]
    (u1, d1), (u2, d2), (u3, d3) = params["sa3"]
    (pw1, pc1), (pw2, pc2), (pw3, pc3) = params["pi"]
    (vw1, vc1), (vw2, vc2), (vw3, vc3) = params["value"]
    sa2 = dict(
        w1x=v1[:128], w1r=_pad2(v1[128:], 4, 128), b1=_row(c1),
        w2=v2, b2=_row(c2), w3=v3, b3=_row(c3),
        u1x=u1[:256], u1p=_pad2(u1[256:], 4, 256), c1=_row(d1),
        u2=u2, c2=_row(d2), u3=u3, c3=_row(d3),
        p1=pw1, pb1=_row(pc1), p2=pw2, pb2=_row(pc2),
        p3=_pad2(pw3, 256, 128), pb3=_row(pc3, 128),
        v1=vw1, vb1=_row(vc1), v2=vw2, vb2=_row(vc2),
        v3=_pad2(vw3, 256, 128), vb3=_row(vc3, 128),
    )
    return sa1, sa2



def _pad_soa(p, npad, fill):
    n = p.shape[1]
    padded = jnp.pad(p, ((0, 0), (0, npad - n), (0, 0)),
                     constant_values=fill)
    return padded[:, :, 0], padded[:, :, 1], padded[:, :, 2]


def kernel(pos, ptr, params):
    del ptr
    sa1w, sa2w = _prep_weights(params)
    posb = pos.reshape(B, N1, 3)
    px1, py1, pz1 = _pad_soa(posb, N1P, 0.0)
    posq1, idx1 = _run_fps(px1, py1, pz1, N1, M1)

    sx1, sy1, sz1 = _pad_soa(posb, N1P, FAR)
    qx1, qy1, qz1 = _pad_soa(posq1, M1P, 0.0)
    qi1 = jnp.pad(idx1, ((0, 0), (0, M1P - M1)))
    g1 = _sc_select_gather1(
        sx1.reshape(-1), sy1.reshape(-1), sz1.reshape(-1),
        qx1.reshape(-1), qy1.reshape(-1), qz1.reshape(-1),
        qi1.reshape(-1))
    g1 = g1.reshape(B * M1P * K, 4)
    x1 = _run_mlp1(g1, sa1w["w1"], sa1w["b1"], sa1w["w2"], sa1w["b2"],
                   sa1w["w3"], sa1w["b3"])

    qx1z, qy1z, qz1z = qx1, qy1, qz1
    posq2, idx2 = _run_fps(qx1z, qy1z, qz1z, M1, M2)

    sx2, sy2, sz2 = _pad_soa(posq1, M1P, FAR)
    qx2, qy2, qz2 = _pad_soa(posq2, M2P, 0.0)
    qi2 = jnp.pad(idx2, ((0, 0), (0, M2P - M2)))
    g2rel, g2x = _sc_select_gather2(
        sx2.reshape(-1), sy2.reshape(-1), sz2.reshape(-1),
        qx2.reshape(-1), qy2.reshape(-1), qz2.reshape(-1),
        qi2.reshape(-1), x1)
    g2rel = g2rel.reshape(B * M2P * K, 4)

    pqpad = jnp.pad(posq2, ((0, 0), (0, M2P - M2), (0, 1)))
    pq = pqpad.reshape(B * M2P, 4)
    pi_pad, val_pad = _run_mlp2(g2x, g2rel, pq, sa2w)
    return pi_pad[:, :8], val_pad[:, 0]

# --- scband reference (transcript-rebuilt; emitter-appended) ---
"""Pipeline reference for scband-point-net-pg-model-76931454206587 (READ-ONLY COPY).

The authoritative reference and input builder live on the scoring server;
editing this copy changes nothing except your own understanding.
"""

import math
import jax
import jax.numpy as jnp
import numpy as np

B = 8
N_PER_CLOUD = 1250
N_ACTIONS = 8
MAX_NBRS = 64


def _init_mlp(key, dims):
    params = []
    for i in range(len(dims) - 1):
        key, k1 = jax.random.split(key)
        w = jax.random.normal(k1, (dims[i], dims[i + 1]), jnp.float32) / np.sqrt(dims[i])
        b = jnp.zeros((dims[i + 1],), jnp.float32)
        params.append((w, b))
    return key, params


def setup_inputs(seed: int = 0):
    key = jax.random.key(seed)
    key, kp = jax.random.split(key)
    pos = jax.random.normal(kp, (B * N_PER_CLOUD, 3), jnp.float32)
    ptr = jnp.arange(B + 1, dtype=jnp.int32) * N_PER_CLOUD
    params = {}
    key, params["sa1"] = _init_mlp(key, [3, 64, 64, 128])
    key, params["sa2"] = _init_mlp(key, [128 + 3, 128, 128, 256])
    key, params["sa3"] = _init_mlp(key, [256 + 3, 256, 512, 1024])
    key, params["pi"] = _init_mlp(key, [1024, 512, 256, N_ACTIONS])
    key, params["value"] = _init_mlp(key, [1024, 512, 256, 1])
    return {"pos": pos, "ptr": ptr, "params": params}


def _mlp_relu(params, h):
    n = len(params)
    for i, (w, b) in enumerate(params):
        h = h @ w + b
        if i < n - 1:
            h = jax.nn.relu(h)
    return h


def _mlp_plain(params, h):
    for w, b in params:
        h = h @ w + b
    return h


def _fps(pos, m):
    n = pos.shape[0]
    p = jax.lax.stop_gradient(pos)

    def body(i, st):
        idxs, mind = st
        d = jnp.sum((p - p[idxs[i - 1]]) ** 2, axis=1)
        mind = jnp.minimum(mind, d)
        idxs = idxs.at[i].set(jnp.argmax(mind).astype(jnp.int32))
        return idxs, mind

    idxs = jnp.zeros((m,), jnp.int32)
    mind = jnp.full((n,), jnp.inf, jnp.float32)
    idxs, _ = jax.lax.fori_loop(1, m, body, (idxs, mind))
    return idxs


def _radius(pos_src, pos_q, r, k):
    d2 = jnp.sum((pos_q[:, None, :] - pos_src[None, :, :]) ** 2, axis=-1)
    d2 = jax.lax.stop_gradient(d2)
    neg = jnp.where(d2 <= r * r, -d2, -jnp.inf)
    vals, nbr = jax.lax.top_k(neg, k)
    return nbr, vals > -jnp.inf


def _sa_module(x, pos, ratio, r, mlp_params):
    n = pos.shape[0]
    m = int(math.ceil(ratio * n))
    idx = _fps(pos, m)
    pos_q = pos[idx]
    nbr, valid = _radius(pos, pos_q, r, MAX_NBRS)
    rel = pos[nbr] - pos_q[:, None, :]
    if x is None:
        h = rel
    else:
        h = jnp.concatenate([x[nbr], rel], axis=-1)
    h = _mlp_relu(mlp_params, h)
    h = jnp.where(valid[:, :, None], h, -jnp.inf)
    x_out = jnp.max(h, axis=1)
    return x_out, pos_q


def _forward(pos, ptr, params):
    n_clouds = int(ptr.shape[0]) - 1
    n = pos.shape[0] // n_clouds
    posb = pos.reshape(n_clouds, n, 3)
    x1, p1 = jax.vmap(lambda p: _sa_module(None, p, 0.5, 0.2, params["sa1"]))(posb)
    x2, p2 = jax.vmap(lambda xx, pp: _sa_module(xx, pp, 0.25, 0.4, params["sa2"]))(x1, p1)
    h = _mlp_relu(params["sa3"], jnp.concatenate([x2, p2], axis=-1))
    xg = jnp.max(h, axis=1)
    pi = jax.nn.softmax(_mlp_plain(params["pi"], xg), axis=-1)
    value = _mlp_plain(params["value"], xg)[:, 0]
    return pi, value


def reference(pos, ptr, params):
    return _forward(pos, ptr, params)

if __name__ == "__main__":
    import jax
    _d = setup_inputs()
    print(jax.jit(kernel)(*tuple(_d.values())))

</pallas_src>

<mosaic_0001>
#map = affine_map<(d0, d1) -> (0)>
module attributes {stable_mosaic.version = 14 : i64} {
  func.func @_sc_sel1_body(%arg0: i32, %arg1: i32, %arg2: memref<10240xf32, #tpu.memory_space<hbm>>, %arg3: memref<10240xf32, #tpu.memory_space<hbm>>, %arg4: memref<10240xf32, #tpu.memory_space<hbm>>, %arg5: memref<5120xf32, #tpu.memory_space<hbm>>, %arg6: memref<5120xf32, #tpu.memory_space<hbm>>, %arg7: memref<5120xf32, #tpu.memory_space<hbm>>, %arg8: memref<5120xi32, #tpu.memory_space<hbm>>, %arg9: memref<655360xf32, #tpu.memory_space<hbm>>, %arg10: memref<1280xf32, #tpu.memory_space<vmem>>, %arg11: memref<1280xf32, #tpu.memory_space<vmem>>, %arg12: memref<1280xf32, #tpu.memory_space<vmem>>, %arg13: memref<160xf32, #tpu.memory_space<vmem>>, %arg14: memref<160xf32, #tpu.memory_space<vmem>>, %arg15: memref<160xf32, #tpu.memory_space<vmem>>, %arg16: memref<160xi32, #tpu.memory_space<vmem>>, %arg17: memref<192xi32, #tpu.memory_space<vmem>>, %arg18: memref<20480xf32, #tpu.memory_space<vmem>>, %arg19: memref<!tpu.dma_semaphore, #tpu.memory_space<semaphore_mem>>) attributes {dimension_semantics = [#tpu.dimension_semantics<core_parallel>, #tpu.dimension_semantics<subcore_parallel>], iteration_bounds = array<i64: 2, 16>, scalar_prefetch = 0 : i64, scratch_operands = 10 : i64, tpu.core_type = #tpu.core_type<sc_vector_subcore>, window_params = [{transform_indices = #map}, {transform_indices = #map}, {transform_indices = #map}, {transform_indices = #map}, {transform_indices = #map}, {transform_indices = #map}, {transform_indices = #map}, {transform_indices = #map}]} {
    %mul3A = arith.constant 16 : i32
    %mul3A_0 = arith.muli %arg0, %mul3A : i32
    %add3A = arith.addi %mul3A_0, %arg1 : i32
    %jit3A = arith.constant 4 : i32
    %div3A = arith.divsi %add3A, %jit3A : i32
    %sign3A = arith.constant 0 : i32
    %sign3A_1 = arith.cmpi sgt, %add3A, %sign3A : i32
    %sign3A_2 = arith.extui %sign3A_1 : i1 to i32
    %sign3A_3 = arith.constant 0 : i32
    %sign3A_4 = arith.cmpi slt, %add3A, %sign3A_3 : i32
    %sign3A_5 = arith.extui %sign3A_4 : i1 to i32
    %sign3A_6 = arith.subi %sign3A_2, %sign3A_5 : i32
    %sign3A_7 = arith.constant 0 : i32
    %sign3A_8 = arith.cmpi sgt, %jit3A, %sign3A_7 : i32
    %sign3A_9 = arith.extui %sign3A_8 : i1 to i32
    %sign3A_10 = arith.constant 0 : i32
    %sign3A_11 = arith.cmpi slt, %jit3A, %sign3A_10 : i32
    %sign3A_12 = arith.extui %sign3A_11 : i1 to i32
    %sign3A_13 = arith.subi %sign3A_9, %sign3A_12 : i32
    %ne3A = arith.cmpi ne, %sign3A_6, %sign3A_13 : i32
    %rem3A = arith.remsi %add3A, %jit3A : i32
    %ne3A_14 = arith.constant 0 : i32
    %ne3A_15 = arith.cmpi ne, %rem3A, %ne3A_14 : i32
    %and3A = arith.andi %ne3A, %ne3A_15 : i1
    %sub3A = arith.constant 1 : i32
    %sub3A_16 = arith.subi %div3A, %sub3A : i32
    %select_n3A = arith.select %and3A, %sub3A_16, %div3A : i32
    %jit3A_17 = arith.constant 4 : i32
    %eq3A = arith.constant 0 : i32
    %eq3A_18 = arith.cmpi eq, %jit3A_17, %eq3A : i32
    %jit3A_19 = arith.constant 1 : i32
    %select_n3A_20 = arith.select %eq3A_18, %jit3A_19, %jit3A_17 : i32
    %rem3A_21 = arith.remsi %add3A, %select_n3A_20 : i32
    %ne3A_22 = arith.constant 0 : i32
    %ne3A_23 = arith.cmpi ne, %rem3A_21, %ne3A_22 : i32
    %lt3A = arith.constant 0 : i32
    %lt3A_24 = arith.cmpi slt, %rem3A_21, %lt3A : i32
    %lt3A_25 = arith.constant 0 : i32
    %lt3A_26 = arith.cmpi slt, %select_n3A_20, %lt3A_25 : i32
    %ne3A_27 = arith.xori %lt3A_24, %lt3A_26 : i1
    %and3A_28 = arith.andi %ne3A_27, %ne3A_23 : i1
    %add3A_29 = arith.addi %rem3A_21, %select_n3A_20 : i32
    %select_n3A_30 = arith.select %and3A_28, %add3A_29, %rem3A_21 : i32
    %mul3A_31 = arith.constant 1280 : i32
    %mul3A_32 = arith.muli %select_n3A, %mul3A_31 : i32
    "tpu.region"() ({
      %run_scoped3A = tpu.sem_alloc : memref<!tpu.dma_semaphore, #tpu.memory_space<semaphore_mem>>
      %dma_start3A = tpu.memref_slice %arg2[%mul3A_32] : memref<10240xf32, #tpu.memory_space<hbm>> -> memref<1280xf32, #tpu.memory_space<hbm>>
      %dma_start3A_49 = tpu.memref_slice %arg2[%mul3A_32] : memref<10240xf32, #tpu.memory_space<hbm>> -> memref<1280xf32, #tpu.memory_space<hbm>>
      tpu.enqueue_dma source(%dma_start3A_49 : memref<1280xf32, #tpu.memory_space<hbm>>) target(%arg10 : memref<1280xf32, #tpu.memory_space<vmem>>) target_semaphore(%run_scoped3A : memref<!tpu.dma_semaphore, #tpu.memory_space<semaphore_mem>>)
      %dma_wait3A = tpu.memref_slice %arg2[%mul3A_32] : memref<10240xf32, #tpu.memory_space<hbm>> -> memref<1280xf32, #tpu.memory_space<hbm>>
      %dma_wait3A_50 = tpu.memref_slice %arg2[%mul3A_32] : memref<10240xf32, #tpu.memory_space<hbm>> -> memref<1280xf32, #tpu.memory_space<hbm>>
      tpu.wait_dma2 semaphore(%run_scoped3A : memref<!tpu.dma_semaphore, #tpu.memory_space<semaphore_mem>>) src(%dma_wait3A_50 : memref<1280xf32, #tpu.memory_space<hbm>>) dst(%arg10 : memref<1280xf32, #tpu.memory_space<vmem>>)
      tpu.yield
    }) : () -> ()
    %mul3A_33 = arith.constant 1280 : i32
    %mul3A_34 = arith.muli %select_n3A, %mul3A_33 : i32
    "tpu.region"() ({
      %run_scoped3A = tpu.sem_alloc : memref<!tpu.dma_semaphore, #tpu.memory_space<semaphore_mem>>
      %dma_start3A = tpu.memref_slice %arg3[%mul3A_34] : memref<10240xf32, #tpu.memory_space<hbm>> -> memref<1280xf32, #tpu.memory_space<hbm>>
      %dma_start3A_49 = tpu.memref_slice %arg3[%mul3A_34] : memref<10240xf32, #tpu.memory_space<hbm>> -> memref<1280xf32, #tpu.memory_space<hbm>>
      tpu.enqueue_dma source(%dma_start3A_49 : memref<1280xf32, #tpu.memory_space<hbm>>) target(%arg11 : memref<1280xf32, #tpu.memory_space<vmem>>) target_semaphore(%run_scoped3A : memref<!tpu.dma_semaphore, #tpu.memory_space<semaphore_mem>>)
      %dma_wait3A = tpu.memref_slice %arg3[%mul3A_34] : memref<10240xf32, #tpu.memory_space<hbm>> -> memref<1280xf32, #tpu.memory_space<hbm>>
      %dma_wait3A_50 = tpu.memref_slice %arg3[%mul3A_34] : memref<10240xf32, #tpu.memory_space<hbm>> -> memref<1280xf32, #tpu.memory_space<hbm>>
      tpu.wait_dma2 semaphore(%run_scoped3A : memref<!tpu.dma_semaphore, #tpu.memory_space<semaphore_mem>>) src(%dma_wait3A_50 : memref<1280xf32, #tpu.memory_space<hbm>>) dst(%arg11 : memref<1280xf32, #tpu.memory_space<vmem>>)
      tpu.yield
    }) : () -> ()
    %mul3A_35 = arith.constant 1280 : i32
    %mul3A_36 = arith.muli %select_n3A, %mul3A_35 : i32
    "tpu.region"() ({
      %run_scoped3A = tpu.sem_alloc : memref<!tpu.dma_semaphore, #tpu.memory_space<semaphore_mem>>
      %dma_start3A = tpu.memref_slice %arg4[%mul3A_36] : memref<10240xf32, #tpu.memory_space<hbm>> -> memref<1280xf32, #tpu.memory_space<hbm>>
      %dma_start3A_49 = tpu.memref_slice %arg4[%mul3A_36] : memref<10240xf32, #tpu.memory_space<hbm>> -> memref<1280xf32, #tpu.memory_space<hbm>>
      tpu.enqueue_dma source(%dma_start3A_49 : memref<1280xf32, #tpu.memory_space<hbm>>) target(%arg12 : memref<1280xf32, #tpu.memory_space<vmem>>) target_semaphore(%run_scoped3A : memref<!tpu.dma_semaphore, #tpu.memory_space<semaphore_mem>>)
      %dma_wait3A = tpu.memref_slice %arg4[%mul3A_36] : memref<10240xf32, #tpu.memory_space<hbm>> -> memref<1280xf32, #tpu.memory_space<hbm>>
      %dma_wait3A_50 = tpu.memref_slice %arg4[%mul3A_36] : memref<10240xf32, #tpu.memory_space<hbm>> -> memref<1280xf32, #tpu.memory_space<hbm>>
      tpu.wait_dma2 semaphore(%run_scoped3A : memref<!tpu.dma_semaphore, #tpu.memory_space<semaphore_mem>>) src(%dma_wait3A_50 : memref<1280xf32, #tpu.memory_space<hbm>>) dst(%arg12 : memref<1280xf32, #tpu.memory_space<vmem>>)
      tpu.yield
    }) : () -> ()
    %mul3A_37 = arith.constant 640 : i32
    %mul3A_38 = arith.muli %select_n3A, %mul3A_37 : i32
    %mul3A_39 = arith.constant 160 : i32
    %mul3A_40 = arith.muli %select_n3A_30, %mul3A_39 : i32
    %add3A_41 = arith.addi %mul3A_38, %mul3A_40 : i32
    "tpu.region"() ({
      %run_scoped3A = tpu.sem_alloc : memref<!tpu.dma_semaphore, #tpu.memory_space<semaphore_mem>>
      %dma_start3A = tpu.memref_slice %arg5[%add3A_41] : memref<5120xf32, #tpu.memory_space<hbm>> -> memref<160xf32, #tpu.memory_space<hbm>>
      %dma_start3A_49 = tpu.memref_slice %arg5[%add3A_41] : memref<5120xf32, #tpu.memory_space<hbm>> -> memref<160xf32, #tpu.memory_space<hbm>>
      tpu.enqueue_dma source(%dma_start3A_49 : memref<160xf32, #tpu.memory_space<hbm>>) target(%arg13 : memref<160xf32, #tpu.memory_space<vmem>>) target_semaphore(%run_scoped3A : memref<!tpu.dma_semaphore, #tpu.memory_space<semaphore_mem>>)
      %dma_wait3A = tpu.memref_slice %arg5[%add3A_41] : memref<5120xf32, #tpu.memory_space<hbm>> -> memref<160xf32, #tpu.memory_space<hbm>>
      %dma_wait3A_50 = tpu.memref_slice %arg5[%add3A_41] : memref<5120xf32, #tpu.memory_space<hbm>> -> memref<160xf32, #tpu.memory_space<hbm>>
      tpu.wait_dma2 semaphore(%run_scoped3A : memref<!tpu.dma_semaphore, #tpu.memory_space<semaphore_mem>>) src(%dma_wait3A_50 : memref<160xf32, #tpu.memory_space<hbm>>) dst(%arg13 : memref<160xf32, #tpu.memory_space<vmem>>)
      tpu.yield
    }) : () -> ()
    "tpu.region"() ({
      %run_scoped3A = tpu.sem_alloc : memref<!tpu.dma_semaphore, #tpu.memory_space<semaphore_mem>>
      %dma_start3A = tpu.memref_slice %arg6[%add3A_41] : memref<5120xf32, #tpu.memory_space<hbm>> -> memref<160xf32, #tpu.memory_space<hbm>>
      %dma_start3A_49 = tpu.memref_slice %arg6[%add3A_41] : memref<5120xf32, #tpu.memory_space<hbm>> -> memref<160xf32, #tpu.memory_space<hbm>>
      tpu.enqueue_dma source(%dma_start3A_49 : memref<160xf32, #tpu.memory_space<hbm>>) target(%arg14 : memref<160xf32, #tpu.memory_space<vmem>>) target_semaphore(%run_scoped3A : memref<!tpu.dma_semaphore, #tpu.memory_space<semaphore_mem>>)
      %dma_wait3A = tpu.memref_slice %arg6[%add3A_41] : memref<5120xf32, #tpu.memory_space<hbm>> -> memref<160xf32, #tpu.memory_space<hbm>>
      %dma_wait3A_50 = tpu.memref_slice %arg6[%add3A_41] : memref<5120xf32, #tpu.memory_space<hbm>> -> memref<160xf32, #tpu.memory_space<hbm>>
      tpu.wait_dma2 semaphore(%run_scoped3A : memref<!tpu.dma_semaphore, #tpu.memory_space<semaphore_mem>>) src(%dma_wait3A_50 : memref<160xf32, #tpu.memory_space<hbm>>) dst(%arg14 : memref<160xf32, #tpu.memory_space<vmem>>)
      tpu.yield
    }) : () -> ()
    "tpu.region"() ({
      %run_scoped3A = tpu.sem_alloc : memref<!tpu.dma_semaphore, #tpu.memory_space<semaphore_mem>>
      %dma_start3A = tpu.memref_slice %arg7[%add3A_41] : memref<5120xf32, #tpu.memory_space<hbm>> -> memref<160xf32, #tpu.memory_space<hbm>>
      %dma_start3A_49 = tpu.memref_slice %arg7[%add3A_41] : memref<5120xf32, #tpu.memory_space<hbm>> -> memref<160xf32, #tpu.memory_space<hbm>>
      tpu.enqueue_dma source(%dma_start3A_49 : memref<160xf32, #tpu.memory_space<hbm>>) target(%arg15 : memref<160xf32, #tpu.memory_space<vmem>>) target_semaphore(%run_scoped3A : memref<!tpu.dma_semaphore, #tpu.memory_space<semaphore_mem>>)
      %dma_wait3A = tpu.memref_slice %arg7[%add3A_41] : memref<5120xf32, #tpu.memory_space<hbm>> -> memref<160xf32, #tpu.memory_space<hbm>>
      %dma_wait3A_50 = tpu.memref_slice %arg7[%add3A_41] : memref<5120xf32, #tpu.memory_space<hbm>> -> memref<160xf32, #tpu.memory_space<hbm>>
      tpu.wait_dma2 semaphore(%run_scoped3A : memref<!tpu.dma_semaphore, #tpu.memory_space<semaphore_mem>>) src(%dma_wait3A_50 : memref<160xf32, #tpu.memory_space<hbm>>) dst(%arg15 : memref<160xf32, #tpu.memory_space<vmem>>)
      tpu.yield
    }) : () -> ()
    "tpu.region"() ({
      %run_scoped3A = tpu.sem_alloc : memref<!tpu.dma_semaphore, #tpu.memory_space<semaphore_mem>>
      %dma_start3A = tpu.memref_slice %arg8[%add3A_41] : memref<5120xi32, #tpu.memory_space<hbm>> -> memref<160xi32, #tpu.memory_space<hbm>>
      %dma_start3A_49 = tpu.memref_slice %arg8[%add3A_41] : memref<5120xi32, #tpu.memory_space<hbm>> -> memref<160xi32, #tpu.memory_space<hbm>>
      tpu.enqueue_dma source(%dma_start3A_49 : memref<160xi32, #tpu.memory_space<hbm>>) target(%arg16 : memref<160xi32, #tpu.memory_space<vmem>>) target_semaphore(%run_scoped3A : memref<!tpu.dma_semaphore, #tpu.memory_space<semaphore_mem>>)
      %dma_wait3A = tpu.memref_slice %arg8[%add3A_41] : memref<5120xi32, #tpu.memory_space<hbm>> -> memref<160xi32, #tpu.memory_space<hbm>>
      %dma_wait3A_50 = tpu.memref_slice %arg8[%add3A_41] : memref<5120xi32, #tpu.memory_space<hbm>> -> memref<160xi32, #tpu.memory_space<hbm>>
      tpu.wait_dma2 semaphore(%run_scoped3A : memref<!tpu.dma_semaphore, #tpu.memory_space<semaphore_mem>>) src(%dma_wait3A_50 : memref<160xi32, #tpu.memory_space<hbm>>) dst(%arg16 : memref<160xi32, #tpu.memory_space<vmem>>)
      tpu.yield
    }) : () -> ()
    %scan3A = arith.constant 0 : i32
    %scan3A_42 = arith.constant 0 : i32
    %scan3A_43 = arith.constant 40 : i32
    %scan3A_44 = arith.addi %scan3A_42, %scan3A_43 : i32
    %scan3A_45 = arith.constant 1 : i32
    scf.for %scan3A_49 = %scan3A_42 to %scan3A_44 step %scan3A_45  : i32 {
      %iota3A = tpu.iota {dimensions = array<i32: 0>} : vector<16xi32>
      %mul3A_50 = arith.constant 4 : i32
      %mul3A_51 = arith.muli %scan3A_49, %mul3A_50 : i32
      %add3A_52 = arith.constant 0 : i32
      %add3A_53 = arith.addi %mul3A_51, %add3A_52 : i32
      %broadcast_in_dim3A = vector.broadcast %add3A_53 : i32 to vector<16xi32>
      %gather3A = tpu.vector_load_idx %arg13[%broadcast_in_dim3A] : memref<160xf32, #tpu.memory_space<vmem>>[vector<16xi32>], vector<16xf32>,
      %gather3A_54 = tpu.vector_load_idx %arg14[%broadcast_in_dim3A] : memref<160xf32, #tpu.memory_space<vmem>>[vector<16xi32>], vector<16xf32>,
      %gather3A_55 = tpu.vector_load_idx %arg15[%broadcast_in_dim3A] : memref<160xf32, #tpu.memory_space<vmem>>[vector<16xi32>], vector<16xf32>,
      %gather3A_56 = tpu.vector_load_idx %arg16[%broadcast_in_dim3A] : memref<160xi32, #tpu.memory_space<vmem>>[vector<16xi32>], vector<16xi32>,
      %swap3A = arith.constant 0 : index
      %swap3A_57 = tpu.vector_load %arg17[%swap3A] {strides = array<i32>} : memref<192xi32, #tpu.memory_space<vmem>>, vector<16xi32>,
      tpu.vector_store %arg17[%swap3A], %gather3A_56 {strides = array<i32>} : memref<192xi32, #tpu.memory_space<vmem>>, vector<16xi32>,
      %swap3A_58 = arith.constant 16 : index
      %swap3A_59 = tpu.vector_load %arg17[%swap3A_58] {strides = array<i32>} : memref<192xi32, #tpu.memory_space<vmem>>, vector<16xi32>,
      tpu.vector_store %arg17[%swap3A_58], %gather3A_56 {strides = array<i32>} : memref<192xi32, #tpu.memory_space<vmem>>, vector<16xi32>,
      %swap3A_60 = arith.constant 32 : index
      %swap3A_61 = tpu.vector_load %arg17[%swap3A_60] {strides = array<i32>} : memref<192xi32, #tpu.memory_space<vmem>>, vector<16xi32>,
      tpu.vector_store %arg17[%swap3A_60], %gather3A_56 {strides = array<i32>} : memref<192xi32, #tpu.memory_space<vmem>>, vector<16xi32>,
      %mul3A_62 = arith.constant 4 : i32
      %mul3A_63 = arith.muli %scan3A_49, %mul3A_62 : i32
      %add3A_64 = arith.constant 1 : i32
      %add3A_65 = arith.addi %mul3A_63, %add3A_64 : i32
      %broadcast_in_dim3A_66 = vector.broadcast %add3A_65 : i32 to vector<16xi32>
      %gather3A_67 = tpu.vector_load_idx %arg13[%broadcast_in_dim3A_66] : memref<160xf32, #tpu.memory_space<vmem>>[vector<16xi32>], vector<16xf32>,
      %gather3A_68 = tpu.vector_load_idx %arg14[%broadcast_in_dim3A_66] : memref<160xf32, #tpu.memory_space<vmem>>[vector<16xi32>], vector<16xf32>,
      %gather3A_69 = tpu.vector_load_idx %arg15[%broadcast_in_dim3A_66] : memref<160xf32, #tpu.memory_space<vmem>>[vector<16xi32>], vector<16xf32>,
      %gather3A_70 = tpu.vector_load_idx %arg16[%broadcast_in_dim3A_66] : memref<160xi32, #tpu.memory_space<vmem>>[vector<16xi32>], vector<16xi32>,
      %swap3A_71 = arith.constant 48 : index
      %swap3A_72 = tpu.vector_load %arg17[%swap3A_71] {strides = array<i32>} : memref<192xi32, #tpu.memory_space<vmem>>, vector<16xi32>,
      tpu.vector_store %arg17[%swap3A_71], %gather3A_70 {strides = array<i32>} : memref<192xi32, #tpu.memory_space<vmem>>, vector<16xi32>,
      %swap3A_73 = arith.constant 64 : index
      %swap3A_74 = tpu.vector_load %arg17[%swap3A_73] {strides = array<i32>} : memref<192xi32, #tpu.memory_space<vmem>>, vector<16xi32>,
      tpu.vector_store %arg17[%swap3A_73], %gather3A_70 {strides = array<i32>} : memref<192xi32, #tpu.memory_space<vmem>>, vector<16xi32>,
      %swap3A_75 = arith.constant 80 : index
      %swap3A_76 = tpu.vector_load %arg17[%swap3A_75] {strides = array<i32>} : memref<192xi32, #tpu.memory_space<vmem>>, vector<16xi32>,
      tpu.vector_store %arg17[%swap3A_75], %gather3A_70 {strides = array<i32>} : memref<192xi32, #tpu.memory_space<vmem>>, vector<16xi32>,
      %mul3A_77 = arith.constant 4 : i32
      %mul3A_78 = arith.muli %scan3A_49, %mul3A_77 : i32
      %add3A_79 = arith.constant 2 : i32
      %add3A_80 = arith.addi %mul3A_78, %add3A_79 : i32
      %broadcast_in_dim3A_81 = vector.broadcast %add3A_80 : i32 to vector<16xi32>
      %gather3A_82 = tpu.vector_load_idx %arg13[%broadcast_in_dim3A_81] : memref<160xf32, #tpu.memory_space<vmem>>[vector<16xi32>], vector<16xf32>,
      %gather3A_83 = tpu.vector_load_idx %arg14[%broadcast_in_dim3A_81] : memref<160xf32, #tpu.memory_space<vmem>>[vector<16xi32>], vector<16xf32>,
      %gather3A_84 = tpu.vector_load_idx %arg15[%broadcast_in_dim3A_81] : memref<160xf32, #tpu.memory_space<vmem>>[vector<16xi32>], vector<16xf32>,
      %gather3A_85 = tpu.vector_load_idx %arg16[%broadcast_in_dim3A_81] : memref<160xi32, #tpu.memory_space<vmem>>[vector<16xi32>], vector<16xi32>,
      %swap3A_86 = arith.constant 96 : index
      %swap3A_87 = tpu.vector_load %arg17[%swap3A_86] {strides = array<i32>} : memref<192xi32, #tpu.memory_space<vmem>>, vector<16xi32>,
      tpu.vector_store %arg17[%swap3A_86], %gather3A_85 {strides = array<i32>} : memref<192xi32, #tpu.memory_space<vmem>>, vector<16xi32>,
      %swap3A_88 = arith.constant 112 : index
      %swap3A_89 = tpu.vector_load %arg17[%swap3A_88] {strides = array<i32>} : memref<192xi32, #tpu.memory_space<vmem>>, vector<16xi32>,
      tpu.vector_store %arg17[%swap3A_88], %gather3A_85 {strides = array<i32>} : memref<192xi32, #tpu.memory_space<vmem>>, vector<16xi32>,
      %swap3A_90 = arith.constant 128 : index
      %swap3A_91 = tpu.vector_load %arg17[%swap3A_90] {strides = array<i32>} : memref<192xi32, #tpu.memory_space<vmem>>, vector<16xi32>,
      tpu.vector_store %arg17[%swap3A_90], %gather3A_85 {strides = array<i32>} : memref<192xi32, #tpu.memory_space<vmem>>, vector<16xi32>,
      %mul3A_92 = arith.constant 4 : i32
      %mul3A_93 = arith.muli %scan3A_49, %mul3A_92 : i32
      %add3A_94 = arith.constant 3 : i32
      %add3A_95 = arith.addi %mul3A_93, %add3A_94 : i32
      %broadcast_in_dim3A_96 = vector.broadcast %add3A_95 : i32 to vector<16xi32>
      %gather3A_97 = tpu.vector_load_idx %arg13[%broadcast_in_dim3A_96] : memref<160xf32, #tpu.memory_space<vmem>>[vector<16xi32>], vector<16xf32>,
      %gather3A_98 = tpu.vector_load_idx %arg14[%broadcast_in_dim3A_96] : memref<160xf32, #tpu.memory_space<vmem>>[vector<16xi32>], vector<16xf32>,
      %gather3A_99 = tpu.vector_load_idx %arg15[%broadcast_in_dim3A_96] : memref<160xf32, #tpu.memory_space<vmem>>[vector<16xi32>], vector<16xf32>,
      %gather3A_100 = tpu.vector_load_idx %arg16[%broadcast_in_dim3A_96] : memref<160xi32, #tpu.memory_space<vmem>>[vector<16xi32>], vector<16xi32>,
      %swap3A_101 = arith.constant 144 : index
      %swap3A_102 = tpu.vector_load %arg17[%swap3A_101] {strides = array<i32>} : memref<192xi32, #tpu.memory_space<vmem>>, vector<16xi32>,
      tpu.vector_store %arg17[%swap3A_101], %gather3A_100 {strides = array<i32>} : memref<192xi32, #tpu.memory_space<vmem>>, vector<16xi32>,
      %swap3A_103 = arith.constant 160 : index
      %swap3A_104 = tpu.vector_load %arg17[%swap3A_103] {strides = array<i32>} : memref<192xi32, #tpu.memory_space<vmem>>, vector<16xi32>,
      tpu.vector_store %arg17[%swap3A_103], %gather3A_100 {strides = array<i32>} : memref<192xi32, #tpu.memory_space<vmem>>, vector<16xi32>,
      %swap3A_105 = arith.constant 176 : index
      %swap3A_106 = tpu.vector_load %arg17[%swap3A_105] {strides = array<i32>} : memref<192xi32, #tpu.memory_space<vmem>>, vector<16xi32>,
      tpu.vector_store %arg17[%swap3A_105], %gather3A_100 {strides = array<i32>} : memref<192xi32, #tpu.memory_space<vmem>>, vector<16xi32>,
      %scan3A_107 = arith.constant 0 : i32
      %scan3A_108 = arith.constant 0 : i32
      %scan3A_109 = arith.constant 0 : i32
      %scan3A_110 = arith.constant 0 : i32
      %scan3A_111 = arith.constant 0 : i32
      %scan3A_112 = arith.constant 20 : i32
      %scan3A_113 = arith.addi %scan3A_111, %scan3A_112 : i32
      %scan3A_114 = arith.constant 1 : i32
      %scan3A_115:4 = scf.for %scan3A_352 = %scan3A_111 to %scan3A_113 step %scan3A_114 iter_args(%scan3A_353 = %scan3A_107, %scan3A_354 = %scan3A_108, %scan3A_355 = %scan3A_109, %scan3A_356 = %scan3A_110) -> (i32, i32, i32, i32)  : i32 {
        %mul3A_357 = arith.constant 4 : i32
        %mul3A_358 = arith.muli %scan3A_352, %mul3A_357 : i32
        %add3A_359 = arith.constant 0 : i32
        %add3A_360 = arith.addi %mul3A_358, %add3A_359 : i32
        %mul3A_361 = arith.constant 16 : i32
        %mul3A_362 = arith.muli %add3A_360, %mul3A_361 : i32
        %get3A_363 = arith.index_cast %mul3A_362 : i32 to index
        %get3A_364 = tpu.vector_load %arg10[%get3A_363] {strides = array<i32>} : memref<1280xf32, #tpu.memory_space<vmem>>, vector<16xf32>,
        %mul3A_365 = arith.constant 16 : i32
        %mul3A_366 = arith.muli %add3A_360, %mul3A_365 : i32
        %get3A_367 = arith.index_cast %mul3A_366 : i32 to index
        %get3A_368 = tpu.vector_load %arg11[%get3A_367] {strides = array<i32>} : memref<1280xf32, #tpu.memory_space<vmem>>, vector<16xf32>,
        %mul3A_369 = arith.constant 16 : i32
        %mul3A_370 = arith.muli %add3A_360, %mul3A_369 : i32
        %get3A_371 = arith.index_cast %mul3A_370 : i32 to index
        %get3A_372 = tpu.vector_load %arg12[%get3A_371] {strides = array<i32>} : memref<1280xf32, #tpu.memory_space<vmem>>, vector<16xf32>,
        %mul3A_373 = arith.constant 16 : i32
        %mul3A_374 = arith.muli %add3A_360, %mul3A_373 : i32
        %add3A_375 = vector.broadcast %mul3A_374 : i32 to vector<16xi32>
        %add3A_376 = arith.addi %iota3A, %add3A_375 : vector<16xi32>
        %sub3A_377 = arith.subf %get3A_364, %gather3A : vector<16xf32>
        %sub3A_378 = arith.subf %get3A_368, %gather3A_54 : vector<16xf32>
        %sub3A_379 = arith.subf %get3A_372, %gather3A_55 : vector<16xf32>
        %mul3A_380 = arith.mulf %sub3A_377, %sub3A_377 : vector<16xf32>
        %mul3A_381 = arith.mulf %sub3A_378, %sub3A_378 : vector<16xf32>
        %add3A_382 = arith.addf %mul3A_380, %mul3A_381 : vector<16xf32>
        %mul3A_383 = arith.mulf %sub3A_379, %sub3A_379 : vector<16xf32>
        %add3A_384 = arith.addf %add3A_382, %mul3A_383 : vector<16xf32>
        %le3A = arith.constant 0.0400000028 : f32
        %le3A_385 = vector.broadcast %le3A : f32 to vector<16xf32>
        %le3A_386 = arith.cmpf ole, %add3A_384, %le3A_385 : vector<16xf32>
        %sub3A_387 = arith.subf %get3A_364, %gather3A_67 : vector<16xf32>
        %sub3A_388 = arith.subf %get3A_368, %gather3A_68 : vector<16xf32>
        %sub3A_389 = arith.subf %get3A_372, %gather3A_69 : vector<16xf32>
        %mul3A_390 = arith.mulf %sub3A_387, %sub3A_387 : vector<16xf32>
        %mul3A_391 = arith.mulf %sub3A_388, %sub3A_388 : vector<16xf32>
        %add3A_392 = arith.addf %mul3A_390, %mul3A_391 : vector<16xf32>
        %mul3A_393 = arith.mulf %sub3A_389, %sub3A_389 : vector<16xf32>
        %add3A_394 = arith.addf %add3A_392, %mul3A_393 : vector<16xf32>
        %le3A_395 = arith.constant 0.0400000028 : f32
        %le3A_396 = vector.broadcast %le3A_395 : f32 to vector<16xf32>
        %le3A_397 = arith.cmpf ole, %add3A_394, %le3A_396 : vector<16xf32>
        %sub3A_398 = arith.subf %get3A_364, %gather3A_82 : vector<16xf32>
        %sub3A_399 = arith.subf %get3A_368, %gather3A_83 : vector<16xf32>
        %sub3A_400 = arith.subf %get3A_372, %gather3A_84 : vector<16xf32>
        %mul3A_401 = arith.mulf %sub3A_398, %sub3A_398 : vector<16xf32>
        %mul3A_402 = arith.mulf %sub3A_399, %sub3A_399 : vector<16xf32>
        %add3A_403 = arith.addf %mul3A_401, %mul3A_402 : vector<16xf32>
        %mul3A_404 = arith.mulf %sub3A_400, %sub3A_400 : vector<16xf32>
        %add3A_405 = arith.addf %add3A_403, %mul3A_404 : vector<16xf32>
        %le3A_406 = arith.constant 0.0400000028 : f32
        %le3A_407 = vector.broadcast %le3A_406 : f32 to vector<16xf32>
        %le3A_408 = arith.cmpf ole, %add3A_405, %le3A_407 : vector<16xf32>
        %sub3A_409 = arith.subf %get3A_364, %gather3A_97 : vector<16xf32>
        %sub3A_410 = arith.subf %get3A_368, %gather3A_98 : vector<16xf32>
        %sub3A_411 = arith.subf %get3A_372, %gather3A_99 : vector<16xf32>
        %mul3A_412 = arith.mulf %sub3A_409, %sub3A_409 : vector<16xf32>
        %mul3A_413 = arith.mulf %sub3A_410, %sub3A_410 : vector<16xf32>
        %add3A_414 = arith.addf %mul3A_412, %mul3A_413 : vector<16xf32>
        %mul3A_415 = arith.mulf %sub3A_411, %sub3A_411 : vector<16xf32>
        %add3A_416 = arith.addf %add3A_414, %mul3A_415 : vector<16xf32>
        %le3A_417 = arith.constant 0.0400000028 : f32
        %le3A_418 = vector.broadcast %le3A_417 : f32 to vector<16xf32>
        %le3A_419 = arith.cmpf ole, %add3A_416, %le3A_418 : vector<16xf32>
        %mul3A_420 = arith.constant 4 : i32
        %mul3A_421 = arith.muli %scan3A_352, %mul3A_420 : i32
        %add3A_422 = arith.constant 1 : i32
        %add3A_423 = arith.addi %mul3A_421, %add3A_422 : i32
        %mul3A_424 = arith.constant 16 : i32
        %mul3A_425 = arith.muli %add3A_423, %mul3A_424 : i32
        %get3A_426 = arith.index_cast %mul3A_425 : i32 to index
        %get3A_427 = tpu.vector_load %arg10[%get3A_426] {strides = array<i32>} : memref<1280xf32, #tpu.memory_space<vmem>>, vector<16xf32>,
        %mul3A_428 = arith.constant 16 : i32
        %mul3A_429 = arith.muli %add3A_423, %mul3A_428 : i32
        %get3A_430 = arith.index_cast %mul3A_429 : i32 to index
        %get3A_431 = tpu.vector_load %arg11[%get3A_430] {strides = array<i32>} : memref<1280xf32, #tpu.memory_space<vmem>>, vector<16xf32>,
        %mul3A_432 = arith.constant 16 : i32
        %mul3A_433 = arith.muli %add3A_423, %mul3A_432 : i32
        %get3A_434 = arith.index_cast %mul3A_433 : i32 to index
        %get3A_435 = tpu.vector_load %arg12[%get3A_434] {strides = array<i32>} : memref<1280xf32, #tpu.memory_space<vmem>>, vector<16xf32>,
        %mul3A_436 = arith.constant 16 : i32
        %mul3A_437 = arith.muli %add3A_423, %mul3A_436 : i32
        %add3A_438 = vector.broadcast %mul3A_437 : i32 to vector<16xi32>
        %add3A_439 = arith.addi %iota3A, %add3A_438 : vector<16xi32>
        %sub3A_440 = arith.subf %get3A_427, %gather3A : vector<16xf32>
        %sub3A_441 = arith.subf %get3A_431, %gather3A_54 : vector<16xf32>
        %sub3A_442 = arith.subf %get3A_435, %gather3A_55 : vector<16xf32>
        %mul3A_443 = arith.mulf %sub3A_440, %sub3A_440 : vector<16xf32>
        %mul3A_444 = arith.mulf %sub3A_441, %sub3A_441 : vector<16xf32>
        %add3A_445 = arith.addf %mul3A_443, %mul3A_444 : vector<16xf32>
        %mul3A_446 = arith.mulf %sub3A_442, %sub3A_442 : vector<16xf32>
        %add3A_447 = arith.addf %add3A_445, %mul3A_446 : vector<16xf32>
        %le3A_448 = arith.constant 0.0400000028 : f32
        %le3A_449 = vector.broadcast %le3A_448 : f32 to vector<16xf32>
        %le3A_450 = arith.cmpf ole, %add3A_447, %le3A_449 : vector<16xf32>
        %sub3A_451 = arith.subf %get3A_427, %gather3A_67 : vector<16xf32>
        %sub3A_452 = arith.subf %get3A_431, %gather3A_68 : vector<16xf32>
        %sub3A_453 = arith.subf %get3A_435, %gather3A_69 : vector<16xf32>
        %mul3A_454 = arith.mulf %sub3A_451, %sub3A_451 : vector<16xf32>
        %mul3A_455 = arith.mulf %sub3A_452, %sub3A_452 : vector<16xf32>
        %add3A_456 = arith.addf %mul3A_454, %mul3A_455 : vector<16xf32>
        %mul3A_457 = arith.mulf %sub3A_453, %sub3A_453 : vector<16xf32>
        %add3A_458 = arith.addf %add3A_456, %mul3A_457 : vector<16xf32>
        %le3A_459 = arith.constant 0.0400000028 : f32
        %le3A_460 = vector.broadcast %le3A_459 : f32 to vector<16xf32>
        %le3A_461 = arith.cmpf ole, %add3A_458, %le3A_460 : vector<16xf32>
        %sub3A_462 = arith.subf %get3A_427, %gather3A_82 : vector<16xf32>
        %sub3A_463 = arith.subf %get3A_431, %gather3A_83 : vector<16xf32>
        %sub3A_464 = arith.subf %get3A_435, %gather3A_84 : vector<16xf32>
        %mul3A_465 = arith.mulf %sub3A_462, %sub3A_462 : vector<16xf32>
        %mul3A_466 = arith.mulf %sub3A_463, %sub3A_463 : vector<16xf32>
        %add3A_467 = arith.addf %mul3A_465, %mul3A_466 : vector<16xf32>
        %mul3A_468 = arith.mulf %sub3A_464, %sub3A_464 : vector<16xf32>
        %add3A_469 = arith.addf %add3A_467, %mul3A_468 : vector<16xf32>
        %le3A_470 = arith.constant 0.0400000028 : f32
        %le3A_471 = vector.broadcast %le3A_470 : f32 to vector<16xf32>
        %le3A_472 = arith.cmpf ole, %add3A_469, %le3A_471 : vector<16xf32>
        %sub3A_473 = arith.subf %get3A_427, %gather3A_97 : vector<16xf32>
        %sub3A_474 = arith.subf %get3A_431, %gather3A_98 : vector<16xf32>
        %sub3A_475 = arith.subf %get3A_435, %gather3A_99 : vector<16xf32>
        %mul3A_476 = arith.mulf %sub3A_473, %sub3A_473 : vector<16xf32>
        %mul3A_477 = arith.mulf %sub3A_474, %sub3A_474 : vector<16xf32>
        %add3A_478 = arith.addf %mul3A_476, %mul3A_477 : vector<16xf32>
        %mul3A_479 = arith.mulf %sub3A_475, %sub3A_475 : vector<16xf32>
        %add3A_480 = arith.addf %add3A_478, %mul3A_479 : vector<16xf32>
        %le3A_481 = arith.constant 0.0400000028 : f32
        %le3A_482 = vector.broadcast %le3A_481 : f32 to vector<16xf32>
        %le3A_483 = arith.cmpf ole, %add3A_480, %le3A_482 : vector<16xf32>
        %mul3A_484 = arith.constant 4 : i32
        %mul3A_485 = arith.muli %scan3A_352, %mul3A_484 : i32
        %add3A_486 = arith.constant 2 : i32
        %add3A_487 = arith.addi %mul3A_485, %add3A_486 : i32
        %mul3A_488 = arith.constant 16 : i32
        %mul3A_489 = arith.muli %add3A_487, %mul3A_488 : i32
        %get3A_490 = arith.index_cast %mul3A_489 : i32 to index
        %get3A_491 = tpu.vector_load %arg10[%get3A_490] {strides = array<i32>} : memref<1280xf32, #tpu.memory_space<vmem>>, vector<16xf32>,
        %mul3A_492 = arith.constant 16 : i32
        %mul3A_493 = arith.muli %add3A_487, %mul3A_492 : i32
        %get3A_494 = arith.index_cast %mul3A_493 : i32 to index
        %get3A_495 = tpu.vector_load %arg11[%get3A_494] {strides = array<i32>} : memref<1280xf32, #tpu.memory_space<vmem>>, vector<16xf32>,
        %mul3A_496 = arith.constant 16 : i32
        %mul3A_497 = arith.muli %add3A_487, %mul3A_496 : i32
        %get3A_498 = arith.index_cast %mul3A_497 : i32 to index
        %get3A_499 = tpu.vector_load %arg12[%get3A_498] {strides = array<i32>} : memref<1280xf32, #tpu.memory_space<vmem>>, vector<16xf32>,
        %mul3A_500 = arith.constant 16 : i32
        %mul3A_501 = arith.muli %add3A_487, %mul3A_500 : i32
        %add3A_502 = vector.broadcast %mul3A_501 : i32 to vector<16xi32>
        %add3A_503 = arith.addi %iota3A, %add3A_502 : vector<16xi32>
        %sub3A_504 = arith.subf %get3A_491, %gather3A : vector<16xf32>
        %sub3A_505 = arith.subf %get3A_495, %gather3A_54 : vector<16xf32>
        %sub3A_506 = arith.subf %get3A_499, %gather3A_55 : vector<16xf32>
        %mul3A_507 = arith.mulf %sub3A_504, %sub3A_504 : vector<16xf32>
        %mul3A_508 = arith.mulf %sub3A_505, %sub3A_505 : vector<16xf32>
        %add3A_509 = arith.addf %mul3A_507, %mul3A_508 : vector<16xf32>
        %mul3A_510 = arith.mulf %sub3A_506, %sub3A_506 : vector<16xf32>
        %add3A_511 = arith.addf %add3A_509, %mul3A_510 : vector<16xf32>
        %le3A_512 = arith.constant 0.0400000028 : f32
        %le3A_513 = vector.broadcast %le3A_512 : f32 to vector<16xf32>
        %le3A_514 = arith.cmpf ole, %add3A_511, %le3A_513 : vector<16xf32>
        %sub3A_515 = arith.subf %get3A_491, %gather3A_67 : vector<16xf32>
        %sub3A_516 = arith.subf %get3A_495, %gather3A_68 : vector<16xf32>
        %sub3A_517 = arith.subf %get3A_499, %gather3A_69 : vector<16xf32>
        %mul3A_518 = arith.mulf %sub3A_515, %sub3A_515 : vector<16xf32>
        %mul3A_519 = arith.mulf %sub3A_516, %sub3A_516 : vector<16xf32>
        %add3A_520 = arith.addf %mul3A_518, %mul3A_519 : vector<16xf32>
        %mul3A_521 = arith.mulf %sub3A_517, %sub3A_517 : vector<16xf32>
        %add3A_522 = arith.addf %add3A_520, %mul3A_521 : vector<16xf32>
        %le3A_523 = arith.constant 0.0400000028 : f32
        %le3A_524 = vector.broadcast %le3A_523 : f32 to vector<16xf32>
        %le3A_525 = arith.cmpf ole, %add3A_522, %le3A_524 : vector<16xf32>
        %sub3A_526 = arith.subf %get3A_491, %gather3A_82 : vector<16xf32>
        %sub3A_527 = arith.subf %get3A_495, %gather3A_83 : vector<16xf32>
        %sub3A_528 = arith.subf %get3A_499, %gather3A_84 : vector<16xf32>
        %mul3A_529 = arith.mulf %sub3A_526, %sub3A_526 : vector<16xf32>
        %mul3A_530 = arith.mulf %sub3A_527, %sub3A_527 : vector<16xf32>
        %add3A_531 = arith.addf %mul3A_529, %mul3A_530 : vector<16xf32>
        %mul3A_532 = arith.mulf %sub3A_528, %sub3A_528 : vector<16xf32>
        %add3A_533 = arith.addf %add3A_531, %mul3A_532 : vector<16xf32>
        %le3A_534 = arith.constant 0.0400000028 : f32
        %le3A_535 = vector.broadcast %le3A_534 : f32 to vector<16xf32>
        %le3A_536 = arith.cmpf ole, %add3A_533, %le3A_535 : vector<16xf32>
        %sub3A_537 = arith.subf %get3A_491, %gather3A_97 : vector<16xf32>
        %sub3A_538 = arith.subf %get3A_495, %gather3A_98 : vector<16xf32>
        %sub3A_539 = arith.subf %get3A_499, %gather3A_99 : vector<16xf32>
        %mul3A_540 = arith.mulf %sub3A_537, %sub3A_537 : vector<16xf32>
        %mul3A_541 = arith.mulf %sub3A_538, %sub3A_538 : vector<16xf32>
        %add3A_542 = arith.addf %mul3A_540, %mul3A_541 : vector<16xf32>
        %mul3A_543 = arith.mulf %sub3A_539, %sub3A_539 : vector<16xf32>
        %add3A_544 = arith.addf %add3A_542, %mul3A_543 : vector<16xf32>
        %le3A_545 = arith.constant 0.0400000028 : f32
        %le3A_546 = vector.broadcast %le3A_545 : f32 to vector<16xf32>
        %le3A_547 = arith.cmpf ole, %add3A_544, %le3A_546 : vector<16xf32>
        %mul3A_548 = arith.constant 4 : i32
        %mul3A_549 = arith.muli %scan3A_352, %mul3A_548 : i32
        %add3A_550 = arith.constant 3 : i32
        %add3A_551 = arith.addi %mul3A_549, %add3A_550 : i32
        %mul3A_552 = arith.constant 16 : i32
        %mul3A_553 = arith.muli %add3A_551, %mul3A_552 : i32
        %get3A_554 = arith.index_cast %mul3A_553 : i32 to index
        %get3A_555 = tpu.vector_load %arg10[%get3A_554] {strides = array<i32>} : memref<1280xf32, #tpu.memory_space<vmem>>, vector<16xf32>,
        %mul3A_556 = arith.constant 16 : i32
        %mul3A_557 = arith.muli %add3A_551, %mul3A_556 : i32
        %get3A_558 = arith.index_cast %mul3A_557 : i32 to index
        %get3A_559 = tpu.vector_load %arg11[%get3A_558] {strides = array<i32>} : memref<1280xf32, #tpu.memory_space<vmem>>, vector<16xf32>,
        %mul3A_560 = arith.constant 16 : i32
        %mul3A_561 = arith.muli %add3A_551, %mul3A_560 : i32
        %get3A_562 = arith.index_cast %mul3A_561 : i32 to index
        %get3A_563 = tpu.vector_load %arg12[%get3A_562] {strides = array<i32>} : memref<1280xf32, #tpu.memory_space<vmem>>, vector<16xf32>,
        %mul3A_564 = arith.constant 16 : i32
        %mul3A_565 = arith.muli %add3A_551, %mul3A_564 : i32
        %add3A_566 = vector.broadcast %mul3A_565 : i32 to vector<16xi32>
        %add3A_567 = arith.addi %iota3A, %add3A_566 : vector<16xi32>
        %sub3A_568 = arith.subf %get3A_555, %gather3A : vector<16xf32>
        %sub3A_569 = arith.subf %get3A_559, %gather3A_54 : vector<16xf32>
        %sub3A_570 = arith.subf %get3A_563, %gather3A_55 : vector<16xf32>
        %mul3A_571 = arith.mulf %sub3A_568, %sub3A_568 : vector<16xf32>
        %mul3A_572 = arith.mulf %sub3A_569, %sub3A_569 : vector<16xf32>
        %add3A_573 = arith.addf %mul3A_571, %mul3A_572 : vector<16xf32>
        %mul3A_574 = arith.mulf %sub3A_570, %sub3A_570 : vector<16xf32>
        %add3A_575 = arith.addf %add3A_573, %mul3A_574 : vector<16xf32>
        %le3A_576 = arith.constant 0.0400000028 : f32
        %le3A_577 = vector.broadcast %le3A_576 : f32 to vector<16xf32>
        %le3A_578 = arith.cmpf ole, %add3A_575, %le3A_577 : vector<16xf32>
        %sub3A_579 = arith.subf %get3A_555, %gather3A_67 : vector<16xf32>
        %sub3A_580 = arith.subf %get3A_559, %gather3A_68 : vector<16xf32>
        %sub3A_581 = arith.subf %get3A_563, %gather3A_69 : vector<16xf32>
        %mul3A_582 = arith.mulf %sub3A_579, %sub3A_579 : vector<16xf32>
        %mul3A_583 = arith.mulf %sub3A_580, %sub3A_580 : vector<16xf32>
        %add3A_584 = arith.addf %mul3A_582, %mul3A_583 : vector<16xf32>
        %mul3A_585 = arith.mulf %sub3A_581, %sub3A_581 : vector<16xf32>
        %add3A_586 = arith.addf %add3A_584, %mul3A_585 : vector<16xf32>
        %le3A_587 = arith.constant 0.0400000028 : f32
        %le3A_588 = vector.broadcast %le3A_587 : f32 to vector<16xf32>
        %le3A_589 = arith.cmpf ole, %add3A_586, %le3A_588 : vector<16xf32>
        %sub3A_590 = arith.subf %get3A_555, %gather3A_82 : vector<16xf32>
        %sub3A_591 = arith.subf %get3A_559, %gather3A_83 : vector<16xf32>
        %sub3A_592 = arith.subf %get3A_563, %gather3A_84 : vector<16xf32>
        %mul3A_593 = arith.mulf %sub3A_590, %sub3A_590 : vector<16xf32>
        %mul3A_594 = arith.mulf %sub3A_591, %sub3A_591 : vector<16xf32>
        %add3A_595 = arith.addf %mul3A_593, %mul3A_594 : vector<16xf32>
        %mul3A_596 = arith.mulf %sub3A_592, %sub3A_592 : vector<16xf32>
        %add3A_597 = arith.addf %add3A_595, %mul3A_596 : vector<16xf32>
        %le3A_598 = arith.constant 0.0400000028 : f32
        %le3A_599 = vector.broadcast %le3A_598 : f32 to vector<16xf32>
        %le3A_600 = arith.cmpf ole, %add3A_597, %le3A_599 : vector<16xf32>
        %sub3A_601 = arith.subf %get3A_555, %gather3A_97 : vector<16xf32>
        %sub3A_602 = arith.subf %get3A_559, %gather3A_98 : vector<16xf32>
        %sub3A_603 = arith.subf %get3A_563, %gather3A_99 : vector<16xf32>
        %mul3A_604 = arith.mulf %sub3A_601, %sub3A_601 : vector<16xf32>
        %mul3A_605 = arith.mulf %sub3A_602, %sub3A_602 : vector<16xf32>
        %add3A_606 = arith.addf %mul3A_604, %mul3A_605 : vector<16xf32>
        %mul3A_607 = arith.mulf %sub3A_603, %sub3A_603 : vector<16xf32>
        %add3A_608 = arith.addf %add3A_606, %mul3A_607 : vector<16xf32>
        %le3A_609 = arith.constant 0.0400000028 : f32
        %le3A_610 = vector.broadcast %le3A_609 : f32 to vector<16xf32>
        %le3A_611 = arith.cmpf ole, %add3A_608, %le3A_610 : vector<16xf32>
        %or3A = arith.ori %le3A_386, %le3A_450 : vector<16xi1>
        %or3A_612 = arith.ori %or3A, %le3A_514 : vector<16xi1>
        %or3A_613 = arith.ori %or3A_612, %le3A_578 : vector<16xi1>
        %or3A_614 = arith.ori %or3A_613, %le3A_397 : vector<16xi1>
        %or3A_615 = arith.ori %or3A_614, %le3A_461 : vector<16xi1>
        %or3A_616 = arith.ori %or3A_615, %le3A_525 : vector<16xi1>
        %or3A_617 = arith.ori %or3A_616, %le3A_589 : vector<16xi1>
        %or3A_618 = arith.ori %or3A_617, %le3A_408 : vector<16xi1>
        %or3A_619 = arith.ori %or3A_618, %le3A_472 : vector<16xi1>
        %or3A_620 = arith.ori %or3A_619, %le3A_536 : vector<16xi1>
        %or3A_621 = arith.ori %or3A_620, %le3A_600 : vector<16xi1>
        %or3A_622 = arith.ori %or3A_621, %le3A_419 : vector<16xi1>
        %or3A_623 = arith.ori %or3A_622, %le3A_483 : vector<16xi1>
        %or3A_624 = arith.ori %or3A_623, %le3A_547 : vector<16xi1>
        %or3A_625 = arith.ori %or3A_624, %le3A_611 : vector<16xi1>
        %reduce_or3A = arith.constant 1.000000e+00 : f32
        %reduce_or3A_626 = arith.constant 0.000000e+00 : f32
        %reduce_or3A_627 = vector.broadcast %reduce_or3A : f32 to vector<16xf32>
        %reduce_or3A_628 = vector.broadcast %reduce_or3A_626 : f32 to vector<16xf32>
        %reduce_or3A_629 = arith.select %or3A_625, %reduce_or3A_627, %reduce_or3A_628 : vector<16xi1>, vector<16xf32>
        %reduce_or3A_630 = arith.constant true
        %reduce_or3A_631 = vector.broadcast %reduce_or3A_630 : i1 to vector<16xi1>
        %reduce_or3A_632 = tpu.scan <max>, %reduce_or3A_629 masked %reduce_or3A_631 : vector<16xf32>, vector<16xi1> -> vector<16xf32>
        %reduce_or3A_633 = vector.extract %reduce_or3A_632[15] : f32 from vector<16xf32>
        %reduce_or3A_634 = arith.constant 0.000000e+00 : f32
        %reduce_or3A_635 = arith.cmpf ogt, %reduce_or3A_633, %reduce_or3A_634 : f32
        %convert_element_type3A = arith.extui %reduce_or3A_635 : i1 to i32
        %cond3A = arith.constant 0 : i32
        %cond3A_636 = arith.cmpi ne, %convert_element_type3A, %cond3A : i32
        %cond3A_637:4 = scf.if %cond3A_636 -> (i32, i32, i32, i32) {
          %convert_element_type3A_638 = arith.extui %le3A_386 : vector<16xi1> to vector<16xi32>
          %reduce_sum3A = arith.constant true
          %reduce_sum3A_639 = vector.broadcast %reduce_sum3A : i1 to vector<16xi1>
          %reduce_sum3A_640 = tpu.scan <sum>, %convert_element_type3A_638 masked %reduce_sum3A_639 : vector<16xi32>, vector<16xi1> -> vector<16xi32>
          %reduce_sum3A_641 = vector.extract %reduce_sum3A_640[15] : i32 from vector<16xi32>
          %le3A_642 = arith.constant 31 : i32
          %le3A_643 = arith.cmpi sle, %scan3A_353, %le3A_642 : i32
          %gt3A = arith.constant 0 : i32
          %gt3A_644 = arith.cmpi sgt, %reduce_sum3A_641, %gt3A : i32
          %and3A_645 = arith.andi %le3A_643, %gt3A_644 : i1
          %convert_element_type3A_646 = arith.extui %and3A_645 : i1 to i32
          %cond3A_647 = arith.constant 0 : i32
          %cond3A_648 = arith.cmpi ne, %convert_element_type3A_646, %cond3A_647 : i32
          scf.if %cond3A_648 {
            %add3A_876 = arith.constant 0 : i32
            %add3A_877 = arith.addi %add3A_876, %scan3A_353 : i32
            %swap3A_878 = arith.index_cast %add3A_877 : i32 to index
            %swap3A_879 = tpu.vector_load %arg17[%swap3A_878] masked %le3A_386 {strides = array<i32>} : memref<192xi32, #tpu.memory_space<vmem>>, vector<16xi32>, vector<16xi1>
            tpu.vector_store %arg17[%swap3A_878], %add3A_376 masked %le3A_386 {strides = array<i32>} : memref<192xi32, #tpu.memory_space<vmem>>, vector<16xi32>, vector<16xi1>
          } else {
          }
          %add3A_649 = arith.addi %scan3A_353, %reduce_sum3A_641 : i32
          %select_n3A_650 = arith.select %le3A_643, %add3A_649, %scan3A_353 : i32
          %convert_element_type3A_651 = arith.extui %le3A_450 : vector<16xi1> to vector<16xi32>
          %reduce_sum3A_652 = arith.constant true
          %reduce_sum3A_653 = vector.broadcast %reduce_sum3A_652 : i1 to vector<16xi1>
          %reduce_sum3A_654 = tpu.scan <sum>, %convert_element_type3A_651 masked %reduce_sum3A_653 : vector<16xi32>, vector<16xi1> -> vector<16xi32>
          %reduce_sum3A_655 = vector.extract %reduce_sum3A_654[15] : i32 from vector<16xi32>
          %le3A_656 = arith.constant 31 : i32
          %le3A_657 = arith.cmpi sle, %select_n3A_650, %le3A_656 : i32
          %gt3A_658 = arith.constant 0 : i32
          %gt3A_659 = arith.cmpi sgt, %reduce_sum3A_655, %gt3A_658 : i32
          %and3A_660 = arith.andi %le3A_657, %gt3A_659 : i1
          %convert_element_type3A_661 = arith.extui %and3A_660 : i1 to i32
          %cond3A_662 = arith.constant 0 : i32
          %cond3A_663 = arith.cmpi ne, %convert_element_type3A_661, %cond3A_662 : i32
          scf.if %cond3A_663 {
            %add3A_876 = arith.constant 0 : i32
            %add3A_877 = arith.addi %add3A_876, %select_n3A_650 : i32
            %swap3A_878 = arith.index_cast %add3A_877 : i32 to index
            %swap3A_879 = tpu.vector_load %arg17[%swap3A_878] masked %le3A_450 {strides = array<i32>} : memref<192xi32, #tpu.memory_space<vmem>>, vector<16xi32>, vector<16xi1>
            tpu.vector_store %arg17[%swap3A_878], %add3A_439 masked %le3A_450 {strides = array<i32>} : memref<192xi32, #tpu.memory_space<vmem>>, vector<16xi32>, vector<16xi1>
          } else {
          }
          %add3A_664 = arith.addi %select_n3A_650, %reduce_sum3A_655 : i32
          %select_n3A_665 = arith.select %le3A_657, %add3A_664, %select_n3A_650 : i32
          %convert_element_type3A_666 = arith.extui %le3A_514 : vector<16xi1> to vector<16xi32>
          %reduce_sum3A_667 = arith.constant true
          %reduce_sum3A_668 = vector.broadcast %reduce_sum3A_667 : i1 to vector<16xi1>
          %reduce_sum3A_669 = tpu.scan <sum>, %convert_element_type3A_666 masked %reduce_sum3A_668 : vector<16xi32>, vector<16xi1> -> vector<16xi32>
          %reduce_sum3A_670 = vector.extract %reduce_sum3A_669[15] : i32 from vector<16xi32>
          %le3A_671 = arith.constant 31 : i32
          %le3A_672 = arith.cmpi sle, %select_n3A_665, %le3A_671 : i32
          %gt3A_673 = arith.constant 0 : i32
          %gt3A_674 = arith.cmpi sgt, %reduce_sum3A_670, %gt3A_673 : i32
          %and3A_675 = arith.andi %le3A_672, %gt3A_674 : i1
          %convert_element_type3A_676 = arith.extui %and3A_675 : i1 to i32
          %cond3A_677 = arith.constant 0 : i32
          %cond3A_678 = arith.cmpi ne, %convert_element_type3A_676, %cond3A_677 : i32
          scf.if %cond3A_678 {
            %add3A_876 = arith.constant 0 : i32
            %add3A_877 = arith.addi %add3A_876, %select_n3A_665 : i32
            %swap3A_878 = arith.index_cast %add3A_877 : i32 to index
            %swap3A_879 = tpu.vector_load %arg17[%swap3A_878] masked %le3A_514 {strides = array<i32>} : memref<192xi32, #tpu.memory_space<vmem>>, vector<16xi32>, vector<16xi1>
            tpu.vector_store %arg17[%swap3A_878], %add3A_503 masked %le3A_514 {strides = array<i32>} : memref<192xi32, #tpu.memory_space<vmem>>, vector<16xi32>, vector<16xi1>
          } else {
          }
          %add3A_679 = arith.addi %select_n3A_665, %reduce_sum3A_670 : i32
          %select_n3A_680 = arith.select %le3A_672, %add3A_679, %select_n3A_665 : i32
          %convert_element_type3A_681 = arith.extui %le3A_578 : vector<16xi1> to vector<16xi32>
          %reduce_sum3A_682 = arith.constant true
          %reduce_sum3A_683 = vector.broadcast %reduce_sum3A_682 : i1 to vector<16xi1>
          %reduce_sum3A_684 = tpu.scan <sum>, %convert_element_type3A_681 masked %reduce_sum3A_683 : vector<16xi32>, vector<16xi1> -> vector<16xi32>
          %reduce_sum3A_685 = vector.extract %reduce_sum3A_684[15] : i32 from vector<16xi32>
          %le3A_686 = arith.constant 31 : i32
          %le3A_687 = arith.cmpi sle, %select_n3A_680, %le3A_686 : i32
          %gt3A_688 = arith.constant 0 : i32
          %gt3A_689 = arith.cmpi sgt, %reduce_sum3A_685, %gt3A_688 : i32
          %and3A_690 = arith.andi %le3A_687, %gt3A_689 : i1
          %convert_element_type3A_691 = arith.extui %and3A_690 : i1 to i32
          %cond3A_692 = arith.constant 0 : i32
          %cond3A_693 = arith.cmpi ne, %convert_element_type3A_691, %cond3A_692 : i32
          scf.if %cond3A_693 {
            %add3A_876 = arith.constant 0 : i32
            %add3A_877 = arith.addi %add3A_876, %select_n3A_680 : i32
            %swap3A_878 = arith.index_cast %add3A_877 : i32 to index
            %swap3A_879 = tpu.vector_load %arg17[%swap3A_878] masked %le3A_578 {strides = array<i32>} : memref<192xi32, #tpu.memory_space<vmem>>, vector<16xi32>, vector<16xi1>
            tpu.vector_store %arg17[%swap3A_878], %add3A_567 masked %le3A_578 {strides = array<i32>} : memref<192xi32, #tpu.memory_space<vmem>>, vector<16xi32>, vector<16xi1>
          } else {
          }
          %add3A_694 = arith.addi %select_n3A_680, %reduce_sum3A_685 : i32
          %select_n3A_695 = arith.select %le3A_687, %add3A_694, %select_n3A_680 : i32
          %convert_element_type3A_696 = arith.extui %le3A_397 : vector<16xi1> to vector<16xi32>
          %reduce_sum3A_697 = arith.constant true
          %reduce_sum3A_698 = vector.broadcast %reduce_sum3A_697 : i1 to vector<16xi1>
          %reduce_sum3A_699 = tpu.scan <sum>, %convert_element_type3A_696 masked %reduce_sum3A_698 : vector<16xi32>, vector<16xi1> -> vector<16xi32>
          %reduce_sum3A_700 = vector.extract %reduce_sum3A_699[15] : i32 from vector<16xi32>
          %le3A_701 = arith.constant 31 : i32
          %le3A_702 = arith.cmpi sle, %scan3A_354, %le3A_701 : i32
          %gt3A_703 = arith.constant 0 : i32
          %gt3A_704 = arith.cmpi sgt, %reduce_sum3A_700, %gt3A_703 : i32
          %and3A_705 = arith.andi %le3A_702, %gt3A_704 : i1
          %convert_element_type3A_706 = arith.extui %and3A_705 : i1 to i32
          %cond3A_707 = arith.constant 0 : i32
          %cond3A_708 = arith.cmpi ne, %convert_element_type3A_706, %cond3A_707 : i32
          scf.if %cond3A_708 {
            %add3A_876 = arith.constant 48 : i32
            %add3A_877 = arith.addi %add3A_876, %scan3A_354 : i32
            %swap3A_878 = arith.index_cast %add3A_877 : i32 to index
            %swap3A_879 = tpu.vector_load %arg17[%swap3A_878] masked %le3A_397 {strides = array<i32>} : memref<192xi32, #tpu.memory_space<vmem>>, vector<16xi32>, vector<16xi1>
            tpu.vector_store %arg17[%swap3A_878], %add3A_376 masked %le3A_397 {strides = array<i32>} : memref<192xi32, #tpu.memory_space<vmem>>, vector<16xi32>, vector<16xi1>
          } else {
          }
          %add3A_709 = arith.addi %scan3A_354, %reduce_sum3A_700 : i32
          %select_n3A_710 = arith.select %le3A_702, %add3A_709, %scan3A_354 : i32
          %convert_element_type3A_711 = arith.extui %le3A_461 : vector<16xi1> to vector<16xi32>
          %reduce_sum3A_712 = arith.constant true
          %reduce_sum3A_713 = vector.broadcast %reduce_sum3A_712 : i1 to vector<16xi1>
          %reduce_sum3A_714 = tpu.scan <sum>, %convert_element_type3A_711 masked %reduce_sum3A_713 : vector<16xi32>, vector<16xi1> -> vector<16xi32>
          %reduce_sum3A_715 = vector.extract %reduce_sum3A_714[15] : i32 from vector<16xi32>
          %le3A_716 = arith.constant 31 : i32
          %le3A_717 = arith.cmpi sle, %select_n3A_710, %le3A_716 : i32
          %gt3A_718 = arith.constant 0 : i32
          %gt3A_719 = arith.cmpi sgt, %reduce_sum3A_715, %gt3A_718 : i32
          %and3A_720 = arith.andi %le3A_717, %gt3A_719 : i1
          %convert_element_type3A_721 = arith.extui %and3A_720 : i1 to i32
          %cond3A_722 = arith.constant 0 : i32
          %cond3A_723 = arith.cmpi ne, %convert_element_type3A_721, %cond3A_722 : i32
          scf.if %cond3A_723 {
            %add3A_876 = arith.constant 48 : i32
            %add3A_877 = arith.addi %add3A_876, %select_n3A_710 : i32
            %swap3A_878 = arith.index_cast %add3A_877 : i32 to index
            %swap3A_879 = tpu.vector_load %arg17[%swap3A_878] masked %le3A_461 {strides = array<i32>} : memref<192xi32, #tpu.memory_space<vmem>>, vector<16xi32>, vector<16xi1>
            tpu.vector_store %arg17[%swap3A_878], %add3A_439 masked %le3A_461 {strides = array<i32>} : memref<192xi32, #tpu.memory_space<vmem>>, vector<16xi32>, vector<16xi1>
          } else {
          }
          %add3A_724 = arith.addi %select_n3A_710, %reduce_sum3A_715 : i32
          %select_n3A_725 = arith.select %le3A_717, %add3A_724, %select_n3A_710 : i32
          %convert_element_type3A_726 = arith.extui %le3A_525 : vector<16xi1> to vector<16xi32>
          %reduce_sum3A_727 = arith.constant true
          %reduce_sum3A_728 = vector.broadcast %reduce_sum3A_727 : i1 to vector<16xi1>
          %reduce_sum3A_729 = tpu.scan <sum>, %convert_element_type3A_726 masked %reduce_sum3A_728 : vector<16xi32>, vector<16xi1> -> vector<16xi32>
          %reduce_sum3A_730 = vector.extract %reduce_sum3A_729[15] : i32 from vector<16xi32>
          %le3A_731 = arith.constant 31 : i32
          %le3A_732 = arith.cmpi sle, %select_n3A_725, %le3A_731 : i32
          %gt3A_733 = arith.constant 0 : i32
          %gt3A_734 = arith.cmpi sgt, %reduce_sum3A_730, %gt3A_733 : i32
          %and3A_735 = arith.andi %le3A_732, %gt3A_734 : i1
          %convert_element_type3A_736 = arith.extui %and3A_735 : i1 to i32
          %cond3A_737 = arith.constant 0 : i32
          %cond3A_738 = arith.cmpi ne, %convert_element_type3A_736, %cond3A_737 : i32
          scf.if %cond3A_738 {
            %add3A_876 = arith.constant 48 : i32
            %add3A_877 = arith.addi %add3A_876, %select_n3A_725 : i32
            %swap3A_878 = arith.index_cast %add3A_877 : i32 to index
            %swap3A_879 = tpu.vector_load %arg17[%swap3A_878] masked %le3A_525 {strides = array<i32>} : memref<192xi32, #tpu.memory_space<vmem>>, vector<16xi32>, vector<16xi1>
            tpu.vector_store %arg17[%swap3A_878], %add3A_503 masked %le3A_525 {strides = array<i32>} : memref<192xi32, #tpu.memory_space<vmem>>, vector<16xi32>, vector<16xi1>
          } else {
          }
          %add3A_739 = arith.addi %select_n3A_725, %reduce_sum3A_730 : i32
          %select_n3A_740 = arith.select %le3A_732, %add3A_739, %select_n3A_725 : i32
          %convert_element_type3A_741 = arith.extui %le3A_589 : vector<16xi1> to vector<16xi32>
          %reduce_sum3A_742 = arith.constant true
          %reduce_sum3A_743 = vector.broadcast %reduce_sum3A_742 : i1 to vector<16xi1>
          %reduce_sum3A_744 = tpu.scan <sum>, %convert_element_type3A_741 masked %reduce_sum3A_743 : vector<16xi32>, vector<16xi1> -> vector<16xi32>
          %reduce_sum3A_745 = vector.extract %reduce_sum3A_744[15] : i32 from vector<16xi32>
          %le3A_746 = arith.constant 31 : i32
          %le3A_747 = arith.cmpi sle, %select_n3A_740, %le3A_746 : i32
          %gt3A_748 = arith.constant 0 : i32
          %gt3A_749 = arith.cmpi sgt, %reduce_sum3A_745, %gt3A_748 : i32
          %and3A_750 = arith.andi %le3A_747, %gt3A_749 : i1
          %convert_element_type3A_751 = arith.extui %and3A_750 : i1 to i32
          %cond3A_752 = arith.constant 0 : i32
          %cond3A_753 = arith.cmpi ne, %convert_element_type3A_751, %cond3A_752 : i32
          scf.if %cond3A_753 {
            %add3A_876 = arith.constant 48 : i32
            %add3A_877 = arith.addi %add3A_876, %select_n3A_740 : i32
            %swap3A_878 = arith.index_cast %add3A_877 : i32 to index
            %swap3A_879 = tpu.vector_load %arg17[%swap3A_878] masked %le3A_589 {strides = array<i32>} : memref<192xi32, #tpu.memory_space<vmem>>, vector<16xi32>, vector<16xi1>
            tpu.vector_store %arg17[%swap3A_878], %add3A_567 masked %le3A_589 {strides = array<i32>} : memref<192xi32, #tpu.memory_space<vmem>>, vector<16xi32>, vector<16xi1>
          } else {
          }
          %add3A_754 = arith.addi %select_n3A_740, %reduce_sum3A_745 : i32
          %select_n3A_755 = arith.select %le3A_747, %add3A_754, %select_n3A_740 : i32
          %convert_element_type3A_756 = arith.extui %le3A_408 : vector<16xi1> to vector<16xi32>
          %reduce_sum3A_757 = arith.constant true
          %reduce_sum3A_758 = vector.broadcast %reduce_sum3A_757 : i1 to vector<16xi1>
          %reduce_sum3A_759 = tpu.scan <sum>, %convert_element_type3A_756 masked %reduce_sum3A_758 : vector<16xi32>, vector<16xi1> -> vector<16xi32>
          %reduce_sum3A_760 = vector.extract %reduce_sum3A_759[15] : i32 from vector<16xi32>
          %le3A_761 = arith.constant 31 : i32
          %le3A_762 = arith.cmpi sle, %scan3A_355, %le3A_761 : i32
          %gt3A_763 = arith.constant 0 : i32
          %gt3A_764 = arith.cmpi sgt, %reduce_sum3A_760, %gt3A_763 : i32
          %and3A_765 = arith.andi %le3A_762, %gt3A_764 : i1
          %convert_element_type3A_766 = arith.extui %and3A_765 : i1 to i32
          %cond3A_767 = arith.constant 0 : i32
          %cond3A_768 = arith.cmpi ne, %convert_element_type3A_766, %cond3A_767 : i32
          scf.if %cond3A_768 {
            %add3A_876 = arith.constant 96 : i32
            %add3A_877 = arith.addi %add3A_876, %scan3A_355 : i32
            %swap3A_878 = arith.index_cast %add3A_877 : i32 to index
            %swap3A_879 = tpu.vector_load %arg17[%swap3A_878] masked %le3A_408 {strides = array<i32>} : memref<192xi32, #tpu.memory_space<vmem>>, vector<16xi32>, vector<16xi1>
            tpu.vector_store %arg17[%swap3A_878], %add3A_376 masked %le3A_408 {strides = array<i32>} : memref<192xi32, #tpu.memory_space<vmem>>, vector<16xi32>, vector<16xi1>
          } else {
          }
          %add3A_769 = arith.addi %scan3A_355, %reduce_sum3A_760 : i32
          %select_n3A_770 = arith.select %le3A_762, %add3A_769, %scan3A_355 : i32
          %convert_element_type3A_771 = arith.extui %le3A_472 : vector<16xi1> to vector<16xi32>
          %reduce_sum3A_772 = arith.constant true
          %reduce_sum3A_773 = vector.broadcast %reduce_sum3A_772 : i1 to vector<16xi1>
          %reduce_sum3A_774 = tpu.scan <sum>, %convert_element_type3A_771 masked %reduce_sum3A_773 : vector<16xi32>, vector<16xi1> -> vector<16xi32>
          %reduce_sum3A_775 = vector.extract %reduce_sum3A_774[15] : i32 from vector<16xi32>
          %le3A_776 = arith.constant 31 : i32
          %le3A_777 = arith.cmpi sle, %select_n3A_770, %le3A_776 : i32
          %gt3A_778 = arith.constant 0 : i32
          %gt3A_779 = arith.cmpi sgt, %reduce_sum3A_775, %gt3A_778 : i32
          %and3A_780 = arith.andi %le3A_777, %gt3A_779 : i1
          %convert_element_type3A_781 = arith.extui %and3A_780 : i1 to i32
          %cond3A_782 = arith.constant 0 : i32
          %cond3A_783 = arith.cmpi ne, %convert_element_type3A_781, %cond3A_782 : i32
          scf.if %cond3A_783 {
            %add3A_876 = arith.constant 96 : i32
            %add3A_877 = arith.addi %add3A_876, %select_n3A_770 : i32
            %swap3A_878 = arith.index_cast %add3A_877 : i32 to index
            %swap3A_879 = tpu.vector_load %arg17[%swap3A_878] masked %le3A_472 {strides = array<i32>} : memref<192xi32, #tpu.memory_space<vmem>>, vector<16xi32>, vector<16xi1>
            tpu.vector_store %arg17[%swap3A_878], %add3A_439 masked %le3A_472 {strides = array<i32>} : memref<192xi32, #tpu.memory_space<vmem>>, vector<16xi32>, vector<16xi1>
          } else {
          }
          %add3A_784 = arith.addi %select_n3A_770, %reduce_sum3A_775 : i32
          %select_n3A_785 = arith.select %le3A_777, %add3A_784, %select_n3A_770 : i32
          %convert_element_type3A_786 = arith.extui %le3A_536 : vector<16xi1> to vector<16xi32>
          %reduce_sum3A_787 = arith.constant true
          %reduce_sum3A_788 = vector.broadcast %reduce_sum3A_787 : i1 to vector<16xi1>
          %reduce_sum3A_789 = tpu.scan <sum>, %convert_element_type3A_786 masked %reduce_sum3A_788 : vector<16xi32>, vector<16xi1> -> vector<16xi32>
          %reduce_sum3A_790 = vector.extract %reduce_sum3A_789[15] : i32 from vector<16xi32>
          %le3A_791 = arith.constant 31 : i32
          %le3A_792 = arith.cmpi sle, %select_n3A_785, %le3A_791 : i32
          %gt3A_793 = arith.constant 0 : i32
          %gt3A_794 = arith.cmpi sgt, %reduce_sum3A_790, %gt3A_793 : i32
          %and3A_795 = arith.andi %le3A_792, %gt3A_794 : i1
          %convert_element_type3A_796 = arith.extui %and3A_795 : i1 to i32
          %cond3A_797 = arith.constant 0 : i32
          %cond3A_798 = arith.cmpi ne, %convert_element_type3A_796, %cond3A_797 : i32
          scf.if %cond3A_798 {
            %add3A_876 = arith.constant 96 : i32
            %add3A_877 = arith.addi %add3A_876, %select_n3A_785 : i32
            %swap3A_878 = arith.index_cast %add3A_877 : i32 to index
            %swap3A_879 = tpu.vector_load %arg17[%swap3A_878] masked %le3A_536 {strides = array<i32>} : memref<192xi32, #tpu.memory_space<vmem>>, vector<16xi32>, vector<16xi1>
            tpu.vector_store %arg17[%swap3A_878], %add3A_503 masked %le3A_536 {strides = array<i32>} : memref<192xi32, #tpu.memory_space<vmem>>, vector<16xi32>, vector<16xi1>
          } else {
          }
          %add3A_799 = arith.addi %select_n3A_785, %reduce_sum3A_790 : i32
          %select_n3A_800 = arith.select %le3A_792, %add3A_799, %select_n3A_785 : i32
          %convert_element_type3A_801 = arith.extui %le3A_600 : vector<16xi1> to vector<16xi32>
          %reduce_sum3A_802 = arith.constant true
          %reduce_sum3A_803 = vector.broadcast %reduce_sum3A_802 : i1 to vector<16xi1>
          %reduce_sum3A_804 = tpu.scan <sum>, %convert_element_type3A_801 masked %reduce_sum3A_803 : vector<16xi32>, vector<16xi1> -> vector<16xi32>
          %reduce_sum3A_805 = vector.extract %reduce_sum3A_804[15] : i32 from vector<16xi32>
          %le3A_806 = arith.constant 31 : i32
          %le3A_807 = arith.cmpi sle, %select_n3A_800, %le3A_806 : i32
          %gt3A_808 = arith.constant 0 : i32
          %gt3A_809 = arith.cmpi sgt, %reduce_sum3A_805, %gt3A_808 : i32
          %and3A_810 = arith.andi %le3A_807, %gt3A_809 : i1
          %convert_element_type3A_811 = arith.extui %and3A_810 : i1 to i32
          %cond3A_812 = arith.constant 0 : i32
          %cond3A_813 = arith.cmpi ne, %convert_element_type3A_811, %cond3A_812 : i32
          scf.if %cond3A_813 {
            %add3A_876 = arith.constant 96 : i32
            %add3A_877 = arith.addi %add3A_876, %select_n3A_800 : i32
            %swap3A_878 = arith.index_cast %add3A_877 : i32 to index
            %swap3A_879 = tpu.vector_load %arg17[%swap3A_878] masked %le3A_600 {strides = array<i32>} : memref<192xi32, #tpu.memory_space<vmem>>, vector<16xi32>, vector<16xi1>
            tpu.vector_store %arg17[%swap3A_878], %add3A_567 masked %le3A_600 {strides = array<i32>} : memref<192xi32, #tpu.memory_space<vmem>>, vector<16xi32>, vector<16xi1>
          } else {
          }
          %add3A_814 = arith.addi %select_n3A_800, %reduce_sum3A_805 : i32
          %select_n3A_815 = arith.select %le3A_807, %add3A_814, %select_n3A_800 : i32
          %convert_element_type3A_816 = arith.extui %le3A_419 : vector<16xi1> to vector<16xi32>
          %reduce_sum3A_817 = arith.constant true
          %reduce_sum3A_818 = vector.broadcast %reduce_sum3A_817 : i1 to vector<16xi1>
          %reduce_sum3A_819 = tpu.scan <sum>, %convert_element_type3A_816 masked %reduce_sum3A_818 : vector<16xi32>, vector<16xi1> -> vector<16xi32>
          %reduce_sum3A_820 = vector.extract %reduce_sum3A_819[15] : i32 from vector<16xi32>
          %le3A_821 = arith.constant 31 : i32
          %le3A_822 = arith.cmpi sle, %scan3A_356, %le3A_821 : i32
          %gt3A_823 = arith.constant 0 : i32
          %gt3A_824 = arith.cmpi sgt, %reduce_sum3A_820, %gt3A_823 : i32
          %and3A_825 = arith.andi %le3A_822, %gt3A_824 : i1
          %convert_element_type3A_826 = arith.extui %and3A_825 : i1 to i32
          %cond3A_827 = arith.constant 0 : i32
          %cond3A_828 = arith.cmpi ne, %convert_element_type3A_826, %cond3A_827 : i32
          scf.if %cond3A_828 {
            %add3A_876 = arith.constant 144 : i32
            %add3A_877 = arith.addi %add3A_876, %scan3A_356 : i32
            %swap3A_878 = arith.index_cast %add3A_877 : i32 to index
            %swap3A_879 = tpu.vector_load %arg17[%swap3A_878] masked %le3A_419 {strides = array<i32>} : memref<192xi32, #tpu.memory_space<vmem>>, vector<16xi32>, vector<16xi1>
            tpu.vector_store %arg17[%swap3A_878], %add3A_376 masked %le3A_419 {strides = array<i32>} : memref<192xi32, #tpu.memory_space<vmem>>, vector<16xi32>, vector<16xi1>
          } else {
          }
          %add3A_829 = arith.addi %scan3A_356, %reduce_sum3A_820 : i32
          %select_n3A_830 = arith.select %le3A_822, %add3A_829, %scan3A_356 : i32
          %convert_element_type3A_831 = arith.extui %le3A_483 : vector<16xi1> to vector<16xi32>
          %reduce_sum3A_832 = arith.constant true
          %reduce_sum3A_833 = vector.broadcast %reduce_sum3A_832 : i1 to vector<16xi1>
          %reduce_sum3A_834 = tpu.scan <sum>, %convert_element_type3A_831 masked %reduce_sum3A_833 : vector<16xi32>, vector<16xi1> -> vector<16xi32>
          %reduce_sum3A_835 = vector.extract %reduce_sum3A_834[15] : i32 from vector<16xi32>
          %le3A_836 = arith.constant 31 : i32
          %le3A_837 = arith.cmpi sle, %select_n3A_830, %le3A_836 : i32
          %gt3A_838 = arith.constant 0 : i32
          %gt3A_839 = arith.cmpi sgt, %reduce_sum3A_835, %gt3A_838 : i32
          %and3A_840 = arith.andi %le3A_837, %gt3A_839 : i1
          %convert_element_type3A_841 = arith.extui %and3A_840 : i1 to i32
          %cond3A_842 = arith.constant 0 : i32
          %cond3A_843 = arith.cmpi ne, %convert_element_type3A_841, %cond3A_842 : i32
          scf.if %cond3A_843 {
            %add3A_876 = arith.constant 144 : i32
            %add3A_877 = arith.addi %add3A_876, %select_n3A_830 : i32
            %swap3A_878 = arith.index_cast %add3A_877 : i32 to index
            %swap3A_879 = tpu.vector_load %arg17[%swap3A_878] masked %le3A_483 {strides = array<i32>} : memref<192xi32, #tpu.memory_space<vmem>>, vector<16xi32>, vector<16xi1>
            tpu.vector_store %arg17[%swap3A_878], %add3A_439 masked %le3A_483 {strides = array<i32>} : memref<192xi32, #tpu.memory_space<vmem>>, vector<16xi32>, vector<16xi1>
          } else {
          }
          %add3A_844 = arith.addi %select_n3A_830, %reduce_sum3A_835 : i32
          %select_n3A_845 = arith.select %le3A_837, %add3A_844, %select_n3A_830 : i32
          %convert_element_type3A_846 = arith.extui %le3A_547 : vector<16xi1> to vector<16xi32>
          %reduce_sum3A_847 = arith.constant true
          %reduce_sum3A_848 = vector.broadcast %reduce_sum3A_847 : i1 to vector<16xi1>
          %reduce_sum3A_849 = tpu.scan <sum>, %convert_element_type3A_846 masked %reduce_sum3A_848 : vector<16xi32>, vector<16xi1> -> vector<16xi32>
          %reduce_sum3A_850 = vector.extract %reduce_sum3A_849[15] : i32 from vector<16xi32>
          %le3A_851 = arith.constant 31 : i32
          %le3A_852 = arith.cmpi sle, %select_n3A_845, %le3A_851 : i32
          %gt3A_853 = arith.constant 0 : i32
          %gt3A_854 = arith.cmpi sgt, %reduce_sum3A_850, %gt3A_853 : i32
          %and3A_855 = arith.andi %le3A_852, %gt3A_854 : i1
          %convert_element_type3A_856 = arith.extui %and3A_855 : i1 to i32
          %cond3A_857 = arith.constant 0 : i32
          %cond3A_858 = arith.cmpi ne, %convert_element_type3A_856, %cond3A_857 : i32
          scf.if %cond3A_858 {
            %add3A_876 = arith.constant 144 : i32
            %add3A_877 = arith.addi %add3A_876, %select_n3A_845 : i32
            %swap3A_878 = arith.index_cast %add3A_877 : i32 to index
            %swap3A_879 = tpu.vector_load %arg17[%swap3A_878] masked %le3A_547 {strides = array<i32>} : memref<192xi32, #tpu.memory_space<vmem>>, vector<16xi32>, vector<16xi1>
            tpu.vector_store %arg17[%swap3A_878], %add3A_503 masked %le3A_547 {strides = array<i32>} : memref<192xi32, #tpu.memory_space<vmem>>, vector<16xi32>, vector<16xi1>
          } else {
          }
          %add3A_859 = arith.addi %select_n3A_845, %reduce_sum3A_850 : i32
          %select_n3A_860 = arith.select %le3A_852, %add3A_859, %select_n3A_845 : i32
          %convert_element_type3A_861 = arith.extui %le3A_611 : vector<16xi1> to vector<16xi32>
          %reduce_sum3A_862 = arith.constant true
          %reduce_sum3A_863 = vector.broadcast %reduce_sum3A_862 : i1 to vector<16xi1>
          %reduce_sum3A_864 = tpu.scan <sum>, %convert_element_type3A_861 masked %reduce_sum3A_863 : vector<16xi32>, vector<16xi1> -> vector<16xi32>
          %reduce_sum3A_865 = vector.extract %reduce_sum3A_864[15] : i32 from vector<16xi32>
          %le3A_866 = arith.constant 31 : i32
          %le3A_867 = arith.cmpi sle, %select_n3A_860, %le3A_866 : i32
          %gt3A_868 = arith.constant 0 : i32
          %gt3A_869 = arith.cmpi sgt, %reduce_sum3A_865, %gt3A_868 : i32
          %and3A_870 = arith.andi %le3A_867, %gt3A_869 : i1
          %convert_element_type3A_871 = arith.extui %and3A_870 : i1 to i32
          %cond3A_872 = arith.constant 0 : i32
          %cond3A_873 = arith.cmpi ne, %convert_element_type3A_871, %cond3A_872 : i32
          scf.if %cond3A_873 {
            %add3A_876 = arith.constant 144 : i32
            %add3A_877 = arith.addi %add3A_876, %select_n3A_860 : i32
            %swap3A_878 = arith.index_cast %add3A_877 : i32 to index
            %swap3A_879 = tpu.vector_load %arg17[%swap3A_878] masked %le3A_611 {strides = array<i32>} : memref<192xi32, #tpu.memory_space<vmem>>, vector<16xi32>, vector<16xi1>
            tpu.vector_store %arg17[%swap3A_878], %add3A_567 masked %le3A_611 {strides = array<i32>} : memref<192xi32, #tpu.memory_space<vmem>>, vector<16xi32>, vector<16xi1>
          } else {
          }
          %add3A_874 = arith.addi %select_n3A_860, %reduce_sum3A_865 : i32
          %select_n3A_875 = arith.select %le3A_867, %add3A_874, %select_n3A_860 : i32
          scf.yield %select_n3A_695, %select_n3A_755, %select_n3A_815, %select_n3A_875 : i32, i32, i32, i32
        } else {
          scf.yield %scan3A_353, %scan3A_354, %scan3A_355, %scan3A_356 : i32, i32, i32, i32
        }
        scf.yield %cond3A_637#0, %cond3A_637#1, %cond3A_637#2, %cond3A_637#3 : i32, i32, i32, i32
      }
      %scan3A_116 = arith.constant 20 : i32
      %mul3A_117 = arith.constant 4 : i32
      %mul3A_118 = arith.muli %scan3A_49, %mul3A_117 : i32
      %add3A_119 = arith.constant 0 : i32
      %add3A_120 = arith.addi %mul3A_118, %add3A_119 : i32
      %iota3A_121 = tpu.iota {dimensions = array<i32: 0>} : vector<16xi32>
      %broadcast_in_dim3A_122 = arith.constant 0.000000e+00 : f32
      %broadcast_in_dim3A_123 = vector.broadcast %broadcast_in_dim3A_122 : f32 to vector<16xf32>
      %get3A = arith.constant 0 : index
      %get3A_124 = tpu.vector_load %arg17[%get3A] {strides = array<i32>} : memref<192xi32, #tpu.memory_space<vmem>>, vector<16xi32>,
      %gather3A_125 = tpu.vector_load_idx %arg10[%get3A_124] : memref<1280xf32, #tpu.memory_space<vmem>>[vector<16xi32>], vector<16xf32>,
      %gather3A_126 = tpu.vector_load_idx %arg11[%get3A_124] : memref<1280xf32, #tpu.memory_space<vmem>>[vector<16xi32>], vector<16xf32>,
      %gather3A_127 = tpu.vector_load_idx %arg12[%get3A_124] : memref<1280xf32, #tpu.memory_space<vmem>>[vector<16xi32>], vector<16xf32>,
      %mul3A_128 = arith.constant 32 : i32
      %mul3A_129 = arith.muli %add3A_120, %mul3A_128 : i32
      %add3A_130 = arith.constant 0 : i32
      %add3A_131 = arith.addi %mul3A_129, %add3A_130 : i32
      %add3A_132 = vector.broadcast %add3A_131 : i32 to vector<16xi32>
      %add3A_133 = arith.addi %add3A_132, %iota3A_121 : vector<16xi32>
      %mul3A_134 = arith.constant 4 : i32
      %mul3A_135 = vector.broadcast %mul3A_134 : i32 to vector<16xi32>
      %mul3A_136 = arith.muli %add3A_133, %mul3A_135 : vector<16xi32>
      %sub3A_137 = arith.subf %gather3A_125, %gather3A : vector<16xf32>
      tpu.vector_store_idx %arg18[%mul3A_136], %sub3A_137 : memref<20480xf32, #tpu.memory_space<vmem>>[vector<16xi32>], vector<16xf32>,
      %add3A_138 = arith.constant 1 : i32
      %add3A_139 = vector.broadcast %add3A_138 : i32 to vector<16xi32>
      %add3A_140 = arith.addi %mul3A_136, %add3A_139 : vector<16xi32>
      %sub3A_141 = arith.subf %gather3A_126, %gather3A_54 : vector<16xf32>
      tpu.vector_store_idx %arg18[%add3A_140], %sub3A_141 : memref<20480xf32, #tpu.memory_space<vmem>>[vector<16xi32>], vector<16xf32>,
      %add3A_142 = arith.constant 2 : i32
      %add3A_143 = vector.broadcast %add3A_142 : i32 to vector<16xi32>
      %add3A_144 = arith.addi %mul3A_136, %add3A_143 : vector<16xi32>
      %sub3A_145 = arith.subf %gather3A_127, %gather3A_55 : vector<16xf32>
      tpu.vector_store_idx %arg18[%add3A_144], %sub3A_145 : memref<20480xf32, #tpu.memory_space<vmem>>[vector<16xi32>], vector<16xf32>,
      %add3A_146 = arith.constant 3 : i32
      %add3A_147 = vector.broadcast %add3A_146 : i32 to vector<16xi32>
      %add3A_148 = arith.addi %mul3A_136, %add3A_147 : vector<16xi32>
      tpu.vector_store_idx %arg18[%add3A_148], %broadcast_in_dim3A_123 : memref<20480xf32, #tpu.memory_space<vmem>>[vector<16xi32>], vector<16xf32>,
      %get3A_149 = arith.constant 16 : index
      %get3A_150 = tpu.vector_load %arg17[%get3A_149] {strides = array<i32>} : memref<192xi32, #tpu.memory_space<vmem>>, vector<16xi32>,
      %gather3A_151 = tpu.vector_load_idx %arg10[%get3A_150] : memref<1280xf32, #tpu.memory_space<vmem>>[vector<16xi32>], vector<16xf32>,
      %gather3A_152 = tpu.vector_load_idx %arg11[%get3A_150] : memref<1280xf32, #tpu.memory_space<vmem>>[vector<16xi32>], vector<16xf32>,
      %gather3A_153 = tpu.vector_load_idx %arg12[%get3A_150] : memref<1280xf32, #tpu.memory_space<vmem>>[vector<16xi32>], vector<16xf32>,
      %mul3A_154 = arith.constant 32 : i32
      %mul3A_155 = arith.muli %add3A_120, %mul3A_154 : i32
      %add3A_156 = arith.constant 16 : i32
      %add3A_157 = arith.addi %mul3A_155, %add3A_156 : i32
      %add3A_158 = vector.broadcast %add3A_157 : i32 to vector<16xi32>
      %add3A_159 = arith.addi %add3A_158, %iota3A_121 : vector<16xi32>
      %mul3A_160 = arith.constant 4 : i32
      %mul3A_161 = vector.broadcast %mul3A_160 : i32 to vector<16xi32>
      %mul3A_162 = arith.muli %add3A_159, %mul3A_161 : vector<16xi32>
      %sub3A_163 = arith.subf %gather3A_151, %gather3A : vector<16xf32>
      tpu.vector_store_idx %arg18[%mul3A_162], %sub3A_163 : memref<20480xf32, #tpu.memory_space<vmem>>[vector<16xi32>], vector<16xf32>,
      %add3A_164 = arith.constant 1 : i32
      %add3A_165 = vector.broadcast %add3A_164 : i32 to vector<16xi32>
      %add3A_166 = arith.addi %mul3A_162, %add3A_165 : vector<16xi32>
      %sub3A_167 = arith.subf %gather3A_152, %gather3A_54 : vector<16xf32>
      tpu.vector_store_idx %arg18[%add3A_166], %sub3A_167 : memref<20480xf32, #tpu.memory_space<vmem>>[vector<16xi32>], vector<16xf32>,
      %add3A_168 = arith.constant 2 : i32
      %add3A_169 = vector.broadcast %add3A_168 : i32 to vector<16xi32>
      %add3A_170 = arith.addi %mul3A_162, %add3A_169 : vector<16xi32>
      %sub3A_171 = arith.subf %gather3A_153, %gather3A_55 : vector<16xf32>
      tpu.vector_store_idx %arg18[%add3A_170], %sub3A_171 : memref<20480xf32, #tpu.memory_space<vmem>>[vector<16xi32>], vector<16xf32>,
      %add3A_172 = arith.constant 3 : i32
      %add3A_173 = vector.broadcast %add3A_172 : i32 to vector<16xi32>
      %add3A_174 = arith.addi %mul3A_162, %add3A_173 : vector<16xi32>
      tpu.vector_store_idx %arg18[%add3A_174], %broadcast_in_dim3A_123 : memref<20480xf32, #tpu.memory_space<vmem>>[vector<16xi32>], vector<16xf32>,
      %mul3A_175 = arith.constant 4 : i32
      %mul3A_176 = arith.muli %scan3A_49, %mul3A_175 : i32
      %add3A_177 = arith.constant 1 : i32
      %add3A_178 = arith.addi %mul3A_176, %add3A_177 : i32
      %iota3A_179 = tpu.iota {dimensions = array<i32: 0>} : vector<16xi32>
      %broadcast_in_dim3A_180 = arith.constant 0.000000e+00 : f32
      %broadcast_in_dim3A_181 = vector.broadcast %broadcast_in_dim3A_180 : f32 to vector<16xf32>
      %get3A_182 = arith.constant 48 : index
      %get3A_183 = tpu.vector_load %arg17[%get3A_182] {strides = array<i32>} : memref<192xi32, #tpu.memory_space<vmem>>, vector<16xi32>,
      %gather3A_184 = tpu.vector_load_idx %arg10[%get3A_183] : memref<1280xf32, #tpu.memory_space<vmem>>[vector<16xi32>], vector<16xf32>,
      %gather3A_185 = tpu.vector_load_idx %arg11[%get3A_183] : memref<1280xf32, #tpu.memory_space<vmem>>[vector<16xi32>], vector<16xf32>,
      %gather3A_186 = tpu.vector_load_idx %arg12[%get3A_183] : memref<1280xf32, #tpu.memory_space<vmem>>[vector<16xi32>], vector<16xf32>,
      %mul3A_187 = arith.constant 32 : i32
      %mul3A_188 = arith.muli %add3A_178, %mul3A_187 : i32
      %add3A_189 = arith.constant 0 : i32
      %add3A_190 = arith.addi %mul3A_188, %add3A_189 : i32
      %add3A_191 = vector.broadcast %add3A_190 : i32 to vector<16xi32>
      %add3A_192 = arith.addi %add3A_191, %iota3A_179 : vector<16xi32>
      %mul3A_193 = arith.constant 4 : i32
      %mul3A_194 = vector.broadcast %mul3A_193 : i32 to vector<16xi32>
      %mul3A_195 = arith.muli %add3A_192, %mul3A_194 : vector<16xi32>
      %sub3A_196 = arith.subf %gather3A_184, %gather3A_67 : vector<16xf32>
      tpu.vector_store_idx %arg18[%mul3A_195], %sub3A_196 : memref<20480xf32, #tpu.memory_space<vmem>>[vector<16xi32>], vector<16xf32>,
      %add3A_197 = arith.constant 1 : i32
      %add3A_198 = vector.broadcast %add3A_197 : i32 to vector<16xi32>
      %add3A_199 = arith.addi %mul3A_195, %add3A_198 : vector<16xi32>
      %sub3A_200 = arith.subf %gather3A_185, %gather3A_68 : vector<16xf32>
      tpu.vector_store_idx %arg18[%add3A_199], %sub3A_200 : memref<20480xf32, #tpu.memory_space<vmem>>[vector<16xi32>], vector<16xf32>,
      %add3A_201 = arith.constant 2 : i32
      %add3A_202 = vector.broadcast %add3A_201 : i32 to vector<16xi32>
      %add3A_203 = arith.addi %mul3A_195, %add3A_202 : vector<16xi32>
      %sub3A_204 = arith.subf %gather3A_186, %gather3A_69 : vector<16xf32>
      tpu.vector_store_idx %arg18[%add3A_203], %sub3A_204 : memref<20480xf32, #tpu.memory_space<vmem>>[vector<16xi32>], vector<16xf32>,
      %add3A_205 = arith.constant 3 : i32
      %add3A_206 = vector.broadcast %add3A_205 : i32 to vector<16xi32>
      %add3A_207 = arith.addi %mul3A_195, %add3A_206 : vector<16xi32>
      tpu.vector_store_idx %arg18[%add3A_207], %broadcast_in_dim3A_181 : memref<20480xf32, #tpu.memory_space<vmem>>[vector<16xi32>], vector<16xf32>,
      %get3A_208 = arith.constant 64 : index
      %get3A_209 = tpu.vector_load %arg17[%get3A_208] {strides = array<i32>} : memref<192xi32, #tpu.memory_space<vmem>>, vector<16xi32>,
      %gather3A_210 = tpu.vector_load_idx %arg10[%get3A_209] : memref<1280xf32, #tpu.memory_space<vmem>>[vector<16xi32>], vector<16xf32>,
      %gather3A_211 = tpu.vector_load_idx %arg11[%get3A_209] : memref<1280xf32, #tpu.memory_space<vmem>>[vector<16xi32>], vector<16xf32>,
      %gather3A_212 = tpu.vector_load_idx %arg12[%get3A_209] : memref<1280xf32, #tpu.memory_space<vmem>>[vector<16xi32>], vector<16xf32>,
      %mul3A_213 = arith.constant 32 : i32
      %mul3A_214 = arith.muli %add3A_178, %mul3A_213 : i32
      %add3A_215 = arith.constant 16 : i32
      %add3A_216 = arith.addi %mul3A_214, %add3A_215 : i32
      %add3A_217 = vector.broadcast %add3A_216 : i32 to vector<16xi32>
      %add3A_218 = arith.addi %add3A_217, %iota3A_179 : vector<16xi32>
      %mul3A_219 = arith.constant 4 : i32
      %mul3A_220 = vector.broadcast %mul3A_219 : i32 to vector<16xi32>
      %mul3A_221 = arith.muli %add3A_218, %mul3A_220 : vector<16xi32>
      %sub3A_222 = arith.subf %gather3A_210, %gather3A_67 : vector<16xf32>
      tpu.vector_store_idx %arg18[%mul3A_221], %sub3A_222 : memref<20480xf32, #tpu.memory_space<vmem>>[vector<16xi32>], vector<16xf32>,
      %add3A_223 = arith.constant 1 : i32
      %add3A_224 = vector.broadcast %add3A_223 : i32 to vector<16xi32>
      %add3A_225 = arith.addi %mul3A_221, %add3A_224 : vector<16xi32>
      %sub3A_226 = arith.subf %gather3A_211, %gather3A_68 : vector<16xf32>
      tpu.vector_store_idx %arg18[%add3A_225], %sub3A_226 : memref<20480xf32, #tpu.memory_space<vmem>>[vector<16xi32>], vector<16xf32>,
      %add3A_227 = arith.constant 2 : i32
      %add3A_228 = vector.broadcast %add3A_227 : i32 to vector<16xi32>
      %add3A_229 = arith.addi %mul3A_221, %add3A_228 : vector<16xi32>
      %sub3A_230 = arith.subf %gather3A_212, %gather3A_69 : vector<16xf32>
      tpu.vector_store_idx %arg18[%add3A_229], %sub3A_230 : memref<20480xf32, #tpu.memory_space<vmem>>[vector<16xi32>], vector<16xf32>,
      %add3A_231 = arith.constant 3 : i32
      %add3A_232 = vector.broadcast %add3A_231 : i32 to vector<16xi32>
      %add3A_233 = arith.addi %mul3A_221, %add3A_232 : vector<16xi32>
      tpu.vector_store_idx %arg18[%add3A_233], %broadcast_in_dim3A_181 : memref<20480xf32, #tpu.memory_space<vmem>>[vector<16xi32>], vector<16xf32>,
      %mul3A_234 = arith.constant 4 : i32
      %mul3A_235 = arith.muli %scan3A_49, %mul3A_234 : i32
      %add3A_236 = arith.constant 2 : i32
      %add3A_237 = arith.addi %mul3A_235, %add3A_236 : i32
      %iota3A_238 = tpu.iota {dimensions = array<i32: 0>} : vector<16xi32>
      %broadcast_in_dim3A_239 = arith.constant 0.000000e+00 : f32
      %broadcast_in_dim3A_240 = vector.broadcast %broadcast_in_dim3A_239 : f32 to vector<16xf32>
      %get3A_241 = arith.constant 96 : index
      %get3A_242 = tpu.vector_load %arg17[%get3A_241] {strides = array<i32>} : memref<192xi32, #tpu.memory_space<vmem>>, vector<16xi32>,
      %gather3A_243 = tpu.vector_load_idx %arg10[%get3A_242] : memref<1280xf32, #tpu.memory_space<vmem>>[vector<16xi32>], vector<16xf32>,
      %gather3A_244 = tpu.vector_load_idx %arg11[%get3A_242] : memref<1280xf32, #tpu.memory_space<vmem>>[vector<16xi32>], vector<16xf32>,
      %gather3A_245 = tpu.vector_load_idx %arg12[%get3A_242] : memref<1280xf32, #tpu.memory_space<vmem>>[vector<16xi32>], vector<16xf32>,
      %mul3A_246 = arith.constant 32 : i32
      %mul3A_247 = arith.muli %add3A_237, %mul3A_246 : i32
      %add3A_248 = arith.constant 0 : i32
      %add3A_249 = arith.addi %mul3A_247, %add3A_248 : i32
      %add3A_250 = vector.broadcast %add3A_249 : i32 to vector<16xi32>
      %add3A_251 = arith.addi %add3A_250, %iota3A_238 : vector<16xi32>
      %mul3A_252 = arith.constant 4 : i32
      %mul3A_253 = vector.broadcast %mul3A_252 : i32 to vector<16xi32>
      %mul3A_254 = arith.muli %add3A_251, %mul3A_253 : vector<16xi32>
      %sub3A_255 = arith.subf %gather3A_243, %gather3A_82 : vector<16xf32>
      tpu.vector_store_idx %arg18[%mul3A_254], %sub3A_255 : memref<20480xf32, #tpu.memory_space<vmem>>[vector<16xi32>], vector<16xf32>,
      %add3A_256 = arith.constant 1 : i32
      %add3A_257 = vector.broadcast %add3A_256 : i32 to vector<16xi32>
      %add3A_258 = arith.addi %mul3A_254, %add3A_257 : vector<16xi32>
      %sub3A_259 = arith.subf %gather3A_244, %gather3A_83 : vector<16xf32>
      tpu.vector_store_idx %arg18[%add3A_258], %sub3A_259 : memref<20480xf32, #tpu.memory_space<vmem>>[vector<16xi32>], vector<16xf32>,
      %add3A_260 = arith.constant 2 : i32
      %add3A_261 = vector.broadcast %add3A_260 : i32 to vector<16xi32>
      %add3A_262 = arith.addi %mul3A_254, %add3A_261 : vector<16xi32>
      %sub3A_263 = arith.subf %gather3A_245, %gather3A_84 : vector<16xf32>
      tpu.vector_store_idx %arg18[%add3A_262], %sub3A_263 : memref<20480xf32, #tpu.memory_space<vmem>>[vector<16xi32>], vector<16xf32>,
      %add3A_264 = arith.constant 3 : i32
      %add3A_265 = vector.broadcast %add3A_264 : i32 to vector<16xi32>
      %add3A_266 = arith.addi %mul3A_254, %add3A_265 : vector<16xi32>
      tpu.vector_store_idx %arg18[%add3A_266], %broadcast_in_dim3A_240 : memref<20480xf32, #tpu.memory_space<vmem>>[vector<16xi32>], vector<16xf32>,
      %get3A_267 = arith.constant 112 : index
      %get3A_268 = tpu.vector_load %arg17[%get3A_267] {strides = array<i32>} : memref<192xi32, #tpu.memory_space<vmem>>, vector<16xi32>,
      %gather3A_269 = tpu.vector_load_idx %arg10[%get3A_268] : memref<1280xf32, #tpu.memory_space<vmem>>[vector<16xi32>], vector<16xf32>,
      %gather3A_270 = tpu.vector_load_idx %arg11[%get3A_268] : memref<1280xf32, #tpu.memory_space<vmem>>[vector<16xi32>], vector<16xf32>,
      %gather3A_271 = tpu.vector_load_idx %arg12[%get3A_268] : memref<1280xf32, #tpu.memory_space<vmem>>[vector<16xi32>], vector<16xf32>,
      %mul3A_272 = arith.constant 32 : i32
      %mul3A_273 = arith.muli %add3A_237, %mul3A_272 : i32
      %add3A_274 = arith.constant 16 : i32
      %add3A_275 = arith.addi %mul3A_273, %add3A_274 : i32
      %add3A_276 = vector.broadcast %add3A_275 : i32 to vector<16xi32>
      %add3A_277 = arith.addi %add3A_276, %iota3A_238 : vector<16xi32>
      %mul3A_278 = arith.constant 4 : i32
      %mul3A_279 = vector.broadcast %mul3A_278 : i32 to vector<16xi32>
      %mul3A_280 = arith.muli %add3A_277, %mul3A_279 : vector<16xi32>
      %sub3A_281 = arith.subf %gather3A_269, %gather3A_82 : vector<16xf32>
      tpu.vector_store_idx %arg18[%mul3A_280], %sub3A_281 : memref<20480xf32, #tpu.memory_space<vmem>>[vector<16xi32>], vector<16xf32>,
      %add3A_282 = arith.constant 1 : i32
      %add3A_283 = vector.broadcast %add3A_282 : i32 to vector<16xi32>
      %add3A_284 = arith.addi %mul3A_280, %add3A_283 : vector<16xi32>
      %sub3A_285 = arith.subf %gather3A_270, %gather3A_83 : vector<16xf32>
      tpu.vector_store_idx %arg18[%add3A_284], %sub3A_285 : memref<20480xf32, #tpu.memory_space<vmem>>[vector<16xi32>], vector<16xf32>,
      %add3A_286 = arith.constant 2 : i32
      %add3A_287 = vector.broadcast %add3A_286 : i32 to vector<16xi32>
      %add3A_288 = arith.addi %mul3A_280, %add3A_287 : vector<16xi32>
      %sub3A_289 = arith.subf %gather3A_271, %gather3A_84 : vector<16xf32>
      tpu.vector_store_idx %arg18[%add3A_288], %sub3A_289 : memref<20480xf32, #tpu.memory_space<vmem>>[vector<16xi32>], vector<16xf32>,
      %add3A_290 = arith.constant 3 : i32
      %add3A_291 = vector.broadcast %add3A_290 : i32 to vector<16xi32>
      %add3A_292 = arith.addi %mul3A_280, %add3A_291 : vector<16xi32>
      tpu.vector_store_idx %arg18[%add3A_292], %broadcast_in_dim3A_240 : memref<20480xf32, #tpu.memory_space<vmem>>[vector<16xi32>], vector<16xf32>,
      %mul3A_293 = arith.constant 4 : i32
      %mul3A_294 = arith.muli %scan3A_49, %mul3A_293 : i32
      %add3A_295 = arith.constant 3 : i32
      %add3A_296 = arith.addi %mul3A_294, %add3A_295 : i32
      %iota3A_297 = tpu.iota {dimensions = array<i32: 0>} : vector<16xi32>
      %broadcast_in_dim3A_298 = arith.constant 0.000000e+00 : f32
      %broadcast_in_dim3A_299 = vector.broadcast %broadcast_in_dim3A_298 : f32 to vector<16xf32>
      %get3A_300 = arith.constant 144 : index
      %get3A_301 = tpu.vector_load %arg17[%get3A_300] {strides = array<i32>} : memref<192xi32, #tpu.memory_space<vmem>>, vector<16xi32>,
      %gather3A_302 = tpu.vector_load_idx %arg10[%get3A_301] : memref<1280xf32, #tpu.memory_space<vmem>>[vector<16xi32>], vector<16xf32>,
      %gather3A_303 = tpu.vector_load_idx %arg11[%get3A_301] : memref<1280xf32, #tpu.memory_space<vmem>>[vector<16xi32>], vector<16xf32>,
      %gather3A_304 = tpu.vector_load_idx %arg12[%get3A_301] : memref<1280xf32, #tpu.memory_space<vmem>>[vector<16xi32>], vector<16xf32>,
      %mul3A_305 = arith.constant 32 : i32
      %mul3A_306 = arith.muli %add3A_296, %mul3A_305 : i32
      %add3A_307 = arith.constant 0 : i32
      %add3A_308 = arith.addi %mul3A_306, %add3A_307 : i32
      %add3A_309 = vector.broadcast %add3A_308 : i32 to vector<16xi32>
      %add3A_310 = arith.addi %add3A_309, %iota3A_297 : vector<16xi32>
      %mul3A_311 = arith.constant 4 : i32
      %mul3A_312 = vector.broadcast %mul3A_311 : i32 to vector<16xi32>
      %mul3A_313 = arith.muli %add3A_310, %mul3A_312 : vector<16xi32>
      %sub3A_314 = arith.subf %gather3A_302, %gather3A_97 : vector<16xf32>
      tpu.vector_store_idx %arg18[%mul3A_313], %sub3A_314 : memref<20480xf32, #tpu.memory_space<vmem>>[vector<16xi32>], vector<16xf32>,
      %add3A_315 = arith.constant 1 : i32
      %add3A_316 = vector.broadcast %add3A_315 : i32 to vector<16xi32>
      %add3A_317 = arith.addi %mul3A_313, %add3A_316 : vector<16xi32>
      %sub3A_318 = arith.subf %gather3A_303, %gather3A_98 : vector<16xf32>
      tpu.vector_store_idx %arg18[%add3A_317], %sub3A_318 : memref<20480xf32, #tpu.memory_space<vmem>>[vector<16xi32>], vector<16xf32>,
      %add3A_319 = arith.constant 2 : i32
      %add3A_320 = vector.broadcast %add3A_319 : i32 to vector<16xi32>
      %add3A_321 = arith.addi %mul3A_313, %add3A_320 : vector<16xi32>
      %sub3A_322 = arith.subf %gather3A_304, %gather3A_99 : vector<16xf32>
      tpu.vector_store_idx %arg18[%add3A_321], %sub3A_322 : memref<20480xf32, #tpu.memory_space<vmem>>[vector<16xi32>], vector<16xf32>,
      %add3A_323 = arith.constant 3 : i32
      %add3A_324 = vector.broadcast %add3A_323 : i32 to vector<16xi32>
      %add3A_325 = arith.addi %mul3A_313, %add3A_324 : vector<16xi32>
      tpu.vector_store_idx %arg18[%add3A_325], %broadcast_in_dim3A_299 : memref<20480xf32, #tpu.memory_space<vmem>>[vector<16xi32>], vector<16xf32>,
      %get3A_326 = arith.constant 160 : index
      %get3A_327 = tpu.vector_load %arg17[%get3A_326] {strides = array<i32>} : memref<192xi32, #tpu.memory_space<vmem>>, vector<16xi32>,
      %gather3A_328 = tpu.vector_load_idx %arg10[%get3A_327] : memref<1280xf32, #tpu.memory_space<vmem>>[vector<16xi32>], vector<16xf32>,
      %gather3A_329 = tpu.vector_load_idx %arg11[%get3A_327] : memref<1280xf32, #tpu.memory_space<vmem>>[vector<16xi32>], vector<16xf32>,
      %gather3A_330 = tpu.vector_load_idx %arg12[%get3A_327] : memref<1280xf32, #tpu.memory_space<vmem>>[vector<16xi32>], vector<16xf32>,
      %mul3A_331 = arith.constant 32 : i32
      %mul3A_332 = arith.muli %add3A_296, %mul3A_331 : i32
      %add3A_333 = arith.constant 16 : i32
      %add3A_334 = arith.addi %mul3A_332, %add3A_333 : i32
      %add3A_335 = vector.broadcast %add3A_334 : i32 to vector<16xi32>
      %add3A_336 = arith.addi %add3A_335, %iota3A_297 : vector<16xi32>
      %mul3A_337 = arith.constant 4 : i32
      %mul3A_338 = vector.broadcast %mul3A_337 : i32 to vector<16xi32>
      %mul3A_339 = arith.muli %add3A_336, %mul3A_338 : vector<16xi32>
      %sub3A_340 = arith.subf %gather3A_328, %gather3A_97 : vector<16xf32>
      tpu.vector_store_idx %arg18[%mul3A_339], %sub3A_340 : memref<20480xf32, #tpu.memory_space<vmem>>[vector<16xi32>], vector<16xf32>,
      %add3A_341 = arith.constant 1 : i32
      %add3A_342 = vector.broadcast %add3A_341 : i32 to vector<16xi32>
      %add3A_343 = arith.addi %mul3A_339, %add3A_342 : vector<16xi32>
      %sub3A_344 = arith.subf %gather3A_329, %gather3A_98 : vector<16xf32>
      tpu.vector_store_idx %arg18[%add3A_343], %sub3A_344 : memref<20480xf32, #tpu.memory_space<vmem>>[vector<16xi32>], vector<16xf32>,
      %add3A_345 = arith.constant 2 : i32
      %add3A_346 = vector.broadcast %add3A_345 : i32 to vector<16xi32>
      %add3A_347 = arith.addi %mul3A_339, %add3A_346 : vector<16xi32>
      %sub3A_348 = arith.subf %gather3A_330, %gather3A_99 : vector<16xf32>
      tpu.vector_store_idx %arg18[%add3A_347], %sub3A_348 : memref<20480xf32, #tpu.memory_space<vmem>>[vector<16xi32>], vector<16xf32>,
      %add3A_349 = arith.constant 3 : i32
      %add3A_350 = vector.broadcast %add3A_349 : i32 to vector<16xi32>
      %add3A_351 = arith.addi %mul3A_339, %add3A_350 : vector<16xi32>
      tpu.vector_store_idx %arg18[%add3A_351], %broadcast_in_dim3A_299 : memref<20480xf32, #tpu.memory_space<vmem>>[vector<16xi32>], vector<16xf32>,
    }
    %scan3A_46 = arith.constant 40 : i32
    %mul3A_47 = arith.constant 20480 : i32
    %mul3A_48 = arith.muli %add3A, %mul3A_47 : i32
    "tpu.region"() ({
      %run_scoped3A = tpu.sem_alloc : memref<!tpu.dma_semaphore, #tpu.memory_space<semaphore_mem>>
      %dma_start3A = tpu.memref_slice %arg9[%mul3A_48] : memref<655360xf32, #tpu.memory_space<hbm>> -> memref<20480xf32, #tpu.memory_space<hbm>>
      %dma_start3A_49 = tpu.memref_slice %arg9[%mul3A_48] : memref<655360xf32, #tpu.memory_space<hbm>> -> memref<20480xf32, #tpu.memory_space<hbm>>
      tpu.enqueue_dma source(%arg18 : memref<20480xf32, #tpu.memory_space<vmem>>) target(%dma_start3A_49 : memref<20480xf32, #tpu.memory_space<hbm>>) target_semaphore(%run_scoped3A : memref<!tpu.dma_semaphore, #tpu.memory_space<semaphore_mem>>)
      %dma_wait3A = tpu.memref_slice %arg9[%mul3A_48] : memref<655360xf32, #tpu.memory_space<hbm>> -> memref<20480xf32, #tpu.memory_space<hbm>>
      %dma_wait3A_50 = tpu.memref_slice %arg9[%mul3A_48] : memref<655360xf32, #tpu.memory_space<hbm>> -> memref<20480xf32, #tpu.memory_space<hbm>>
      tpu.wait_dma2 semaphore(%run_scoped3A : memref<!tpu.dma_semaphore, #tpu.memory_space<semaphore_mem>>) src(%arg18 : memref<20480xf32, #tpu.memory_space<vmem>>) dst(%dma_wait3A_50 : memref<20480xf32, #tpu.memory_space<hbm>>)
      tpu.yield
    }) : () -> ()
    return
  }
}

#map = affine_map<(d0, d1) -> (0)>
#map1 = affine_map<(d0, d1) -> (0, 0)>
module attributes {stable_mosaic.version = 14 : i64} {
  func.func @_sc_sel2_body(%arg0: i32, %arg1: i32, %arg2: memref<5120xf32, #tpu.memory_space<hbm>>, %arg3: memref<5120xf32, #tpu.memory_space<hbm>>, %arg4: memref<5120xf32, #tpu.memory_space<hbm>>, %arg5: memref<1280xf32, #tpu.memory_space<hbm>>, %arg6: memref<1280xf32, #tpu.memory_space<hbm>>, %arg7: memref<1280xf32, #tpu.memory_space<hbm>>, %arg8: memref<1280xi32, #tpu.memory_space<hbm>>, %arg9: memref<5120x128xf32, #tpu.memory_space<hbm>>, %arg10: memref<163840xf32, #tpu.memory_space<hbm>>, %arg11: memref<40960x128xf32, #tpu.memory_space<hbm>>, %arg12: memref<640xf32, #tpu.memory_space<vmem>>, %arg13: memref<640xf32, #tpu.memory_space<vmem>>, %arg14: memref<640xf32, #tpu.memory_space<vmem>>, %arg15: memref<40xf32, #tpu.memory_space<vmem>>, %arg16: memref<40xf32, #tpu.memory_space<vmem>>, %arg17: memref<40xf32, #tpu.memory_space<vmem>>, %arg18: memref<40xi32, #tpu.memory_space<vmem>>, %arg19: memref<192xi32, #tpu.memory_space<vmem>>, %arg20: memref<5120xf32, #tpu.memory_space<vmem>>, %arg21: memref<1280xi32, #tpu.memory_space<vmem>>, %arg22: memref<2x128x128xf32, #tpu.memory_space<vmem>>, %arg23: memref<!tpu.dma_semaphore, #tpu.memory_space<semaphore_mem>>, %arg24: memref<!tpu.dma_semaphore, #tpu.memory_space<semaphore_mem>>) attributes {dimension_semantics = [#tpu.dimension_semantics<core_parallel>, #tpu.dimension_semantics<subcore_parallel>], iteration_bounds = array<i64: 2, 16>, scalar_prefetch = 0 : i64, scratch_operands = 13 : i64, tpu.core_type = #tpu.core_type<sc_vector_subcore>, window_params = [{transform_indices = #map}, {transform_indices = #map}, {transform_indices = #map}, {transform_indices = #map}, {transform_indices = #map}, {transform_indices = #map}, {transform_indices = #map}, {transform_indices = #map1}, {transform_indices = #map}, {transform_indices = #map1}]} {
    %mul3A = arith.constant 16 : i32
    %mul3A_0 = arith.muli %arg0, %mul3A : i32
    %add3A = arith.addi %mul3A_0, %arg1 : i32
    %jit3A = arith.constant 4 : i32
    %div3A = arith.divsi %add3A, %jit3A : i32
    %sign3A = arith.constant 0 : i32
    %sign3A_1 = arith.cmpi sgt, %add3A, %sign3A : i32
    %sign3A_2 = arith.extui %sign3A_1 : i1 to i32
    %sign3A_3 = arith.constant 0 : i32
    %sign3A_4 = arith.cmpi slt, %add3A, %sign3A_3 : i32
    %sign3A_5 = arith.extui %sign3A_4 : i1 to i32
    %sign3A_6 = arith.subi %sign3A_2, %sign3A_5 : i32
    %sign3A_7 = arith.constant 0 : i32
    %sign3A_8 = arith.cmpi sgt, %jit3A, %sign3A_7 : i32
    %sign3A_9 = arith.extui %sign3A_8 : i1 to i32
    %sign3A_10 = arith.constant 0 : i32
    %sign3A_11 = arith.cmpi slt, %jit3A, %sign3A_10 : i32
    %sign3A_12 = arith.extui %sign3A_11 : i1 to i32
    %sign3A_13 = arith.subi %sign3A_9, %sign3A_12 : i32
    %ne3A = arith.cmpi ne, %sign3A_6, %sign3A_13 : i32
    %rem3A = arith.remsi %add3A, %jit3A : i32
    %ne3A_14 = arith.constant 0 : i32
    %ne3A_15 = arith.cmpi ne, %rem3A, %ne3A_14 : i32
    %and3A = arith.andi %ne3A, %ne3A_15 : i1
    %sub3A = arith.constant 1 : i32
    %sub3A_16 = arith.subi %div3A, %sub3A : i32
    %select_n3A = arith.select %and3A, %sub3A_16, %div3A : i32
    %jit3A_17 = arith.constant 4 : i32
    %eq3A = arith.constant 0 : i32
    %eq3A_18 = arith.cmpi eq, %jit3A_17, %eq3A : i32
    %jit3A_19 = arith.constant 1 : i32
    %select_n3A_20 = arith.select %eq3A_18, %jit3A_19, %jit3A_17 : i32
    %rem3A_21 = arith.remsi %add3A, %select_n3A_20 : i32
    %ne3A_22 = arith.constant 0 : i32
    %ne3A_23 = arith.cmpi ne, %rem3A_21, %ne3A_22 : i32
    %lt3A = arith.constant 0 : i32
    %lt3A_24 = arith.cmpi slt, %rem3A_21, %lt3A : i32
    %lt3A_25 = arith.constant 0 : i32
    %lt3A_26 = arith.cmpi slt, %select_n3A_20, %lt3A_25 : i32
    %ne3A_27 = arith.xori %lt3A_24, %lt3A_26 : i1
    %and3A_28 = arith.andi %ne3A_27, %ne3A_23 : i1
    %add3A_29 = arith.addi %rem3A_21, %select_n3A_20 : i32
    %select_n3A_30 = arith.select %and3A_28, %add3A_29, %rem3A_21 : i32
    %mul3A_31 = arith.constant 640 : i32
    %mul3A_32 = arith.muli %select_n3A, %mul3A_31 : i32
    "tpu.region"() ({
      %run_scoped3A = tpu.sem_alloc : memref<!tpu.dma_semaphore, #tpu.memory_space<semaphore_mem>>
      %dma_start3A_551 = tpu.memref_slice %arg2[%mul3A_32] : memref<5120xf32, #tpu.memory_space<hbm>> -> memref<640xf32, #tpu.memory_space<hbm>>
      %dma_start3A_552 = tpu.memref_slice %arg2[%mul3A_32] : memref<5120xf32, #tpu.memory_space<hbm>> -> memref<640xf32, #tpu.memory_space<hbm>>
      tpu.enqueue_dma source(%dma_start3A_552 : memref<640xf32, #tpu.memory_space<hbm>>) target(%arg12 : memref<640xf32, #tpu.memory_space<vmem>>) target_semaphore(%run_scoped3A : memref<!tpu.dma_semaphore, #tpu.memory_space<semaphore_mem>>)
      %dma_wait3A_553 = tpu.memref_slice %arg2[%mul3A_32] : memref<5120xf32, #tpu.memory_space<hbm>> -> memref<640xf32, #tpu.memory_space<hbm>>
      %dma_wait3A_554 = tpu.memref_slice %arg2[%mul3A_32] : memref<5120xf32, #tpu.memory_space<hbm>> -> memref<640xf32, #tpu.memory_space<hbm>>
      tpu.wait_dma2 semaphore(%run_scoped3A : memref<!tpu.dma_semaphore, #tpu.memory_space<semaphore_mem>>) src(%dma_wait3A_554 : memref<640xf32, #tpu.memory_space<hbm>>) dst(%arg12 : memref<640xf32, #tpu.memory_space<vmem>>)
      tpu.yield
    }) : () -> ()
    %mul3A_33 = arith.constant 640 : i32
    %mul3A_34 = arith.muli %select_n3A, %mul3A_33 : i32
    "tpu.region"() ({
      %run_scoped3A = tpu.sem_alloc : memref<!tpu.dma_semaphore, #tpu.memory_space<semaphore_mem>>
      %dma_start3A_551 = tpu.memref_slice %arg3[%mul3A_34] : memref<5120xf32, #tpu.memory_space<hbm>> -> memref<640xf32, #tpu.memory_space<hbm>>
      %dma_start3A_552 = tpu.memref_slice %arg3[%mul3A_34] : memref<5120xf32, #tpu.memory_space<hbm>> -> memref<640xf32, #tpu.memory_space<hbm>>
      tpu.enqueue_dma source(%dma_start3A_552 : memref<640xf32, #tpu.memory_space<hbm>>) target(%arg13 : memref<640xf32, #tpu.memory_space<vmem>>) target_semaphore(%run_scoped3A : memref<!tpu.dma_semaphore, #tpu.memory_space<semaphore_mem>>)
      %dma_wait3A_553 = tpu.memref_slice %arg3[%mul3A_34] : memref<5120xf32, #tpu.memory_space<hbm>> -> memref<640xf32, #tpu.memory_space<hbm>>
      %dma_wait3A_554 = tpu.memref_slice %arg3[%mul3A_34] : memref<5120xf32, #tpu.memory_space<hbm>> -> memref<640xf32, #tpu.memory_space<hbm>>
      tpu.wait_dma2 semaphore(%run_scoped3A : memref<!tpu.dma_semaphore, #tpu.memory_space<semaphore_mem>>) src(%dma_wait3A_554 : memref<640xf32, #tpu.memory_space<hbm>>) dst(%arg13 : memref<640xf32, #tpu.memory_space<vmem>>)
      tpu.yield
    }) : () -> ()
    %mul3A_35 = arith.constant 640 : i32
    %mul3A_36 = arith.muli %select_n3A, %mul3A_35 : i32
    "tpu.region"() ({
      %run_scoped3A = tpu.sem_alloc : memref<!tpu.dma_semaphore, #tpu.memory_space<semaphore_mem>>
      %dma_start3A_551 = tpu.memref_slice %arg4[%mul3A_36] : memref<5120xf32, #tpu.memory_space<hbm>> -> memref<640xf32, #tpu.memory_space<hbm>>
      %dma_start3A_552 = tpu.memref_slice %arg4[%mul3A_36] : memref<5120xf32, #tpu.memory_space<hbm>> -> memref<640xf32, #tpu.memory_space<hbm>>
      tpu.enqueue_dma source(%dma_start3A_552 : memref<640xf32, #tpu.memory_space<hbm>>) target(%arg14 : memref<640xf32, #tpu.memory_space<vmem>>) target_semaphore(%run_scoped3A : memref<!tpu.dma_semaphore, #tpu.memory_space<semaphore_mem>>)
      %dma_wait3A_553 = tpu.memref_slice %arg4[%mul3A_36] : memref<5120xf32, #tpu.memory_space<hbm>> -> memref<640xf32, #tpu.memory_space<hbm>>
      %dma_wait3A_554 = tpu.memref_slice %arg4[%mul3A_36] : memref<5120xf32, #tpu.memory_space<hbm>> -> memref<640xf32, #tpu.memory_space<hbm>>
      tpu.wait_dma2 semaphore(%run_scoped3A : memref<!tpu.dma_semaphore, #tpu.memory_space<semaphore_mem>>) src(%dma_wait3A_554 : memref<640xf32, #tpu.memory_space<hbm>>) dst(%arg14 : memref<640xf32, #tpu.memory_space<vmem>>)
      tpu.yield
    }) : () -> ()
    %mul3A_37 = arith.constant 160 : i32
    %mul3A_38 = arith.muli %select_n3A, %mul3A_37 : i32
    %mul3A_39 = arith.constant 40 : i32
    %mul3A_40 = arith.muli %select_n3A_30, %mul3A_39 : i32
    %add3A_41 = arith.addi %mul3A_38, %mul3A_40 : i32
    "tpu.region"() ({
      %run_scoped3A = tpu.sem_alloc : memref<!tpu.dma_semaphore, #tpu.memory_space<semaphore_mem>>
      %dma_start3A_551 = tpu.memref_slice %arg5[%add3A_41] : memref<1280xf32, #tpu.memory_space<hbm>> -> memref<40xf32, #tpu.memory_space<hbm>>
      %dma_start3A_552 = tpu.memref_slice %arg5[%add3A_41] : memref<1280xf32, #tpu.memory_space<hbm>> -> memref<40xf32, #tpu.memory_space<hbm>>
      tpu.enqueue_dma source(%dma_start3A_552 : memref<40xf32, #tpu.memory_space<hbm>>) target(%arg15 : memref<40xf32, #tpu.memory_space<vmem>>) target_semaphore(%run_scoped3A : memref<!tpu.dma_semaphore, #tpu.memory_space<semaphore_mem>>)
      %dma_wait3A_553 = tpu.memref_slice %arg5[%add3A_41] : memref<1280xf32, #tpu.memory_space<hbm>> -> memref<40xf32, #tpu.memory_space<hbm>>
      %dma_wait3A_554 = tpu.memref_slice %arg5[%add3A_41] : memref<1280xf32, #tpu.memory_space<hbm>> -> memref<40xf32, #tpu.memory_space<hbm>>
      tpu.wait_dma2 semaphore(%run_scoped3A : memref<!tpu.dma_semaphore, #tpu.memory_space<semaphore_mem>>) src(%dma_wait3A_554 : memref<40xf32, #tpu.memory_space<hbm>>) dst(%arg15 : memref<40xf32, #tpu.memory_space<vmem>>)
      tpu.yield
    }) : () -> ()
    "tpu.region"() ({
      %run_scoped3A = tpu.sem_alloc : memref<!tpu.dma_semaphore, #tpu.memory_space<semaphore_mem>>
      %dma_start3A_551 = tpu.memref_slice %arg6[%add3A_41] : memref<1280xf32, #tpu.memory_space<hbm>> -> memref<40xf32, #tpu.memory_space<hbm>>
      %dma_start3A_552 = tpu.memref_slice %arg6[%add3A_41] : memref<1280xf32, #tpu.memory_space<hbm>> -> memref<40xf32, #tpu.memory_space<hbm>>
      tpu.enqueue_dma source(%dma_start3A_552 : memref<40xf32, #tpu.memory_space<hbm>>) target(%arg16 : memref<40xf32, #tpu.memory_space<vmem>>) target_semaphore(%run_scoped3A : memref<!tpu.dma_semaphore, #tpu.memory_space<semaphore_mem>>)
      %dma_wait3A_553 = tpu.memref_slice %arg6[%add3A_41] : memref<1280xf32, #tpu.memory_space<hbm>> -> memref<40xf32, #tpu.memory_space<hbm>>
      %dma_wait3A_554 = tpu.memref_slice %arg6[%add3A_41] : memref<1280xf32, #tpu.memory_space<hbm>> -> memref<40xf32, #tpu.memory_space<hbm>>
      tpu.wait_dma2 semaphore(%run_scoped3A : memref<!tpu.dma_semaphore, #tpu.memory_space<semaphore_mem>>) src(%dma_wait3A_554 : memref<40xf32, #tpu.memory_space<hbm>>) dst(%arg16 : memref<40xf32, #tpu.memory_space<vmem>>)
      tpu.yield
    }) : () -> ()
    "tpu.region"() ({
      %run_scoped3A = tpu.sem_alloc : memref<!tpu.dma_semaphore, #tpu.memory_space<semaphore_mem>>
      %dma_start3A_551 = tpu.memref_slice %arg7[%add3A_41] : memref<1280xf32, #tpu.memory_space<hbm>> -> memref<40xf32, #tpu.memory_space<hbm>>
      %dma_start3A_552 = tpu.memref_slice %arg7[%add3A_41] : memref<1280xf32, #tpu.memory_space<hbm>> -> memref<40xf32, #tpu.memory_space<hbm>>
      tpu.enqueue_dma source(%dma_start3A_552 : memref<40xf32, #tpu.memory_space<hbm>>) target(%arg17 : memref<40xf32, #tpu.memory_space<vmem>>) target_semaphore(%run_scoped3A : memref<!tpu.dma_semaphore, #tpu.memory_space<semaphore_mem>>)
      %dma_wait3A_553 = tpu.memref_slice %arg7[%add3A_41] : memref<1280xf32, #tpu.memory_space<hbm>> -> memref<40xf32, #tpu.memory_space<hbm>>
      %dma_wait3A_554 = tpu.memref_slice %arg7[%add3A_41] : memref<1280xf32, #tpu.memory_space<hbm>> -> memref<40xf32, #tpu.memory_space<hbm>>
      tpu.wait_dma2 semaphore(%run_scoped3A : memref<!tpu.dma_semaphore, #tpu.memory_space<semaphore_mem>>) src(%dma_wait3A_554 : memref<40xf32, #tpu.memory_space<hbm>>) dst(%arg17 : memref<40xf32, #tpu.memory_space<vmem>>)
      tpu.yield
    }) : () -> ()
    "tpu.region"() ({
      %run_scoped3A = tpu.sem_alloc : memref<!tpu.dma_semaphore, #tpu.memory_space<semaphore_mem>>
      %dma_start3A_551 = tpu.memref_slice %arg8[%add3A_41] : memref<1280xi32, #tpu.memory_space<hbm>> -> memref<40xi32, #tpu.memory_space<hbm>>
      %dma_start3A_552 = tpu.memref_slice %arg8[%add3A_41] : memref<1280xi32, #tpu.memory_space<hbm>> -> memref<40xi32, #tpu.memory_space<hbm>>
      tpu.enqueue_dma source(%dma_start3A_552 : memref<40xi32, #tpu.memory_space<hbm>>) target(%arg18 : memref<40xi32, #tpu.memory_space<vmem>>) target_semaphore(%run_scoped3A : memref<!tpu.dma_semaphore, #tpu.memory_space<semaphore_mem>>)
      %dma_wait3A_553 = tpu.memref_slice %arg8[%add3A_41] : memref<1280xi32, #tpu.memory_space<hbm>> -> memref<40xi32, #tpu.memory_space<hbm>>
      %dma_wait3A_554 = tpu.memref_slice %arg8[%add3A_41] : memref<1280xi32, #tpu.memory_space<hbm>> -> memref<40xi32, #tpu.memory_space<hbm>>
      tpu.wait_dma2 semaphore(%run_scoped3A : memref<!tpu.dma_semaphore, #tpu.memory_space<semaphore_mem>>) src(%dma_wait3A_554 : memref<40xi32, #tpu.memory_space<hbm>>) dst(%arg18 : memref<40xi32, #tpu.memory_space<vmem>>)
      tpu.yield
    }) : () -> ()
    %mul3A_42 = arith.constant 640 : i32
    %mul3A_43 = arith.muli %select_n3A, %mul3A_42 : i32
    %scan3A = arith.constant 0 : i32
    %scan3A_44 = arith.constant 0 : i32
    %scan3A_45 = arith.constant 10 : i32
    %scan3A_46 = arith.addi %scan3A_44, %scan3A_45 : i32
    %scan3A_47 = arith.constant 1 : i32
    scf.for %scan3A_551 = %scan3A_44 to %scan3A_46 step %scan3A_47  : i32 {
      %iota3A = tpu.iota {dimensions = array<i32: 0>} : vector<16xi32>
      %mul3A_552 = arith.constant 4 : i32
      %mul3A_553 = arith.muli %scan3A_551, %mul3A_552 : i32
      %add3A_554 = arith.constant 0 : i32
      %add3A_555 = arith.addi %mul3A_553, %add3A_554 : i32
      %broadcast_in_dim3A = vector.broadcast %add3A_555 : i32 to vector<16xi32>
      %gather3A = tpu.vector_load_idx %arg15[%broadcast_in_dim3A] : memref<40xf32, #tpu.memory_space<vmem>>[vector<16xi32>], vector<16xf32>,
      %gather3A_556 = tpu.vector_load_idx %arg16[%broadcast_in_dim3A] : memref<40xf32, #tpu.memory_space<vmem>>[vector<16xi32>], vector<16xf32>,
      %gather3A_557 = tpu.vector_load_idx %arg17[%broadcast_in_dim3A] : memref<40xf32, #tpu.memory_space<vmem>>[vector<16xi32>], vector<16xf32>,
      %gather3A_558 = tpu.vector_load_idx %arg18[%broadcast_in_dim3A] : memref<40xi32, #tpu.memory_space<vmem>>[vector<16xi32>], vector<16xi32>,
      %swap3A = arith.constant 0 : index
      %swap3A_559 = tpu.vector_load %arg19[%swap3A] {strides = array<i32>} : memref<192xi32, #tpu.memory_space<vmem>>, vector<16xi32>,
      tpu.vector_store %arg19[%swap3A], %gather3A_558 {strides = array<i32>} : memref<192xi32, #tpu.memory_space<vmem>>, vector<16xi32>,
      %swap3A_560 = arith.constant 16 : index
      %swap3A_561 = tpu.vector_load %arg19[%swap3A_560] {strides = array<i32>} : memref<192xi32, #tpu.memory_space<vmem>>, vector<16xi32>,
      tpu.vector_store %arg19[%swap3A_560], %gather3A_558 {strides = array<i32>} : memref<192xi32, #tpu.memory_space<vmem>>, vector<16xi32>,
      %swap3A_562 = arith.constant 32 : index
      %swap3A_563 = tpu.vector_load %arg19[%swap3A_562] {strides = array<i32>} : memref<192xi32, #tpu.memory_space<vmem>>, vector<16xi32>,
      tpu.vector_store %arg19[%swap3A_562], %gather3A_558 {strides = array<i32>} : memref<192xi32, #tpu.memory_space<vmem>>, vector<16xi32>,
      %mul3A_564 = arith.constant 4 : i32
      %mul3A_565 = arith.muli %scan3A_551, %mul3A_564 : i32
      %add3A_566 = arith.constant 1 : i32
      %add3A_567 = arith.addi %mul3A_565, %add3A_566 : i32
      %broadcast_in_dim3A_568 = vector.broadcast %add3A_567 : i32 to vector<16xi32>
      %gather3A_569 = tpu.vector_load_idx %arg15[%broadcast_in_dim3A_568] : memref<40xf32, #tpu.memory_space<vmem>>[vector<16xi32>], vector<16xf32>,
      %gather3A_570 = tpu.vector_load_idx %arg16[%broadcast_in_dim3A_568] : memref<40xf32, #tpu.memory_space<vmem>>[vector<16xi32>], vector<16xf32>,
      %gather3A_571 = tpu.vector_load_idx %arg17[%broadcast_in_dim3A_568] : memref<40xf32, #tpu.memory_space<vmem>>[vector<16xi32>], vector<16xf32>,
      %gather3A_572 = tpu.vector_load_idx %arg18[%broadcast_in_dim3A_568] : memref<40xi32, #tpu.memory_space<vmem>>[vector<16xi32>], vector<16xi32>,
      %swap3A_573 = arith.constant 48 : index
      %swap3A_574 = tpu.vector_load %arg19[%swap3A_573] {strides = array<i32>} : memref<192xi32, #tpu.memory_space<vmem>>, vector<16xi32>,
      tpu.vector_store %arg19[%swap3A_573], %gather3A_572 {strides = array<i32>} : memref<192xi32, #tpu.memory_space<vmem>>, vector<16xi32>,
      %swap3A_575 = arith.constant 64 : index
      %swap3A_576 = tpu.vector_load %arg19[%swap3A_575] {strides = array<i32>} : memref<192xi32, #tpu.memory_space<vmem>>, vector<16xi32>,
      tpu.vector_store %arg19[%swap3A_575], %gather3A_572 {strides = array<i32>} : memref<192xi32, #tpu.memory_space<vmem>>, vector<16xi32>,
      %swap3A_577 = arith.constant 80 : index
      %swap3A_578 = tpu.vector_load %arg19[%swap3A_577] {strides = array<i32>} : memref<192xi32, #tpu.memory_space<vmem>>, vector<16xi32>,
      tpu.vector_store %arg19[%swap3A_577], %gather3A_572 {strides = array<i32>} : memref<192xi32, #tpu.memory_space<vmem>>, vector<16xi32>,
      %mul3A_579 = arith.constant 4 : i32
      %mul3A_580 = arith.muli %scan3A_551, %mul3A_579 : i32
      %add3A_581 = arith.constant 2 : i32
      %add3A_582 = arith.addi %mul3A_580, %add3A_581 : i32
      %broadcast_in_dim3A_583 = vector.broadcast %add3A_582 : i32 to vector<16xi32>
      %gather3A_584 = tpu.vector_load_idx %arg15[%broadcast_in_dim3A_583] : memref<40xf32, #tpu.memory_space<vmem>>[vector<16xi32>], vector<16xf32>,
      %gather3A_585 = tpu.vector_load_idx %arg16[%broadcast_in_dim3A_583] : memref<40xf32, #tpu.memory_space<vmem>>[vector<16xi32>], vector<16xf32>,
      %gather3A_586 = tpu.vector_load_idx %arg17[%broadcast_in_dim3A_583] : memref<40xf32, #tpu.memory_space<vmem>>[vector<16xi32>], vector<16xf32>,
      %gather3A_587 = tpu.vector_load_idx %arg18[%broadcast_in_dim3A_583] : memref<40xi32, #tpu.memory_space<vmem>>[vector<16xi32>], vector<16xi32>,
      %swap3A_588 = arith.constant 96 : index
      %swap3A_589 = tpu.vector_load %arg19[%swap3A_588] {strides = array<i32>} : memref<192xi32, #tpu.memory_space<vmem>>, vector<16xi32>,
      tpu.vector_store %arg19[%swap3A_588], %gather3A_587 {strides = array<i32>} : memref<192xi32, #tpu.memory_space<vmem>>, vector<16xi32>,
      %swap3A_590 = arith.constant 112 : index
      %swap3A_591 = tpu.vector_load %arg19[%swap3A_590] {strides = array<i32>} : memref<192xi32, #tpu.memory_space<vmem>>, vector<16xi32>,
      tpu.vector_store %arg19[%swap3A_590], %gather3A_587 {strides = array<i32>} : memref<192xi32, #tpu.memory_space<vmem>>, vector<16xi32>,
      %swap3A_592 = arith.constant 128 : index
      %swap3A_593 = tpu.vector_load %arg19[%swap3A_592] {strides = array<i32>} : memref<192xi32, #tpu.memory_space<vmem>>, vector<16xi32>,
      tpu.vector_store %arg19[%swap3A_592], %gather3A_587 {strides = array<i32>} : memref<192xi32, #tpu.memory_space<vmem>>, vector<16xi32>,
      %mul3A_594 = arith.constant 4 : i32
      %mul3A_595 = arith.muli %scan3A_551, %mul3A_594 : i32
      %add3A_596 = arith.constant 3 : i32
      %add3A_597 = arith.addi %mul3A_595, %add3A_596 : i32
      %broadcast_in_dim3A_598 = vector.broadcast %add3A_597 : i32 to vector<16xi32>
      %gather3A_599 = tpu.vector_load_idx %arg15[%broadcast_in_dim3A_598] : memref<40xf32, #tpu.memory_space<vmem>>[vector<16xi32>], vector<16xf32>,
      %gather3A_600 = tpu.vector_load_idx %arg16[%broadcast_in_dim3A_598] : memref<40xf32, #tpu.memory_space<vmem>>[vector<16xi32>], vector<16xf32>,
      %gather3A_601 = tpu.vector_load_idx %arg17[%broadcast_in_dim3A_598] : memref<40xf32, #tpu.memory_space<vmem>>[vector<16xi32>], vector<16xf32>,
      %gather3A_602 = tpu.vector_load_idx %arg18[%broadcast_in_dim3A_598] : memref<40xi32, #tpu.memory_space<vmem>>[vector<16xi32>], vector<16xi32>,
      %swap3A_603 = arith.constant 144 : index
      %swap3A_604 = tpu.vector_load %arg19[%swap3A_603] {strides = array<i32>} : memref<192xi32, #tpu.memory_space<vmem>>, vector<16xi32>,
      tpu.vector_store %arg19[%swap3A_603], %gather3A_602 {strides = array<i32>} : memref<192xi32, #tpu.memory_space<vmem>>, vector<16xi32>,
      %swap3A_605 = arith.constant 160 : index
      %swap3A_606 = tpu.vector_load %arg19[%swap3A_605] {strides = array<i32>} : memref<192xi32, #tpu.memory_space<vmem>>, vector<16xi32>,
      tpu.vector_store %arg19[%swap3A_605], %gather3A_602 {strides = array<i32>} : memref<192xi32, #tpu.memory_space<vmem>>, vector<16xi32>,
      %swap3A_607 = arith.constant 176 : index
      %swap3A_608 = tpu.vector_load %arg19[%swap3A_607] {strides = array<i32>} : memref<192xi32, #tpu.memory_space<vmem>>, vector<16xi32>,
      tpu.vector_store %arg19[%swap3A_607], %gather3A_602 {strides = array<i32>} : memref<192xi32, #tpu.memory_space<vmem>>, vector<16xi32>,
      %scan3A_609 = arith.constant 0 : i32
      %scan3A_610 = arith.constant 0 : i32
      %scan3A_611 = arith.constant 0 : i32
      %scan3A_612 = arith.constant 0 : i32
      %scan3A_613 = arith.constant 0 : i32
      %scan3A_614 = arith.constant 10 : i32
      %scan3A_615 = arith.addi %scan3A_613, %scan3A_614 : i32
      %scan3A_616 = arith.constant 1 : i32
      %scan3A_617:4 = scf.for %scan3A_934 = %scan3A_613 to %scan3A_615 step %scan3A_616 iter_args(%scan3A_935 = %scan3A_609, %scan3A_936 = %scan3A_610, %scan3A_937 = %scan3A_611, %scan3A_938 = %scan3A_612) -> (i32, i32, i32, i32)  : i32 {
        %mul3A_939 = arith.constant 4 : i32
        %mul3A_940 = arith.muli %scan3A_934, %mul3A_939 : i32
        %add3A_941 = arith.constant 0 : i32
        %add3A_942 = arith.addi %mul3A_940, %add3A_941 : i32
        %mul3A_943 = arith.constant 16 : i32
        %mul3A_944 = arith.muli %add3A_942, %mul3A_943 : i32
        %get3A_945 = arith.index_cast %mul3A_944 : i32 to index
        %get3A_946 = tpu.vector_load %arg12[%get3A_945] {strides = array<i32>} : memref<640xf32, #tpu.memory_space<vmem>>, vector<16xf32>,
        %mul3A_947 = arith.constant 16 : i32
        %mul3A_948 = arith.muli %add3A_942, %mul3A_947 : i32
        %get3A_949 = arith.index_cast %mul3A_948 : i32 to index
        %get3A_950 = tpu.vector_load %arg13[%get3A_949] {strides = array<i32>} : memref<640xf32, #tpu.memory_space<vmem>>, vector<16xf32>,
        %mul3A_951 = arith.constant 16 : i32
        %mul3A_952 = arith.muli %add3A_942, %mul3A_951 : i32
        %get3A_953 = arith.index_cast %mul3A_952 : i32 to index
        %get3A_954 = tpu.vector_load %arg14[%get3A_953] {strides = array<i32>} : memref<640xf32, #tpu.memory_space<vmem>>, vector<16xf32>,
        %mul3A_955 = arith.constant 16 : i32
        %mul3A_956 = arith.muli %add3A_942, %mul3A_955 : i32
        %add3A_957 = vector.broadcast %mul3A_956 : i32 to vector<16xi32>
        %add3A_958 = arith.addi %iota3A, %add3A_957 : vector<16xi32>
        %sub3A_959 = arith.subf %get3A_946, %gather3A : vector<16xf32>
        %sub3A_960 = arith.subf %get3A_950, %gather3A_556 : vector<16xf32>
        %sub3A_961 = arith.subf %get3A_954, %gather3A_557 : vector<16xf32>
        %mul3A_962 = arith.mulf %sub3A_959, %sub3A_959 : vector<16xf32>
        %mul3A_963 = arith.mulf %sub3A_960, %sub3A_960 : vector<16xf32>
        %add3A_964 = arith.addf %mul3A_962, %mul3A_963 : vector<16xf32>
        %mul3A_965 = arith.mulf %sub3A_961, %sub3A_961 : vector<16xf32>
        %add3A_966 = arith.addf %add3A_964, %mul3A_965 : vector<16xf32>
        %le3A = arith.constant 0.160000011 : f32
        %le3A_967 = vector.broadcast %le3A : f32 to vector<16xf32>
        %le3A_968 = arith.cmpf ole, %add3A_966, %le3A_967 : vector<16xf32>
        %sub3A_969 = arith.subf %get3A_946, %gather3A_569 : vector<16xf32>
        %sub3A_970 = arith.subf %get3A_950, %gather3A_570 : vector<16xf32>
        %sub3A_971 = arith.subf %get3A_954, %gather3A_571 : vector<16xf32>
        %mul3A_972 = arith.mulf %sub3A_969, %sub3A_969 : vector<16xf32>
        %mul3A_973 = arith.mulf %sub3A_970, %sub3A_970 : vector<16xf32>
        %add3A_974 = arith.addf %mul3A_972, %mul3A_973 : vector<16xf32>
        %mul3A_975 = arith.mulf %sub3A_971, %sub3A_971 : vector<16xf32>
        %add3A_976 = arith.addf %add3A_974, %mul3A_975 : vector<16xf32>
        %le3A_977 = arith.constant 0.160000011 : f32
        %le3A_978 = vector.broadcast %le3A_977 : f32 to vector<16xf32>
        %le3A_979 = arith.cmpf ole, %add3A_976, %le3A_978 : vector<16xf32>
        %sub3A_980 = arith.subf %get3A_946, %gather3A_584 : vector<16xf32>
        %sub3A_981 = arith.subf %get3A_950, %gather3A_585 : vector<16xf32>
        %sub3A_982 = arith.subf %get3A_954, %gather3A_586 : vector<16xf32>
        %mul3A_983 = arith.mulf %sub3A_980, %sub3A_980 : vector<16xf32>
        %mul3A_984 = arith.mulf %sub3A_981, %sub3A_981 : vector<16xf32>
        %add3A_985 = arith.addf %mul3A_983, %mul3A_984 : vector<16xf32>
        %mul3A_986 = arith.mulf %sub3A_982, %sub3A_982 : vector<16xf32>
        %add3A_987 = arith.addf %add3A_985, %mul3A_986 : vector<16xf32>
        %le3A_988 = arith.constant 0.160000011 : f32
        %le3A_989 = vector.broadcast %le3A_988 : f32 to vector<16xf32>
        %le3A_990 = arith.cmpf ole, %add3A_987, %le3A_989 : vector<16xf32>
        %sub3A_991 = arith.subf %get3A_946, %gather3A_599 : vector<16xf32>
        %sub3A_992 = arith.subf %get3A_950, %gather3A_600 : vector<16xf32>
        %sub3A_993 = arith.subf %get3A_954, %gather3A_601 : vector<16xf32>
        %mul3A_994 = arith.mulf %sub3A_991, %sub3A_991 : vector<16xf32>
        %mul3A_995 = arith.mulf %sub3A_992, %sub3A_992 : vector<16xf32>
        %add3A_996 = arith.addf %mul3A_994, %mul3A_995 : vector<16xf32>
        %mul3A_997 = arith.mulf %sub3A_993, %sub3A_993 : vector<16xf32>
        %add3A_998 = arith.addf %add3A_996, %mul3A_997 : vector<16xf32>
        %le3A_999 = arith.constant 0.160000011 : f32
        %le3A_1000 = vector.broadcast %le3A_999 : f32 to vector<16xf32>
        %le3A_1001 = arith.cmpf ole, %add3A_998, %le3A_1000 : vector<16xf32>
        %mul3A_1002 = arith.constant 4 : i32
        %mul3A_1003 = arith.muli %scan3A_934, %mul3A_1002 : i32
        %add3A_1004 = arith.constant 1 : i32
        %add3A_1005 = arith.addi %mul3A_1003, %add3A_1004 : i32
        %mul3A_1006 = arith.constant 16 : i32
        %mul3A_1007 = arith.muli %add3A_1005, %mul3A_1006 : i32
        %get3A_1008 = arith.index_cast %mul3A_1007 : i32 to index
        %get3A_1009 = tpu.vector_load %arg12[%get3A_1008] {strides = array<i32>} : memref<640xf32, #tpu.memory_space<vmem>>, vector<16xf32>,
        %mul3A_1010 = arith.constant 16 : i32
        %mul3A_1011 = arith.muli %add3A_1005, %mul3A_1010 : i32
        %get3A_1012 = arith.index_cast %mul3A_1011 : i32 to index
        %get3A_1013 = tpu.vector_load %arg13[%get3A_1012] {strides = array<i32>} : memref<640xf32, #tpu.memory_space<vmem>>, vector<16xf32>,
        %mul3A_1014 = arith.constant 16 : i32
        %mul3A_1015 = arith.muli %add3A_1005, %mul3A_1014 : i32
        %get3A_1016 = arith.index_cast %mul3A_1015 : i32 to index
        %get3A_1017 = tpu.vector_load %arg14[%get3A_1016] {strides = array<i32>} : memref<640xf32, #tpu.memory_space<vmem>>, vector<16xf32>,
        %mul3A_1018 = arith.constant 16 : i32
        %mul3A_1019 = arith.muli %add3A_1005, %mul3A_1018 : i32
        %add3A_1020 = vector.broadcast %mul3A_1019 : i32 to vector<16xi32>
        %add3A_1021 = arith.addi %iota3A, %add3A_1020 : vector<16xi32>
        %sub3A_1022 = arith.subf %get3A_1009, %gather3A : vector<16xf32>
        %sub3A_1023 = arith.subf %get3A_1013, %gather3A_556 : vector<16xf32>
        %sub3A_1024 = arith.subf %get3A_1017, %gather3A_557 : vector<16xf32>
        %mul3A_1025 = arith.mulf %sub3A_1022, %sub3A_1022 : vector<16xf32>
        %mul3A_1026 = arith.mulf %sub3A_1023, %sub3A_1023 : vector<16xf32>
        %add3A_1027 = arith.addf %mul3A_1025, %mul3A_1026 : vector<16xf32>
        %mul3A_1028 = arith.mulf %sub3A_1024, %sub3A_1024 : vector<16xf32>
        %add3A_1029 = arith.addf %add3A_1027, %mul3A_1028 : vector<16xf32>
        %le3A_1030 = arith.constant 0.160000011 : f32
        %le3A_1031 = vector.broadcast %le3A_1030 : f32 to vector<16xf32>
        %le3A_1032 = arith.cmpf ole, %add3A_1029, %le3A_1031 : vector<16xf32>
        %sub3A_1033 = arith.subf %get3A_1009, %gather3A_569 : vector<16xf32>
        %sub3A_1034 = arith.subf %get3A_1013, %gather3A_570 : vector<16xf32>
        %sub3A_1035 = arith.subf %get3A_1017, %gather3A_571 : vector<16xf32>
        %mul3A_1036 = arith.mulf %sub3A_1033, %sub3A_1033 : vector<16xf32>
        %mul3A_1037 = arith.mulf %sub3A_1034, %sub3A_1034 : vector<16xf32>
        %add3A_1038 = arith.addf %mul3A_1036, %mul3A_1037 : vector<16xf32>
        %mul3A_1039 = arith.mulf %sub3A_1035, %sub3A_1035 : vector<16xf32>
        %add3A_1040 = arith.addf %add3A_1038, %mul3A_1039 : vector<16xf32>
        %le3A_1041 = arith.constant 0.160000011 : f32
        %le3A_1042 = vector.broadcast %le3A_1041 : f32 to vector<16xf32>
        %le3A_1043 = arith.cmpf ole, %add3A_1040, %le3A_1042 : vector<16xf32>
        %sub3A_1044 = arith.subf %get3A_1009, %gather3A_584 : vector<16xf32>
        %sub3A_1045 = arith.subf %get3A_1013, %gather3A_585 : vector<16xf32>
        %sub3A_1046 = arith.subf %get3A_1017, %gather3A_586 : vector<16xf32>
        %mul3A_1047 = arith.mulf %sub3A_1044, %sub3A_1044 : vector<16xf32>
        %mul3A_1048 = arith.mulf %sub3A_1045, %sub3A_1045 : vector<16xf32>
        %add3A_1049 = arith.addf %mul3A_1047, %mul3A_1048 : vector<16xf32>
        %mul3A_1050 = arith.mulf %sub3A_1046, %sub3A_1046 : vector<16xf32>
        %add3A_1051 = arith.addf %add3A_1049, %mul3A_1050 : vector<16xf32>
        %le3A_1052 = arith.constant 0.160000011 : f32
        %le3A_1053 = vector.broadcast %le3A_1052 : f32 to vector<16xf32>
        %le3A_1054 = arith.cmpf ole, %add3A_1051, %le3A_1053 : vector<16xf32>
        %sub3A_1055 = arith.subf %get3A_1009, %gather3A_599 : vector<16xf32>
        %sub3A_1056 = arith.subf %get3A_1013, %gather3A_600 : vector<16xf32>
        %sub3A_1057 = arith.subf %get3A_1017, %gather3A_601 : vector<16xf32>
        %mul3A_1058 = arith.mulf %sub3A_1055, %sub3A_1055 : vector<16xf32>
        %mul3A_1059 = arith.mulf %sub3A_1056, %sub3A_1056 : vector<16xf32>
        %add3A_1060 = arith.addf %mul3A_1058, %mul3A_1059 : vector<16xf32>
        %mul3A_1061 = arith.mulf %sub3A_1057, %sub3A_1057 : vector<16xf32>
        %add3A_1062 = arith.addf %add3A_1060, %mul3A_1061 : vector<16xf32>
        %le3A_1063 = arith.constant 0.160000011 : f32
        %le3A_1064 = vector.broadcast %le3A_1063 : f32 to vector<16xf32>
        %le3A_1065 = arith.cmpf ole, %add3A_1062, %le3A_1064 : vector<16xf32>
        %mul3A_1066 = arith.constant 4 : i32
        %mul3A_1067 = arith.muli %scan3A_934, %mul3A_1066 : i32
        %add3A_1068 = arith.constant 2 : i32
        %add3A_1069 = arith.addi %mul3A_1067, %add3A_1068 : i32
        %mul3A_1070 = arith.constant 16 : i32
        %mul3A_1071 = arith.muli %add3A_1069, %mul3A_1070 : i32
        %get3A_1072 = arith.index_cast %mul3A_1071 : i32 to index
        %get3A_1073 = tpu.vector_load %arg12[%get3A_1072] {strides = array<i32>} : memref<640xf32, #tpu.memory_space<vmem>>, vector<16xf32>,
        %mul3A_1074 = arith.constant 16 : i32
        %mul3A_1075 = arith.muli %add3A_1069, %mul3A_1074 : i32
        %get3A_1076 = arith.index_cast %mul3A_1075 : i32 to index
        %get3A_1077 = tpu.vector_load %arg13[%get3A_1076] {strides = array<i32>} : memref<640xf32, #tpu.memory_space<vmem>>, vector<16xf32>,
        %mul3A_1078 = arith.constant 16 : i32
        %mul3A_1079 = arith.muli %add3A_1069, %mul3A_1078 : i32
        %get3A_1080 = arith.index_cast %mul3A_1079 : i32 to index
        %get3A_1081 = tpu.vector_load %arg14[%get3A_1080] {strides = array<i32>} : memref<640xf32, #tpu.memory_space<vmem>>, vector<16xf32>,
        %mul3A_1082 = arith.constant 16 : i32
        %mul3A_1083 = arith.muli %add3A_1069, %mul3A_1082 : i32
        %add3A_1084 = vector.broadcast %mul3A_1083 : i32 to vector<16xi32>
        %add3A_1085 = arith.addi %iota3A, %add3A_1084 : vector<16xi32>
        %sub3A_1086 = arith.subf %get3A_1073, %gather3A : vector<16xf32>
        %sub3A_1087 = arith.subf %get3A_1077, %gather3A_556 : vector<16xf32>
        %sub3A_1088 = arith.subf %get3A_1081, %gather3A_557 : vector<16xf32>
        %mul3A_1089 = arith.mulf %sub3A_1086, %sub3A_1086 : vector<16xf32>
        %mul3A_1090 = arith.mulf %sub3A_1087, %sub3A_1087 : vector<16xf32>
        %add3A_1091 = arith.addf %mul3A_1089, %mul3A_1090 : vector<16xf32>
        %mul3A_1092 = arith.mulf %sub3A_1088, %sub3A_1088 : vector<16xf32>
        %add3A_1093 = arith.addf %add3A_1091, %mul3A_1092 : vector<16xf32>
        %le3A_1094 = arith.constant 0.160000011 : f32
        %le3A_1095 = vector.broadcast %le3A_1094 : f32 to vector<16xf32>
        %le3A_1096 = arith.cmpf ole, %add3A_1093, %le3A_1095 : vector<16xf32>
        %sub3A_1097 = arith.subf %get3A_1073, %gather3A_569 : vector<16xf32>
        %sub3A_1098 = arith.subf %get3A_1077, %gather3A_570 : vector<16xf32>
        %sub3A_1099 = arith.subf %get3A_1081, %gather3A_571 : vector<16xf32>
        %mul3A_1100 = arith.mulf %sub3A_1097, %sub3A_1097 : vector<16xf32>
        %mul3A_1101 = arith.mulf %sub3A_1098, %sub3A_1098 : vector<16xf32>
        %add3A_1102 = arith.addf %mul3A_1100, %mul3A_1101 : vector<16xf32>
        %mul3A_1103 = arith.mulf %sub3A_1099, %sub3A_1099 : vector<16xf32>
        %add3A_1104 = arith.addf %add3A_1102, %mul3A_1103 : vector<16xf32>
        %le3A_1105 = arith.constant 0.160000011 : f32
        %le3A_1106 = vector.broadcast %le3A_1105 : f32 to vector<16xf32>
        %le3A_1107 = arith.cmpf ole, %add3A_1104, %le3A_1106 : vector<16xf32>
        %sub3A_1108 = arith.subf %get3A_1073, %gather3A_584 : vector<16xf32>
        %sub3A_1109 = arith.subf %get3A_1077, %gather3A_585 : vector<16xf32>
        %sub3A_1110 = arith.subf %get3A_1081, %gather3A_586 : vector<16xf32>
        %mul3A_1111 = arith.mulf %sub3A_1108, %sub3A_1108 : vector<16xf32>
        %mul3A_1112 = arith.mulf %sub3A_1109, %sub3A_1109 : vector<16xf32>
        %add3A_1113 = arith.addf %mul3A_1111, %mul3A_1112 : vector<16xf32>
        %mul3A_1114 = arith.mulf %sub3A_1110, %sub3A_1110 : vector<16xf32>
        %add3A_1115 = arith.addf %add3A_1113, %mul3A_1114 : vector<16xf32>
        %le3A_1116 = arith.constant 0.160000011 : f32
        %le3A_1117 = vector.broadcast %le3A_1116 : f32 to vector<16xf32>
        %le3A_1118 = arith.cmpf ole, %add3A_1115, %le3A_1117 : vector<16xf32>
        %sub3A_1119 = arith.subf %get3A_1073, %gather3A_599 : vector<16xf32>
        %sub3A_1120 = arith.subf %get3A_1077, %gather3A_600 : vector<16xf32>
        %sub3A_1121 = arith.subf %get3A_1081, %gather3A_601 : vector<16xf32>
        %mul3A_1122 = arith.mulf %sub3A_1119, %sub3A_1119 : vector<16xf32>
        %mul3A_1123 = arith.mulf %sub3A_1120, %sub3A_1120 : vector<16xf32>
        %add3A_1124 = arith.addf %mul3A_1122, %mul3A_1123 : vector<16xf32>
        %mul3A_1125 = arith.mulf %sub3A_1121, %sub3A_1121 : vector<16xf32>
        %add3A_1126 = arith.addf %add3A_1124, %mul3A_1125 : vector<16xf32>
        %le3A_1127 = arith.constant 0.160000011 : f32
        %le3A_1128 = vector.broadcast %le3A_1127 : f32 to vector<16xf32>
        %le3A_1129 = arith.cmpf ole, %add3A_1126, %le3A_1128 : vector<16xf32>
        %mul3A_1130 = arith.constant 4 : i32
        %mul3A_1131 = arith.muli %scan3A_934, %mul3A_1130 : i32
        %add3A_1132 = arith.constant 3 : i32
        %add3A_1133 = arith.addi %mul3A_1131, %add3A_1132 : i32
        %mul3A_1134 = arith.constant 16 : i32
        %mul3A_1135 = arith.muli %add3A_1133, %mul3A_1134 : i32
        %get3A_1136 = arith.index_cast %mul3A_1135 : i32 to index
        %get3A_1137 = tpu.vector_load %arg12[%get3A_1136] {strides = array<i32>} : memref<640xf32, #tpu.memory_space<vmem>>, vector<16xf32>,
        %mul3A_1138 = arith.constant 16 : i32
        %mul3A_1139 = arith.muli %add3A_1133, %mul3A_1138 : i32
        %get3A_1140 = arith.index_cast %mul3A_1139 : i32 to index
        %get3A_1141 = tpu.vector_load %arg13[%get3A_1140] {strides = array<i32>} : memref<640xf32, #tpu.memory_space<vmem>>, vector<16xf32>,
        %mul3A_1142 = arith.constant 16 : i32
        %mul3A_1143 = arith.muli %add3A_1133, %mul3A_1142 : i32
        %get3A_1144 = arith.index_cast %mul3A_1143 : i32 to index
        %get3A_1145 = tpu.vector_load %arg14[%get3A_1144] {strides = array<i32>} : memref<640xf32, #tpu.memory_space<vmem>>, vector<16xf32>,
        %mul3A_1146 = arith.constant 16 : i32
        %mul3A_1147 = arith.muli %add3A_1133, %mul3A_1146 : i32
        %add3A_1148 = vector.broadcast %mul3A_1147 : i32 to vector<16xi32>
        %add3A_1149 = arith.addi %iota3A, %add3A_1148 : vector<16xi32>
        %sub3A_1150 = arith.subf %get3A_1137, %gather3A : vector<16xf32>
        %sub3A_1151 = arith.subf %get3A_1141, %gather3A_556 : vector<16xf32>
        %sub3A_1152 = arith.subf %get3A_1145, %gather3A_557 : vector<16xf32>
        %mul3A_1153 = arith.mulf %sub3A_1150, %sub3A_1150 : vector<16xf32>
        %mul3A_1154 = arith.mulf %sub3A_1151, %sub3A_1151 : vector<16xf32>
        %add3A_1155 = arith.addf %mul3A_1153, %mul3A_1154 : vector<16xf32>
        %mul3A_1156 = arith.mulf %sub3A_1152, %sub3A_1152 : vector<16xf32>
        %add3A_1157 = arith.addf %add3A_1155, %mul3A_1156 : vector<16xf32>
        %le3A_1158 = arith.constant 0.160000011 : f32
        %le3A_1159 = vector.broadcast %le3A_1158 : f32 to vector<16xf32>
        %le3A_1160 = arith.cmpf ole, %add3A_1157, %le3A_1159 : vector<16xf32>
        %sub3A_1161 = arith.subf %get3A_1137, %gather3A_569 : vector<16xf32>
        %sub3A_1162 = arith.subf %get3A_1141, %gather3A_570 : vector<16xf32>
        %sub3A_1163 = arith.subf %get3A_1145, %gather3A_571 : vector<16xf32>
        %mul3A_1164 = arith.mulf %sub3A_1161, %sub3A_1161 : vector<16xf32>
        %mul3A_1165 = arith.mulf %sub3A_1162, %sub3A_1162 : vector<16xf32>
        %add3A_1166 = arith.addf %mul3A_1164, %mul3A_1165 : vector<16xf32>
        %mul3A_1167 = arith.mulf %sub3A_1163, %sub3A_1163 : vector<16xf32>
        %add3A_1168 = arith.addf %add3A_1166, %mul3A_1167 : vector<16xf32>
        %le3A_1169 = arith.constant 0.160000011 : f32
        %le3A_1170 = vector.broadcast %le3A_1169 : f32 to vector<16xf32>
        %le3A_1171 = arith.cmpf ole, %add3A_1168, %le3A_1170 : vector<16xf32>
        %sub3A_1172 = arith.subf %get3A_1137, %gather3A_584 : vector<16xf32>
        %sub3A_1173 = arith.subf %get3A_1141, %gather3A_585 : vector<16xf32>
        %sub3A_1174 = arith.subf %get3A_1145, %gather3A_586 : vector<16xf32>
        %mul3A_1175 = arith.mulf %sub3A_1172, %sub3A_1172 : vector<16xf32>
        %mul3A_1176 = arith.mulf %sub3A_1173, %sub3A_1173 : vector<16xf32>
        %add3A_1177 = arith.addf %mul3A_1175, %mul3A_1176 : vector<16xf32>
        %mul3A_1178 = arith.mulf %sub3A_1174, %sub3A_1174 : vector<16xf32>
        %add3A_1179 = arith.addf %add3A_1177, %mul3A_1178 : vector<16xf32>
        %le3A_1180 = arith.constant 0.160000011 : f32
        %le3A_1181 = vector.broadcast %le3A_1180 : f32 to vector<16xf32>
        %le3A_1182 = arith.cmpf ole, %add3A_1179, %le3A_1181 : vector<16xf32>
        %sub3A_1183 = arith.subf %get3A_1137, %gather3A_599 : vector<16xf32>
        %sub3A_1184 = arith.subf %get3A_1141, %gather3A_600 : vector<16xf32>
        %sub3A_1185 = arith.subf %get3A_1145, %gather3A_601 : vector<16xf32>
        %mul3A_1186 = arith.mulf %sub3A_1183, %sub3A_1183 : vector<16xf32>
        %mul3A_1187 = arith.mulf %sub3A_1184, %sub3A_1184 : vector<16xf32>
        %add3A_1188 = arith.addf %mul3A_1186, %mul3A_1187 : vector<16xf32>
        %mul3A_1189 = arith.mulf %sub3A_1185, %sub3A_1185 : vector<16xf32>
        %add3A_1190 = arith.addf %add3A_1188, %mul3A_1189 : vector<16xf32>
        %le3A_1191 = arith.constant 0.160000011 : f32
        %le3A_1192 = vector.broadcast %le3A_1191 : f32 to vector<16xf32>
        %le3A_1193 = arith.cmpf ole, %add3A_1190, %le3A_1192 : vector<16xf32>
        %or3A = arith.ori %le3A_968, %le3A_1032 : vector<16xi1>
        %or3A_1194 = arith.ori %or3A, %le3A_1096 : vector<16xi1>
        %or3A_1195 = arith.ori %or3A_1194, %le3A_1160 : vector<16xi1>
        %or3A_1196 = arith.ori %or3A_1195, %le3A_979 : vector<16xi1>
        %or3A_1197 = arith.ori %or3A_1196, %le3A_1043 : vector<16xi1>
        %or3A_1198 = arith.ori %or3A_1197, %le3A_1107 : vector<16xi1>
        %or3A_1199 = arith.ori %or3A_1198, %le3A_1171 : vector<16xi1>
        %or3A_1200 = arith.ori %or3A_1199, %le3A_990 : vector<16xi1>
        %or3A_1201 = arith.ori %or3A_1200, %le3A_1054 : vector<16xi1>
        %or3A_1202 = arith.ori %or3A_1201, %le3A_1118 : vector<16xi1>
        %or3A_1203 = arith.ori %or3A_1202, %le3A_1182 : vector<16xi1>
        %or3A_1204 = arith.ori %or3A_1203, %le3A_1001 : vector<16xi1>
        %or3A_1205 = arith.ori %or3A_1204, %le3A_1065 : vector<16xi1>
        %or3A_1206 = arith.ori %or3A_1205, %le3A_1129 : vector<16xi1>
        %or3A_1207 = arith.ori %or3A_1206, %le3A_1193 : vector<16xi1>
        %reduce_or3A = arith.constant 1.000000e+00 : f32
        %reduce_or3A_1208 = arith.constant 0.000000e+00 : f32
        %reduce_or3A_1209 = vector.broadcast %reduce_or3A : f32 to vector<16xf32>
        %reduce_or3A_1210 = vector.broadcast %reduce_or3A_1208 : f32 to vector<16xf32>
        %reduce_or3A_1211 = arith.select %or3A_1207, %reduce_or3A_1209, %reduce_or3A_1210 : vector<16xi1>, vector<16xf32>
        %reduce_or3A_1212 = arith.constant true
        %reduce_or3A_1213 = vector.broadcast %reduce_or3A_1212 : i1 to vector<16xi1>
        %reduce_or3A_1214 = tpu.scan <max>, %reduce_or3A_1211 masked %reduce_or3A_1213 : vector<16xf32>, vector<16xi1> -> vector<16xf32>
        %reduce_or3A_1215 = vector.extract %reduce_or3A_1214[15] : f32 from vector<16xf32>
        %reduce_or3A_1216 = arith.constant 0.000000e+00 : f32
        %reduce_or3A_1217 = arith.cmpf ogt, %reduce_or3A_1215, %reduce_or3A_1216 : f32
        %convert_element_type3A = arith.extui %reduce_or3A_1217 : i1 to i32
        %cond3A = arith.constant 0 : i32
        %cond3A_1218 = arith.cmpi ne, %convert_element_type3A, %cond3A : i32
        %cond3A_1219:4 = scf.if %cond3A_1218 -> (i32, i32, i32, i32) {
          %convert_element_type3A_1220 = arith.extui %le3A_968 : vector<16xi1> to vector<16xi32>
          %reduce_sum3A = arith.constant true
          %reduce_sum3A_1221 = vector.broadcast %reduce_sum3A : i1 to vector<16xi1>
          %reduce_sum3A_1222 = tpu.scan <sum>, %convert_element_type3A_1220 masked %reduce_sum3A_1221 : vector<16xi32>, vector<16xi1> -> vector<16xi32>
          %reduce_sum3A_1223 = vector.extract %reduce_sum3A_1222[15] : i32 from vector<16xi32>
          %le3A_1224 = arith.constant 31 : i32
          %le3A_1225 = arith.cmpi sle, %scan3A_935, %le3A_1224 : i32
          %gt3A = arith.constant 0 : i32
          %gt3A_1226 = arith.cmpi sgt, %reduce_sum3A_1223, %gt3A : i32
          %and3A_1227 = arith.andi %le3A_1225, %gt3A_1226 : i1
          %convert_element_type3A_1228 = arith.extui %and3A_1227 : i1 to i32
          %cond3A_1229 = arith.constant 0 : i32
          %cond3A_1230 = arith.cmpi ne, %convert_element_type3A_1228, %cond3A_1229 : i32
          scf.if %cond3A_1230 {
            %add3A_1458 = arith.constant 0 : i32
            %add3A_1459 = arith.addi %add3A_1458, %scan3A_935 : i32
            %swap3A_1460 = arith.index_cast %add3A_1459 : i32 to index
            %swap3A_1461 = tpu.vector_load %arg19[%swap3A_1460] masked %le3A_968 {strides = array<i32>} : memref<192xi32, #tpu.memory_space<vmem>>, vector<16xi32>, vector<16xi1>
            tpu.vector_store %arg19[%swap3A_1460], %add3A_958 masked %le3A_968 {strides = array<i32>} : memref<192xi32, #tpu.memory_space<vmem>>, vector<16xi32>, vector<16xi1>
          } else {
          }
          %add3A_1231 = arith.addi %scan3A_935, %reduce_sum3A_1223 : i32
          %select_n3A_1232 = arith.select %le3A_1225, %add3A_1231, %scan3A_935 : i32
          %convert_element_type3A_1233 = arith.extui %le3A_1032 : vector<16xi1> to vector<16xi32>
          %reduce_sum3A_1234 = arith.constant true
          %reduce_sum3A_1235 = vector.broadcast %reduce_sum3A_1234 : i1 to vector<16xi1>
          %reduce_sum3A_1236 = tpu.scan <sum>, %convert_element_type3A_1233 masked %reduce_sum3A_1235 : vector<16xi32>, vector<16xi1> -> vector<16xi32>
          %reduce_sum3A_1237 = vector.extract %reduce_sum3A_1236[15] : i32 from vector<16xi32>
          %le3A_1238 = arith.constant 31 : i32
          %le3A_1239 = arith.cmpi sle, %select_n3A_1232, %le3A_1238 : i32
          %gt3A_1240 = arith.constant 0 : i32
          %gt3A_1241 = arith.cmpi sgt, %reduce_sum3A_1237, %gt3A_1240 : i32
          %and3A_1242 = arith.andi %le3A_1239, %gt3A_1241 : i1
          %convert_element_type3A_1243 = arith.extui %and3A_1242 : i1 to i32
          %cond3A_1244 = arith.constant 0 : i32
          %cond3A_1245 = arith.cmpi ne, %convert_element_type3A_1243, %cond3A_1244 : i32
          scf.if %cond3A_1245 {
            %add3A_1458 = arith.constant 0 : i32
            %add3A_1459 = arith.addi %add3A_1458, %select_n3A_1232 : i32
            %swap3A_1460 = arith.index_cast %add3A_1459 : i32 to index
            %swap3A_1461 = tpu.vector_load %arg19[%swap3A_1460] masked %le3A_1032 {strides = array<i32>} : memref<192xi32, #tpu.memory_space<vmem>>, vector<16xi32>, vector<16xi1>
            tpu.vector_store %arg19[%swap3A_1460], %add3A_1021 masked %le3A_1032 {strides = array<i32>} : memref<192xi32, #tpu.memory_space<vmem>>, vector<16xi32>, vector<16xi1>
          } else {
          }
          %add3A_1246 = arith.addi %select_n3A_1232, %reduce_sum3A_1237 : i32
          %select_n3A_1247 = arith.select %le3A_1239, %add3A_1246, %select_n3A_1232 : i32
          %convert_element_type3A_1248 = arith.extui %le3A_1096 : vector<16xi1> to vector<16xi32>
          %reduce_sum3A_1249 = arith.constant true
          %reduce_sum3A_1250 = vector.broadcast %reduce_sum3A_1249 : i1 to vector<16xi1>
          %reduce_sum3A_1251 = tpu.scan <sum>, %convert_element_type3A_1248 masked %reduce_sum3A_1250 : vector<16xi32>, vector<16xi1> -> vector<16xi32>
          %reduce_sum3A_1252 = vector.extract %reduce_sum3A_1251[15] : i32 from vector<16xi32>
          %le3A_1253 = arith.constant 31 : i32
          %le3A_1254 = arith.cmpi sle, %select_n3A_1247, %le3A_1253 : i32
          %gt3A_1255 = arith.constant 0 : i32
          %gt3A_1256 = arith.cmpi sgt, %reduce_sum3A_1252, %gt3A_1255 : i32
          %and3A_1257 = arith.andi %le3A_1254, %gt3A_1256 : i1
          %convert_element_type3A_1258 = arith.extui %and3A_1257 : i1 to i32
          %cond3A_1259 = arith.constant 0 : i32
          %cond3A_1260 = arith.cmpi ne, %convert_element_type3A_1258, %cond3A_1259 : i32
          scf.if %cond3A_1260 {
            %add3A_1458 = arith.constant 0 : i32
            %add3A_1459 = arith.addi %add3A_1458, %select_n3A_1247 : i32
            %swap3A_1460 = arith.index_cast %add3A_1459 : i32 to index
            %swap3A_1461 = tpu.vector_load %arg19[%swap3A_1460] masked %le3A_1096 {strides = array<i32>} : memref<192xi32, #tpu.memory_space<vmem>>, vector<16xi32>, vector<16xi1>
            tpu.vector_store %arg19[%swap3A_1460], %add3A_1085 masked %le3A_1096 {strides = array<i32>} : memref<192xi32, #tpu.memory_space<vmem>>, vector<16xi32>, vector<16xi1>
          } else {
          }
          %add3A_1261 = arith.addi %select_n3A_1247, %reduce_sum3A_1252 : i32
          %select_n3A_1262 = arith.select %le3A_1254, %add3A_1261, %select_n3A_1247 : i32
          %convert_element_type3A_1263 = arith.extui %le3A_1160 : vector<16xi1> to vector<16xi32>
          %reduce_sum3A_1264 = arith.constant true
          %reduce_sum3A_1265 = vector.broadcast %reduce_sum3A_1264 : i1 to vector<16xi1>
          %reduce_sum3A_1266 = tpu.scan <sum>, %convert_element_type3A_1263 masked %reduce_sum3A_1265 : vector<16xi32>, vector<16xi1> -> vector<16xi32>
          %reduce_sum3A_1267 = vector.extract %reduce_sum3A_1266[15] : i32 from vector<16xi32>
          %le3A_1268 = arith.constant 31 : i32
          %le3A_1269 = arith.cmpi sle, %select_n3A_1262, %le3A_1268 : i32
          %gt3A_1270 = arith.constant 0 : i32
          %gt3A_1271 = arith.cmpi sgt, %reduce_sum3A_1267, %gt3A_1270 : i32
          %and3A_1272 = arith.andi %le3A_1269, %gt3A_1271 : i1
          %convert_element_type3A_1273 = arith.extui %and3A_1272 : i1 to i32
          %cond3A_1274 = arith.constant 0 : i32
          %cond3A_1275 = arith.cmpi ne, %convert_element_type3A_1273, %cond3A_1274 : i32
          scf.if %cond3A_1275 {
            %add3A_1458 = arith.constant 0 : i32
            %add3A_1459 = arith.addi %add3A_1458, %select_n3A_1262 : i32
            %swap3A_1460 = arith.index_cast %add3A_1459 : i32 to index
            %swap3A_1461 = tpu.vector_load %arg19[%swap3A_1460] masked %le3A_1160 {strides = array<i32>} : memref<192xi32, #tpu.memory_space<vmem>>, vector<16xi32>, vector<16xi1>
            tpu.vector_store %arg19[%swap3A_1460], %add3A_1149 masked %le3A_1160 {strides = array<i32>} : memref<192xi32, #tpu.memory_space<vmem>>, vector<16xi32>, vector<16xi1>
          } else {
          }
          %add3A_1276 = arith.addi %select_n3A_1262, %reduce_sum3A_1267 : i32
          %select_n3A_1277 = arith.select %le3A_1269, %add3A_1276, %select_n3A_1262 : i32
          %convert_element_type3A_1278 = arith.extui %le3A_979 : vector<16xi1> to vector<16xi32>
          %reduce_sum3A_1279 = arith.constant true
          %reduce_sum3A_1280 = vector.broadcast %reduce_sum3A_1279 : i1 to vector<16xi1>
          %reduce_sum3A_1281 = tpu.scan <sum>, %convert_element_type3A_1278 masked %reduce_sum3A_1280 : vector<16xi32>, vector<16xi1> -> vector<16xi32>
          %reduce_sum3A_1282 = vector.extract %reduce_sum3A_1281[15] : i32 from vector<16xi32>
          %le3A_1283 = arith.constant 31 : i32
          %le3A_1284 = arith.cmpi sle, %scan3A_936, %le3A_1283 : i32
          %gt3A_1285 = arith.constant 0 : i32
          %gt3A_1286 = arith.cmpi sgt, %reduce_sum3A_1282, %gt3A_1285 : i32
          %and3A_1287 = arith.andi %le3A_1284, %gt3A_1286 : i1
          %convert_element_type3A_1288 = arith.extui %and3A_1287 : i1 to i32
          %cond3A_1289 = arith.constant 0 : i32
          %cond3A_1290 = arith.cmpi ne, %convert_element_type3A_1288, %cond3A_1289 : i32
          scf.if %cond3A_1290 {
            %add3A_1458 = arith.constant 48 : i32
            %add3A_1459 = arith.addi %add3A_1458, %scan3A_936 : i32
            %swap3A_1460 = arith.index_cast %add3A_1459 : i32 to index
            %swap3A_1461 = tpu.vector_load %arg19[%swap3A_1460] masked %le3A_979 {strides = array<i32>} : memref<192xi32, #tpu.memory_space<vmem>>, vector<16xi32>, vector<16xi1>
            tpu.vector_store %arg19[%swap3A_1460], %add3A_958 masked %le3A_979 {strides = array<i32>} : memref<192xi32, #tpu.memory_space<vmem>>, vector<16xi32>, vector<16xi1>
          } else {
          }
          %add3A_1291 = arith.addi %scan3A_936, %reduce_sum3A_1282 : i32
          %select_n3A_1292 = arith.select %le3A_1284, %add3A_1291, %scan3A_936 : i32
          %convert_element_type3A_1293 = arith.extui %le3A_1043 : vector<16xi1> to vector<16xi32>
          %reduce_sum3A_1294 = arith.constant true
          %reduce_sum3A_1295 = vector.broadcast %reduce_sum3A_1294 : i1 to vector<16xi1>
          %reduce_sum3A_1296 = tpu.scan <sum>, %convert_element_type3A_1293 masked %reduce_sum3A_1295 : vector<16xi32>, vector<16xi1> -> vector<16xi32>
          %reduce_sum3A_1297 = vector.extract %reduce_sum3A_1296[15] : i32 from vector<16xi32>
          %le3A_1298 = arith.constant 31 : i32
          %le3A_1299 = arith.cmpi sle, %select_n3A_1292, %le3A_1298 : i32
          %gt3A_1300 = arith.constant 0 : i32
          %gt3A_1301 = arith.cmpi sgt, %reduce_sum3A_1297, %gt3A_1300 : i32
          %and3A_1302 = arith.andi %le3A_1299, %gt3A_1301 : i1
          %convert_element_type3A_1303 = arith.extui %and3A_1302 : i1 to i32
          %cond3A_1304 = arith.constant 0 : i32
          %cond3A_1305 = arith.cmpi ne, %convert_element_type3A_1303, %cond3A_1304 : i32
          scf.if %cond3A_1305 {
            %add3A_1458 = arith.constant 48 : i32
            %add3A_1459 = arith.addi %add3A_1458, %select_n3A_1292 : i32
            %swap3A_1460 = arith.index_cast %add3A_1459 : i32 to index
            %swap3A_1461 = tpu.vector_load %arg19[%swap3A_1460] masked %le3A_1043 {strides = array<i32>} : memref<192xi32, #tpu.memory_space<vmem>>, vector<16xi32>, vector<16xi1>
            tpu.vector_store %arg19[%swap3A_1460], %add3A_1021 masked %le3A_1043 {strides = array<i32>} : memref<192xi32, #tpu.memory_space<vmem>>, vector<16xi32>, vector<16xi1>
          } else {
          }
          %add3A_1306 = arith.addi %select_n3A_1292, %reduce_sum3A_1297 : i32
          %select_n3A_1307 = arith.select %le3A_1299, %add3A_1306, %select_n3A_1292 : i32
          %convert_element_type3A_1308 = arith.extui %le3A_1107 : vector<16xi1> to vector<16xi32>
          %reduce_sum3A_1309 = arith.constant true
          %reduce_sum3A_1310 = vector.broadcast %reduce_sum3A_1309 : i1 to vector<16xi1>
          %reduce_sum3A_1311 = tpu.scan <sum>, %convert_element_type3A_1308 masked %reduce_sum3A_1310 : vector<16xi32>, vector<16xi1> -> vector<16xi32>
          %reduce_sum3A_1312 = vector.extract %reduce_sum3A_1311[15] : i32 from vector<16xi32>
          %le3A_1313 = arith.constant 31 : i32
          %le3A_1314 = arith.cmpi sle, %select_n3A_1307, %le3A_1313 : i32
          %gt3A_1315 = arith.constant 0 : i32
          %gt3A_1316 = arith.cmpi sgt, %reduce_sum3A_1312, %gt3A_1315 : i32
          %and3A_1317 = arith.andi %le3A_1314, %gt3A_1316 : i1
          %convert_element_type3A_1318 = arith.extui %and3A_1317 : i1 to i32
          %cond3A_1319 = arith.constant 0 : i32
          %cond3A_1320 = arith.cmpi ne, %convert_element_type3A_1318, %cond3A_1319 : i32
          scf.if %cond3A_1320 {
            %add3A_1458 = arith.constant 48 : i32
            %add3A_1459 = arith.addi %add3A_1458, %select_n3A_1307 : i32
            %swap3A_1460 = arith.index_cast %add3A_1459 : i32 to index
            %swap3A_1461 = tpu.vector_load %arg19[%swap3A_1460] masked %le3A_1107 {strides = array<i32>} : memref<192xi32, #tpu.memory_space<vmem>>, vector<16xi32>, vector<16xi1>
            tpu.vector_store %arg19[%swap3A_1460], %add3A_1085 masked %le3A_1107 {strides = array<i32>} : memref<192xi32, #tpu.memory_space<vmem>>, vector<16xi32>, vector<16xi1>
          } else {
          }
          %add3A_1321 = arith.addi %select_n3A_1307, %reduce_sum3A_1312 : i32
          %select_n3A_1322 = arith.select %le3A_1314, %add3A_1321, %select_n3A_1307 : i32
          %convert_element_type3A_1323 = arith.extui %le3A_1171 : vector<16xi1> to vector<16xi32>
          %reduce_sum3A_1324 = arith.constant true
          %reduce_sum3A_1325 = vector.broadcast %reduce_sum3A_1324 : i1 to vector<16xi1>
          %reduce_sum3A_1326 = tpu.scan <sum>, %convert_element_type3A_1323 masked %reduce_sum3A_1325 : vector<16xi32>, vector<16xi1> -> vector<16xi32>
          %reduce_sum3A_1327 = vector.extract %reduce_sum3A_1326[15] : i32 from vector<16xi32>
          %le3A_1328 = arith.constant 31 : i32
          %le3A_1329 = arith.cmpi sle, %select_n3A_1322, %le3A_1328 : i32
          %gt3A_1330 = arith.constant 0 : i32
          %gt3A_1331 = arith.cmpi sgt, %reduce_sum3A_1327, %gt3A_1330 : i32
          %and3A_1332 = arith.andi %le3A_1329, %gt3A_1331 : i1
          %convert_element_type3A_1333 = arith.extui %and3A_1332 : i1 to i32
          %cond3A_1334 = arith.constant 0 : i32
          %cond3A_1335 = arith.cmpi ne, %convert_element_type3A_1333, %cond3A_1334 : i32
          scf.if %cond3A_1335 {
            %add3A_1458 = arith.constant 48 : i32
            %add3A_1459 = arith.addi %add3A_1458, %select_n3A_1322 : i32
            %swap3A_1460 = arith.index_cast %add3A_1459 : i32 to index
            %swap3A_1461 = tpu.vector_load %arg19[%swap3A_1460] masked %le3A_1171 {strides = array<i32>} : memref<192xi32, #tpu.memory_space<vmem>>, vector<16xi32>, vector<16xi1>
            tpu.vector_store %arg19[%swap3A_1460], %add3A_1149 masked %le3A_1171 {strides = array<i32>} : memref<192xi32, #tpu.memory_space<vmem>>, vector<16xi32>, vector<16xi1>
          } else {
          }
          %add3A_1336 = arith.addi %select_n3A_1322, %reduce_sum3A_1327 : i32
          %select_n3A_1337 = arith.select %le3A_1329, %add3A_1336, %select_n3A_1322 : i32
          %convert_element_type3A_1338 = arith.extui %le3A_990 : vector<16xi1> to vector<16xi32>
          %reduce_sum3A_1339 = arith.constant true
          %reduce_sum3A_1340 = vector.broadcast %reduce_sum3A_1339 : i1 to vector<16xi1>
          %reduce_sum3A_1341 = tpu.scan <sum>, %convert_element_type3A_1338 masked %reduce_sum3A_1340 : vector<16xi32>, vector<16xi1> -> vector<16xi32>
          %reduce_sum3A_1342 = vector.extract %reduce_sum3A_1341[15] : i32 from vector<16xi32>
          %le3A_1343 = arith.constant 31 : i32
          %le3A_1344 = arith.cmpi sle, %scan3A_937, %le3A_1343 : i32
          %gt3A_1345 = arith.constant 0 : i32
          %gt3A_1346 = arith.cmpi sgt, %reduce_sum3A_1342, %gt3A_1345 : i32
          %and3A_1347 = arith.andi %le3A_1344, %gt3A_1346 : i1
          %convert_element_type3A_1348 = arith.extui %and3A_1347 : i1 to i32
          %cond3A_1349 = arith.constant 0 : i32
          %cond3A_1350 = arith.cmpi ne, %convert_element_type3A_1348, %cond3A_1349 : i32
          scf.if %cond3A_1350 {
            %add3A_1458 = arith.constant 96 : i32
            %add3A_1459 = arith.addi %add3A_1458, %scan3A_937 : i32
            %swap3A_1460 = arith.index_cast %add3A_1459 : i32 to index
            %swap3A_1461 = tpu.vector_load %arg19[%swap3A_1460] masked %le3A_990 {strides = array<i32>} : memref<192xi32, #tpu.memory_space<vmem>>, vector<16xi32>, vector<16xi1>
            tpu.vector_store %arg19[%swap3A_1460], %add3A_958 masked %le3A_990 {strides = array<i32>} : memref<192xi32, #tpu.memory_space<vmem>>, vector<16xi32>, vector<16xi1>
          } else {
          }
          %add3A_1351 = arith.addi %scan3A_937, %reduce_sum3A_1342 : i32
          %select_n3A_1352 = arith.select %le3A_1344, %add3A_1351, %scan3A_937 : i32
          %convert_element_type3A_1353 = arith.extui %le3A_1054 : vector<16xi1> to vector<16xi32>
          %reduce_sum3A_1354 = arith.constant true
          %reduce_sum3A_1355 = vector.broadcast %reduce_sum3A_1354 : i1 to vector<16xi1>
          %reduce_sum3A_1356 = tpu.scan <sum>, %convert_element_type3A_1353 masked %reduce_sum3A_1355 : vector<16xi32>, vector<16xi1> -> vector<16xi32>
          %reduce_sum3A_1357 = vector.extract %reduce_sum3A_1356[15] : i32 from vector<16xi32>
          %le3A_1358 = arith.constant 31 : i32
          %le3A_1359 = arith.cmpi sle, %select_n3A_1352, %le3A_1358 : i32
          %gt3A_1360 = arith.constant 0 : i32
          %gt3A_1361 = arith.cmpi sgt, %reduce_sum3A_1357, %gt3A_1360 : i32
          %and3A_1362 = arith.andi %le3A_1359, %gt3A_1361 : i1
          %convert_element_type3A_1363 = arith.extui %and3A_1362 : i1 to i32
          %cond3A_1364 = arith.constant 0 : i32
          %cond3A_1365 = arith.cmpi ne, %convert_element_type3A_1363, %cond3A_1364 : i32
          scf.if %cond3A_1365 {
            %add3A_1458 = arith.constant 96 : i32
            %add3A_1459 = arith.addi %add3A_1458, %select_n3A_1352 : i32
            %swap3A_1460 = arith.index_cast %add3A_1459 : i32 to index
            %swap3A_1461 = tpu.vector_load %arg19[%swap3A_1460] masked %le3A_1054 {strides = array<i32>} : memref<192xi32, #tpu.memory_space<vmem>>, vector<16xi32>, vector<16xi1>
            tpu.vector_store %arg19[%swap3A_1460], %add3A_1021 masked %le3A_1054 {strides = array<i32>} : memref<192xi32, #tpu.memory_space<vmem>>, vector<16xi32>, vector<16xi1>
          } else {
          }
          %add3A_1366 = arith.addi %select_n3A_1352, %reduce_sum3A_1357 : i32
          %select_n3A_1367 = arith.select %le3A_1359, %add3A_1366, %select_n3A_1352 : i32
          %convert_element_type3A_1368 = arith.extui %le3A_1118 : vector<16xi1> to vector<16xi32>
          %reduce_sum3A_1369 = arith.constant true
          %reduce_sum3A_1370 = vector.broadcast %reduce_sum3A_1369 : i1 to vector<16xi1>
          %reduce_sum3A_1371 = tpu.scan <sum>, %convert_element_type3A_1368 masked %reduce_sum3A_1370 : vector<16xi32>, vector<16xi1> -> vector<16xi32>
          %reduce_sum3A_1372 = vector.extract %reduce_sum3A_1371[15] : i32 from vector<16xi32>
          %le3A_1373 = arith.constant 31 : i32
          %le3A_1374 = arith.cmpi sle, %select_n3A_1367, %le3A_1373 : i32
          %gt3A_1375 = arith.constant 0 : i32
          %gt3A_1376 = arith.cmpi sgt, %reduce_sum3A_1372, %gt3A_1375 : i32
          %and3A_1377 = arith.andi %le3A_1374, %gt3A_1376 : i1
          %convert_element_type3A_1378 = arith.extui %and3A_1377 : i1 to i32
          %cond3A_1379 = arith.constant 0 : i32
          %cond3A_1380 = arith.cmpi ne, %convert_element_type3A_1378, %cond3A_1379 : i32
          scf.if %cond3A_1380 {
            %add3A_1458 = arith.constant 96 : i32
            %add3A_1459 = arith.addi %add3A_1458, %select_n3A_1367 : i32
            %swap3A_1460 = arith.index_cast %add3A_1459 : i32 to index
            %swap3A_1461 = tpu.vector_load %arg19[%swap3A_1460] masked %le3A_1118 {strides = array<i32>} : memref<192xi32, #tpu.memory_space<vmem>>, vector<16xi32>, vector<16xi1>
            tpu.vector_store %arg19[%swap3A_1460], %add3A_1085 masked %le3A_1118 {strides = array<i32>} : memref<192xi32, #tpu.memory_space<vmem>>, vector<16xi32>, vector<16xi1>
          } else {
          }
          %add3A_1381 = arith.addi %select_n3A_1367, %reduce_sum3A_1372 : i32
          %select_n3A_1382 = arith.select %le3A_1374, %add3A_1381, %select_n3A_1367 : i32
          %convert_element_type3A_1383 = arith.extui %le3A_1182 : vector<16xi1> to vector<16xi32>
          %reduce_sum3A_1384 = arith.constant true
          %reduce_sum3A_1385 = vector.broadcast %reduce_sum3A_1384 : i1 to vector<16xi1>
          %reduce_sum3A_1386 = tpu.scan <sum>, %convert_element_type3A_1383 masked %reduce_sum3A_1385 : vector<16xi32>, vector<16xi1> -> vector<16xi32>
          %reduce_sum3A_1387 = vector.extract %reduce_sum3A_1386[15] : i32 from vector<16xi32>
          %le3A_1388 = arith.constant 31 : i32
          %le3A_1389 = arith.cmpi sle, %select_n3A_1382, %le3A_1388 : i32
          %gt3A_1390 = arith.constant 0 : i32
          %gt3A_1391 = arith.cmpi sgt, %reduce_sum3A_1387, %gt3A_1390 : i32
          %and3A_1392 = arith.andi %le3A_1389, %gt3A_1391 : i1
          %convert_element_type3A_1393 = arith.extui %and3A_1392 : i1 to i32
          %cond3A_1394 = arith.constant 0 : i32
          %cond3A_1395 = arith.cmpi ne, %convert_element_type3A_1393, %cond3A_1394 : i32
          scf.if %cond3A_1395 {
            %add3A_1458 = arith.constant 96 : i32
            %add3A_1459 = arith.addi %add3A_1458, %select_n3A_1382 : i32
            %swap3A_1460 = arith.index_cast %add3A_1459 : i32 to index
            %swap3A_1461 = tpu.vector_load %arg19[%swap3A_1460] masked %le3A_1182 {strides = array<i32>} : memref<192xi32, #tpu.memory_space<vmem>>, vector<16xi32>, vector<16xi1>
            tpu.vector_store %arg19[%swap3A_1460], %add3A_1149 masked %le3A_1182 {strides = array<i32>} : memref<192xi32, #tpu.memory_space<vmem>>, vector<16xi32>, vector<16xi1>
          } else {
          }
          %add3A_1396 = arith.addi %select_n3A_1382, %reduce_sum3A_1387 : i32
          %select_n3A_1397 = arith.select %le3A_1389, %add3A_1396, %select_n3A_1382 : i32
          %convert_element_type3A_1398 = arith.extui %le3A_1001 : vector<16xi1> to vector<16xi32>
          %reduce_sum3A_1399 = arith.constant true
          %reduce_sum3A_1400 = vector.broadcast %reduce_sum3A_1399 : i1 to vector<16xi1>
          %reduce_sum3A_1401 = tpu.scan <sum>, %convert_element_type3A_1398 masked %reduce_sum3A_1400 : vector<16xi32>, vector<16xi1> -> vector<16xi32>
          %reduce_sum3A_1402 = vector.extract %reduce_sum3A_1401[15] : i32 from vector<16xi32>
          %le3A_1403 = arith.constant 31 : i32
          %le3A_1404 = arith.cmpi sle, %scan3A_938, %le3A_1403 : i32
          %gt3A_1405 = arith.constant 0 : i32
          %gt3A_1406 = arith.cmpi sgt, %reduce_sum3A_1402, %gt3A_1405 : i32
          %and3A_1407 = arith.andi %le3A_1404, %gt3A_1406 : i1
          %convert_element_type3A_1408 = arith.extui %and3A_1407 : i1 to i32
          %cond3A_1409 = arith.constant 0 : i32
          %cond3A_1410 = arith.cmpi ne, %convert_element_type3A_1408, %cond3A_1409 : i32
          scf.if %cond3A_1410 {
            %add3A_1458 = arith.constant 144 : i32
            %add3A_1459 = arith.addi %add3A_1458, %scan3A_938 : i32
            %swap3A_1460 = arith.index_cast %add3A_1459 : i32 to index
            %swap3A_1461 = tpu.vector_load %arg19[%swap3A_1460] masked %le3A_1001 {strides = array<i32>} : memref<192xi32, #tpu.memory_space<vmem>>, vector<16xi32>, vector<16xi1>
            tpu.vector_store %arg19[%swap3A_1460], %add3A_958 masked %le3A_1001 {strides = array<i32>} : memref<192xi32, #tpu.memory_space<vmem>>, vector<16xi32>, vector<16xi1>
          } else {
          }
          %add3A_1411 = arith.addi %scan3A_938, %reduce_sum3A_1402 : i32
          %select_n3A_1412 = arith.select %le3A_1404, %add3A_1411, %scan3A_938 : i32
          %convert_element_type3A_1413 = arith.extui %le3A_1065 : vector<16xi1> to vector<16xi32>
          %reduce_sum3A_1414 = arith.constant true
          %reduce_sum3A_1415 = vector.broadcast %reduce_sum3A_1414 : i1 to vector<16xi1>
          %reduce_sum3A_1416 = tpu.scan <sum>, %convert_element_type3A_1413 masked %reduce_sum3A_1415 : vector<16xi32>, vector<16xi1> -> vector<16xi32>
          %reduce_sum3A_1417 = vector.extract %reduce_sum3A_1416[15] : i32 from vector<16xi32>
          %le3A_1418 = arith.constant 31 : i32
          %le3A_1419 = arith.cmpi sle, %select_n3A_1412, %le3A_1418 : i32
          %gt3A_1420 = arith.constant 0 : i32
          %gt3A_1421 = arith.cmpi sgt, %reduce_sum3A_1417, %gt3A_1420 : i32
          %and3A_1422 = arith.andi %le3A_1419, %gt3A_1421 : i1
          %convert_element_type3A_1423 = arith.extui %and3A_1422 : i1 to i32
          %cond3A_1424 = arith.constant 0 : i32
          %cond3A_1425 = arith.cmpi ne, %convert_element_type3A_1423, %cond3A_1424 : i32
          scf.if %cond3A_1425 {
            %add3A_1458 = arith.constant 144 : i32
            %add3A_1459 = arith.addi %add3A_1458, %select_n3A_1412 : i32
            %swap3A_1460 = arith.index_cast %add3A_1459 : i32 to index
            %swap3A_1461 = tpu.vector_load %arg19[%swap3A_1460] masked %le3A_1065 {strides = array<i32>} : memref<192xi32, #tpu.memory_space<vmem>>, vector<16xi32>, vector<16xi1>
            tpu.vector_store %arg19[%swap3A_1460], %add3A_1021 masked %le3A_1065 {strides = array<i32>} : memref<192xi32, #tpu.memory_space<vmem>>, vector<16xi32>, vector<16xi1>
          } else {
          }
          %add3A_1426 = arith.addi %select_n3A_1412, %reduce_sum3A_1417 : i32
          %select_n3A_1427 = arith.select %le3A_1419, %add3A_1426, %select_n3A_1412 : i32
          %convert_element_type3A_1428 = arith.extui %le3A_1129 : vector<16xi1> to vector<16xi32>
          %reduce_sum3A_1429 = arith.constant true
          %reduce_sum3A_1430 = vector.broadcast %reduce_sum3A_1429 : i1 to vector<16xi1>
          %reduce_sum3A_1431 = tpu.scan <sum>, %convert_element_type3A_1428 masked %reduce_sum3A_1430 : vector<16xi32>, vector<16xi1> -> vector<16xi32>
          %reduce_sum3A_1432 = vector.extract %reduce_sum3A_1431[15] : i32 from vector<16xi32>
          %le3A_1433 = arith.constant 31 : i32
          %le3A_1434 = arith.cmpi sle, %select_n3A_1427, %le3A_1433 : i32
          %gt3A_1435 = arith.constant 0 : i32
          %gt3A_1436 = arith.cmpi sgt, %reduce_sum3A_1432, %gt3A_1435 : i32
          %and3A_1437 = arith.andi %le3A_1434, %gt3A_1436 : i1
          %convert_element_type3A_1438 = arith.extui %and3A_1437 : i1 to i32
          %cond3A_1439 = arith.constant 0 : i32
          %cond3A_1440 = arith.cmpi ne, %convert_element_type3A_1438, %cond3A_1439 : i32
          scf.if %cond3A_1440 {
            %add3A_1458 = arith.constant 144 : i32
            %add3A_1459 = arith.addi %add3A_1458, %select_n3A_1427 : i32
            %swap3A_1460 = arith.index_cast %add3A_1459 : i32 to index
            %swap3A_1461 = tpu.vector_load %arg19[%swap3A_1460] masked %le3A_1129 {strides = array<i32>} : memref<192xi32, #tpu.memory_space<vmem>>, vector<16xi32>, vector<16xi1>
            tpu.vector_store %arg19[%swap3A_1460], %add3A_1085 masked %le3A_1129 {strides = array<i32>} : memref<192xi32, #tpu.memory_space<vmem>>, vector<16xi32>, vector<16xi1>
          } else {
          }
          %add3A_1441 = arith.addi %select_n3A_1427, %reduce_sum3A_1432 : i32
          %select_n3A_1442 = arith.select %le3A_1434, %add3A_1441, %select_n3A_1427 : i32
          %convert_element_type3A_1443 = arith.extui %le3A_1193 : vector<16xi1> to vector<16xi32>
          %reduce_sum3A_1444 = arith.constant true
          %reduce_sum3A_1445 = vector.broadcast %reduce_sum3A_1444 : i1 to vector<16xi1>
          %reduce_sum3A_1446 = tpu.scan <sum>, %convert_element_type3A_1443 masked %reduce_sum3A_1445 : vector<16xi32>, vector<16xi1> -> vector<16xi32>
          %reduce_sum3A_1447 = vector.extract %reduce_sum3A_1446[15] : i32 from vector<16xi32>
          %le3A_1448 = arith.constant 31 : i32
          %le3A_1449 = arith.cmpi sle, %select_n3A_1442, %le3A_1448 : i32
          %gt3A_1450 = arith.constant 0 : i32
          %gt3A_1451 = arith.cmpi sgt, %reduce_sum3A_1447, %gt3A_1450 : i32
          %and3A_1452 = arith.andi %le3A_1449, %gt3A_1451 : i1
          %convert_element_type3A_1453 = arith.extui %and3A_1452 : i1 to i32
          %cond3A_1454 = arith.constant 0 : i32
          %cond3A_1455 = arith.cmpi ne, %convert_element_type3A_1453, %cond3A_1454 : i32
          scf.if %cond3A_1455 {
            %add3A_1458 = arith.constant 144 : i32
            %add3A_1459 = arith.addi %add3A_1458, %select_n3A_1442 : i32
            %swap3A_1460 = arith.index_cast %add3A_1459 : i32 to index
            %swap3A_1461 = tpu.vector_load %arg19[%swap3A_1460] masked %le3A_1193 {strides = array<i32>} : memref<192xi32, #tpu.memory_space<vmem>>, vector<16xi32>, vector<16xi1>
            tpu.vector_store %arg19[%swap3A_1460], %add3A_1149 masked %le3A_1193 {strides = array<i32>} : memref<192xi32, #tpu.memory_space<vmem>>, vector<16xi32>, vector<16xi1>
          } else {
          }
          %add3A_1456 = arith.addi %select_n3A_1442, %reduce_sum3A_1447 : i32
          %select_n3A_1457 = arith.select %le3A_1449, %add3A_1456, %select_n3A_1442 : i32
          scf.yield %select_n3A_1277, %select_n3A_1337, %select_n3A_1397, %select_n3A_1457 : i32, i32, i32, i32
        } else {
          scf.yield %scan3A_935, %scan3A_936, %scan3A_937, %scan3A_938 : i32, i32, i32, i32
        }
        scf.yield %cond3A_1219#0, %cond3A_1219#1, %cond3A_1219#2, %cond3A_1219#3 : i32, i32, i32, i32
      }
      %scan3A_618 = arith.constant 10 : i32
      %mul3A_619 = arith.constant 4 : i32
      %mul3A_620 = arith.muli %scan3A_551, %mul3A_619 : i32
      %add3A_621 = arith.constant 0 : i32
      %add3A_622 = arith.addi %mul3A_620, %add3A_621 : i32
      %iota3A_623 = tpu.iota {dimensions = array<i32: 0>} : vector<16xi32>
      %broadcast_in_dim3A_624 = arith.constant 0.000000e+00 : f32
      %broadcast_in_dim3A_625 = vector.broadcast %broadcast_in_dim3A_624 : f32 to vector<16xf32>
      %get3A = arith.constant 0 : index
      %get3A_626 = tpu.vector_load %arg19[%get3A] {strides = array<i32>} : memref<192xi32, #tpu.memory_space<vmem>>, vector<16xi32>,
      %gather3A_627 = tpu.vector_load_idx %arg12[%get3A_626] : memref<640xf32, #tpu.memory_space<vmem>>[vector<16xi32>], vector<16xf32>,
      %gather3A_628 = tpu.vector_load_idx %arg13[%get3A_626] : memref<640xf32, #tpu.memory_space<vmem>>[vector<16xi32>], vector<16xf32>,
      %gather3A_629 = tpu.vector_load_idx %arg14[%get3A_626] : memref<640xf32, #tpu.memory_space<vmem>>[vector<16xi32>], vector<16xf32>,
      %mul3A_630 = arith.constant 32 : i32
      %mul3A_631 = arith.muli %add3A_622, %mul3A_630 : i32
      %add3A_632 = arith.constant 0 : i32
      %add3A_633 = arith.addi %mul3A_631, %add3A_632 : i32
      %add3A_634 = vector.broadcast %add3A_633 : i32 to vector<16xi32>
      %add3A_635 = arith.addi %add3A_634, %iota3A_623 : vector<16xi32>
      %mul3A_636 = arith.constant 4 : i32
      %mul3A_637 = vector.broadcast %mul3A_636 : i32 to vector<16xi32>
      %mul3A_638 = arith.muli %add3A_635, %mul3A_637 : vector<16xi32>
      %sub3A_639 = arith.subf %gather3A_627, %gather3A : vector<16xf32>
      tpu.vector_store_idx %arg20[%mul3A_638], %sub3A_639 : memref<5120xf32, #tpu.memory_space<vmem>>[vector<16xi32>], vector<16xf32>,
      %add3A_640 = arith.constant 1 : i32
      %add3A_641 = vector.broadcast %add3A_640 : i32 to vector<16xi32>
      %add3A_642 = arith.addi %mul3A_638, %add3A_641 : vector<16xi32>
      %sub3A_643 = arith.subf %gather3A_628, %gather3A_556 : vector<16xf32>
      tpu.vector_store_idx %arg20[%add3A_642], %sub3A_643 : memref<5120xf32, #tpu.memory_space<vmem>>[vector<16xi32>], vector<16xf32>,
      %add3A_644 = arith.constant 2 : i32
      %add3A_645 = vector.broadcast %add3A_644 : i32 to vector<16xi32>
      %add3A_646 = arith.addi %mul3A_638, %add3A_645 : vector<16xi32>
      %sub3A_647 = arith.subf %gather3A_629, %gather3A_557 : vector<16xf32>
      tpu.vector_store_idx %arg20[%add3A_646], %sub3A_647 : memref<5120xf32, #tpu.memory_space<vmem>>[vector<16xi32>], vector<16xf32>,
      %add3A_648 = arith.constant 3 : i32
      %add3A_649 = vector.broadcast %add3A_648 : i32 to vector<16xi32>
      %add3A_650 = arith.addi %mul3A_638, %add3A_649 : vector<16xi32>
      tpu.vector_store_idx %arg20[%add3A_650], %broadcast_in_dim3A_625 : memref<5120xf32, #tpu.memory_space<vmem>>[vector<16xi32>], vector<16xf32>,
      %get3A_651 = arith.constant 16 : index
      %get3A_652 = tpu.vector_load %arg19[%get3A_651] {strides = array<i32>} : memref<192xi32, #tpu.memory_space<vmem>>, vector<16xi32>,
      %gather3A_653 = tpu.vector_load_idx %arg12[%get3A_652] : memref<640xf32, #tpu.memory_space<vmem>>[vector<16xi32>], vector<16xf32>,
      %gather3A_654 = tpu.vector_load_idx %arg13[%get3A_652] : memref<640xf32, #tpu.memory_space<vmem>>[vector<16xi32>], vector<16xf32>,
      %gather3A_655 = tpu.vector_load_idx %arg14[%get3A_652] : memref<640xf32, #tpu.memory_space<vmem>>[vector<16xi32>], vector<16xf32>,
      %mul3A_656 = arith.constant 32 : i32
      %mul3A_657 = arith.muli %add3A_622, %mul3A_656 : i32
      %add3A_658 = arith.constant 16 : i32
      %add3A_659 = arith.addi %mul3A_657, %add3A_658 : i32
      %add3A_660 = vector.broadcast %add3A_659 : i32 to vector<16xi32>
      %add3A_661 = arith.addi %add3A_660, %iota3A_623 : vector<16xi32>
      %mul3A_662 = arith.constant 4 : i32
      %mul3A_663 = vector.broadcast %mul3A_662 : i32 to vector<16xi32>
      %mul3A_664 = arith.muli %add3A_661, %mul3A_663 : vector<16xi32>
      %sub3A_665 = arith.subf %gather3A_653, %gather3A : vector<16xf32>
      tpu.vector_store_idx %arg20[%mul3A_664], %sub3A_665 : memref<5120xf32, #tpu.memory_space<vmem>>[vector<16xi32>], vector<16xf32>,
      %add3A_666 = arith.constant 1 : i32
      %add3A_667 = vector.broadcast %add3A_666 : i32 to vector<16xi32>
      %add3A_668 = arith.addi %mul3A_664, %add3A_667 : vector<16xi32>
      %sub3A_669 = arith.subf %gather3A_654, %gather3A_556 : vector<16xf32>
      tpu.vector_store_idx %arg20[%add3A_668], %sub3A_669 : memref<5120xf32, #tpu.memory_space<vmem>>[vector<16xi32>], vector<16xf32>,
      %add3A_670 = arith.constant 2 : i32
      %add3A_671 = vector.broadcast %add3A_670 : i32 to vector<16xi32>
      %add3A_672 = arith.addi %mul3A_664, %add3A_671 : vector<16xi32>
      %sub3A_673 = arith.subf %gather3A_655, %gather3A_557 : vector<16xf32>
      tpu.vector_store_idx %arg20[%add3A_672], %sub3A_673 : memref<5120xf32, #tpu.memory_space<vmem>>[vector<16xi32>], vector<16xf32>,
      %add3A_674 = arith.constant 3 : i32
      %add3A_675 = vector.broadcast %add3A_674 : i32 to vector<16xi32>
      %add3A_676 = arith.addi %mul3A_664, %add3A_675 : vector<16xi32>
      tpu.vector_store_idx %arg20[%add3A_676], %broadcast_in_dim3A_625 : memref<5120xf32, #tpu.memory_space<vmem>>[vector<16xi32>], vector<16xf32>,
      %get3A_677 = arith.constant 0 : index
      %get3A_678 = tpu.vector_load %arg19[%get3A_677] {strides = array<i32>} : memref<192xi32, #tpu.memory_space<vmem>>, vector<16xi32>,
      %add3A_679 = vector.broadcast %mul3A_43 : i32 to vector<16xi32>
      %add3A_680 = arith.addi %get3A_678, %add3A_679 : vector<16xi32>
      %mul3A_681 = arith.constant 32 : i32
      %mul3A_682 = arith.muli %add3A_622, %mul3A_681 : i32
      %add3A_683 = arith.constant 0 : i32
      %add3A_684 = arith.addi %mul3A_682, %add3A_683 : i32
      %swap3A_685 = arith.index_cast %add3A_684 : i32 to index
      %swap3A_686 = tpu.vector_load %arg21[%swap3A_685] {strides = array<i32>} : memref<1280xi32, #tpu.memory_space<vmem>>, vector<16xi32>,
      tpu.vector_store %arg21[%swap3A_685], %add3A_680 {strides = array<i32>} : memref<1280xi32, #tpu.memory_space<vmem>>, vector<16xi32>,
      %get3A_687 = arith.constant 16 : index
      %get3A_688 = tpu.vector_load %arg19[%get3A_687] {strides = array<i32>} : memref<192xi32, #tpu.memory_space<vmem>>, vector<16xi32>,
      %add3A_689 = vector.broadcast %mul3A_43 : i32 to vector<16xi32>
      %add3A_690 = arith.addi %get3A_688, %add3A_689 : vector<16xi32>
      %mul3A_691 = arith.constant 32 : i32
      %mul3A_692 = arith.muli %add3A_622, %mul3A_691 : i32
      %add3A_693 = arith.constant 16 : i32
      %add3A_694 = arith.addi %mul3A_692, %add3A_693 : i32
      %swap3A_695 = arith.index_cast %add3A_694 : i32 to index
      %swap3A_696 = tpu.vector_load %arg21[%swap3A_695] {strides = array<i32>} : memref<1280xi32, #tpu.memory_space<vmem>>, vector<16xi32>,
      tpu.vector_store %arg21[%swap3A_695], %add3A_690 {strides = array<i32>} : memref<1280xi32, #tpu.memory_space<vmem>>, vector<16xi32>,
      %mul3A_697 = arith.constant 4 : i32
      %mul3A_698 = arith.muli %scan3A_551, %mul3A_697 : i32
      %add3A_699 = arith.constant 1 : i32
      %add3A_700 = arith.addi %mul3A_698, %add3A_699 : i32
      %iota3A_701 = tpu.iota {dimensions = array<i32: 0>} : vector<16xi32>
      %broadcast_in_dim3A_702 = arith.constant 0.000000e+00 : f32
      %broadcast_in_dim3A_703 = vector.broadcast %broadcast_in_dim3A_702 : f32 to vector<16xf32>
      %get3A_704 = arith.constant 48 : index
      %get3A_705 = tpu.vector_load %arg19[%get3A_704] {strides = array<i32>} : memref<192xi32, #tpu.memory_space<vmem>>, vector<16xi32>,
      %gather3A_706 = tpu.vector_load_idx %arg12[%get3A_705] : memref<640xf32, #tpu.memory_space<vmem>>[vector<16xi32>], vector<16xf32>,
      %gather3A_707 = tpu.vector_load_idx %arg13[%get3A_705] : memref<640xf32, #tpu.memory_space<vmem>>[vector<16xi32>], vector<16xf32>,
      %gather3A_708 = tpu.vector_load_idx %arg14[%get3A_705] : memref<640xf32, #tpu.memory_space<vmem>>[vector<16xi32>], vector<16xf32>,
      %mul3A_709 = arith.constant 32 : i32
      %mul3A_710 = arith.muli %add3A_700, %mul3A_709 : i32
      %add3A_711 = arith.constant 0 : i32
      %add3A_712 = arith.addi %mul3A_710, %add3A_711 : i32
      %add3A_713 = vector.broadcast %add3A_712 : i32 to vector<16xi32>
      %add3A_714 = arith.addi %add3A_713, %iota3A_701 : vector<16xi32>
      %mul3A_715 = arith.constant 4 : i32
      %mul3A_716 = vector.broadcast %mul3A_715 : i32 to vector<16xi32>
      %mul3A_717 = arith.muli %add3A_714, %mul3A_716 : vector<16xi32>
      %sub3A_718 = arith.subf %gather3A_706, %gather3A_569 : vector<16xf32>
      tpu.vector_store_idx %arg20[%mul3A_717], %sub3A_718 : memref<5120xf32, #tpu.memory_space<vmem>>[vector<16xi32>], vector<16xf32>,
      %add3A_719 = arith.constant 1 : i32
      %add3A_720 = vector.broadcast %add3A_719 : i32 to vector<16xi32>
      %add3A_721 = arith.addi %mul3A_717, %add3A_720 : vector<16xi32>
      %sub3A_722 = arith.subf %gather3A_707, %gather3A_570 : vector<16xf32>
      tpu.vector_store_idx %arg20[%add3A_721], %sub3A_722 : memref<5120xf32, #tpu.memory_space<vmem>>[vector<16xi32>], vector<16xf32>,
      %add3A_723 = arith.constant 2 : i32
      %add3A_724 = vector.broadcast %add3A_723 : i32 to vector<16xi32>
      %add3A_725 = arith.addi %mul3A_717, %add3A_724 : vector<16xi32>
      %sub3A_726 = arith.subf %gather3A_708, %gather3A_571 : vector<16xf32>
      tpu.vector_store_idx %arg20[%add3A_725], %sub3A_726 : memref<5120xf32, #tpu.memory_space<vmem>>[vector<16xi32>], vector<16xf32>,
      %add3A_727 = arith.constant 3 : i32
      %add3A_728 = vector.broadcast %add3A_727 : i32 to vector<16xi32>
      %add3A_729 = arith.addi %mul3A_717, %add3A_728 : vector<16xi32>
      tpu.vector_store_idx %arg20[%add3A_729], %broadcast_in_dim3A_703 : memref<5120xf32, #tpu.memory_space<vmem>>[vector<16xi32>], vector<16xf32>,
      %get3A_730 = arith.constant 64 : index
      %get3A_731 = tpu.vector_load %arg19[%get3A_730] {strides = array<i32>} : memref<192xi32, #tpu.memory_space<vmem>>, vector<16xi32>,
      %gather3A_732 = tpu.vector_load_idx %arg12[%get3A_731] : memref<640xf32, #tpu.memory_space<vmem>>[vector<16xi32>], vector<16xf32>,
      %gather3A_733 = tpu.vector_load_idx %arg13[%get3A_731] : memref<640xf32, #tpu.memory_space<vmem>>[vector<16xi32>], vector<16xf32>,
      %gather3A_734 = tpu.vector_load_idx %arg14[%get3A_731] : memref<640xf32, #tpu.memory_space<vmem>>[vector<16xi32>], vector<16xf32>,
      %mul3A_735 = arith.constant 32 : i32
      %mul3A_736 = arith.muli %add3A_700, %mul3A_735 : i32
      %add3A_737 = arith.constant 16 : i32
      %add3A_738 = arith.addi %mul3A_736, %add3A_737 : i32
      %add3A_739 = vector.broadcast %add3A_738 : i32 to vector<16xi32>
      %add3A_740 = arith.addi %add3A_739, %iota3A_701 : vector<16xi32>
      %mul3A_741 = arith.constant 4 : i32
      %mul3A_742 = vector.broadcast %mul3A_741 : i32 to vector<16xi32>
      %mul3A_743 = arith.muli %add3A_740, %mul3A_742 : vector<16xi32>
      %sub3A_744 = arith.subf %gather3A_732, %gather3A_569 : vector<16xf32>
      tpu.vector_store_idx %arg20[%mul3A_743], %sub3A_744 : memref<5120xf32, #tpu.memory_space<vmem>>[vector<16xi32>], vector<16xf32>,
      %add3A_745 = arith.constant 1 : i32
      %add3A_746 = vector.broadcast %add3A_745 : i32 to vector<16xi32>
      %add3A_747 = arith.addi %mul3A_743, %add3A_746 : vector<16xi32>
      %sub3A_748 = arith.subf %gather3A_733, %gather3A_570 : vector<16xf32>
      tpu.vector_store_idx %arg20[%add3A_747], %sub3A_748 : memref<5120xf32, #tpu.memory_space<vmem>>[vector<16xi32>], vector<16xf32>,
      %add3A_749 = arith.constant 2 : i32
      %add3A_750 = vector.broadcast %add3A_749 : i32 to vector<16xi32>
      %add3A_751 = arith.addi %mul3A_743, %add3A_750 : vector<16xi32>
      %sub3A_752 = arith.subf %gather3A_734, %gather3A_571 : vector<16xf32>
      tpu.vector_store_idx %arg20[%add3A_751], %sub3A_752 : memref<5120xf32, #tpu.memory_space<vmem>>[vector<16xi32>], vector<16xf32>,
      %add3A_753 = arith.constant 3 : i32
      %add3A_754 = vector.broadcast %add3A_753 : i32 to vector<16xi32>
      %add3A_755 = arith.addi %mul3A_743, %add3A_754 : vector<16xi32>
      tpu.vector_store_idx %arg20[%add3A_755], %broadcast_in_dim3A_703 : memref<5120xf32, #tpu.memory_space<vmem>>[vector<16xi32>], vector<16xf32>,
      %get3A_756 = arith.constant 48 : index
      %get3A_757 = tpu.vector_load %arg19[%get3A_756] {strides = array<i32>} : memref<192xi32, #tpu.memory_space<vmem>>, vector<16xi32>,
      %add3A_758 = vector.broadcast %mul3A_43 : i32 to vector<16xi32>
      %add3A_759 = arith.addi %get3A_757, %add3A_758 : vector<16xi32>
      %mul3A_760 = arith.constant 32 : i32
      %mul3A_761 = arith.muli %add3A_700, %mul3A_760 : i32
      %add3A_762 = arith.constant 0 : i32
      %add3A_763 = arith.addi %mul3A_761, %add3A_762 : i32
      %swap3A_764 = arith.index_cast %add3A_763 : i32 to index
      %swap3A_765 = tpu.vector_load %arg21[%swap3A_764] {strides = array<i32>} : memref<1280xi32, #tpu.memory_space<vmem>>, vector<16xi32>,
      tpu.vector_store %arg21[%swap3A_764], %add3A_759 {strides = array<i32>} : memref<1280xi32, #tpu.memory_space<vmem>>, vector<16xi32>,
      %get3A_766 = arith.constant 64 : index
      %get3A_767 = tpu.vector_load %arg19[%get3A_766] {strides = array<i32>} : memref<192xi32, #tpu.memory_space<vmem>>, vector<16xi32>,
      %add3A_768 = vector.broadcast %mul3A_43 : i32 to vector<16xi32>
      %add3A_769 = arith.addi %get3A_767, %add3A_768 : vector<16xi32>
      %mul3A_770 = arith.constant 32 : i32
      %mul3A_771 = arith.muli %add3A_700, %mul3A_770 : i32
      %add3A_772 = arith.constant 16 : i32
      %add3A_773 = arith.addi %mul3A_771, %add3A_772 : i32
      %swap3A_774 = arith.index_cast %add3A_773 : i32 to index
      %swap3A_775 = tpu.vector_load %arg21[%swap3A_774] {strides = array<i32>} : memref<1280xi32, #tpu.memory_space<vmem>>, vector<16xi32>,
      tpu.vector_store %arg21[%swap3A_774], %add3A_769 {strides = array<i32>} : memref<1280xi32, #tpu.memory_space<vmem>>, vector<16xi32>,
      %mul3A_776 = arith.constant 4 : i32
      %mul3A_777 = arith.muli %scan3A_551, %mul3A_776 : i32
      %add3A_778 = arith.constant 2 : i32
      %add3A_779 = arith.addi %mul3A_777, %add3A_778 : i32
      %iota3A_780 = tpu.iota {dimensions = array<i32: 0>} : vector<16xi32>
      %broadcast_in_dim3A_781 = arith.constant 0.000000e+00 : f32
      %broadcast_in_dim3A_782 = vector.broadcast %broadcast_in_dim3A_781 : f32 to vector<16xf32>
      %get3A_783 = arith.constant 96 : index
      %get3A_784 = tpu.vector_load %arg19[%get3A_783] {strides = array<i32>} : memref<192xi32, #tpu.memory_space<vmem>>, vector<16xi32>,
      %gather3A_785 = tpu.vector_load_idx %arg12[%get3A_784] : memref<640xf32, #tpu.memory_space<vmem>>[vector<16xi32>], vector<16xf32>,
      %gather3A_786 = tpu.vector_load_idx %arg13[%get3A_784] : memref<640xf32, #tpu.memory_space<vmem>>[vector<16xi32>], vector<16xf32>,
      %gather3A_787 = tpu.vector_load_idx %arg14[%get3A_784] : memref<640xf32, #tpu.memory_space<vmem>>[vector<16xi32>], vector<16xf32>,
      %mul3A_788 = arith.constant 32 : i32
      %mul3A_789 = arith.muli %add3A_779, %mul3A_788 : i32
      %add3A_790 = arith.constant 0 : i32
      %add3A_791 = arith.addi %mul3A_789, %add3A_790 : i32
      %add3A_792 = vector.broadcast %add3A_791 : i32 to vector<16xi32>
      %add3A_793 = arith.addi %add3A_792, %iota3A_780 : vector<16xi32>
      %mul3A_794 = arith.constant 4 : i32
      %mul3A_795 = vector.broadcast %mul3A_794 : i32 to vector<16xi32>
      %mul3A_796 = arith.muli %add3A_793, %mul3A_795 : vector<16xi32>
      %sub3A_797 = arith.subf %gather3A_785, %gather3A_584 : vector<16xf32>
      tpu.vector_store_idx %arg20[%mul3A_796], %sub3A_797 : memref<5120xf32, #tpu.memory_space<vmem>>[vector<16xi32>], vector<16xf32>,
      %add3A_798 = arith.constant 1 : i32
      %add3A_799 = vector.broadcast %add3A_798 : i32 to vector<16xi32>
      %add3A_800 = arith.addi %mul3A_796, %add3A_799 : vector<16xi32>
      %sub3A_801 = arith.subf %gather3A_786, %gather3A_585 : vector<16xf32>
      tpu.vector_store_idx %arg20[%add3A_800], %sub3A_801 : memref<5120xf32, #tpu.memory_space<vmem>>[vector<16xi32>], vector<16xf32>,
      %add3A_802 = arith.constant 2 : i32
      %add3A_803 = vector.broadcast %add3A_802 : i32 to vector<16xi32>
      %add3A_804 = arith.addi %mul3A_796, %add3A_803 : vector<16xi32>
      %sub3A_805 = arith.subf %gather3A_787, %gather3A_586 : vector<16xf32>
      tpu.vector_store_idx %arg20[%add3A_804], %sub3A_805 : memref<5120xf32, #tpu.memory_space<vmem>>[vector<16xi32>], vector<16xf32>,
      %add3A_806 = arith.constant 3 : i32
      %add3A_807 = vector.broadcast %add3A_806 : i32 to vector<16xi32>
      %add3A_808 = arith.addi %mul3A_796, %add3A_807 : vector<16xi32>
      tpu.vector_store_idx %arg20[%add3A_808], %broadcast_in_dim3A_782 : memref<5120xf32, #tpu.memory_space<vmem>>[vector<16xi32>], vector<16xf32>,
      %get3A_809 = arith.constant 112 : index
      %get3A_810 = tpu.vector_load %arg19[%get3A_809] {strides = array<i32>} : memref<192xi32, #tpu.memory_space<vmem>>, vector<16xi32>,
      %gather3A_811 = tpu.vector_load_idx %arg12[%get3A_810] : memref<640xf32, #tpu.memory_space<vmem>>[vector<16xi32>], vector<16xf32>,
      %gather3A_812 = tpu.vector_load_idx %arg13[%get3A_810] : memref<640xf32, #tpu.memory_space<vmem>>[vector<16xi32>], vector<16xf32>,
      %gather3A_813 = tpu.vector_load_idx %arg14[%get3A_810] : memref<640xf32, #tpu.memory_space<vmem>>[vector<16xi32>], vector<16xf32>,
      %mul3A_814 = arith.constant 32 : i32
      %mul3A_815 = arith.muli %add3A_779, %mul3A_814 : i32
      %add3A_816 = arith.constant 16 : i32
      %add3A_817 = arith.addi %mul3A_815, %add3A_816 : i32
      %add3A_818 = vector.broadcast %add3A_817 : i32 to vector<16xi32>
      %add3A_819 = arith.addi %add3A_818, %iota3A_780 : vector<16xi32>
      %mul3A_820 = arith.constant 4 : i32
      %mul3A_821 = vector.broadcast %mul3A_820 : i32 to vector<16xi32>
      %mul3A_822 = arith.muli %add3A_819, %mul3A_821 : vector<16xi32>
      %sub3A_823 = arith.subf %gather3A_811, %gather3A_584 : vector<16xf32>
      tpu.vector_store_idx %arg20[%mul3A_822], %sub3A_823 : memref<5120xf32, #tpu.memory_space<vmem>>[vector<16xi32>], vector<16xf32>,
      %add3A_824 = arith.constant 1 : i32
      %add3A_825 = vector.broadcast %add3A_824 : i32 to vector<16xi32>
      %add3A_826 = arith.addi %mul3A_822, %add3A_825 : vector<16xi32>
      %sub3A_827 = arith.subf %gather3A_812, %gather3A_585 : vector<16xf32>
      tpu.vector_store_idx %arg20[%add3A_826], %sub3A_827 : memref<5120xf32, #tpu.memory_space<vmem>>[vector<16xi32>], vector<16xf32>,
      %add3A_828 = arith.constant 2 : i32
      %add3A_829 = vector.broadcast %add3A_828 : i32 to vector<16xi32>
      %add3A_830 = arith.addi %mul3A_822, %add3A_829 : vector<16xi32>
      %sub3A_831 = arith.subf %gather3A_813, %gather3A_586 : vector<16xf32>
      tpu.vector_store_idx %arg20[%add3A_830], %sub3A_831 : memref<5120xf32, #tpu.memory_space<vmem>>[vector<16xi32>], vector<16xf32>,
      %add3A_832 = arith.constant 3 : i32
      %add3A_833 = vector.broadcast %add3A_832 : i32 to vector<16xi32>
      %add3A_834 = arith.addi %mul3A_822, %add3A_833 : vector<16xi32>
      tpu.vector_store_idx %arg20[%add3A_834], %broadcast_in_dim3A_782 : memref<5120xf32, #tpu.memory_space<vmem>>[vector<16xi32>], vector<16xf32>,
      %get3A_835 = arith.constant 96 : index
      %get3A_836 = tpu.vector_load %arg19[%get3A_835] {strides = array<i32>} : memref<192xi32, #tpu.memory_space<vmem>>, vector<16xi32>,
      %add3A_837 = vector.broadcast %mul3A_43 : i32 to vector<16xi32>
      %add3A_838 = arith.addi %get3A_836, %add3A_837 : vector<16xi32>
      %mul3A_839 = arith.constant 32 : i32
      %mul3A_840 = arith.muli %add3A_779, %mul3A_839 : i32
      %add3A_841 = arith.constant 0 : i32
      %add3A_842 = arith.addi %mul3A_840, %add3A_841 : i32
      %swap3A_843 = arith.index_cast %add3A_842 : i32 to index
      %swap3A_844 = tpu.vector_load %arg21[%swap3A_843] {strides = array<i32>} : memref<1280xi32, #tpu.memory_space<vmem>>, vector<16xi32>,
      tpu.vector_store %arg21[%swap3A_843], %add3A_838 {strides = array<i32>} : memref<1280xi32, #tpu.memory_space<vmem>>, vector<16xi32>,
      %get3A_845 = arith.constant 112 : index
      %get3A_846 = tpu.vector_load %arg19[%get3A_845] {strides = array<i32>} : memref<192xi32, #tpu.memory_space<vmem>>, vector<16xi32>,
      %add3A_847 = vector.broadcast %mul3A_43 : i32 to vector<16xi32>
      %add3A_848 = arith.addi %get3A_846, %add3A_847 : vector<16xi32>
      %mul3A_849 = arith.constant 32 : i32
      %mul3A_850 = arith.muli %add3A_779, %mul3A_849 : i32
      %add3A_851 = arith.constant 16 : i32
      %add3A_852 = arith.addi %mul3A_850, %add3A_851 : i32
      %swap3A_853 = arith.index_cast %add3A_852 : i32 to index
      %swap3A_854 = tpu.vector_load %arg21[%swap3A_853] {strides = array<i32>} : memref<1280xi32, #tpu.memory_space<vmem>>, vector<16xi32>,
      tpu.vector_store %arg21[%swap3A_853], %add3A_848 {strides = array<i32>} : memref<1280xi32, #tpu.memory_space<vmem>>, vector<16xi32>,
      %mul3A_855 = arith.constant 4 : i32
      %mul3A_856 = arith.muli %scan3A_551, %mul3A_855 : i32
      %add3A_857 = arith.constant 3 : i32
      %add3A_858 = arith.addi %mul3A_856, %add3A_857 : i32
      %iota3A_859 = tpu.iota {dimensions = array<i32: 0>} : vector<16xi32>
      %broadcast_in_dim3A_860 = arith.constant 0.000000e+00 : f32
      %broadcast_in_dim3A_861 = vector.broadcast %broadcast_in_dim3A_860 : f32 to vector<16xf32>
      %get3A_862 = arith.constant 144 : index
      %get3A_863 = tpu.vector_load %arg19[%get3A_862] {strides = array<i32>} : memref<192xi32, #tpu.memory_space<vmem>>, vector<16xi32>,
      %gather3A_864 = tpu.vector_load_idx %arg12[%get3A_863] : memref<640xf32, #tpu.memory_space<vmem>>[vector<16xi32>], vector<16xf32>,
      %gather3A_865 = tpu.vector_load_idx %arg13[%get3A_863] : memref<640xf32, #tpu.memory_space<vmem>>[vector<16xi32>], vector<16xf32>,
      %gather3A_866 = tpu.vector_load_idx %arg14[%get3A_863] : memref<640xf32, #tpu.memory_space<vmem>>[vector<16xi32>], vector<16xf32>,
      %mul3A_867 = arith.constant 32 : i32
      %mul3A_868 = arith.muli %add3A_858, %mul3A_867 : i32
      %add3A_869 = arith.constant 0 : i32
      %add3A_870 = arith.addi %mul3A_868, %add3A_869 : i32
      %add3A_871 = vector.broadcast %add3A_870 : i32 to vector<16xi32>
      %add3A_872 = arith.addi %add3A_871, %iota3A_859 : vector<16xi32>
      %mul3A_873 = arith.constant 4 : i32
      %mul3A_874 = vector.broadcast %mul3A_873 : i32 to vector<16xi32>
      %mul3A_875 = arith.muli %add3A_872, %mul3A_874 : vector<16xi32>
      %sub3A_876 = arith.subf %gather3A_864, %gather3A_599 : vector<16xf32>
      tpu.vector_store_idx %arg20[%mul3A_875], %sub3A_876 : memref<5120xf32, #tpu.memory_space<vmem>>[vector<16xi32>], vector<16xf32>,
      %add3A_877 = arith.constant 1 : i32
      %add3A_878 = vector.broadcast %add3A_877 : i32 to vector<16xi32>
      %add3A_879 = arith.addi %mul3A_875, %add3A_878 : vector<16xi32>
      %sub3A_880 = arith.subf %gather3A_865, %gather3A_600 : vector<16xf32>
      tpu.vector_store_idx %arg20[%add3A_879], %sub3A_880 : memref<5120xf32, #tpu.memory_space<vmem>>[vector<16xi32>], vector<16xf32>,
      %add3A_881 = arith.constant 2 : i32
      %add3A_882 = vector.broadcast %add3A_881 : i32 to vector<16xi32>
      %add3A_883 = arith.addi %mul3A_875, %add3A_882 : vector<16xi32>
      %sub3A_884 = arith.subf %gather3A_866, %gather3A_601 : vector<16xf32>
      tpu.vector_store_idx %arg20[%add3A_883], %sub3A_884 : memref<5120xf32, #tpu.memory_space<vmem>>[vector<16xi32>], vector<16xf32>,
      %add3A_885 = arith.constant 3 : i32
      %add3A_886 = vector.broadcast %add3A_885 : i32 to vector<16xi32>
      %add3A_887 = arith.addi %mul3A_875, %add3A_886 : vector<16xi32>
      tpu.vector_store_idx %arg20[%add3A_887], %broadcast_in_dim3A_861 : memref<5120xf32, #tpu.memory_space<vmem>>[vector<16xi32>], vector<16xf32>,
      %get3A_888 = arith.constant 160 : index
      %get3A_889 = tpu.vector_load %arg19[%get3A_888] {strides = array<i32>} : memref<192xi32, #tpu.memory_space<vmem>>, vector<16xi32>,
      %gather3A_890 = tpu.vector_load_idx %arg12[%get3A_889] : memref<640xf32, #tpu.memory_space<vmem>>[vector<16xi32>], vector<16xf32>,
      %gather3A_891 = tpu.vector_load_idx %arg13[%get3A_889] : memref<640xf32, #tpu.memory_space<vmem>>[vector<16xi32>], vector<16xf32>,
      %gather3A_892 = tpu.vector_load_idx %arg14[%get3A_889] : memref<640xf32, #tpu.memory_space<vmem>>[vector<16xi32>], vector<16xf32>,
      %mul3A_893 = arith.constant 32 : i32
      %mul3A_894 = arith.muli %add3A_858, %mul3A_893 : i32
      %add3A_895 = arith.constant 16 : i32
      %add3A_896 = arith.addi %mul3A_894, %add3A_895 : i32
      %add3A_897 = vector.broadcast %add3A_896 : i32 to vector<16xi32>
      %add3A_898 = arith.addi %add3A_897, %iota3A_859 : vector<16xi32>
      %mul3A_899 = arith.constant 4 : i32
      %mul3A_900 = vector.broadcast %mul3A_899 : i32 to vector<16xi32>
      %mul3A_901 = arith.muli %add3A_898, %mul3A_900 : vector<16xi32>
      %sub3A_902 = arith.subf %gather3A_890, %gather3A_599 : vector<16xf32>
      tpu.vector_store_idx %arg20[%mul3A_901], %sub3A_902 : memref<5120xf32, #tpu.memory_space<vmem>>[vector<16xi32>], vector<16xf32>,
      %add3A_903 = arith.constant 1 : i32
      %add3A_904 = vector.broadcast %add3A_903 : i32 to vector<16xi32>
      %add3A_905 = arith.addi %mul3A_901, %add3A_904 : vector<16xi32>
      %sub3A_906 = arith.subf %gather3A_891, %gather3A_600 : vector<16xf32>
      tpu.vector_store_idx %arg20[%add3A_905], %sub3A_906 : memref<5120xf32, #tpu.memory_space<vmem>>[vector<16xi32>], vector<16xf32>,
      %add3A_907 = arith.constant 2 : i32
      %add3A_908 = vector.broadcast %add3A_907 : i32 to vector<16xi32>
      %add3A_909 = arith.addi %mul3A_901, %add3A_908 : vector<16xi32>
      %sub3A_910 = arith.subf %gather3A_892, %gather3A_601 : vector<16xf32>
      tpu.vector_store_idx %arg20[%add3A_909], %sub3A_910 : memref<5120xf32, #tpu.memory_space<vmem>>[vector<16xi32>], vector<16xf32>,
      %add3A_911 = arith.constant 3 : i32
      %add3A_912 = vector.broadcast %add3A_911 : i32 to vector<16xi32>
      %add3A_913 = arith.addi %mul3A_901, %add3A_912 : vector<16xi32>
      tpu.vector_store_idx %arg20[%add3A_913], %broadcast_in_dim3A_861 : memref<5120xf32, #tpu.memory_space<vmem>>[vector<16xi32>], vector<16xf32>,
      %get3A_914 = arith.constant 144 : index
      %get3A_915 = tpu.vector_load %arg19[%get3A_914] {strides = array<i32>} : memref<192xi32, #tpu.memory_space<vmem>>, vector<16xi32>,
      %add3A_916 = vector.broadcast %mul3A_43 : i32 to vector<16xi32>
      %add3A_917 = arith.addi %get3A_915, %add3A_916 : vector<16xi32>
      %mul3A_918 = arith.constant 32 : i32
      %mul3A_919 = arith.muli %add3A_858, %mul3A_918 : i32
      %add3A_920 = arith.constant 0 : i32
      %add3A_921 = arith.addi %mul3A_919, %add3A_920 : i32
      %swap3A_922 = arith.index_cast %add3A_921 : i32 to index
      %swap3A_923 = tpu.vector_load %arg21[%swap3A_922] {strides = array<i32>} : memref<1280xi32, #tpu.memory_space<vmem>>, vector<16xi32>,
      tpu.vector_store %arg21[%swap3A_922], %add3A_917 {strides = array<i32>} : memref<1280xi32, #tpu.memory_space<vmem>>, vector<16xi32>,
      %get3A_924 = arith.constant 160 : index
      %get3A_925 = tpu.vector_load %arg19[%get3A_924] {strides = array<i32>} : memref<192xi32, #tpu.memory_space<vmem>>, vector<16xi32>,
      %add3A_926 = vector.broadcast %mul3A_43 : i32 to vector<16xi32>
      %add3A_927 = arith.addi %get3A_925, %add3A_926 : vector<16xi32>
      %mul3A_928 = arith.constant 32 : i32
      %mul3A_929 = arith.muli %add3A_858, %mul3A_928 : i32
      %add3A_930 = arith.constant 16 : i32
      %add3A_931 = arith.addi %mul3A_929, %add3A_930 : i32
      %swap3A_932 = arith.index_cast %add3A_931 : i32 to index
      %swap3A_933 = tpu.vector_load %arg21[%swap3A_932] {strides = array<i32>} : memref<1280xi32, #tpu.memory_space<vmem>>, vector<16xi32>,
      tpu.vector_store %arg21[%swap3A_932], %add3A_927 {strides = array<i32>} : memref<1280xi32, #tpu.memory_space<vmem>>, vector<16xi32>,
    }
    %scan3A_48 = arith.constant 10 : i32
    %mul3A_49 = arith.constant 5120 : i32
    %mul3A_50 = arith.muli %add3A, %mul3A_49 : i32
    "tpu.region"() ({
      %run_scoped3A = tpu.sem_alloc : memref<!tpu.dma_semaphore, #tpu.memory_space<semaphore_mem>>
      %dma_start3A_551 = tpu.memref_slice %arg10[%mul3A_50] : memref<163840xf32, #tpu.memory_space<hbm>> -> memref<5120xf32, #tpu.memory_space<hbm>>
      %dma_start3A_552 = tpu.memref_slice %arg10[%mul3A_50] : memref<163840xf32, #tpu.memory_space<hbm>> -> memref<5120xf32, #tpu.memory_space<hbm>>
      tpu.enqueue_dma source(%arg20 : memref<5120xf32, #tpu.memory_space<vmem>>) target(%dma_start3A_552 : memref<5120xf32, #tpu.memory_space<hbm>>) target_semaphore(%run_scoped3A : memref<!tpu.dma_semaphore, #tpu.memory_space<semaphore_mem>>)
      %dma_wait3A_553 = tpu.memref_slice %arg10[%mul3A_50] : memref<163840xf32, #tpu.memory_space<hbm>> -> memref<5120xf32, #tpu.memory_space<hbm>>
      %dma_wait3A_554 = tpu.memref_slice %arg10[%mul3A_50] : memref<163840xf32, #tpu.memory_space<hbm>> -> memref<5120xf32, #tpu.memory_space<hbm>>
      tpu.wait_dma2 semaphore(%run_scoped3A : memref<!tpu.dma_semaphore, #tpu.memory_space<semaphore_mem>>) src(%arg20 : memref<5120xf32, #tpu.memory_space<vmem>>) dst(%dma_wait3A_554 : memref<5120xf32, #tpu.memory_space<hbm>>)
      tpu.yield
    }) : () -> ()
    %mul3A_51 = arith.constant 1280 : i32
    %mul3A_52 = arith.muli %add3A, %mul3A_51 : i32
    %dma_start3A = arith.constant 0 : i32
    %dma_start3A_53 = arith.constant 0 : i32
    %dma_start3A_54 = arith.constant 0 : i32
    %dma_start3A_55 = tpu.memref_slice %arg22[%dma_start3A, %dma_start3A_53, %dma_start3A_54] : memref<2x128x128xf32, #tpu.memory_space<vmem>> -> memref<1x128x128xf32, #tpu.memory_space<vmem>>
    %dma_start3A_56 = tpu.memref_squeeze %dma_start3A_55 : memref<1x128x128xf32, #tpu.memory_space<vmem>> -> memref<128x128xf32, #tpu.memory_space<vmem>>
    %dma_start3A_57 = arith.constant 0 : i32
    %dma_start3A_58 = tpu.memref_slice %arg21[%dma_start3A_57] : memref<1280xi32, #tpu.memory_space<vmem>> -> memref<128xi32, #tpu.memory_space<vmem>>
    %dma_start3A_59 = arith.constant 0 : i32
    %dma_start3A_60 = arith.constant 0 : i32
    %dma_start3A_61 = tpu.memref_slice %arg9[%dma_start3A_59, %dma_start3A_60] : memref<5120x128xf32, #tpu.memory_space<hbm>> -> memref<5120x128xf32, #tpu.memory_space<hbm>>
    tpu.enqueue_indirect_dma source(%dma_start3A_61 : memref<5120x128xf32, #tpu.memory_space<hbm>>) target(%dma_start3A_56 : memref<128x128xf32, #tpu.memory_space<vmem>>) offsets(%dma_start3A_58 : memref<128xi32, #tpu.memory_space<vmem>>) semaphore(%arg23 : memref<!tpu.dma_semaphore, #tpu.memory_space<semaphore_mem>>)
    %dma_start3A_62 = arith.constant 1 : i32
    %dma_start3A_63 = arith.constant 0 : i32
    %dma_start3A_64 = arith.constant 0 : i32
    %dma_start3A_65 = tpu.memref_slice %arg22[%dma_start3A_62, %dma_start3A_63, %dma_start3A_64] : memref<2x128x128xf32, #tpu.memory_space<vmem>> -> memref<1x128x128xf32, #tpu.memory_space<vmem>>
    %dma_start3A_66 = tpu.memref_squeeze %dma_start3A_65 : memref<1x128x128xf32, #tpu.memory_space<vmem>> -> memref<128x128xf32, #tpu.memory_space<vmem>>
    %dma_start3A_67 = arith.constant 128 : i32
    %dma_start3A_68 = tpu.memref_slice %arg21[%dma_start3A_67] : memref<1280xi32, #tpu.memory_space<vmem>> -> memref<128xi32, #tpu.memory_space<vmem>>
    %dma_start3A_69 = arith.constant 0 : i32
    %dma_start3A_70 = arith.constant 0 : i32
    %dma_start3A_71 = tpu.memref_slice %arg9[%dma_start3A_69, %dma_start3A_70] : memref<5120x128xf32, #tpu.memory_space<hbm>> -> memref<5120x128xf32, #tpu.memory_space<hbm>>
    tpu.enqueue_indirect_dma source(%dma_start3A_71 : memref<5120x128xf32, #tpu.memory_space<hbm>>) target(%dma_start3A_66 : memref<128x128xf32, #tpu.memory_space<vmem>>) offsets(%dma_start3A_68 : memref<128xi32, #tpu.memory_space<vmem>>) semaphore(%arg23 : memref<!tpu.dma_semaphore, #tpu.memory_space<semaphore_mem>>)
    %dma_wait3A = arith.constant 0 : i32
    %dma_wait3A_72 = arith.constant 0 : i32
    %dma_wait3A_73 = arith.constant 0 : i32
    %dma_wait3A_74 = tpu.memref_slice %arg22[%dma_wait3A, %dma_wait3A_72, %dma_wait3A_73] : memref<2x128x128xf32, #tpu.memory_space<vmem>> -> memref<1x128x128xf32, #tpu.memory_space<vmem>>
    %dma_wait3A_75 = tpu.memref_squeeze %dma_wait3A_74 : memref<1x128x128xf32, #tpu.memory_space<vmem>> -> memref<128x128xf32, #tpu.memory_space<vmem>>
    %dma_wait3A_76 = arith.constant 0 : i32
    %dma_wait3A_77 = tpu.memref_slice %arg21[%dma_wait3A_76] : memref<1280xi32, #tpu.memory_space<vmem>> -> memref<128xi32, #tpu.memory_space<vmem>>
    %dma_wait3A_78 = arith.constant 0 : i32
    %dma_wait3A_79 = arith.constant 0 : i32
    %dma_wait3A_80 = tpu.memref_slice %arg9[%dma_wait3A_78, %dma_wait3A_79] : memref<5120x128xf32, #tpu.memory_space<hbm>> -> memref<5120x128xf32, #tpu.memory_space<hbm>>
    tpu.wait_indirect_dma semaphore(%arg23 : memref<!tpu.dma_semaphore, #tpu.memory_space<semaphore_mem>>) src(%dma_wait3A_80 : memref<5120x128xf32, #tpu.memory_space<hbm>>) dst(%dma_wait3A_75 : memref<128x128xf32, #tpu.memory_space<vmem>>)
    %add3A_81 = arith.constant 0 : i32
    %add3A_82 = arith.addi %mul3A_52, %add3A_81 : i32
    %dma_start3A_83 = arith.constant 0 : i32
    %dma_start3A_84 = arith.constant 0 : i32
    %dma_start3A_85 = arith.constant 0 : i32
    %dma_start3A_86 = tpu.memref_slice %arg22[%dma_start3A_83, %dma_start3A_84, %dma_start3A_85] : memref<2x128x128xf32, #tpu.memory_space<vmem>> -> memref<1x128x128xf32, #tpu.memory_space<vmem>>
    %dma_start3A_87 = tpu.memref_squeeze %dma_start3A_86 : memref<1x128x128xf32, #tpu.memory_space<vmem>> -> memref<128x128xf32, #tpu.memory_space<vmem>>
    %dma_start3A_88 = arith.constant 0 : i32
    %dma_start3A_89 = tpu.memref_slice %arg11[%add3A_82, %dma_start3A_88] : memref<40960x128xf32, #tpu.memory_space<hbm>> -> memref<128x128xf32, #tpu.memory_space<hbm>>
    %dma_start3A_90 = arith.constant 0 : i32
    %dma_start3A_91 = tpu.memref_slice %arg11[%add3A_82, %dma_start3A_90] : memref<40960x128xf32, #tpu.memory_space<hbm>> -> memref<128x128xf32, #tpu.memory_space<hbm>>
    %dma_start3A_92 = arith.constant 0 : i32
    %dma_start3A_93 = arith.constant 0 : i32
    %dma_start3A_94 = tpu.memref_slice %arg22[%dma_start3A_83, %dma_start3A_92, %dma_start3A_93] : memref<2x128x128xf32, #tpu.memory_space<vmem>> -> memref<1x128x128xf32, #tpu.memory_space<vmem>>
    %dma_start3A_95 = tpu.memref_squeeze %dma_start3A_94 : memref<1x128x128xf32, #tpu.memory_space<vmem>> -> memref<128x128xf32, #tpu.memory_space<vmem>>
    tpu.enqueue_dma source(%dma_start3A_95 : memref<128x128xf32, #tpu.memory_space<vmem>>) target(%dma_start3A_91 : memref<128x128xf32, #tpu.memory_space<hbm>>) target_semaphore(%arg24 : memref<!tpu.dma_semaphore, #tpu.memory_space<semaphore_mem>>)
    %add3A_96 = arith.constant 0 : i32
    %add3A_97 = arith.addi %mul3A_52, %add3A_96 : i32
    %dma_wait3A_98 = arith.constant 0 : i32
    %dma_wait3A_99 = arith.constant 0 : i32
    %dma_wait3A_100 = arith.constant 0 : i32
    %dma_wait3A_101 = tpu.memref_slice %arg22[%dma_wait3A_98, %dma_wait3A_99, %dma_wait3A_100] : memref<2x128x128xf32, #tpu.memory_space<vmem>> -> memref<1x128x128xf32, #tpu.memory_space<vmem>>
    %dma_wait3A_102 = tpu.memref_squeeze %dma_wait3A_101 : memref<1x128x128xf32, #tpu.memory_space<vmem>> -> memref<128x128xf32, #tpu.memory_space<vmem>>
    %dma_wait3A_103 = arith.constant 0 : i32
    %dma_wait3A_104 = tpu.memref_slice %arg11[%add3A_97, %dma_wait3A_103] : memref<40960x128xf32, #tpu.memory_space<hbm>> -> memref<128x128xf32, #tpu.memory_space<hbm>>
    %dma_wait3A_105 = arith.constant 0 : i32
    %dma_wait3A_106 = tpu.memref_slice %arg11[%add3A_97, %dma_wait3A_105] : memref<40960x128xf32, #tpu.memory_space<hbm>> -> memref<128x128xf32, #tpu.memory_space<hbm>>
    %dma_wait3A_107 = arith.constant 0 : i32
    %dma_wait3A_108 = arith.constant 0 : i32
    %dma_wait3A_109 = tpu.memref_slice %arg22[%dma_wait3A_98, %dma_wait3A_107, %dma_wait3A_108] : memref<2x128x128xf32, #tpu.memory_space<vmem>> -> memref<1x128x128xf32, #tpu.memory_space<vmem>>
    %dma_wait3A_110 = tpu.memref_squeeze %dma_wait3A_109 : memref<1x128x128xf32, #tpu.memory_space<vmem>> -> memref<128x128xf32, #tpu.memory_space<vmem>>
    tpu.wait_dma2 semaphore(%arg24 : memref<!tpu.dma_semaphore, #tpu.memory_space<semaphore_mem>>) src(%dma_wait3A_110 : memref<128x128xf32, #tpu.memory_space<vmem>>) dst(%dma_wait3A_106 : memref<128x128xf32, #tpu.memory_space<hbm>>)
    %dma_start3A_111 = arith.constant 0 : i32
    %dma_start3A_112 = arith.constant 0 : i32
    %dma_start3A_113 = arith.constant 0 : i32
    %dma_start3A_114 = tpu.memref_slice %arg22[%dma_start3A_111, %dma_start3A_112, %dma_start3A_113] : memref<2x128x128xf32, #tpu.memory_space<vmem>> -> memref<1x128x128xf32, #tpu.memory_space<vmem>>
    %dma_start3A_115 = tpu.memref_squeeze %dma_start3A_114 : memref<1x128x128xf32, #tpu.memory_space<vmem>> -> memref<128x128xf32, #tpu.memory_space<vmem>>
    %dma_start3A_116 = arith.constant 256 : i32
    %dma_start3A_117 = tpu.memref_slice %arg21[%dma_start3A_116] : memref<1280xi32, #tpu.memory_space<vmem>> -> memref<128xi32, #tpu.memory_space<vmem>>
    %dma_start3A_118 = arith.constant 0 : i32
    %dma_start3A_119 = arith.constant 0 : i32
    %dma_start3A_120 = tpu.memref_slice %arg9[%dma_start3A_118, %dma_start3A_119] : memref<5120x128xf32, #tpu.memory_space<hbm>> -> memref<5120x128xf32, #tpu.memory_space<hbm>>
    tpu.enqueue_indirect_dma source(%dma_start3A_120 : memref<5120x128xf32, #tpu.memory_space<hbm>>) target(%dma_start3A_115 : memref<128x128xf32, #tpu.memory_space<vmem>>) offsets(%dma_start3A_117 : memref<128xi32, #tpu.memory_space<vmem>>) semaphore(%arg23 : memref<!tpu.dma_semaphore, #tpu.memory_space<semaphore_mem>>)
    %dma_wait3A_121 = arith.constant 1 : i32
    %dma_wait3A_122 = arith.constant 0 : i32
    %dma_wait3A_123 = arith.constant 0 : i32
    %dma_wait3A_124 = tpu.memref_slice %arg22[%dma_wait3A_121, %dma_wait3A_122, %dma_wait3A_123] : memref<2x128x128xf32, #tpu.memory_space<vmem>> -> memref<1x128x128xf32, #tpu.memory_space<vmem>>
    %dma_wait3A_125 = tpu.memref_squeeze %dma_wait3A_124 : memref<1x128x128xf32, #tpu.memory_space<vmem>> -> memref<128x128xf32, #tpu.memory_space<vmem>>
    %dma_wait3A_126 = arith.constant 128 : i32
    %dma_wait3A_127 = tpu.memref_slice %arg21[%dma_wait3A_126] : memref<1280xi32, #tpu.memory_space<vmem>> -> memref<128xi32, #tpu.memory_space<vmem>>
    %dma_wait3A_128 = arith.constant 0 : i32
    %dma_wait3A_129 = arith.constant 0 : i32
    %dma_wait3A_130 = tpu.memref_slice %arg9[%dma_wait3A_128, %dma_wait3A_129] : memref<5120x128xf32, #tpu.memory_space<hbm>> -> memref<5120x128xf32, #tpu.memory_space<hbm>>
    tpu.wait_indirect_dma semaphore(%arg23 : memref<!tpu.dma_semaphore, #tpu.memory_space<semaphore_mem>>) src(%dma_wait3A_130 : memref<5120x128xf32, #tpu.memory_space<hbm>>) dst(%dma_wait3A_125 : memref<128x128xf32, #tpu.memory_space<vmem>>)
    %add3A_131 = arith.constant 128 : i32
    %add3A_132 = arith.addi %mul3A_52, %add3A_131 : i32
    %dma_start3A_133 = arith.constant 1 : i32
    %dma_start3A_134 = arith.constant 0 : i32
    %dma_start3A_135 = arith.constant 0 : i32
    %dma_start3A_136 = tpu.memref_slice %arg22[%dma_start3A_133, %dma_start3A_134, %dma_start3A_135] : memref<2x128x128xf32, #tpu.memory_space<vmem>> -> memref<1x128x128xf32, #tpu.memory_space<vmem>>
    %dma_start3A_137 = tpu.memref_squeeze %dma_start3A_136 : memref<1x128x128xf32, #tpu.memory_space<vmem>> -> memref<128x128xf32, #tpu.memory_space<vmem>>
    %dma_start3A_138 = arith.constant 0 : i32
    %dma_start3A_139 = tpu.memref_slice %arg11[%add3A_132, %dma_start3A_138] : memref<40960x128xf32, #tpu.memory_space<hbm>> -> memref<128x128xf32, #tpu.memory_space<hbm>>
    %dma_start3A_140 = arith.constant 0 : i32
    %dma_start3A_141 = tpu.memref_slice %arg11[%add3A_132, %dma_start3A_140] : memref<40960x128xf32, #tpu.memory_space<hbm>> -> memref<128x128xf32, #tpu.memory_space<hbm>>
    %dma_start3A_142 = arith.constant 0 : i32
    %dma_start3A_143 = arith.constant 0 : i32
    %dma_start3A_144 = tpu.memref_slice %arg22[%dma_start3A_133, %dma_start3A_142, %dma_start3A_143] : memref<2x128x128xf32, #tpu.memory_space<vmem>> -> memref<1x128x128xf32, #tpu.memory_space<vmem>>
    %dma_start3A_145 = tpu.memref_squeeze %dma_start3A_144 : memref<1x128x128xf32, #tpu.memory_space<vmem>> -> memref<128x128xf32, #tpu.memory_space<vmem>>
    tpu.enqueue_dma source(%dma_start3A_145 : memref<128x128xf32, #tpu.memory_space<vmem>>) target(%dma_start3A_141 : memref<128x128xf32, #tpu.memory_space<hbm>>) target_semaphore(%arg24 : memref<!tpu.dma_semaphore, #tpu.memory_space<semaphore_mem>>)
    %add3A_146 = arith.constant 128 : i32
    %add3A_147 = arith.addi %mul3A_52, %add3A_146 : i32
    %dma_wait3A_148 = arith.constant 1 : i32
    %dma_wait3A_149 = arith.constant 0 : i32
    %dma_wait3A_150 = arith.constant 0 : i32
    %dma_wait3A_151 = tpu.memref_slice %arg22[%dma_wait3A_148, %dma_wait3A_149, %dma_wait3A_150] : memref<2x128x128xf32, #tpu.memory_space<vmem>> -> memref<1x128x128xf32, #tpu.memory_space<vmem>>
    %dma_wait3A_152 = tpu.memref_squeeze %dma_wait3A_151 : memref<1x128x128xf32, #tpu.memory_space<vmem>> -> memref<128x128xf32, #tpu.memory_space<vmem>>
    %dma_wait3A_153 = arith.constant 0 : i32
    %dma_wait3A_154 = tpu.memref_slice %arg11[%add3A_147, %dma_wait3A_153] : memref<40960x128xf32, #tpu.memory_space<hbm>> -> memref<128x128xf32, #tpu.memory_space<hbm>>
    %dma_wait3A_155 = arith.constant 0 : i32
    %dma_wait3A_156 = tpu.memref_slice %arg11[%add3A_147, %dma_wait3A_155] : memref<40960x128xf32, #tpu.memory_space<hbm>> -> memref<128x128xf32, #tpu.memory_space<hbm>>
    %dma_wait3A_157 = arith.constant 0 : i32
    %dma_wait3A_158 = arith.constant 0 : i32
    %dma_wait3A_159 = tpu.memref_slice %arg22[%dma_wait3A_148, %dma_wait3A_157, %dma_wait3A_158] : memref<2x128x128xf32, #tpu.memory_space<vmem>> -> memref<1x128x128xf32, #tpu.memory_space<vmem>>
    %dma_wait3A_160 = tpu.memref_squeeze %dma_wait3A_159 : memref<1x128x128xf32, #tpu.memory_space<vmem>> -> memref<128x128xf32, #tpu.memory_space<vmem>>
    tpu.wait_dma2 semaphore(%arg24 : memref<!tpu.dma_semaphore, #tpu.memory_space<semaphore_mem>>) src(%dma_wait3A_160 : memref<128x128xf32, #tpu.memory_space<vmem>>) dst(%dma_wait3A_156 : memref<128x128xf32, #tpu.memory_space<hbm>>)
    %dma_start3A_161 = arith.constant 1 : i32
    %dma_start3A_162 = arith.constant 0 : i32
    %dma_start3A_163 = arith.constant 0 : i32
    %dma_start3A_164 = tpu.memref_slice %arg22[%dma_start3A_161, %dma_start3A_162, %dma_start3A_163] : memref<2x128x128xf32, #tpu.memory_space<vmem>> -> memref<1x128x128xf32, #tpu.memory_space<vmem>>
    %dma_start3A_165 = tpu.memref_squeeze %dma_start3A_164 : memref<1x128x128xf32, #tpu.memory_space<vmem>> -> memref<128x128xf32, #tpu.memory_space<vmem>>
    %dma_start3A_166 = arith.constant 384 : i32
    %dma_start3A_167 = tpu.memref_slice %arg21[%dma_start3A_166] : memref<1280xi32, #tpu.memory_space<vmem>> -> memref<128xi32, #tpu.memory_space<vmem>>
    %dma_start3A_168 = arith.constant 0 : i32
    %dma_start3A_169 = arith.constant 0 : i32
    %dma_start3A_170 = tpu.memref_slice %arg9[%dma_start3A_168, %dma_start3A_169] : memref<5120x128xf32, #tpu.memory_space<hbm>> -> memref<5120x128xf32, #tpu.memory_space<hbm>>
    tpu.enqueue_indirect_dma source(%dma_start3A_170 : memref<5120x128xf32, #tpu.memory_space<hbm>>) target(%dma_start3A_165 : memref<128x128xf32, #tpu.memory_space<vmem>>) offsets(%dma_start3A_167 : memref<128xi32, #tpu.memory_space<vmem>>) semaphore(%arg23 : memref<!tpu.dma_semaphore, #tpu.memory_space<semaphore_mem>>)
    %dma_wait3A_171 = arith.constant 0 : i32
    %dma_wait3A_172 = arith.constant 0 : i32
    %dma_wait3A_173 = arith.constant 0 : i32
    %dma_wait3A_174 = tpu.memref_slice %arg22[%dma_wait3A_171, %dma_wait3A_172, %dma_wait3A_173] : memref<2x128x128xf32, #tpu.memory_space<vmem>> -> memref<1x128x128xf32, #tpu.memory_space<vmem>>
    %dma_wait3A_175 = tpu.memref_squeeze %dma_wait3A_174 : memref<1x128x128xf32, #tpu.memory_space<vmem>> -> memref<128x128xf32, #tpu.memory_space<vmem>>
    %dma_wait3A_176 = arith.constant 256 : i32
    %dma_wait3A_177 = tpu.memref_slice %arg21[%dma_wait3A_176] : memref<1280xi32, #tpu.memory_space<vmem>> -> memref<128xi32, #tpu.memory_space<vmem>>
    %dma_wait3A_178 = arith.constant 0 : i32
    %dma_wait3A_179 = arith.constant 0 : i32
    %dma_wait3A_180 = tpu.memref_slice %arg9[%dma_wait3A_178, %dma_wait3A_179] : memref<5120x128xf32, #tpu.memory_space<hbm>> -> memref<5120x128xf32, #tpu.memory_space<hbm>>
    tpu.wait_indirect_dma semaphore(%arg23 : memref<!tpu.dma_semaphore, #tpu.memory_space<semaphore_mem>>) src(%dma_wait3A_180 : memref<5120x128xf32, #tpu.memory_space<hbm>>) dst(%dma_wait3A_175 : memref<128x128xf32, #tpu.memory_space<vmem>>)
    %add3A_181 = arith.constant 256 : i32
    %add3A_182 = arith.addi %mul3A_52, %add3A_181 : i32
    %dma_start3A_183 = arith.constant 0 : i32
    %dma_start3A_184 = arith.constant 0 : i32
    %dma_start3A_185 = arith.constant 0 : i32
    %dma_start3A_186 = tpu.memref_slice %arg22[%dma_start3A_183, %dma_start3A_184, %dma_start3A_185] : memref<2x128x128xf32, #tpu.memory_space<vmem>> -> memref<1x128x128xf32, #tpu.memory_space<vmem>>
    %dma_start3A_187 = tpu.memref_squeeze %dma_start3A_186 : memref<1x128x128xf32, #tpu.memory_space<vmem>> -> memref<128x128xf32, #tpu.memory_space<vmem>>
    %dma_start3A_188 = arith.constant 0 : i32
    %dma_start3A_189 = tpu.memref_slice %arg11[%add3A_182, %dma_start3A_188] : memref<40960x128xf32, #tpu.memory_space<hbm>> -> memref<128x128xf32, #tpu.memory_space<hbm>>
    %dma_start3A_190 = arith.constant 0 : i32
    %dma_start3A_191 = tpu.memref_slice %arg11[%add3A_182, %dma_start3A_190] : memref<40960x128xf32, #tpu.memory_space<hbm>> -> memref<128x128xf32, #tpu.memory_space<hbm>>
    %dma_start3A_192 = arith.constant 0 : i32
    %dma_start3A_193 = arith.constant 0 : i32
    %dma_start3A_194 = tpu.memref_slice %arg22[%dma_start3A_183, %dma_start3A_192, %dma_start3A_193] : memref<2x128x128xf32, #tpu.memory_space<vmem>> -> memref<1x128x128xf32, #tpu.memory_space<vmem>>
    %dma_start3A_195 = tpu.memref_squeeze %dma_start3A_194 : memref<1x128x128xf32, #tpu.memory_space<vmem>> -> memref<128x128xf32, #tpu.memory_space<vmem>>
    tpu.enqueue_dma source(%dma_start3A_195 : memref<128x128xf32, #tpu.memory_space<vmem>>) target(%dma_start3A_191 : memref<128x128xf32, #tpu.memory_space<hbm>>) target_semaphore(%arg24 : memref<!tpu.dma_semaphore, #tpu.memory_space<semaphore_mem>>)
    %add3A_196 = arith.constant 256 : i32
    %add3A_197 = arith.addi %mul3A_52, %add3A_196 : i32
    %dma_wait3A_198 = arith.constant 0 : i32
    %dma_wait3A_199 = arith.constant 0 : i32
    %dma_wait3A_200 = arith.constant 0 : i32
    %dma_wait3A_201 = tpu.memref_slice %arg22[%dma_wait3A_198, %dma_wait3A_199, %dma_wait3A_200] : memref<2x128x128xf32, #tpu.memory_space<vmem>> -> memref<1x128x128xf32, #tpu.memory_space<vmem>>
    %dma_wait3A_202 = tpu.memref_squeeze %dma_wait3A_201 : memref<1x128x128xf32, #tpu.memory_space<vmem>> -> memref<128x128xf32, #tpu.memory_space<vmem>>
    %dma_wait3A_203 = arith.constant 0 : i32
    %dma_wait3A_204 = tpu.memref_slice %arg11[%add3A_197, %dma_wait3A_203] : memref<40960x128xf32, #tpu.memory_space<hbm>> -> memref<128x128xf32, #tpu.memory_space<hbm>>
    %dma_wait3A_205 = arith.constant 0 : i32
    %dma_wait3A_206 = tpu.memref_slice %arg11[%add3A_197, %dma_wait3A_205] : memref<40960x128xf32, #tpu.memory_space<hbm>> -> memref<128x128xf32, #tpu.memory_space<hbm>>
    %dma_wait3A_207 = arith.constant 0 : i32
    %dma_wait3A_208 = arith.constant 0 : i32
    %dma_wait3A_209 = tpu.memref_slice %arg22[%dma_wait3A_198, %dma_wait3A_207, %dma_wait3A_208] : memref<2x128x128xf32, #tpu.memory_space<vmem>> -> memref<1x128x128xf32, #tpu.memory_space<vmem>>
    %dma_wait3A_210 = tpu.memref_squeeze %dma_wait3A_209 : memref<1x128x128xf32, #tpu.memory_space<vmem>> -> memref<128x128xf32, #tpu.memory_space<vmem>>
    tpu.wait_dma2 semaphore(%arg24 : memref<!tpu.dma_semaphore, #tpu.memory_space<semaphore_mem>>) src(%dma_wait3A_210 : memref<128x128xf32, #tpu.memory_space<vmem>>) dst(%dma_wait3A_206 : memref<128x128xf32, #tpu.memory_space<hbm>>)
    %dma_start3A_211 = arith.constant 0 : i32
    %dma_start3A_212 = arith.constant 0 : i32
    %dma_start3A_213 = arith.constant 0 : i32
    %dma_start3A_214 = tpu.memref_slice %arg22[%dma_start3A_211, %dma_start3A_212, %dma_start3A_213] : memref<2x128x128xf32, #tpu.memory_space<vmem>> -> memref<1x128x128xf32, #tpu.memory_space<vmem>>
    %dma_start3A_215 = tpu.memref_squeeze %dma_start3A_214 : memref<1x128x128xf32, #tpu.memory_space<vmem>> -> memref<128x128xf32, #tpu.memory_space<vmem>>
    %dma_start3A_216 = arith.constant 512 : i32
    %dma_start3A_217 = tpu.memref_slice %arg21[%dma_start3A_216] : memref<1280xi32, #tpu.memory_space<vmem>> -> memref<128xi32, #tpu.memory_space<vmem>>
    %dma_start3A_218 = arith.constant 0 : i32
    %dma_start3A_219 = arith.constant 0 : i32
    %dma_start3A_220 = tpu.memref_slice %arg9[%dma_start3A_218, %dma_start3A_219] : memref<5120x128xf32, #tpu.memory_space<hbm>> -> memref<5120x128xf32, #tpu.memory_space<hbm>>
    tpu.enqueue_indirect_dma source(%dma_start3A_220 : memref<5120x128xf32, #tpu.memory_space<hbm>>) target(%dma_start3A_215 : memref<128x128xf32, #tpu.memory_space<vmem>>) offsets(%dma_start3A_217 : memref<128xi32, #tpu.memory_space<vmem>>) semaphore(%arg23 : memref<!tpu.dma_semaphore, #tpu.memory_space<semaphore_mem>>)
    %dma_wait3A_221 = arith.constant 1 : i32
    %dma_wait3A_222 = arith.constant 0 : i32
    %dma_wait3A_223 = arith.constant 0 : i32
    %dma_wait3A_224 = tpu.memref_slice %arg22[%dma_wait3A_221, %dma_wait3A_222, %dma_wait3A_223] : memref<2x128x128xf32, #tpu.memory_space<vmem>> -> memref<1x128x128xf32, #tpu.memory_space<vmem>>
    %dma_wait3A_225 = tpu.memref_squeeze %dma_wait3A_224 : memref<1x128x128xf32, #tpu.memory_space<vmem>> -> memref<128x128xf32, #tpu.memory_space<vmem>>
    %dma_wait3A_226 = arith.constant 384 : i32
    %dma_wait3A_227 = tpu.memref_slice %arg21[%dma_wait3A_226] : memref<1280xi32, #tpu.memory_space<vmem>> -> memref<128xi32, #tpu.memory_space<vmem>>
    %dma_wait3A_228 = arith.constant 0 : i32
    %dma_wait3A_229 = arith.constant 0 : i32
    %dma_wait3A_230 = tpu.memref_slice %arg9[%dma_wait3A_228, %dma_wait3A_229] : memref<5120x128xf32, #tpu.memory_space<hbm>> -> memref<5120x128xf32, #tpu.memory_space<hbm>>
    tpu.wait_indirect_dma semaphore(%arg23 : memref<!tpu.dma_semaphore, #tpu.memory_space<semaphore_mem>>) src(%dma_wait3A_230 : memref<5120x128xf32, #tpu.memory_space<hbm>>) dst(%dma_wait3A_225 : memref<128x128xf32, #tpu.memory_space<vmem>>)
    %add3A_231 = arith.constant 384 : i32
    %add3A_232 = arith.addi %mul3A_52, %add3A_231 : i32
    %dma_start3A_233 = arith.constant 1 : i32
    %dma_start3A_234 = arith.constant 0 : i32
    %dma_start3A_235 = arith.constant 0 : i32
    %dma_start3A_236 = tpu.memref_slice %arg22[%dma_start3A_233, %dma_start3A_234, %dma_start3A_235] : memref<2x128x128xf32, #tpu.memory_space<vmem>> -> memref<1x128x128xf32, #tpu.memory_space<vmem>>
    %dma_start3A_237 = tpu.memref_squeeze %dma_start3A_236 : memref<1x128x128xf32, #tpu.memory_space<vmem>> -> memref<128x128xf32, #tpu.memory_space<vmem>>
    %dma_start3A_238 = arith.constant 0 : i32
    %dma_start3A_239 = tpu.memref_slice %arg11[%add3A_232, %dma_start3A_238] : memref<40960x128xf32, #tpu.memory_space<hbm>> -> memref<128x128xf32, #tpu.memory_space<hbm>>
    %dma_start3A_240 = arith.constant 0 : i32
    %dma_start3A_241 = tpu.memref_slice %arg11[%add3A_232, %dma_start3A_240] : memref<40960x128xf32, #tpu.memory_space<hbm>> -> memref<128x128xf32, #tpu.memory_space<hbm>>
    %dma_start3A_242 = arith.constant 0 : i32
    %dma_start3A_243 = arith.constant 0 : i32
    %dma_start3A_244 = tpu.memref_slice %arg22[%dma_start3A_233, %dma_start3A_242, %dma_start3A_243] : memref<2x128x128xf32, #tpu.memory_space<vmem>> -> memref<1x128x128xf32, #tpu.memory_space<vmem>>
    %dma_start3A_245 = tpu.memref_squeeze %dma_start3A_244 : memref<1x128x128xf32, #tpu.memory_space<vmem>> -> memref<128x128xf32, #tpu.memory_space<vmem>>
    tpu.enqueue_dma source(%dma_start3A_245 : memref<128x128xf32, #tpu.memory_space<vmem>>) target(%dma_start3A_241 : memref<128x128xf32, #tpu.memory_space<hbm>>) target_semaphore(%arg24 : memref<!tpu.dma_semaphore, #tpu.memory_space<semaphore_mem>>)
    %add3A_246 = arith.constant 384 : i32
    %add3A_247 = arith.addi %mul3A_52, %add3A_246 : i32
    %dma_wait3A_248 = arith.constant 1 : i32
    %dma_wait3A_249 = arith.constant 0 : i32
    %dma_wait3A_250 = arith.constant 0 : i32
    %dma_wait3A_251 = tpu.memref_slice %arg22[%dma_wait3A_248, %dma_wait3A_249, %dma_wait3A_250] : memref<2x128x128xf32, #tpu.memory_space<vmem>> -> memref<1x128x128xf32, #tpu.memory_space<vmem>>
    %dma_wait3A_252 = tpu.memref_squeeze %dma_wait3A_251 : memref<1x128x128xf32, #tpu.memory_space<vmem>> -> memref<128x128xf32, #tpu.memory_space<vmem>>
    %dma_wait3A_253 = arith.constant 0 : i32
    %dma_wait3A_254 = tpu.memref_slice %arg11[%add3A_247, %dma_wait3A_253] : memref<40960x128xf32, #tpu.memory_space<hbm>> -> memref<128x128xf32, #tpu.memory_space<hbm>>
    %dma_wait3A_255 = arith.constant 0 : i32
    %dma_wait3A_256 = tpu.memref_slice %arg11[%add3A_247, %dma_wait3A_255] : memref<40960x128xf32, #tpu.memory_space<hbm>> -> memref<128x128xf32, #tpu.memory_space<hbm>>
    %dma_wait3A_257 = arith.constant 0 : i32
    %dma_wait3A_258 = arith.constant 0 : i32
    %dma_wait3A_259 = tpu.memref_slice %arg22[%dma_wait3A_248, %dma_wait3A_257, %dma_wait3A_258] : memref<2x128x128xf32, #tpu.memory_space<vmem>> -> memref<1x128x128xf32, #tpu.memory_space<vmem>>
    %dma_wait3A_260 = tpu.memref_squeeze %dma_wait3A_259 : memref<1x128x128xf32, #tpu.memory_space<vmem>> -> memref<128x128xf32, #tpu.memory_space<vmem>>
    tpu.wait_dma2 semaphore(%arg24 : memref<!tpu.dma_semaphore, #tpu.memory_space<semaphore_mem>>) src(%dma_wait3A_260 : memref<128x128xf32, #tpu.memory_space<vmem>>) dst(%dma_wait3A_256 : memref<128x128xf32, #tpu.memory_space<hbm>>)
    %dma_start3A_261 = arith.constant 1 : i32
    %dma_start3A_262 = arith.constant 0 : i32
    %dma_start3A_263 = arith.constant 0 : i32
    %dma_start3A_264 = tpu.memref_slice %arg22[%dma_start3A_261, %dma_start3A_262, %dma_start3A_263] : memref<2x128x128xf32, #tpu.memory_space<vmem>> -> memref<1x128x128xf32, #tpu.memory_space<vmem>>
    %dma_start3A_265 = tpu.memref_squeeze %dma_start3A_264 : memref<1x128x128xf32, #tpu.memory_space<vmem>> -> memref<128x128xf32, #tpu.memory_space<vmem>>
    %dma_start3A_266 = arith.constant 640 : i32
    %dma_start3A_267 = tpu.memref_slice %arg21[%dma_start3A_266] : memref<1280xi32, #tpu.memory_space<vmem>> -> memref<128xi32, #tpu.memory_space<vmem>>
    %dma_start3A_268 = arith.constant 0 : i32
    %dma_start3A_269 = arith.constant 0 : i32
    %dma_start3A_270 = tpu.memref_slice %arg9[%dma_start3A_268, %dma_start3A_269] : memref<5120x128xf32, #tpu.memory_space<hbm>> -> memref<5120x128xf32, #tpu.memory_space<hbm>>
    tpu.enqueue_indirect_dma source(%dma_start3A_270 : memref<5120x128xf32, #tpu.memory_space<hbm>>) target(%dma_start3A_265 : memref<128x128xf32, #tpu.memory_space<vmem>>) offsets(%dma_start3A_267 : memref<128xi32, #tpu.memory_space<vmem>>) semaphore(%arg23 : memref<!tpu.dma_semaphore, #tpu.memory_space<semaphore_mem>>)
    %dma_wait3A_271 = arith.constant 0 : i32
    %dma_wait3A_272 = arith.constant 0 : i32
    %dma_wait3A_273 = arith.constant 0 : i32
    %dma_wait3A_274 = tpu.memref_slice %arg22[%dma_wait3A_271, %dma_wait3A_272, %dma_wait3A_273] : memref<2x128x128xf32, #tpu.memory_space<vmem>> -> memref<1x128x128xf32, #tpu.memory_space<vmem>>
    %dma_wait3A_275 = tpu.memref_squeeze %dma_wait3A_274 : memref<1x128x128xf32, #tpu.memory_space<vmem>> -> memref<128x128xf32, #tpu.memory_space<vmem>>
    %dma_wait3A_276 = arith.constant 512 : i32
    %dma_wait3A_277 = tpu.memref_slice %arg21[%dma_wait3A_276] : memref<1280xi32, #tpu.memory_space<vmem>> -> memref<128xi32, #tpu.memory_space<vmem>>
    %dma_wait3A_278 = arith.constant 0 : i32
    %dma_wait3A_279 = arith.constant 0 : i32
    %dma_wait3A_280 = tpu.memref_slice %arg9[%dma_wait3A_278, %dma_wait3A_279] : memref<5120x128xf32, #tpu.memory_space<hbm>> -> memref<5120x128xf32, #tpu.memory_space<hbm>>
    tpu.wait_indirect_dma semaphore(%arg23 : memref<!tpu.dma_semaphore, #tpu.memory_space<semaphore_mem>>) src(%dma_wait3A_280 : memref<5120x128xf32, #tpu.memory_space<hbm>>) dst(%dma_wait3A_275 : memref<128x128xf32, #tpu.memory_space<vmem>>)
    %add3A_281 = arith.constant 512 : i32
    %add3A_282 = arith.addi %mul3A_52, %add3A_281 : i32
    %dma_start3A_283 = arith.constant 0 : i32
    %dma_start3A_284 = arith.constant 0 : i32
    %dma_start3A_285 = arith.constant 0 : i32
    %dma_start3A_286 = tpu.memref_slice %arg22[%dma_start3A_283, %dma_start3A_284, %dma_start3A_285] : memref<2x128x128xf32, #tpu.memory_space<vmem>> -> memref<1x128x128xf32, #tpu.memory_space<vmem>>
    %dma_start3A_287 = tpu.memref_squeeze %dma_start3A_286 : memref<1x128x128xf32, #tpu.memory_space<vmem>> -> memref<128x128xf32, #tpu.memory_space<vmem>>
    %dma_start3A_288 = arith.constant 0 : i32
    %dma_start3A_289 = tpu.memref_slice %arg11[%add3A_282, %dma_start3A_288] : memref<40960x128xf32, #tpu.memory_space<hbm>> -> memref<128x128xf32, #tpu.memory_space<hbm>>
    %dma_start3A_290 = arith.constant 0 : i32
    %dma_start3A_291 = tpu.memref_slice %arg11[%add3A_282, %dma_start3A_290] : memref<40960x128xf32, #tpu.memory_space<hbm>> -> memref<128x128xf32, #tpu.memory_space<hbm>>
    %dma_start3A_292 = arith.constant 0 : i32
    %dma_start3A_293 = arith.constant 0 : i32
    %dma_start3A_294 = tpu.memref_slice %arg22[%dma_start3A_283, %dma_start3A_292, %dma_start3A_293] : memref<2x128x128xf32, #tpu.memory_space<vmem>> -> memref<1x128x128xf32, #tpu.memory_space<vmem>>
    %dma_start3A_295 = tpu.memref_squeeze %dma_start3A_294 : memref<1x128x128xf32, #tpu.memory_space<vmem>> -> memref<128x128xf32, #tpu.memory_space<vmem>>
    tpu.enqueue_dma source(%dma_start3A_295 : memref<128x128xf32, #tpu.memory_space<vmem>>) target(%dma_start3A_291 : memref<128x128xf32, #tpu.memory_space<hbm>>) target_semaphore(%arg24 : memref<!tpu.dma_semaphore, #tpu.memory_space<semaphore_mem>>)
    %add3A_296 = arith.constant 512 : i32
    %add3A_297 = arith.addi %mul3A_52, %add3A_296 : i32
    %dma_wait3A_298 = arith.constant 0 : i32
    %dma_wait3A_299 = arith.constant 0 : i32
    %dma_wait3A_300 = arith.constant 0 : i32
    %dma_wait3A_301 = tpu.memref_slice %arg22[%dma_wait3A_298, %dma_wait3A_299, %dma_wait3A_300] : memref<2x128x128xf32, #tpu.memory_space<vmem>> -> memref<1x128x128xf32, #tpu.memory_space<vmem>>
    %dma_wait3A_302 = tpu.memref_squeeze %dma_wait3A_301 : memref<1x128x128xf32, #tpu.memory_space<vmem>> -> memref<128x128xf32, #tpu.memory_space<vmem>>
    %dma_wait3A_303 = arith.constant 0 : i32
    %dma_wait3A_304 = tpu.memref_slice %arg11[%add3A_297, %dma_wait3A_303] : memref<40960x128xf32, #tpu.memory_space<hbm>> -> memref<128x128xf32, #tpu.memory_space<hbm>>
    %dma_wait3A_305 = arith.constant 0 : i32
    %dma_wait3A_306 = tpu.memref_slice %arg11[%add3A_297, %dma_wait3A_305] : memref<40960x128xf32, #tpu.memory_space<hbm>> -> memref<128x128xf32, #tpu.memory_space<hbm>>
    %dma_wait3A_307 = arith.constant 0 : i32
    %dma_wait3A_308 = arith.constant 0 : i32
    %dma_wait3A_309 = tpu.memref_slice %arg22[%dma_wait3A_298, %dma_wait3A_307, %dma_wait3A_308] : memref<2x128x128xf32, #tpu.memory_space<vmem>> -> memref<1x128x128xf32, #tpu.memory_space<vmem>>
    %dma_wait3A_310 = tpu.memref_squeeze %dma_wait3A_309 : memref<1x128x128xf32, #tpu.memory_space<vmem>> -> memref<128x128xf32, #tpu.memory_space<vmem>>
    tpu.wait_dma2 semaphore(%arg24 : memref<!tpu.dma_semaphore, #tpu.memory_space<semaphore_mem>>) src(%dma_wait3A_310 : memref<128x128xf32, #tpu.memory_space<vmem>>) dst(%dma_wait3A_306 : memref<128x128xf32, #tpu.memory_space<hbm>>)
    %dma_start3A_311 = arith.constant 0 : i32
    %dma_start3A_312 = arith.constant 0 : i32
    %dma_start3A_313 = arith.constant 0 : i32
    %dma_start3A_314 = tpu.memref_slice %arg22[%dma_start3A_311, %dma_start3A_312, %dma_start3A_313] : memref<2x128x128xf32, #tpu.memory_space<vmem>> -> memref<1x128x128xf32, #tpu.memory_space<vmem>>
    %dma_start3A_315 = tpu.memref_squeeze %dma_start3A_314 : memref<1x128x128xf32, #tpu.memory_space<vmem>> -> memref<128x128xf32, #tpu.memory_space<vmem>>
    %dma_start3A_316 = arith.constant 768 : i32
    %dma_start3A_317 = tpu.memref_slice %arg21[%dma_start3A_316] : memref<1280xi32, #tpu.memory_space<vmem>> -> memref<128xi32, #tpu.memory_space<vmem>>
    %dma_start3A_318 = arith.constant 0 : i32
    %dma_start3A_319 = arith.constant 0 : i32
    %dma_start3A_320 = tpu.memref_slice %arg9[%dma_start3A_318, %dma_start3A_319] : memref<5120x128xf32, #tpu.memory_space<hbm>> -> memref<5120x128xf32, #tpu.memory_space<hbm>>
    tpu.enqueue_indirect_dma source(%dma_start3A_320 : memref<5120x128xf32, #tpu.memory_space<hbm>>) target(%dma_start3A_315 : memref<128x128xf32, #tpu.memory_space<vmem>>) offsets(%dma_start3A_317 : memref<128xi32, #tpu.memory_space<vmem>>) semaphore(%arg23 : memref<!tpu.dma_semaphore, #tpu.memory_space<semaphore_mem>>)
    %dma_wait3A_321 = arith.constant 1 : i32
    %dma_wait3A_322 = arith.constant 0 : i32
    %dma_wait3A_323 = arith.constant 0 : i32
    %dma_wait3A_324 = tpu.memref_slice %arg22[%dma_wait3A_321, %dma_wait3A_322, %dma_wait3A_323] : memref<2x128x128xf32, #tpu.memory_space<vmem>> -> memref<1x128x128xf32, #tpu.memory_space<vmem>>
    %dma_wait3A_325 = tpu.memref_squeeze %dma_wait3A_324 : memref<1x128x128xf32, #tpu.memory_space<vmem>> -> memref<128x128xf32, #tpu.memory_space<vmem>>
    %dma_wait3A_326 = arith.constant 640 : i32
    %dma_wait3A_327 = tpu.memref_slice %arg21[%dma_wait3A_326] : memref<1280xi32, #tpu.memory_space<vmem>> -> memref<128xi32, #tpu.memory_space<vmem>>
    %dma_wait3A_328 = arith.constant 0 : i32
    %dma_wait3A_329 = arith.constant 0 : i32
    %dma_wait3A_330 = tpu.memref_slice %arg9[%dma_wait3A_328, %dma_wait3A_329] : memref<5120x128xf32, #tpu.memory_space<hbm>> -> memref<5120x128xf32, #tpu.memory_space<hbm>>
    tpu.wait_indirect_dma semaphore(%arg23 : memref<!tpu.dma_semaphore, #tpu.memory_space<semaphore_mem>>) src(%dma_wait3A_330 : memref<5120x128xf32, #tpu.memory_space<hbm>>) dst(%dma_wait3A_325 : memref<128x128xf32, #tpu.memory_space<vmem>>)
    %add3A_331 = arith.constant 640 : i32
    %add3A_332 = arith.addi %mul3A_52, %add3A_331 : i32
    %dma_start3A_333 = arith.constant 1 : i32
    %dma_start3A_334 = arith.constant 0 : i32
    %dma_start3A_335 = arith.constant 0 : i32
    %dma_start3A_336 = tpu.memref_slice %arg22[%dma_start3A_333, %dma_start3A_334, %dma_start3A_335] : memref<2x128x128xf32, #tpu.memory_space<vmem>> -> memref<1x128x128xf32, #tpu.memory_space<vmem>>
    %dma_start3A_337 = tpu.memref_squeeze %dma_start3A_336 : memref<1x128x128xf32, #tpu.memory_space<vmem>> -> memref<128x128xf32, #tpu.memory_space<vmem>>
    %dma_start3A_338 = arith.constant 0 : i32
    %dma_start3A_339 = tpu.memref_slice %arg11[%add3A_332, %dma_start3A_338] : memref<40960x128xf32, #tpu.memory_space<hbm>> -> memref<128x128xf32, #tpu.memory_space<hbm>>
    %dma_start3A_340 = arith.constant 0 : i32
    %dma_start3A_341 = tpu.memref_slice %arg11[%add3A_332, %dma_start3A_340] : memref<40960x128xf32, #tpu.memory_space<hbm>> -> memref<128x128xf32, #tpu.memory_space<hbm>>
    %dma_start3A_342 = arith.constant 0 : i32
    %dma_start3A_343 = arith.constant 0 : i32
    %dma_start3A_344 = tpu.memref_slice %arg22[%dma_start3A_333, %dma_start3A_342, %dma_start3A_343] : memref<2x128x128xf32, #tpu.memory_space<vmem>> -> memref<1x128x128xf32, #tpu.memory_space<vmem>>
    %dma_start3A_345 = tpu.memref_squeeze %dma_start3A_344 : memref<1x128x128xf32, #tpu.memory_space<vmem>> -> memref<128x128xf32, #tpu.memory_space<vmem>>
    tpu.enqueue_dma source(%dma_start3A_345 : memref<128x128xf32, #tpu.memory_space<vmem>>) target(%dma_start3A_341 : memref<128x128xf32, #tpu.memory_space<hbm>>) target_semaphore(%arg24 : memref<!tpu.dma_semaphore, #tpu.memory_space<semaphore_mem>>)
    %add3A_346 = arith.constant 640 : i32
    %add3A_347 = arith.addi %mul3A_52, %add3A_346 : i32
    %dma_wait3A_348 = arith.constant 1 : i32
    %dma_wait3A_349 = arith.constant 0 : i32
    %dma_wait3A_350 = arith.constant 0 : i32
    %dma_wait3A_351 = tpu.memref_slice %arg22[%dma_wait3A_348, %dma_wait3A_349, %dma_wait3A_350] : memref<2x128x128xf32, #tpu.memory_space<vmem>> -> memref<1x128x128xf32, #tpu.memory_space<vmem>>
    %dma_wait3A_352 = tpu.memref_squeeze %dma_wait3A_351 : memref<1x128x128xf32, #tpu.memory_space<vmem>> -> memref<128x128xf32, #tpu.memory_space<vmem>>
    %dma_wait3A_353 = arith.constant 0 : i32
    %dma_wait3A_354 = tpu.memref_slice %arg11[%add3A_347, %dma_wait3A_353] : memref<40960x128xf32, #tpu.memory_space<hbm>> -> memref<128x128xf32, #tpu.memory_space<hbm>>
    %dma_wait3A_355 = arith.constant 0 : i32
    %dma_wait3A_356 = tpu.memref_slice %arg11[%add3A_347, %dma_wait3A_355] : memref<40960x128xf32, #tpu.memory_space<hbm>> -> memref<128x128xf32, #tpu.memory_space<hbm>>
    %dma_wait3A_357 = arith.constant 0 : i32
    %dma_wait3A_358 = arith.constant 0 : i32
    %dma_wait3A_359 = tpu.memref_slice %arg22[%dma_wait3A_348, %dma_wait3A_357, %dma_wait3A_358] : memref<2x128x128xf32, #tpu.memory_space<vmem>> -> memref<1x128x128xf32, #tpu.memory_space<vmem>>
    %dma_wait3A_360 = tpu.memref_squeeze %dma_wait3A_359 : memref<1x128x128xf32, #tpu.memory_space<vmem>> -> memref<128x128xf32, #tpu.memory_space<vmem>>
    tpu.wait_dma2 semaphore(%arg24 : memref<!tpu.dma_semaphore, #tpu.memory_space<semaphore_mem>>) src(%dma_wait3A_360 : memref<128x128xf32, #tpu.memory_space<vmem>>) dst(%dma_wait3A_356 : memref<128x128xf32, #tpu.memory_space<hbm>>)
    %dma_start3A_361 = arith.constant 1 : i32
    %dma_start3A_362 = arith.constant 0 : i32
    %dma_start3A_363 = arith.constant 0 : i32
    %dma_start3A_364 = tpu.memref_slice %arg22[%dma_start3A_361, %dma_start3A_362, %dma_start3A_363] : memref<2x128x128xf32, #tpu.memory_space<vmem>> -> memref<1x128x128xf32, #tpu.memory_space<vmem>>
    %dma_start3A_365 = tpu.memref_squeeze %dma_start3A_364 : memref<1x128x128xf32, #tpu.memory_space<vmem>> -> memref<128x128xf32, #tpu.memory_space<vmem>>
    %dma_start3A_366 = arith.constant 896 : i32
    %dma_start3A_367 = tpu.memref_slice %arg21[%dma_start3A_366] : memref<1280xi32, #tpu.memory_space<vmem>> -> memref<128xi32, #tpu.memory_space<vmem>>
    %dma_start3A_368 = arith.constant 0 : i32
    %dma_start3A_369 = arith.constant 0 : i32
    %dma_start3A_370 = tpu.memref_slice %arg9[%dma_start3A_368, %dma_start3A_369] : memref<5120x128xf32, #tpu.memory_space<hbm>> -> memref<5120x128xf32, #tpu.memory_space<hbm>>
    tpu.enqueue_indirect_dma source(%dma_start3A_370 : memref<5120x128xf32, #tpu.memory_space<hbm>>) target(%dma_start3A_365 : memref<128x128xf32, #tpu.memory_space<vmem>>) offsets(%dma_start3A_367 : memref<128xi32, #tpu.memory_space<vmem>>) semaphore(%arg23 : memref<!tpu.dma_semaphore, #tpu.memory_space<semaphore_mem>>)
    %dma_wait3A_371 = arith.constant 0 : i32
    %dma_wait3A_372 = arith.constant 0 : i32
    %dma_wait3A_373 = arith.constant 0 : i32
    %dma_wait3A_374 = tpu.memref_slice %arg22[%dma_wait3A_371, %dma_wait3A_372, %dma_wait3A_373] : memref<2x128x128xf32, #tpu.memory_space<vmem>> -> memref<1x128x128xf32, #tpu.memory_space<vmem>>
    %dma_wait3A_375 = tpu.memref_squeeze %dma_wait3A_374 : memref<1x128x128xf32, #tpu.memory_space<vmem>> -> memref<128x128xf32, #tpu.memory_space<vmem>>
    %dma_wait3A_376 = arith.constant 768 : i32
    %dma_wait3A_377 = tpu.memref_slice %arg21[%dma_wait3A_376] : memref<1280xi32, #tpu.memory_space<vmem>> -> memref<128xi32, #tpu.memory_space<vmem>>
    %dma_wait3A_378 = arith.constant 0 : i32
    %dma_wait3A_379 = arith.constant 0 : i32
    %dma_wait3A_380 = tpu.memref_slice %arg9[%dma_wait3A_378, %dma_wait3A_379] : memref<5120x128xf32, #tpu.memory_space<hbm>> -> memref<5120x128xf32, #tpu.memory_space<hbm>>
    tpu.wait_indirect_dma semaphore(%arg23 : memref<!tpu.dma_semaphore, #tpu.memory_space<semaphore_mem>>) src(%dma_wait3A_380 : memref<5120x128xf32, #tpu.memory_space<hbm>>) dst(%dma_wait3A_375 : memref<128x128xf32, #tpu.memory_space<vmem>>)
    %add3A_381 = arith.constant 768 : i32
    %add3A_382 = arith.addi %mul3A_52, %add3A_381 : i32
    %dma_start3A_383 = arith.constant 0 : i32
    %dma_start3A_384 = arith.constant 0 : i32
    %dma_start3A_385 = arith.constant 0 : i32
    %dma_start3A_386 = tpu.memref_slice %arg22[%dma_start3A_383, %dma_start3A_384, %dma_start3A_385] : memref<2x128x128xf32, #tpu.memory_space<vmem>> -> memref<1x128x128xf32, #tpu.memory_space<vmem>>
    %dma_start3A_387 = tpu.memref_squeeze %dma_start3A_386 : memref<1x128x128xf32, #tpu.memory_space<vmem>> -> memref<128x128xf32, #tpu.memory_space<vmem>>
    %dma_start3A_388 = arith.constant 0 : i32
    %dma_start3A_389 = tpu.memref_slice %arg11[%add3A_382, %dma_start3A_388] : memref<40960x128xf32, #tpu.memory_space<hbm>> -> memref<128x128xf32, #tpu.memory_space<hbm>>
    %dma_start3A_390 = arith.constant 0 : i32
    %dma_start3A_391 = tpu.memref_slice %arg11[%add3A_382, %dma_start3A_390] : memref<40960x128xf32, #tpu.memory_space<hbm>> -> memref<128x128xf32, #tpu.memory_space<hbm>>
    %dma_start3A_392 = arith.constant 0 : i32
    %dma_start3A_393 = arith.constant 0 : i32
    %dma_start3A_394 = tpu.memref_slice %arg22[%dma_start3A_383, %dma_start3A_392, %dma_start3A_393] : memref<2x128x128xf32, #tpu.memory_space<vmem>> -> memref<1x128x128xf32, #tpu.memory_space<vmem>>
    %dma_start3A_395 = tpu.memref_squeeze %dma_start3A_394 : memref<1x128x128xf32, #tpu.memory_space<vmem>> -> memref<128x128xf32, #tpu.memory_space<vmem>>
    tpu.enqueue_dma source(%dma_start3A_395 : memref<128x128xf32, #tpu.memory_space<vmem>>) target(%dma_start3A_391 : memref<128x128xf32, #tpu.memory_space<hbm>>) target_semaphore(%arg24 : memref<!tpu.dma_semaphore, #tpu.memory_space<semaphore_mem>>)
    %add3A_396 = arith.constant 768 : i32
    %add3A_397 = arith.addi %mul3A_52, %add3A_396 : i32
    %dma_wait3A_398 = arith.constant 0 : i32
    %dma_wait3A_399 = arith.constant 0 : i32
    %dma_wait3A_400 = arith.constant 0 : i32
    %dma_wait3A_401 = tpu.memref_slice %arg22[%dma_wait3A_398, %dma_wait3A_399, %dma_wait3A_400] : memref<2x128x128xf32, #tpu.memory_space<vmem>> -> memref<1x128x128xf32, #tpu.memory_space<vmem>>
    %dma_wait3A_402 = tpu.memref_squeeze %dma_wait3A_401 : memref<1x128x128xf32, #tpu.memory_space<vmem>> -> memref<128x128xf32, #tpu.memory_space<vmem>>
    %dma_wait3A_403 = arith.constant 0 : i32
    %dma_wait3A_404 = tpu.memref_slice %arg11[%add3A_397, %dma_wait3A_403] : memref<40960x128xf32, #tpu.memory_space<hbm>> -> memref<128x128xf32, #tpu.memory_space<hbm>>
    %dma_wait3A_405 = arith.constant 0 : i32
    %dma_wait3A_406 = tpu.memref_slice %arg11[%add3A_397, %dma_wait3A_405] : memref<40960x128xf32, #tpu.memory_space<hbm>> -> memref<128x128xf32, #tpu.memory_space<hbm>>
    %dma_wait3A_407 = arith.constant 0 : i32
    %dma_wait3A_408 = arith.constant 0 : i32
    %dma_wait3A_409 = tpu.memref_slice %arg22[%dma_wait3A_398, %dma_wait3A_407, %dma_wait3A_408] : memref<2x128x128xf32, #tpu.memory_space<vmem>> -> memref<1x128x128xf32, #tpu.memory_space<vmem>>
    %dma_wait3A_410 = tpu.memref_squeeze %dma_wait3A_409 : memref<1x128x128xf32, #tpu.memory_space<vmem>> -> memref<128x128xf32, #tpu.memory_space<vmem>>
    tpu.wait_dma2 semaphore(%arg24 : memref<!tpu.dma_semaphore, #tpu.memory_space<semaphore_mem>>) src(%dma_wait3A_410 : memref<128x128xf32, #tpu.memory_space<vmem>>) dst(%dma_wait3A_406 : memref<128x128xf32, #tpu.memory_space<hbm>>)
    %dma_start3A_411 = arith.constant 0 : i32
    %dma_start3A_412 = arith.constant 0 : i32
    %dma_start3A_413 = arith.constant 0 : i32
    %dma_start3A_414 = tpu.memref_slice %arg22[%dma_start3A_411, %dma_start3A_412, %dma_start3A_413] : memref<2x128x128xf32, #tpu.memory_space<vmem>> -> memref<1x128x128xf32, #tpu.memory_space<vmem>>
    %dma_start3A_415 = tpu.memref_squeeze %dma_start3A_414 : memref<1x128x128xf32, #tpu.memory_space<vmem>> -> memref<128x128xf32, #tpu.memory_space<vmem>>
    %dma_start3A_416 = arith.constant 1024 : i32
    %dma_start3A_417 = tpu.memref_slice %arg21[%dma_start3A_416] : memref<1280xi32, #tpu.memory_space<vmem>> -> memref<128xi32, #tpu.memory_space<vmem>>
    %dma_start3A_418 = arith.constant 0 : i32
    %dma_start3A_419 = arith.constant 0 : i32
    %dma_start3A_420 = tpu.memref_slice %arg9[%dma_start3A_418, %dma_start3A_419] : memref<5120x128xf32, #tpu.memory_space<hbm>> -> memref<5120x128xf32, #tpu.memory_space<hbm>>
    tpu.enqueue_indirect_dma source(%dma_start3A_420 : memref<5120x128xf32, #tpu.memory_space<hbm>>) target(%dma_start3A_415 : memref<128x128xf32, #tpu.memory_space<vmem>>) offsets(%dma_start3A_417 : memref<128xi32, #tpu.memory_space<vmem>>) semaphore(%arg23 : memref<!tpu.dma_semaphore, #tpu.memory_space<semaphore_mem>>)
    %dma_wait3A_421 = arith.constant 1 : i32
    %dma_wait3A_422 = arith.constant 0 : i32
    %dma_wait3A_423 = arith.constant 0 : i32
    %dma_wait3A_424 = tpu.memref_slice %arg22[%dma_wait3A_421, %dma_wait3A_422, %dma_wait3A_423] : memref<2x128x128xf32, #tpu.memory_space<vmem>> -> memref<1x128x128xf32, #tpu.memory_space<vmem>>
    %dma_wait3A_425 = tpu.memref_squeeze %dma_wait3A_424 : memref<1x128x128xf32, #tpu.memory_space<vmem>> -> memref<128x128xf32, #tpu.memory_space<vmem>>
    %dma_wait3A_426 = arith.constant 896 : i32
    %dma_wait3A_427 = tpu.memref_slice %arg21[%dma_wait3A_426] : memref<1280xi32, #tpu.memory_space<vmem>> -> memref<128xi32, #tpu.memory_space<vmem>>
    %dma_wait3A_428 = arith.constant 0 : i32
    %dma_wait3A_429 = arith.constant 0 : i32
    %dma_wait3A_430 = tpu.memref_slice %arg9[%dma_wait3A_428, %dma_wait3A_429] : memref<5120x128xf32, #tpu.memory_space<hbm>> -> memref<5120x128xf32, #tpu.memory_space<hbm>>
    tpu.wait_indirect_dma semaphore(%arg23 : memref<!tpu.dma_semaphore, #tpu.memory_space<semaphore_mem>>) src(%dma_wait3A_430 : memref<5120x128xf32, #tpu.memory_space<hbm>>) dst(%dma_wait3A_425 : memref<128x128xf32, #tpu.memory_space<vmem>>)
    %add3A_431 = arith.constant 896 : i32
    %add3A_432 = arith.addi %mul3A_52, %add3A_431 : i32
    %dma_start3A_433 = arith.constant 1 : i32
    %dma_start3A_434 = arith.constant 0 : i32
    %dma_start3A_435 = arith.constant 0 : i32
    %dma_start3A_436 = tpu.memref_slice %arg22[%dma_start3A_433, %dma_start3A_434, %dma_start3A_435] : memref<2x128x128xf32, #tpu.memory_space<vmem>> -> memref<1x128x128xf32, #tpu.memory_space<vmem>>
    %dma_start3A_437 = tpu.memref_squeeze %dma_start3A_436 : memref<1x128x128xf32, #tpu.memory_space<vmem>> -> memref<128x128xf32, #tpu.memory_space<vmem>>
    %dma_start3A_438 = arith.constant 0 : i32
    %dma_start3A_439 = tpu.memref_slice %arg11[%add3A_432, %dma_start3A_438] : memref<40960x128xf32, #tpu.memory_space<hbm>> -> memref<128x128xf32, #tpu.memory_space<hbm>>
    %dma_start3A_440 = arith.constant 0 : i32
    %dma_start3A_441 = tpu.memref_slice %arg11[%add3A_432, %dma_start3A_440] : memref<40960x128xf32, #tpu.memory_space<hbm>> -> memref<128x128xf32, #tpu.memory_space<hbm>>
    %dma_start3A_442 = arith.constant 0 : i32
    %dma_start3A_443 = arith.constant 0 : i32
    %dma_start3A_444 = tpu.memref_slice %arg22[%dma_start3A_433, %dma_start3A_442, %dma_start3A_443] : memref<2x128x128xf32, #tpu.memory_space<vmem>> -> memref<1x128x128xf32, #tpu.memory_space<vmem>>
    %dma_start3A_445 = tpu.memref_squeeze %dma_start3A_444 : memref<1x128x128xf32, #tpu.memory_space<vmem>> -> memref<128x128xf32, #tpu.memory_space<vmem>>
    tpu.enqueue_dma source(%dma_start3A_445 : memref<128x128xf32, #tpu.memory_space<vmem>>) target(%dma_start3A_441 : memref<128x128xf32, #tpu.memory_space<hbm>>) target_semaphore(%arg24 : memref<!tpu.dma_semaphore, #tpu.memory_space<semaphore_mem>>)
    %add3A_446 = arith.constant 896 : i32
    %add3A_447 = arith.addi %mul3A_52, %add3A_446 : i32
    %dma_wait3A_448 = arith.constant 1 : i32
    %dma_wait3A_449 = arith.constant 0 : i32
    %dma_wait3A_450 = arith.constant 0 : i32
    %dma_wait3A_451 = tpu.memref_slice %arg22[%dma_wait3A_448, %dma_wait3A_449, %dma_wait3A_450] : memref<2x128x128xf32, #tpu.memory_space<vmem>> -> memref<1x128x128xf32, #tpu.memory_space<vmem>>
    %dma_wait3A_452 = tpu.memref_squeeze %dma_wait3A_451 : memref<1x128x128xf32, #tpu.memory_space<vmem>> -> memref<128x128xf32, #tpu.memory_space<vmem>>
    %dma_wait3A_453 = arith.constant 0 : i32
    %dma_wait3A_454 = tpu.memref_slice %arg11[%add3A_447, %dma_wait3A_453] : memref<40960x128xf32, #tpu.memory_space<hbm>> -> memref<128x128xf32, #tpu.memory_space<hbm>>
    %dma_wait3A_455 = arith.constant 0 : i32
    %dma_wait3A_456 = tpu.memref_slice %arg11[%add3A_447, %dma_wait3A_455] : memref<40960x128xf32, #tpu.memory_space<hbm>> -> memref<128x128xf32, #tpu.memory_space<hbm>>
    %dma_wait3A_457 = arith.constant 0 : i32
    %dma_wait3A_458 = arith.constant 0 : i32
    %dma_wait3A_459 = tpu.memref_slice %arg22[%dma_wait3A_448, %dma_wait3A_457, %dma_wait3A_458] : memref<2x128x128xf32, #tpu.memory_space<vmem>> -> memref<1x128x128xf32, #tpu.memory_space<vmem>>
    %dma_wait3A_460 = tpu.memref_squeeze %dma_wait3A_459 : memref<1x128x128xf32, #tpu.memory_space<vmem>> -> memref<128x128xf32, #tpu.memory_space<vmem>>
    tpu.wait_dma2 semaphore(%arg24 : memref<!tpu.dma_semaphore, #tpu.memory_space<semaphore_mem>>) src(%dma_wait3A_460 : memref<128x128xf32, #tpu.memory_space<vmem>>) dst(%dma_wait3A_456 : memref<128x128xf32, #tpu.memory_space<hbm>>)
    %dma_start3A_461 = arith.constant 1 : i32
    %dma_start3A_462 = arith.constant 0 : i32
    %dma_start3A_463 = arith.constant 0 : i32
    %dma_start3A_464 = tpu.memref_slice %arg22[%dma_start3A_461, %dma_start3A_462, %dma_start3A_463] : memref<2x128x128xf32, #tpu.memory_space<vmem>> -> memref<1x128x128xf32, #tpu.memory_space<vmem>>
    %dma_start3A_465 = tpu.memref_squeeze %dma_start3A_464 : memref<1x128x128xf32, #tpu.memory_space<vmem>> -> memref<128x128xf32, #tpu.memory_space<vmem>>
    %dma_start3A_466 = arith.constant 1152 : i32
    %dma_start3A_467 = tpu.memref_slice %arg21[%dma_start3A_466] : memref<1280xi32, #tpu.memory_space<vmem>> -> memref<128xi32, #tpu.memory_space<vmem>>
    %dma_start3A_468 = arith.constant 0 : i32
    %dma_start3A_469 = arith.constant 0 : i32
    %dma_start3A_470 = tpu.memref_slice %arg9[%dma_start3A_468, %dma_start3A_469] : memref<5120x128xf32, #tpu.memory_space<hbm>> -> memref<5120x128xf32, #tpu.memory_space<hbm>>
    tpu.enqueue_indirect_dma source(%dma_start3A_470 : memref<5120x128xf32, #tpu.memory_space<hbm>>) target(%dma_start3A_465 : memref<128x128xf32, #tpu.memory_space<vmem>>) offsets(%dma_start3A_467 : memref<128xi32, #tpu.memory_space<vmem>>) semaphore(%arg23 : memref<!tpu.dma_semaphore, #tpu.memory_space<semaphore_mem>>)
    %dma_wait3A_471 = arith.constant 0 : i32
    %dma_wait3A_472 = arith.constant 0 : i32
    %dma_wait3A_473 = arith.constant 0 : i32
    %dma_wait3A_474 = tpu.memref_slice %arg22[%dma_wait3A_471, %dma_wait3A_472, %dma_wait3A_473] : memref<2x128x128xf32, #tpu.memory_space<vmem>> -> memref<1x128x128xf32, #tpu.memory_space<vmem>>
    %dma_wait3A_475 = tpu.memref_squeeze %dma_wait3A_474 : memref<1x128x128xf32, #tpu.memory_space<vmem>> -> memref<128x128xf32, #tpu.memory_space<vmem>>
    %dma_wait3A_476 = arith.constant 1024 : i32
    %dma_wait3A_477 = tpu.memref_slice %arg21[%dma_wait3A_476] : memref<1280xi32, #tpu.memory_space<vmem>> -> memref<128xi32, #tpu.memory_space<vmem>>
    %dma_wait3A_478 = arith.constant 0 : i32
    %dma_wait3A_479 = arith.constant 0 : i32
    %dma_wait3A_480 = tpu.memref_slice %arg9[%dma_wait3A_478, %dma_wait3A_479] : memref<5120x128xf32, #tpu.memory_space<hbm>> -> memref<5120x128xf32, #tpu.memory_space<hbm>>
    tpu.wait_indirect_dma semaphore(%arg23 : memref<!tpu.dma_semaphore, #tpu.memory_space<semaphore_mem>>) src(%dma_wait3A_480 : memref<5120x128xf32, #tpu.memory_space<hbm>>) dst(%dma_wait3A_475 : memref<128x128xf32, #tpu.memory_space<vmem>>)
    %add3A_481 = arith.constant 1024 : i32
    %add3A_482 = arith.addi %mul3A_52, %add3A_481 : i32
    %dma_start3A_483 = arith.constant 0 : i32
    %dma_start3A_484 = arith.constant 0 : i32
    %dma_start3A_485 = arith.constant 0 : i32
    %dma_start3A_486 = tpu.memref_slice %arg22[%dma_start3A_483, %dma_start3A_484, %dma_start3A_485] : memref<2x128x128xf32, #tpu.memory_space<vmem>> -> memref<1x128x128xf32, #tpu.memory_space<vmem>>
    %dma_start3A_487 = tpu.memref_squeeze %dma_start3A_486 : memref<1x128x128xf32, #tpu.memory_space<vmem>> -> memref<128x128xf32, #tpu.memory_space<vmem>>
    %dma_start3A_488 = arith.constant 0 : i32
    %dma_start3A_489 = tpu.memref_slice %arg11[%add3A_482, %dma_start3A_488] : memref<40960x128xf32, #tpu.memory_space<hbm>> -> memref<128x128xf32, #tpu.memory_space<hbm>>
    %dma_start3A_490 = arith.constant 0 : i32
    %dma_start3A_491 = tpu.memref_slice %arg11[%add3A_482, %dma_start3A_490] : memref<40960x128xf32, #tpu.memory_space<hbm>> -> memref<128x128xf32, #tpu.memory_space<hbm>>
    %dma_start3A_492 = arith.constant 0 : i32
    %dma_start3A_493 = arith.constant 0 : i32
    %dma_start3A_494 = tpu.memref_slice %arg22[%dma_start3A_483, %dma_start3A_492, %dma_start3A_493] : memref<2x128x128xf32, #tpu.memory_space<vmem>> -> memref<1x128x128xf32, #tpu.memory_space<vmem>>
    %dma_start3A_495 = tpu.memref_squeeze %dma_start3A_494 : memref<1x128x128xf32, #tpu.memory_space<vmem>> -> memref<128x128xf32, #tpu.memory_space<vmem>>
    tpu.enqueue_dma source(%dma_start3A_495 : memref<128x128xf32, #tpu.memory_space<vmem>>) target(%dma_start3A_491 : memref<128x128xf32, #tpu.memory_space<hbm>>) target_semaphore(%arg24 : memref<!tpu.dma_semaphore, #tpu.memory_space<semaphore_mem>>)
    %dma_wait3A_496 = arith.constant 1 : i32
    %dma_wait3A_497 = arith.constant 0 : i32
    %dma_wait3A_498 = arith.constant 0 : i32
    %dma_wait3A_499 = tpu.memref_slice %arg22[%dma_wait3A_496, %dma_wait3A_497, %dma_wait3A_498] : memref<2x128x128xf32, #tpu.memory_space<vmem>> -> memref<1x128x128xf32, #tpu.memory_space<vmem>>
    %dma_wait3A_500 = tpu.memref_squeeze %dma_wait3A_499 : memref<1x128x128xf32, #tpu.memory_space<vmem>> -> memref<128x128xf32, #tpu.memory_space<vmem>>
    %dma_wait3A_501 = arith.constant 1152 : i32
    %dma_wait3A_502 = tpu.memref_slice %arg21[%dma_wait3A_501] : memref<1280xi32, #tpu.memory_space<vmem>> -> memref<128xi32, #tpu.memory_space<vmem>>
    %dma_wait3A_503 = arith.constant 0 : i32
    %dma_wait3A_504 = arith.constant 0 : i32
    %dma_wait3A_505 = tpu.memref_slice %arg9[%dma_wait3A_503, %dma_wait3A_504] : memref<5120x128xf32, #tpu.memory_space<hbm>> -> memref<5120x128xf32, #tpu.memory_space<hbm>>
    tpu.wait_indirect_dma semaphore(%arg23 : memref<!tpu.dma_semaphore, #tpu.memory_space<semaphore_mem>>) src(%dma_wait3A_505 : memref<5120x128xf32, #tpu.memory_space<hbm>>) dst(%dma_wait3A_500 : memref<128x128xf32, #tpu.memory_space<vmem>>)
    %add3A_506 = arith.constant 1152 : i32
    %add3A_507 = arith.addi %mul3A_52, %add3A_506 : i32
    %dma_start3A_508 = arith.constant 1 : i32
    %dma_start3A_509 = arith.constant 0 : i32
    %dma_start3A_510 = arith.constant 0 : i32
    %dma_start3A_511 = tpu.memref_slice %arg22[%dma_start3A_508, %dma_start3A_509, %dma_start3A_510] : memref<2x128x128xf32, #tpu.memory_space<vmem>> -> memref<1x128x128xf32, #tpu.memory_space<vmem>>
    %dma_start3A_512 = tpu.memref_squeeze %dma_start3A_511 : memref<1x128x128xf32, #tpu.memory_space<vmem>> -> memref<128x128xf32, #tpu.memory_space<vmem>>
    %dma_start3A_513 = arith.constant 0 : i32
    %dma_start3A_514 = tpu.memref_slice %arg11[%add3A_507, %dma_start3A_513] : memref<40960x128xf32, #tpu.memory_space<hbm>> -> memref<128x128xf32, #tpu.memory_space<hbm>>
    %dma_start3A_515 = arith.constant 0 : i32
    %dma_start3A_516 = tpu.memref_slice %arg11[%add3A_507, %dma_start3A_515] : memref<40960x128xf32, #tpu.memory_space<hbm>> -> memref<128x128xf32, #tpu.memory_space<hbm>>
    %dma_start3A_517 = arith.constant 0 : i32
    %dma_start3A_518 = arith.constant 0 : i32
    %dma_start3A_519 = tpu.memref_slice %arg22[%dma_start3A_508, %dma_start3A_517, %dma_start3A_518] : memref<2x128x128xf32, #tpu.memory_space<vmem>> -> memref<1x128x128xf32, #tpu.memory_space<vmem>>
    %dma_start3A_520 = tpu.memref_squeeze %dma_start3A_519 : memref<1x128x128xf32, #tpu.memory_space<vmem>> -> memref<128x128xf32, #tpu.memory_space<vmem>>
    tpu.enqueue_dma source(%dma_start3A_520 : memref<128x128xf32, #tpu.memory_space<vmem>>) target(%dma_start3A_516 : memref<128x128xf32, #tpu.memory_space<hbm>>) target_semaphore(%arg24 : memref<!tpu.dma_semaphore, #tpu.memory_space<semaphore_mem>>)
    %add3A_521 = arith.constant 1024 : i32
    %add3A_522 = arith.addi %mul3A_52, %add3A_521 : i32
    %dma_wait3A_523 = arith.constant 0 : i32
    %dma_wait3A_524 = arith.constant 0 : i32
    %dma_wait3A_525 = arith.constant 0 : i32
    %dma_wait3A_526 = tpu.memref_slice %arg22[%dma_wait3A_523, %dma_wait3A_524, %dma_wait3A_525] : memref<2x128x128xf32, #tpu.memory_space<vmem>> -> memref<1x128x128xf32, #tpu.memory_space<vmem>>
    %dma_wait3A_527 = tpu.memref_squeeze %dma_wait3A_526 : memref<1x128x128xf32, #tpu.memory_space<vmem>> -> memref<128x128xf32, #tpu.memory_space<vmem>>
    %dma_wait3A_528 = arith.constant 0 : i32
    %dma_wait3A_529 = tpu.memref_slice %arg11[%add3A_522, %dma_wait3A_528] : memref<40960x128xf32, #tpu.memory_space<hbm>> -> memref<128x128xf32, #tpu.memory_space<hbm>>
    %dma_wait3A_530 = arith.constant 0 : i32
    %dma_wait3A_531 = tpu.memref_slice %arg11[%add3A_522, %dma_wait3A_530] : memref<40960x128xf32, #tpu.memory_space<hbm>> -> memref<128x128xf32, #tpu.memory_space<hbm>>
    %dma_wait3A_532 = arith.constant 0 : i32
    %dma_wait3A_533 = arith.constant 0 : i32
    %dma_wait3A_534 = tpu.memref_slice %arg22[%dma_wait3A_523, %dma_wait3A_532, %dma_wait3A_533] : memref<2x128x128xf32, #tpu.memory_space<vmem>> -> memref<1x128x128xf32, #tpu.memory_space<vmem>>
    %dma_wait3A_535 = tpu.memref_squeeze %dma_wait3A_534 : memref<1x128x128xf32, #tpu.memory_space<vmem>> -> memref<128x128xf32, #tpu.memory_space<vmem>>
    tpu.wait_dma2 semaphore(%arg24 : memref<!tpu.dma_semaphore, #tpu.memory_space<semaphore_mem>>) src(%dma_wait3A_535 : memref<128x128xf32, #tpu.memory_space<vmem>>) dst(%dma_wait3A_531 : memref<128x128xf32, #tpu.memory_space<hbm>>)
    %add3A_536 = arith.constant 1152 : i32
    %add3A_537 = arith.addi %mul3A_52, %add3A_536 : i32
    %dma_wait3A_538 = arith.constant 1 : i32
    %dma_wait3A_539 = arith.constant 0 : i32
    %dma_wait3A_540 = arith.constant 0 : i32
    %dma_wait3A_541 = tpu.memref_slice %arg22[%dma_wait3A_538, %dma_wait3A_539, %dma_wait3A_540] : memref<2x128x128xf32, #tpu.memory_space<vmem>> -> memref<1x128x128xf32, #tpu.memory_space<vmem>>
    %dma_wait3A_542 = tpu.memref_squeeze %dma_wait3A_541 : memref<1x128x128xf32, #tpu.memory_space<vmem>> -> memref<128x128xf32, #tpu.memory_space<vmem>>
    %dma_wait3A_543 = arith.constant 0 : i32
    %dma_wait3A_544 = tpu.memref_slice %arg11[%add3A_537, %dma_wait3A_543] : memref<40960x128xf32, #tpu.memory_space<hbm>> -> memref<128x128xf32, #tpu.memory_space<hbm>>
    %dma_wait3A_545 = arith.constant 0 : i32
    %dma_wait3A_546 = tpu.memref_slice %arg11[%add3A_537, %dma_wait3A_545] : memref<40960x128xf32, #tpu.memory_space<hbm>> -> memref<128x128xf32, #tpu.memory_space<hbm>>
    %dma_wait3A_547 = arith.constant 0 : i32
    %dma_wait3A_548 = arith.constant 0 : i32
    %dma_wait3A_549 = tpu.memref_slice %arg22[%dma_wait3A_538, %dma_wait3A_547, %dma_wait3A_548] : memref<2x128x128xf32, #tpu.memory_space<vmem>> -> memref<1x128x128xf32, #tpu.memory_space<vmem>>
    %dma_wait3A_550 = tpu.memref_squeeze %dma_wait3A_549 : memref<1x128x128xf32, #tpu.memory_space<vmem>> -> memref<128x128xf32, #tpu.memory_space<vmem>>
    tpu.wait_dma2 semaphore(%arg24 : memref<!tpu.dma_semaphore, #tpu.memory_space<semaphore_mem>>) src(%dma_wait3A_550 : memref<128x128xf32, #tpu.memory_space<vmem>>) dst(%dma_wait3A_546 : memref<128x128xf32, #tpu.memory_space<hbm>>)
    return
  }
}

module attributes {stable_mosaic.version = 14 : i64} {
  func.func @_fps_body(%arg0: memref<8x1280xf32, #tpu.memory_space<vmem>>, %arg1: memref<8x1280xf32, #tpu.memory_space<vmem>>, %arg2: memref<8x1280xf32, #tpu.memory_space<vmem>>, %arg3: memref<625x32xf32, #tpu.memory_space<vmem>>) attributes {dimension_semantics = [], scalar_prefetch = 0 : i64, scratch_operands = 0 : i64, tpu.core_type = #tpu.core_type<tc>} {
    %get3A = arith.constant 0 : index
    %get3A_0 = arith.constant 0 : index
    %get3A_1 = vector.load %arg0[%get3A, %get3A_0] : memref<8x1280xf32, #tpu.memory_space<vmem>>, vector<8x1280xf32>
    %get3A_2 = arith.constant 0 : index
    %get3A_3 = arith.constant 0 : index
    %get3A_4 = vector.load %arg1[%get3A_2, %get3A_3] : memref<8x1280xf32, #tpu.memory_space<vmem>>, vector<8x1280xf32>
    %get3A_5 = arith.constant 0 : index
    %get3A_6 = arith.constant 0 : index
    %get3A_7 = vector.load %arg2[%get3A_5, %get3A_6] : memref<8x1280xf32, #tpu.memory_space<vmem>>, vector<8x1280xf32>
    %concatenate3A = tpu.concatenate %get3A_1, %get3A_4, %get3A_7 in 0 : vector<8x1280xf32>, vector<8x1280xf32>, vector<8x1280xf32> -> vector<24x1280xf32>
    %iota3A = tpu.iota {dimensions = array<i32: 1>} : vector<8x1280xi32>
    %ge3A = arith.constant 1250 : i32
    %ge3A_8 = vector.broadcast %ge3A : i32 to vector<8x1280xi32>
    %ge3A_9 = arith.cmpi sge, %iota3A, %ge3A_8 : vector<8x1280xi32>
    %jit3A = arith.constant 0xFF800000 : f32
    %jit3A_10 = arith.constant 0x7F800000 : f32
    %broadcast_in_dim3A = vector.broadcast %jit3A : f32 to vector<8x1280xf32>
    %broadcast_in_dim3A_11 = vector.broadcast %jit3A_10 : f32 to vector<8x1280xf32>
    %select_n3A = arith.select %ge3A_9, %broadcast_in_dim3A, %broadcast_in_dim3A_11 : vector<8x1280xi1>, vector<8x1280xf32>
    %iota3A_12 = tpu.iota {dimensions = array<i32: 0>} : vector<8x8xi32>
    %iota3A_13 = tpu.iota {dimensions = array<i32: 1>} : vector<8x8xi32>
    %eq3A = arith.cmpi eq, %iota3A_12, %iota3A_13 : vector<8x8xi32>
    %convert_element_type3A = arith.extui %eq3A : vector<8x8xi1> to vector<8x8xi32>
    %convert_element_type3A_14 = arith.sitofp %convert_element_type3A : vector<8x8xi32> to vector<8x8xf32>
    %slice3A = vector.extract_strided_slice %concatenate3A {offsets = [0, 0], sizes = [24, 1], strides = [1, 1]} : vector<24x1280xf32> to vector<24x1xf32>
    %broadcast_in_dim3A_15 = arith.constant 0.000000e+00 : f32
    %broadcast_in_dim3A_16 = vector.broadcast %broadcast_in_dim3A_15 : f32 to vector<8x1xf32>
    %slice3A_17 = vector.extract_strided_slice %slice3A {offsets = [0, 0], sizes = [8, 1], strides = [1, 1]} : vector<24x1xf32> to vector<8x1xf32>
    %mul3A = vector.broadcast %slice3A_17 : vector<8x1xf32> to vector<8x8xf32>
    %mul3A_18 = arith.mulf %mul3A, %convert_element_type3A_14 : vector<8x8xf32>
    %reduce_sum3A = arith.constant dense<0.000000e+00> : vector<8xf32>
    %reduce_sum3A_19 = vector.multi_reduction <add>, %mul3A_18, %reduce_sum3A [0] : vector<8x8xf32> to vector<8xf32>
    %broadcast_in_dim3A_20 = vector.shape_cast %reduce_sum3A_19 : vector<8xf32> to vector<1x8xf32>
    %slice3A_21 = vector.extract_strided_slice %slice3A {offsets = [8, 0], sizes = [8, 1], strides = [1, 1]} : vector<24x1xf32> to vector<8x1xf32>
    %mul3A_22 = vector.broadcast %slice3A_21 : vector<8x1xf32> to vector<8x8xf32>
    %mul3A_23 = arith.mulf %mul3A_22, %convert_element_type3A_14 : vector<8x8xf32>
    %reduce_sum3A_24 = arith.constant dense<0.000000e+00> : vector<8xf32>
    %reduce_sum3A_25 = vector.multi_reduction <add>, %mul3A_23, %reduce_sum3A_24 [0] : vector<8x8xf32> to vector<8xf32>
    %broadcast_in_dim3A_26 = vector.shape_cast %reduce_sum3A_25 : vector<8xf32> to vector<1x8xf32>
    %slice3A_27 = vector.extract_strided_slice %slice3A {offsets = [16, 0], sizes = [8, 1], strides = [1, 1]} : vector<24x1xf32> to vector<8x1xf32>
    %mul3A_28 = vector.broadcast %slice3A_27 : vector<8x1xf32> to vector<8x8xf32>
    %mul3A_29 = arith.mulf %mul3A_28, %convert_element_type3A_14 : vector<8x8xf32>
    %reduce_sum3A_30 = arith.constant dense<0.000000e+00> : vector<8xf32>
    %reduce_sum3A_31 = vector.multi_reduction <add>, %mul3A_29, %reduce_sum3A_30 [0] : vector<8x8xf32> to vector<8xf32>
    %broadcast_in_dim3A_32 = vector.shape_cast %reduce_sum3A_31 : vector<8xf32> to vector<1x8xf32>
    %mul3A_33 = vector.broadcast %broadcast_in_dim3A_16 : vector<8x1xf32> to vector<8x8xf32>
    %mul3A_34 = arith.mulf %mul3A_33, %convert_element_type3A_14 : vector<8x8xf32>
    %reduce_sum3A_35 = arith.constant dense<0.000000e+00> : vector<8xf32>
    %reduce_sum3A_36 = vector.multi_reduction <add>, %mul3A_34, %reduce_sum3A_35 [0] : vector<8x8xf32> to vector<8xf32>
    %broadcast_in_dim3A_37 = vector.shape_cast %reduce_sum3A_36 : vector<8xf32> to vector<1x8xf32>
    %concatenate3A_38 = tpu.concatenate %broadcast_in_dim3A_20, %broadcast_in_dim3A_26, %broadcast_in_dim3A_32, %broadcast_in_dim3A_37 in 1 : vector<1x8xf32>, vector<1x8xf32>, vector<1x8xf32>, vector<1x8xf32> -> vector<1x32xf32>
    %swap3A = arith.constant 0 : index
    %swap3A_39 = arith.constant 0 : index
    %swap3A_40 = vector.load %arg3[%swap3A, %swap3A_39] : memref<625x32xf32, #tpu.memory_space<vmem>>, vector<1x32xf32>
    tpu.vector_store %arg3[%swap3A, %swap3A_39], %concatenate3A_38 {strides = array<i32>} : memref<625x32xf32, #tpu.memory_space<vmem>>, vector<1x32xf32>,
    %scan3A = arith.constant 1 : i32
    %scan3A_41 = arith.constant 624 : i32
    %scan3A_42 = arith.addi %scan3A, %scan3A_41 : i32
    %scan3A_43 = arith.constant 1 : i32
    %scan3A_44:2 = scf.for %scan3A_46 = %scan3A to %scan3A_42 step %scan3A_43 iter_args(%scan3A_47 = %slice3A, %scan3A_48 = %select_n3A) -> (vector<24x1xf32>, vector<8x1280xf32>)  : i32 {
      %sub3A = vector.broadcast %scan3A_47 : vector<24x1xf32> to vector<24x1280xf32>
      %sub3A_49 = arith.subf %concatenate3A, %sub3A : vector<24x1280xf32>
      %mul3A_50 = arith.mulf %sub3A_49, %sub3A_49 : vector<24x1280xf32>
      %slice3A_51 = vector.extract_strided_slice %mul3A_50 {offsets = [0, 0], sizes = [8, 1280], strides = [1, 1]} : vector<24x1280xf32> to vector<8x1280xf32>
      %slice3A_52 = vector.extract_strided_slice %mul3A_50 {offsets = [8, 0], sizes = [8, 1280], strides = [1, 1]} : vector<24x1280xf32> to vector<8x1280xf32>
      %add3A = arith.addf %slice3A_51, %slice3A_52 : vector<8x1280xf32>
      %slice3A_53 = vector.extract_strided_slice %mul3A_50 {offsets = [16, 0], sizes = [8, 1280], strides = [1, 1]} : vector<24x1280xf32> to vector<8x1280xf32>
      %add3A_54 = arith.addf %add3A, %slice3A_53 : vector<8x1280xf32>
      %min3A = arith.minimumf %scan3A_48, %add3A_54 : vector<8x1280xf32>
      %reduce_max3A = arith.constant dense<0xFF800000> : vector<8xf32>
      %reduce_max3A_55 = vector.multi_reduction <maximumf>, %min3A, %reduce_max3A [1] : vector<8x1280xf32> to vector<8xf32>
      %broadcast_in_dim3A_56 = vector.shape_cast %reduce_max3A_55 : vector<8xf32> to vector<8x1xf32>
      %eq3A_57 = vector.broadcast %broadcast_in_dim3A_56 : vector<8x1xf32> to vector<8x1280xf32>
      %eq3A_58 = arith.cmpf oeq, %min3A, %eq3A_57 : vector<8x1280xf32>
      %convert_element_type3A_59 = arith.extui %eq3A_58 : vector<8x1280xi1> to vector<8x1280xi32>
      %convert_element_type3A_60 = arith.sitofp %convert_element_type3A_59 : vector<8x1280xi32> to vector<8x1280xf32>
      %jit3A_61 = arith.constant 1280 : i32
      %broadcast_in_dim3A_62 = vector.broadcast %jit3A_61 : i32 to vector<8x1280xi32>
      %select_n3A_63 = arith.select %eq3A_58, %iota3A, %broadcast_in_dim3A_62 : vector<8x1280xi1>, vector<8x1280xi32>
      %reduce_min3A = arith.constant dense<2147483647> : vector<8xi32>
      %reduce_min3A_64 = vector.multi_reduction <minsi>, %select_n3A_63, %reduce_min3A [1] : vector<8x1280xi32> to vector<8xi32>
      %broadcast_in_dim3A_65 = vector.shape_cast %reduce_min3A_64 : vector<8xi32> to vector<8x1xi32>
      %reduce_sum3A_66 = arith.constant dense<0.000000e+00> : vector<8xf32>
      %reduce_sum3A_67 = vector.multi_reduction <add>, %convert_element_type3A_60, %reduce_sum3A_66 [1] : vector<8x1280xf32> to vector<8xf32>
      %broadcast_in_dim3A_68 = vector.shape_cast %reduce_sum3A_67 : vector<8xf32> to vector<8x1xf32>
      %concatenate3A_69 = tpu.concatenate %convert_element_type3A_60, %convert_element_type3A_60, %convert_element_type3A_60 in 0 : vector<8x1280xf32>, vector<8x1280xf32>, vector<8x1280xf32> -> vector<24x1280xf32>
      %mul3A_70 = arith.mulf %concatenate3A, %concatenate3A_69 : vector<24x1280xf32>
      %reduce_sum3A_71 = arith.constant dense<0.000000e+00> : vector<24xf32>
      %reduce_sum3A_72 = vector.multi_reduction <add>, %mul3A_70, %reduce_sum3A_71 [1] : vector<24x1280xf32> to vector<24xf32>
      %broadcast_in_dim3A_73 = vector.shape_cast %reduce_sum3A_72 : vector<24xf32> to vector<24x1xf32>
      %reduce_max3A_74 = vector.shape_cast %broadcast_in_dim3A_68 : vector<8x1xf32> to vector<1x8x1xf32>
      %reduce_max3A_75 = arith.constant dense<0xFF800000> : vector<1xf32>
      %reduce_max3A_76 = vector.multi_reduction <maximumf>, %reduce_max3A_74, %reduce_max3A_75 [1, 2] : vector<1x8x1xf32> to vector<1xf32>
      %reduce_max3A_77 = vector.shape_cast %reduce_max3A_76 : vector<1xf32> to vector<1x1x1xf32>
      %reduce_max3A_78 = vector.extract %reduce_max3A_77[0, 0, 0] : f32 from vector<1x1x1xf32>
      %gt3A = arith.constant 1.500000e+00 : f32
      %gt3A_79 = arith.cmpf ogt, %reduce_max3A_78, %gt3A : f32
      %convert_element_type3A_80 = arith.extui %gt3A_79 : i1 to i32
      %cond3A = arith.constant 0 : i32
      %cond3A_81 = arith.cmpi ne, %convert_element_type3A_80, %cond3A : i32
      %cond3A_82 = scf.if %cond3A_81 -> (vector<24x1xf32>) {
        %eq3A_111 = vector.broadcast %broadcast_in_dim3A_65 : vector<8x1xi32> to vector<8x1280xi32>
        %eq3A_112 = arith.cmpi eq, %iota3A, %eq3A_111 : vector<8x1280xi32>
        %concatenate3A_113 = tpu.concatenate %eq3A_112, %eq3A_112, %eq3A_112 in 0 : vector<8x1280xi1>, vector<8x1280xi1>, vector<8x1280xi1> -> vector<24x1280xi1>
        %neg3A = arith.constant 0.000000e+00 : f32
        %neg3A_114 = vector.broadcast %neg3A : f32 to vector<24x1280xf32>
        %neg3A_115 = arith.subf %neg3A_114, %concatenate3A : vector<24x1280xf32>
        %jit3A_116 = arith.constant 0x7F800000 : f32
        %broadcast_in_dim3A_117 = vector.broadcast %jit3A_116 : f32 to vector<24x1280xf32>
        %select_n3A_118 = arith.select %concatenate3A_113, %neg3A_115, %broadcast_in_dim3A_117 : vector<24x1280xi1>, vector<24x1280xf32>
        %reduce_min3A_119 = arith.constant dense<0x7F800000> : vector<24xf32>
        %reduce_min3A_120 = vector.multi_reduction <minimumf>, %select_n3A_118, %reduce_min3A_119 [1] : vector<24x1280xf32> to vector<24xf32>
        %broadcast_in_dim3A_121 = vector.shape_cast %reduce_min3A_120 : vector<24xf32> to vector<24x1xf32>
        %neg3A_122 = arith.constant 0.000000e+00 : f32
        %neg3A_123 = vector.broadcast %neg3A_122 : f32 to vector<24x1xf32>
        %neg3A_124 = arith.subf %neg3A_123, %broadcast_in_dim3A_121 : vector<24x1xf32>
        scf.yield %neg3A_124 : vector<24x1xf32>
      } else {
        scf.yield %broadcast_in_dim3A_73 : vector<24x1xf32>
      }
      %convert_element_type3A_83 = arith.sitofp %broadcast_in_dim3A_65 : vector<8x1xi32> to vector<8x1xf32>
      %slice3A_84 = vector.extract_strided_slice %cond3A_82 {offsets = [0, 0], sizes = [8, 1], strides = [1, 1]} : vector<24x1xf32> to vector<8x1xf32>
      %mul3A_85 = vector.broadcast %slice3A_84 : vector<8x1xf32> to vector<8x8xf32>
      %mul3A_86 = arith.mulf %mul3A_85, %convert_element_type3A_14 : vector<8x8xf32>
      %reduce_sum3A_87 = arith.constant dense<0.000000e+00> : vector<8xf32>
      %reduce_sum3A_88 = vector.multi_reduction <add>, %mul3A_86, %reduce_sum3A_87 [0] : vector<8x8xf32> to vector<8xf32>
      %broadcast_in_dim3A_89 = vector.shape_cast %reduce_sum3A_88 : vector<8xf32> to vector<1x8xf32>
      %slice3A_90 = vector.extract_strided_slice %cond3A_82 {offsets = [8, 0], sizes = [8, 1], strides = [1, 1]} : vector<24x1xf32> to vector<8x1xf32>
      %mul3A_91 = vector.broadcast %slice3A_90 : vector<8x1xf32> to vector<8x8xf32>
      %mul3A_92 = arith.mulf %mul3A_91, %convert_element_type3A_14 : vector<8x8xf32>
      %reduce_sum3A_93 = arith.constant dense<0.000000e+00> : vector<8xf32>
      %reduce_sum3A_94 = vector.multi_reduction <add>, %mul3A_92, %reduce_sum3A_93 [0] : vector<8x8xf32> to vector<8xf32>
      %broadcast_in_dim3A_95 = vector.shape_cast %reduce_sum3A_94 : vector<8xf32> to vector<1x8xf32>
      %slice3A_96 = vector.extract_strided_slice %cond3A_82 {offsets = [16, 0], sizes = [8, 1], strides = [1, 1]} : vector<24x1xf32> to vector<8x1xf32>
      %mul3A_97 = vector.broadcast %slice3A_96 : vector<8x1xf32> to vector<8x8xf32>
      %mul3A_98 = arith.mulf %mul3A_97, %convert_element_type3A_14 : vector<8x8xf32>
      %reduce_sum3A_99 = arith.constant dense<0.000000e+00> : vector<8xf32>
      %reduce_sum3A_100 = vector.multi_reduction <add>, %mul3A_98, %reduce_sum3A_99 [0] : vector<8x8xf32> to vector<8xf32>
      %broadcast_in_dim3A_101 = vector.shape_cast %reduce_sum3A_100 : vector<8xf32> to vector<1x8xf32>
      %mul3A_102 = vector.broadcast %convert_element_type3A_83 : vector<8x1xf32> to vector<8x8xf32>
      %mul3A_103 = arith.mulf %mul3A_102, %convert_element_type3A_14 : vector<8x8xf32>
      %reduce_sum3A_104 = arith.constant dense<0.000000e+00> : vector<8xf32>
      %reduce_sum3A_105 = vector.multi_reduction <add>, %mul3A_103, %reduce_sum3A_104 [0] : vector<8x8xf32> to vector<8xf32>
      %broadcast_in_dim3A_106 = vector.shape_cast %reduce_sum3A_105 : vector<8xf32> to vector<1x8xf32>
      %concatenate3A_107 = tpu.concatenate %broadcast_in_dim3A_89, %broadcast_in_dim3A_95, %broadcast_in_dim3A_101, %broadcast_in_dim3A_106 in 1 : vector<1x8xf32>, vector<1x8xf32>, vector<1x8xf32>, vector<1x8xf32> -> vector<1x32xf32>
      %swap3A_108 = arith.index_cast %scan3A_46 : i32 to index
      %swap3A_109 = arith.constant 0 : index
      %swap3A_110 = vector.load %arg3[%swap3A_108, %swap3A_109] : memref<625x32xf32, #tpu.memory_space<vmem>>, vector<1x32xf32>
      tpu.vector_store %arg3[%swap3A_108, %swap3A_109], %concatenate3A_107 {strides = array<i32>} : memref<625x32xf32, #tpu.memory_space<vmem>>, vector<1x32xf32>,
      scf.yield %cond3A_82, %min3A : vector<24x1xf32>, vector<8x1280xf32>
    }
    %scan3A_45 = arith.constant 624 : i32
    return
  }
}

module attributes {stable_mosaic.version = 14 : i64} {
  func.func @_fps_body(%arg0: memref<8x640xf32, #tpu.memory_space<vmem>>, %arg1: memref<8x640xf32, #tpu.memory_space<vmem>>, %arg2: memref<8x640xf32, #tpu.memory_space<vmem>>, %arg3: memref<157x32xf32, #tpu.memory_space<vmem>>) attributes {dimension_semantics = [], scalar_prefetch = 0 : i64, scratch_operands = 0 : i64, tpu.core_type = #tpu.core_type<tc>} {
    %get3A = arith.constant 0 : index
    %get3A_0 = arith.constant 0 : index
    %get3A_1 = vector.load %arg0[%get3A, %get3A_0] : memref<8x640xf32, #tpu.memory_space<vmem>>, vector<8x640xf32>
    %get3A_2 = arith.constant 0 : index
    %get3A_3 = arith.constant 0 : index
    %get3A_4 = vector.load %arg1[%get3A_2, %get3A_3] : memref<8x640xf32, #tpu.memory_space<vmem>>, vector<8x640xf32>
    %get3A_5 = arith.constant 0 : index
    %get3A_6 = arith.constant 0 : index
    %get3A_7 = vector.load %arg2[%get3A_5, %get3A_6] : memref<8x640xf32, #tpu.memory_space<vmem>>, vector<8x640xf32>
    %concatenate3A = tpu.concatenate %get3A_1, %get3A_4, %get3A_7 in 0 : vector<8x640xf32>, vector<8x640xf32>, vector<8x640xf32> -> vector<24x640xf32>
    %iota3A = tpu.iota {dimensions = array<i32: 1>} : vector<8x640xi32>
    %ge3A = arith.constant 625 : i32
    %ge3A_8 = vector.broadcast %ge3A : i32 to vector<8x640xi32>
    %ge3A_9 = arith.cmpi sge, %iota3A, %ge3A_8 : vector<8x640xi32>
    %jit3A = arith.constant 0xFF800000 : f32
    %jit3A_10 = arith.constant 0x7F800000 : f32
    %broadcast_in_dim3A = vector.broadcast %jit3A : f32 to vector<8x640xf32>
    %broadcast_in_dim3A_11 = vector.broadcast %jit3A_10 : f32 to vector<8x640xf32>
    %select_n3A = arith.select %ge3A_9, %broadcast_in_dim3A, %broadcast_in_dim3A_11 : vector<8x640xi1>, vector<8x640xf32>
    %iota3A_12 = tpu.iota {dimensions = array<i32: 0>} : vector<8x8xi32>
    %iota3A_13 = tpu.iota {dimensions = array<i32: 1>} : vector<8x8xi32>
    %eq3A = arith.cmpi eq, %iota3A_12, %iota3A_13 : vector<8x8xi32>
    %convert_element_type3A = arith.extui %eq3A : vector<8x8xi1> to vector<8x8xi32>
    %convert_element_type3A_14 = arith.sitofp %convert_element_type3A : vector<8x8xi32> to vector<8x8xf32>
    %slice3A = vector.extract_strided_slice %concatenate3A {offsets = [0, 0], sizes = [24, 1], strides = [1, 1]} : vector<24x640xf32> to vector<24x1xf32>
    %broadcast_in_dim3A_15 = arith.constant 0.000000e+00 : f32
    %broadcast_in_dim3A_16 = vector.broadcast %broadcast_in_dim3A_15 : f32 to vector<8x1xf32>
    %slice3A_17 = vector.extract_strided_slice %slice3A {offsets = [0, 0], sizes = [8, 1], strides = [1, 1]} : vector<24x1xf32> to vector<8x1xf32>
    %mul3A = vector.broadcast %slice3A_17 : vector<8x1xf32> to vector<8x8xf32>
    %mul3A_18 = arith.mulf %mul3A, %convert_element_type3A_14 : vector<8x8xf32>
    %reduce_sum3A = arith.constant dense<0.000000e+00> : vector<8xf32>
    %reduce_sum3A_19 = vector.multi_reduction <add>, %mul3A_18, %reduce_sum3A [0] : vector<8x8xf32> to vector<8xf32>
    %broadcast_in_dim3A_20 = vector.shape_cast %reduce_sum3A_19 : vector<8xf32> to vector<1x8xf32>
    %slice3A_21 = vector.extract_strided_slice %slice3A {offsets = [8, 0], sizes = [8, 1], strides = [1, 1]} : vector<24x1xf32> to vector<8x1xf32>
    %mul3A_22 = vector.broadcast %slice3A_21 : vector<8x1xf32> to vector<8x8xf32>
    %mul3A_23 = arith.mulf %mul3A_22, %convert_element_type3A_14 : vector<8x8xf32>
    %reduce_sum3A_24 = arith.constant dense<0.000000e+00> : vector<8xf32>
    %reduce_sum3A_25 = vector.multi_reduction <add>, %mul3A_23, %reduce_sum3A_24 [0] : vector<8x8xf32> to vector<8xf32>
    %broadcast_in_dim3A_26 = vector.shape_cast %reduce_sum3A_25 : vector<8xf32> to vector<1x8xf32>
    %slice3A_27 = vector.extract_strided_slice %slice3A {offsets = [16, 0], sizes = [8, 1], strides = [1, 1]} : vector<24x1xf32> to vector<8x1xf32>
    %mul3A_28 = vector.broadcast %slice3A_27 : vector<8x1xf32> to vector<8x8xf32>
    %mul3A_29 = arith.mulf %mul3A_28, %convert_element_type3A_14 : vector<8x8xf32>
    %reduce_sum3A_30 = arith.constant dense<0.000000e+00> : vector<8xf32>
    %reduce_sum3A_31 = vector.multi_reduction <add>, %mul3A_29, %reduce_sum3A_30 [0] : vector<8x8xf32> to vector<8xf32>
    %broadcast_in_dim3A_32 = vector.shape_cast %reduce_sum3A_31 : vector<8xf32> to vector<1x8xf32>
    %mul3A_33 = vector.broadcast %broadcast_in_dim3A_16 : vector<8x1xf32> to vector<8x8xf32>
    %mul3A_34 = arith.mulf %mul3A_33, %convert_element_type3A_14 : vector<8x8xf32>
    %reduce_sum3A_35 = arith.constant dense<0.000000e+00> : vector<8xf32>
    %reduce_sum3A_36 = vector.multi_reduction <add>, %mul3A_34, %reduce_sum3A_35 [0] : vector<8x8xf32> to vector<8xf32>
    %broadcast_in_dim3A_37 = vector.shape_cast %reduce_sum3A_36 : vector<8xf32> to vector<1x8xf32>
    %concatenate3A_38 = tpu.concatenate %broadcast_in_dim3A_20, %broadcast_in_dim3A_26, %broadcast_in_dim3A_32, %broadcast_in_dim3A_37 in 1 : vector<1x8xf32>, vector<1x8xf32>, vector<1x8xf32>, vector<1x8xf32> -> vector<1x32xf32>
    %swap3A = arith.constant 0 : index
    %swap3A_39 = arith.constant 0 : index
    %swap3A_40 = vector.load %arg3[%swap3A, %swap3A_39] : memref<157x32xf32, #tpu.memory_space<vmem>>, vector<1x32xf32>
    tpu.vector_store %arg3[%swap3A, %swap3A_39], %concatenate3A_38 {strides = array<i32>} : memref<157x32xf32, #tpu.memory_space<vmem>>, vector<1x32xf32>,
    %scan3A = arith.constant 1 : i32
    %scan3A_41 = arith.constant 156 : i32
    %scan3A_42 = arith.addi %scan3A, %scan3A_41 : i32
    %scan3A_43 = arith.constant 1 : i32
    %scan3A_44:2 = scf.for %scan3A_46 = %scan3A to %scan3A_42 step %scan3A_43 iter_args(%scan3A_47 = %slice3A, %scan3A_48 = %select_n3A) -> (vector<24x1xf32>, vector<8x640xf32>)  : i32 {
      %sub3A = vector.broadcast %scan3A_47 : vector<24x1xf32> to vector<24x640xf32>
      %sub3A_49 = arith.subf %concatenate3A, %sub3A : vector<24x640xf32>
      %mul3A_50 = arith.mulf %sub3A_49, %sub3A_49 : vector<24x640xf32>
      %slice3A_51 = vector.extract_strided_slice %mul3A_50 {offsets = [0, 0], sizes = [8, 640], strides = [1, 1]} : vector<24x640xf32> to vector<8x640xf32>
      %slice3A_52 = vector.extract_strided_slice %mul3A_50 {offsets = [8, 0], sizes = [8, 640], strides = [1, 1]} : vector<24x640xf32> to vector<8x640xf32>
      %add3A = arith.addf %slice3A_51, %slice3A_52 : vector<8x640xf32>
      %slice3A_53 = vector.extract_strided_slice %mul3A_50 {offsets = [16, 0], sizes = [8, 640], strides = [1, 1]} : vector<24x640xf32> to vector<8x640xf32>
      %add3A_54 = arith.addf %add3A, %slice3A_53 : vector<8x640xf32>
      %min3A = arith.minimumf %scan3A_48, %add3A_54 : vector<8x640xf32>
      %reduce_max3A = arith.constant dense<0xFF800000> : vector<8xf32>
      %reduce_max3A_55 = vector.multi_reduction <maximumf>, %min3A, %reduce_max3A [1] : vector<8x640xf32> to vector<8xf32>
      %broadcast_in_dim3A_56 = vector.shape_cast %reduce_max3A_55 : vector<8xf32> to vector<8x1xf32>
      %eq3A_57 = vector.broadcast %broadcast_in_dim3A_56 : vector<8x1xf32> to vector<8x640xf32>
      %eq3A_58 = arith.cmpf oeq, %min3A, %eq3A_57 : vector<8x640xf32>
      %convert_element_type3A_59 = arith.extui %eq3A_58 : vector<8x640xi1> to vector<8x640xi32>
      %convert_element_type3A_60 = arith.sitofp %convert_element_type3A_59 : vector<8x640xi32> to vector<8x640xf32>
      %jit3A_61 = arith.constant 640 : i32
      %broadcast_in_dim3A_62 = vector.broadcast %jit3A_61 : i32 to vector<8x640xi32>
      %select_n3A_63 = arith.select %eq3A_58, %iota3A, %broadcast_in_dim3A_62 : vector<8x640xi1>, vector<8x640xi32>
      %reduce_min3A = arith.constant dense<2147483647> : vector<8xi32>
      %reduce_min3A_64 = vector.multi_reduction <minsi>, %select_n3A_63, %reduce_min3A [1] : vector<8x640xi32> to vector<8xi32>
      %broadcast_in_dim3A_65 = vector.shape_cast %reduce_min3A_64 : vector<8xi32> to vector<8x1xi32>
      %reduce_sum3A_66 = arith.constant dense<0.000000e+00> : vector<8xf32>
      %reduce_sum3A_67 = vector.multi_reduction <add>, %convert_element_type3A_60, %reduce_sum3A_66 [1] : vector<8x640xf32> to vector<8xf32>
      %broadcast_in_dim3A_68 = vector.shape_cast %reduce_sum3A_67 : vector<8xf32> to vector<8x1xf32>
      %concatenate3A_69 = tpu.concatenate %convert_element_type3A_60, %convert_element_type3A_60, %convert_element_type3A_60 in 0 : vector<8x640xf32>, vector<8x640xf32>, vector<8x640xf32> -> vector<24x640xf32>
      %mul3A_70 = arith.mulf %concatenate3A, %concatenate3A_69 : vector<24x640xf32>
      %reduce_sum3A_71 = arith.constant dense<0.000000e+00> : vector<24xf32>
      %reduce_sum3A_72 = vector.multi_reduction <add>, %mul3A_70, %reduce_sum3A_71 [1] : vector<24x640xf32> to vector<24xf32>
      %broadcast_in_dim3A_73 = vector.shape_cast %reduce_sum3A_72 : vector<24xf32> to vector<24x1xf32>
      %reduce_max3A_74 = vector.shape_cast %broadcast_in_dim3A_68 : vector<8x1xf32> to vector<1x8x1xf32>
      %reduce_max3A_75 = arith.constant dense<0xFF800000> : vector<1xf32>
      %reduce_max3A_76 = vector.multi_reduction <maximumf>, %reduce_max3A_74, %reduce_max3A_75 [1, 2] : vector<1x8x1xf32> to vector<1xf32>
      %reduce_max3A_77 = vector.shape_cast %reduce_max3A_76 : vector<1xf32> to vector<1x1x1xf32>
      %reduce_max3A_78 = vector.extract %reduce_max3A_77[0, 0, 0] : f32 from vector<1x1x1xf32>
      %gt3A = arith.constant 1.500000e+00 : f32
      %gt3A_79 = arith.cmpf ogt, %reduce_max3A_78, %gt3A : f32
      %convert_element_type3A_80 = arith.extui %gt3A_79 : i1 to i32
      %cond3A = arith.constant 0 : i32
      %cond3A_81 = arith.cmpi ne, %convert_element_type3A_80, %cond3A : i32
      %cond3A_82 = scf.if %cond3A_81 -> (vector<24x1xf32>) {
        %eq3A_111 = vector.broadcast %broadcast_in_dim3A_65 : vector<8x1xi32> to vector<8x640xi32>
        %eq3A_112 = arith.cmpi eq, %iota3A, %eq3A_111 : vector<8x640xi32>
        %concatenate3A_113 = tpu.concatenate %eq3A_112, %eq3A_112, %eq3A_112 in 0 : vector<8x640xi1>, vector<8x640xi1>, vector<8x640xi1> -> vector<24x640xi1>
        %neg3A = arith.constant 0.000000e+00 : f32
        %neg3A_114 = vector.broadcast %neg3A : f32 to vector<24x640xf32>
        %neg3A_115 = arith.subf %neg3A_114, %concatenate3A : vector<24x640xf32>
        %jit3A_116 = arith.constant 0x7F800000 : f32
        %broadcast_in_dim3A_117 = vector.broadcast %jit3A_116 : f32 to vector<24x640xf32>
        %select_n3A_118 = arith.select %concatenate3A_113, %neg3A_115, %broadcast_in_dim3A_117 : vector<24x640xi1>, vector<24x640xf32>
        %reduce_min3A_119 = arith.constant dense<0x7F800000> : vector<24xf32>
        %reduce_min3A_120 = vector.multi_reduction <minimumf>, %select_n3A_118, %reduce_min3A_119 [1] : vector<24x640xf32> to vector<24xf32>
        %broadcast_in_dim3A_121 = vector.shape_cast %reduce_min3A_120 : vector<24xf32> to vector<24x1xf32>
        %neg3A_122 = arith.constant 0.000000e+00 : f32
        %neg3A_123 = vector.broadcast %neg3A_122 : f32 to vector<24x1xf32>
        %neg3A_124 = arith.subf %neg3A_123, %broadcast_in_dim3A_121 : vector<24x1xf32>
        scf.yield %neg3A_124 : vector<24x1xf32>
      } else {
        scf.yield %broadcast_in_dim3A_73 : vector<24x1xf32>
      }
      %convert_element_type3A_83 = arith.sitofp %broadcast_in_dim3A_65 : vector<8x1xi32> to vector<8x1xf32>
      %slice3A_84 = vector.extract_strided_slice %cond3A_82 {offsets = [0, 0], sizes = [8, 1], strides = [1, 1]} : vector<24x1xf32> to vector<8x1xf32>
      %mul3A_85 = vector.broadcast %slice3A_84 : vector<8x1xf32> to vector<8x8xf32>
      %mul3A_86 = arith.mulf %mul3A_85, %convert_element_type3A_14 : vector<8x8xf32>
      %reduce_sum3A_87 = arith.constant dense<0.000000e+00> : vector<8xf32>
      %reduce_sum3A_88 = vector.multi_reduction <add>, %mul3A_86, %reduce_sum3A_87 [0] : vector<8x8xf32> to vector<8xf32>
      %broadcast_in_dim3A_89 = vector.shape_cast %reduce_sum3A_88 : vector<8xf32> to vector<1x8xf32>
      %slice3A_90 = vector.extract_strided_slice %cond3A_82 {offsets = [8, 0], sizes = [8, 1], strides = [1, 1]} : vector<24x1xf32> to vector<8x1xf32>
      %mul3A_91 = vector.broadcast %slice3A_90 : vector<8x1xf32> to vector<8x8xf32>
      %mul3A_92 = arith.mulf %mul3A_91, %convert_element_type3A_14 : vector<8x8xf32>
      %reduce_sum3A_93 = arith.constant dense<0.000000e+00> : vector<8xf32>
      %reduce_sum3A_94 = vector.multi_reduction <add>, %mul3A_92, %reduce_sum3A_93 [0] : vector<8x8xf32> to vector<8xf32>
      %broadcast_in_dim3A_95 = vector.shape_cast %reduce_sum3A_94 : vector<8xf32> to vector<1x8xf32>
      %slice3A_96 = vector.extract_strided_slice %cond3A_82 {offsets = [16, 0], sizes = [8, 1], strides = [1, 1]} : vector<24x1xf32> to vector<8x1xf32>
      %mul3A_97 = vector.broadcast %slice3A_96 : vector<8x1xf32> to vector<8x8xf32>
      %mul3A_98 = arith.mulf %mul3A_97, %convert_element_type3A_14 : vector<8x8xf32>
      %reduce_sum3A_99 = arith.constant dense<0.000000e+00> : vector<8xf32>
      %reduce_sum3A_100 = vector.multi_reduction <add>, %mul3A_98, %reduce_sum3A_99 [0] : vector<8x8xf32> to vector<8xf32>
      %broadcast_in_dim3A_101 = vector.shape_cast %reduce_sum3A_100 : vector<8xf32> to vector<1x8xf32>
      %mul3A_102 = vector.broadcast %convert_element_type3A_83 : vector<8x1xf32> to vector<8x8xf32>
      %mul3A_103 = arith.mulf %mul3A_102, %convert_element_type3A_14 : vector<8x8xf32>
      %reduce_sum3A_104 = arith.constant dense<0.000000e+00> : vector<8xf32>
      %reduce_sum3A_105 = vector.multi_reduction <add>, %mul3A_103, %reduce_sum3A_104 [0] : vector<8x8xf32> to vector<8xf32>
      %broadcast_in_dim3A_106 = vector.shape_cast %reduce_sum3A_105 : vector<8xf32> to vector<1x8xf32>
      %concatenate3A_107 = tpu.concatenate %broadcast_in_dim3A_89, %broadcast_in_dim3A_95, %broadcast_in_dim3A_101, %broadcast_in_dim3A_106 in 1 : vector<1x8xf32>, vector<1x8xf32>, vector<1x8xf32>, vector<1x8xf32> -> vector<1x32xf32>
      %swap3A_108 = arith.index_cast %scan3A_46 : i32 to index
      %swap3A_109 = arith.constant 0 : index
      %swap3A_110 = vector.load %arg3[%swap3A_108, %swap3A_109] : memref<157x32xf32, #tpu.memory_space<vmem>>, vector<1x32xf32>
      tpu.vector_store %arg3[%swap3A_108, %swap3A_109], %concatenate3A_107 {strides = array<i32>} : memref<157x32xf32, #tpu.memory_space<vmem>>, vector<1x32xf32>,
      scf.yield %cond3A_82, %min3A : vector<24x1xf32>, vector<8x640xf32>
    }
    %scan3A_45 = arith.constant 156 : i32
    return
  }
}

module attributes {stable_mosaic.version = 14 : i64} {
  func.func @_mlp1_body(%arg0: i32, %arg1: memref<8192x4xf32, #tpu.memory_space<vmem>>, %arg2: memref<4x64xf32, #tpu.memory_space<vmem>>, %arg3: memref<1x64xf32, #tpu.memory_space<vmem>>, %arg4: memref<64x64xf32, #tpu.memory_space<vmem>>, %arg5: memref<1x64xf32, #tpu.memory_space<vmem>>, %arg6: memref<64x128xf32, #tpu.memory_space<vmem>>, %arg7: memref<1x128xf32, #tpu.memory_space<vmem>>, %arg8: memref<256x128xf32, #tpu.memory_space<vmem>>) attributes {dimension_semantics = [#tpu.dimension_semantics<arbitrary>], iteration_bounds = array<i64: 20>, scalar_prefetch = 0 : i64, scratch_operands = 0 : i64, tpu.core_type = #tpu.core_type<tc>, window_params = [{transform_indices = @transform_0, window_bounds = array<i64: 8192, 4>}, {pipeline_mode = #tpu.pipeline_mode<synchronous>, transform_indices = @transform_1, window_bounds = array<i64: 4, 64>}, {pipeline_mode = #tpu.pipeline_mode<synchronous>, transform_indices = @transform_2, window_bounds = array<i64: 1, 64>}, {pipeline_mode = #tpu.pipeline_mode<synchronous>, transform_indices = @transform_3, window_bounds = array<i64: 64, 64>}, {pipeline_mode = #tpu.pipeline_mode<synchronous>, transform_indices = @transform_4, window_bounds = array<i64: 1, 64>}, {pipeline_mode = #tpu.pipeline_mode<synchronous>, transform_indices = @transform_5, window_bounds = array<i64: 64, 128>}, {pipeline_mode = #tpu.pipeline_mode<synchronous>, transform_indices = @transform_6, window_bounds = array<i64: 1, 128>}, {transform_indices = @transform_7, window_bounds = array<i64: 256, 128>}]} {
    %get3A = arith.constant 0 : index
    %get3A_0 = arith.constant 0 : index
    %get3A_1 = vector.load %arg1[%get3A, %get3A_0] : memref<8192x4xf32, #tpu.memory_space<vmem>>, vector<8192x4xf32>
    %get3A_2 = arith.constant 0 : index
    %get3A_3 = arith.constant 0 : index
    %get3A_4 = vector.load %arg2[%get3A_2, %get3A_3] : memref<4x64xf32, #tpu.memory_space<vmem>>, vector<4x64xf32>
    %dot_general3A = arith.constant dense<0.000000e+00> : vector<8192x64xf32>
    %dot_general3A_5 = tpu.matmul %get3A_1, %get3A_4, %dot_general3A {dimension_numbers = #tpu.dot_dimension_numbers<[1], [0], [0], [1], [0, 0, 1, 1], [], []>, transpose_lhs_hint = false} : vector<8192x4xf32>, vector<4x64xf32>, vector<8192x64xf32> -> vector<8192x64xf32>
    %get3A_6 = arith.constant 0 : index
    %get3A_7 = arith.constant 0 : index
    %get3A_8 = vector.load %arg3[%get3A_6, %get3A_7] : memref<1x64xf32, #tpu.memory_space<vmem>>, vector<1x64xf32>
    %add3A = vector.broadcast %get3A_8 : vector<1x64xf32> to vector<8192x64xf32>
    %add3A_9 = arith.addf %dot_general3A_5, %add3A : vector<8192x64xf32>
    %max3A = arith.constant 0.000000e+00 : f32
    %max3A_10 = vector.broadcast %max3A : f32 to vector<8192x64xf32>
    %max3A_11 = arith.maximumf %add3A_9, %max3A_10 : vector<8192x64xf32>
    %get3A_12 = arith.constant 0 : index
    %get3A_13 = arith.constant 0 : index
    %get3A_14 = vector.load %arg4[%get3A_12, %get3A_13] : memref<64x64xf32, #tpu.memory_space<vmem>>, vector<64x64xf32>
    %dot_general3A_15 = arith.constant dense<0.000000e+00> : vector<8192x64xf32>
    %dot_general3A_16 = tpu.matmul %max3A_11, %get3A_14, %dot_general3A_15 {dimension_numbers = #tpu.dot_dimension_numbers<[1], [0], [0], [1], [0, 0, 1, 1], [], []>, transpose_lhs_hint = false} : vector<8192x64xf32>, vector<64x64xf32>, vector<8192x64xf32> -> vector<8192x64xf32>
    %get3A_17 = arith.constant 0 : index
    %get3A_18 = arith.constant 0 : index
    %get3A_19 = vector.load %arg5[%get3A_17, %get3A_18] : memref<1x64xf32, #tpu.memory_space<vmem>>, vector<1x64xf32>
    %add3A_20 = vector.broadcast %get3A_19 : vector<1x64xf32> to vector<8192x64xf32>
    %add3A_21 = arith.addf %dot_general3A_16, %add3A_20 : vector<8192x64xf32>
    %max3A_22 = arith.constant 0.000000e+00 : f32
    %max3A_23 = vector.broadcast %max3A_22 : f32 to vector<8192x64xf32>
    %max3A_24 = arith.maximumf %add3A_21, %max3A_23 : vector<8192x64xf32>
    %get3A_25 = arith.constant 0 : index
    %get3A_26 = arith.constant 0 : index
    %get3A_27 = vector.load %arg6[%get3A_25, %get3A_26] : memref<64x128xf32, #tpu.memory_space<vmem>>, vector<64x128xf32>
    %dot_general3A_28 = arith.constant dense<0.000000e+00> : vector<8192x128xf32>
    %dot_general3A_29 = tpu.matmul %max3A_24, %get3A_27, %dot_general3A_28 {dimension_numbers = #tpu.dot_dimension_numbers<[1], [0], [0], [1], [0, 0, 1, 1], [], []>, transpose_lhs_hint = false} : vector<8192x64xf32>, vector<64x128xf32>, vector<8192x128xf32> -> vector<8192x128xf32>
    %get3A_30 = arith.constant 0 : index
    %get3A_31 = arith.constant 0 : index
    %get3A_32 = vector.load %arg7[%get3A_30, %get3A_31] : memref<1x128xf32, #tpu.memory_space<vmem>>, vector<1x128xf32>
    %add3A_33 = vector.broadcast %get3A_32 : vector<1x128xf32> to vector<8192x128xf32>
    %add3A_34 = arith.addf %dot_general3A_29, %add3A_33 : vector<8192x128xf32>
    %reshape3A = vector.shape_cast %add3A_34 : vector<8192x128xf32> to vector<256x32x128xf32>
    %reduce_max3A = arith.constant dense<0xFF800000> : vector<256x128xf32>
    %reduce_max3A_35 = vector.multi_reduction <maximumf>, %reshape3A, %reduce_max3A [1] : vector<256x32x128xf32> to vector<256x128xf32>
    %swap3A = arith.constant 0 : index
    %swap3A_36 = arith.constant 0 : index
    %swap3A_37 = vector.load %arg8[%swap3A, %swap3A_36] : memref<256x128xf32, #tpu.memory_space<vmem>>, vector<256x128xf32>
    tpu.vector_store %arg8[%swap3A, %swap3A_36], %reduce_max3A_35 {strides = array<i32>} : memref<256x128xf32, #tpu.memory_space<vmem>>, vector<256x128xf32>,
    return
  }
  func.func @transform_0(%arg0: i32) -> (i32, i32) {
    %c0_i32 = arith.constant 0 : i32
    %c0_i32_0 = arith.constant 0 : i32
    return %arg0, %c0_i32 : i32, i32
  }
  func.func @transform_1(%arg0: i32) -> (i32, i32) {
    %c0_i32 = arith.constant 0 : i32
    %c0_i32_0 = arith.constant 0 : i32
    %c0_i32_1 = arith.constant 0 : i32
    return %c0_i32, %c0_i32_0 : i32, i32
  }
  func.func @transform_2(%arg0: i32) -> (i32, i32) {
    %c0_i32 = arith.constant 0 : i32
    %c0_i32_0 = arith.constant 0 : i32
    %c0_i32_1 = arith.constant 0 : i32
    return %c0_i32, %c0_i32_0 : i32, i32
  }
  func.func @transform_3(%arg0: i32) -> (i32, i32) {
    %c0_i32 = arith.constant 0 : i32
    %c0_i32_0 = arith.constant 0 : i32
    %c0_i32_1 = arith.constant 0 : i32
    return %c0_i32, %c0_i32_0 : i32, i32
  }
  func.func @transform_4(%arg0: i32) -> (i32, i32) {
    %c0_i32 = arith.constant 0 : i32
    %c0_i32_0 = arith.constant 0 : i32
    %c0_i32_1 = arith.constant 0 : i32
    return %c0_i32, %c0_i32_0 : i32, i32
  }
  func.func @transform_5(%arg0: i32) -> (i32, i32) {
    %c0_i32 = arith.constant 0 : i32
    %c0_i32_0 = arith.constant 0 : i32
    %c0_i32_1 = arith.constant 0 : i32
    return %c0_i32, %c0_i32_0 : i32, i32
  }
  func.func @transform_6(%arg0: i32) -> (i32, i32) {
    %c0_i32 = arith.constant 0 : i32
    %c0_i32_0 = arith.constant 0 : i32
    %c0_i32_1 = arith.constant 0 : i32
    return %c0_i32, %c0_i32_0 : i32, i32
  }
  func.func @transform_7(%arg0: i32) -> (i32, i32) {
    %c0_i32 = arith.constant 0 : i32
    %c0_i32_0 = arith.constant 0 : i32
    return %arg0, %c0_i32 : i32, i32
  }
}

module attributes {stable_mosaic.version = 14 : i64} {
  func.func @_mlp2_body(%arg0: i32, %arg1: memref<8192x128xf32, #tpu.memory_space<vmem>>, %arg2: memref<8192x4xf32, #tpu.memory_space<vmem>>, %arg3: memref<1280x4xf32, #tpu.memory_space<vmem>>, %arg4: memref<128x128xf32, #tpu.memory_space<vmem>>, %arg5: memref<4x128xf32, #tpu.memory_space<vmem>>, %arg6: memref<1x128xf32, #tpu.memory_space<vmem>>, %arg7: memref<128x128xf32, #tpu.memory_space<vmem>>, %arg8: memref<1x128xf32, #tpu.memory_space<vmem>>, %arg9: memref<128x256xf32, #tpu.memory_space<vmem>>, %arg10: memref<1x256xf32, #tpu.memory_space<vmem>>, %arg11: memref<256x256xf32, #tpu.memory_space<vmem>>, %arg12: memref<4x256xf32, #tpu.memory_space<vmem>>, %arg13: memref<1x256xf32, #tpu.memory_space<vmem>>, %arg14: memref<256x512xf32, #tpu.memory_space<vmem>>, %arg15: memref<1x512xf32, #tpu.memory_space<vmem>>, %arg16: memref<512x1024xf32, #tpu.memory_space<vmem>>, %arg17: memref<1x1024xf32, #tpu.memory_space<vmem>>, %arg18: memref<1024x512xf32, #tpu.memory_space<vmem>>, %arg19: memref<1x512xf32, #tpu.memory_space<vmem>>, %arg20: memref<512x256xf32, #tpu.memory_space<vmem>>, %arg21: memref<1x256xf32, #tpu.memory_space<vmem>>, %arg22: memref<256x128xf32, #tpu.memory_space<vmem>>, %arg23: memref<1x128xf32, #tpu.memory_space<vmem>>, %arg24: memref<1024x512xf32, #tpu.memory_space<vmem>>, %arg25: memref<1x512xf32, #tpu.memory_space<vmem>>, %arg26: memref<512x256xf32, #tpu.memory_space<vmem>>, %arg27: memref<1x256xf32, #tpu.memory_space<vmem>>, %arg28: memref<256x128xf32, #tpu.memory_space<vmem>>, %arg29: memref<1x128xf32, #tpu.memory_space<vmem>>, %arg30: memref<8x128xf32, #tpu.memory_space<vmem>>, %arg31: memref<8x128xf32, #tpu.memory_space<vmem>>, %arg32: memref<1280x256xf32, #tpu.memory_space<vmem>>) attributes {dimension_semantics = [#tpu.dimension_semantics<arbitrary>], iteration_bounds = array<i64: 5>, scalar_prefetch = 0 : i64, scratch_operands = 1 : i64, tpu.core_type = #tpu.core_type<tc>, window_params = [{transform_indices = @transform_0, window_bounds = array<i64: 8192, 128>}, {transform_indices = @transform_1, window_bounds = array<i64: 8192, 4>}, {pipeline_mode = #tpu.pipeline_mode<synchronous>, transform_indices = @transform_2, window_bounds = array<i64: 1280, 4>}, {pipeline_mode = #tpu.pipeline_mode<synchronous>, transform_indices = @transform_3, window_bounds = array<i64: 128, 128>}, {pipeline_mode = #tpu.pipeline_mode<synchronous>, transform_indices = @transform_4, window_bounds = array<i64: 4, 128>}, {pipeline_mode = #tpu.pipeline_mode<synchronous>, transform_indices = @transform_5, window_bounds = array<i64: 1, 128>}, {pipeline_mode = #tpu.pipeline_mode<synchronous>, transform_indices = @transform_6, window_bounds = array<i64: 128, 128>}, {pipeline_mode = #tpu.pipeline_mode<synchronous>, transform_indices = @transform_7, window_bounds = array<i64: 1, 128>}, {pipeline_mode = #tpu.pipeline_mode<synchronous>, transform_indices = @transform_8, window_bounds = array<i64: 128, 256>}, {pipeline_mode = #tpu.pipeline_mode<synchronous>, transform_indices = @transform_9, window_bounds = array<i64: 1, 256>}, {pipeline_mode = #tpu.pipeline_mode<synchronous>, transform_indices = @transform_10, window_bounds = array<i64: 256, 256>}, {pipeline_mode = #tpu.pipeline_mode<synchronous>, transform_indices = @transform_11, window_bounds = array<i64: 4, 256>}, {pipeline_mode = #tpu.pipeline_mode<synchronous>, transform_indices = @transform_12, window_bounds = array<i64: 1, 256>}, {pipeline_mode = #tpu.pipeline_mode<synchronous>, transform_indices = @transform_13, window_bounds = array<i64: 256, 512>}, {pipeline_mode = #tpu.pipeline_mode<synchronous>, transform_indices = @transform_14, window_bounds = array<i64: 1, 512>}, {pipeline_mode = #tpu.pipeline_mode<synchronous>, transform_indices = @transform_15, window_bounds = array<i64: 512, 1024>}, {pipeline_mode = #tpu.pipeline_mode<synchronous>, transform_indices = @transform_16, window_bounds = array<i64: 1, 1024>}, {pipeline_mode = #tpu.pipeline_mode<synchronous>, transform_indices = @transform_17, window_bounds = array<i64: 1024, 512>}, {pipeline_mode = #tpu.pipeline_mode<synchronous>, transform_indices = @transform_18, window_bounds = array<i64: 1, 512>}, {pipeline_mode = #tpu.pipeline_mode<synchronous>, transform_indices = @transform_19, window_bounds = array<i64: 512, 256>}, {pipeline_mode = #tpu.pipeline_mode<synchronous>, transform_indices = @transform_20, window_bounds = array<i64: 1, 256>}, {pipeline_mode = #tpu.pipeline_mode<synchronous>, transform_indices = @transform_21, window_bounds = array<i64: 256, 128>}, {pipeline_mode = #tpu.pipeline_mode<synchronous>, transform_indices = @transform_22, window_bounds = array<i64: 1, 128>}, {pipeline_mode = #tpu.pipeline_mode<synchronous>, transform_indices = @transform_23, window_bounds = array<i64: 1024, 512>}, {pipeline_mode = #tpu.pipeline_mode<synchronous>, transform_indices = @transform_24, window_bounds = array<i64: 1, 512>}, {pipeline_mode = #tpu.pipeline_mode<synchronous>, transform_indices = @transform_25, window_bounds = array<i64: 512, 256>}, {pipeline_mode = #tpu.pipeline_mode<synchronous>, transform_indices = @transform_26, window_bounds = array<i64: 1, 256>}, {pipeline_mode = #tpu.pipeline_mode<synchronous>, transform_indices = @transform_27, window_bounds = array<i64: 256, 128>}, {pipeline_mode = #tpu.pipeline_mode<synchronous>, transform_indices = @transform_28, window_bounds = array<i64: 1, 128>}, {pipeline_mode = #tpu.pipeline_mode<synchronous>, transform_indices = @transform_29, window_bounds = array<i64: 8, 128>}, {pipeline_mode = #tpu.pipeline_mode<synchronous>, transform_indices = @transform_30, window_bounds = array<i64: 8, 128>}]} {
    %get3A = arith.constant 0 : index
    %get3A_0 = arith.constant 0 : index
    %get3A_1 = vector.load %arg1[%get3A, %get3A_0] : memref<8192x128xf32, #tpu.memory_space<vmem>>, vector<8192x128xf32>
    %get3A_2 = arith.constant 0 : index
    %get3A_3 = arith.constant 0 : index
    %get3A_4 = vector.load %arg4[%get3A_2, %get3A_3] : memref<128x128xf32, #tpu.memory_space<vmem>>, vector<128x128xf32>
    %dot_general3A = arith.constant dense<0.000000e+00> : vector<8192x128xf32>
    %dot_general3A_5 = tpu.matmul %get3A_1, %get3A_4, %dot_general3A {dimension_numbers = #tpu.dot_dimension_numbers<[1], [0], [0], [1], [0, 0, 1, 1], [], []>, transpose_lhs_hint = false} : vector<8192x128xf32>, vector<128x128xf32>, vector<8192x128xf32> -> vector<8192x128xf32>
    %get3A_6 = arith.constant 0 : index
    %get3A_7 = arith.constant 0 : index
    %get3A_8 = vector.load %arg2[%get3A_6, %get3A_7] : memref<8192x4xf32, #tpu.memory_space<vmem>>, vector<8192x4xf32>
    %get3A_9 = arith.constant 0 : index
    %get3A_10 = arith.constant 0 : index
    %get3A_11 = vector.load %arg5[%get3A_9, %get3A_10] : memref<4x128xf32, #tpu.memory_space<vmem>>, vector<4x128xf32>
    %dot_general3A_12 = arith.constant dense<0.000000e+00> : vector<8192x128xf32>
    %dot_general3A_13 = tpu.matmul %get3A_8, %get3A_11, %dot_general3A_12 {dimension_numbers = #tpu.dot_dimension_numbers<[1], [0], [0], [1], [0, 0, 1, 1], [], []>, transpose_lhs_hint = false} : vector<8192x4xf32>, vector<4x128xf32>, vector<8192x128xf32> -> vector<8192x128xf32>
    %add3A = arith.addf %dot_general3A_5, %dot_general3A_13 : vector<8192x128xf32>
    %get3A_14 = arith.constant 0 : index
    %get3A_15 = arith.constant 0 : index
    %get3A_16 = vector.load %arg6[%get3A_14, %get3A_15] : memref<1x128xf32, #tpu.memory_space<vmem>>, vector<1x128xf32>
    %add3A_17 = vector.broadcast %get3A_16 : vector<1x128xf32> to vector<8192x128xf32>
    %add3A_18 = arith.addf %add3A, %add3A_17 : vector<8192x128xf32>
    %max3A = arith.constant 0.000000e+00 : f32
    %max3A_19 = vector.broadcast %max3A : f32 to vector<8192x128xf32>
    %max3A_20 = arith.maximumf %add3A_18, %max3A_19 : vector<8192x128xf32>
    %get3A_21 = arith.constant 0 : index
    %get3A_22 = arith.constant 0 : index
    %get3A_23 = vector.load %arg7[%get3A_21, %get3A_22] : memref<128x128xf32, #tpu.memory_space<vmem>>, vector<128x128xf32>
    %dot_general3A_24 = arith.constant dense<0.000000e+00> : vector<8192x128xf32>
    %dot_general3A_25 = tpu.matmul %max3A_20, %get3A_23, %dot_general3A_24 {dimension_numbers = #tpu.dot_dimension_numbers<[1], [0], [0], [1], [0, 0, 1, 1], [], []>, transpose_lhs_hint = false} : vector<8192x128xf32>, vector<128x128xf32>, vector<8192x128xf32> -> vector<8192x128xf32>
    %get3A_26 = arith.constant 0 : index
    %get3A_27 = arith.constant 0 : index
    %get3A_28 = vector.load %arg8[%get3A_26, %get3A_27] : memref<1x128xf32, #tpu.memory_space<vmem>>, vector<1x128xf32>
    %add3A_29 = vector.broadcast %get3A_28 : vector<1x128xf32> to vector<8192x128xf32>
    %add3A_30 = arith.addf %dot_general3A_25, %add3A_29 : vector<8192x128xf32>
    %max3A_31 = arith.constant 0.000000e+00 : f32
    %max3A_32 = vector.broadcast %max3A_31 : f32 to vector<8192x128xf32>
    %max3A_33 = arith.maximumf %add3A_30, %max3A_32 : vector<8192x128xf32>
    %get3A_34 = arith.constant 0 : index
    %get3A_35 = arith.constant 0 : index
    %get3A_36 = vector.load %arg9[%get3A_34, %get3A_35] : memref<128x256xf32, #tpu.memory_space<vmem>>, vector<128x256xf32>
    %dot_general3A_37 = arith.constant dense<0.000000e+00> : vector<8192x256xf32>
    %dot_general3A_38 = tpu.matmul %max3A_33, %get3A_36, %dot_general3A_37 {dimension_numbers = #tpu.dot_dimension_numbers<[1], [0], [0], [1], [0, 0, 1, 1], [], []>, transpose_lhs_hint = false} : vector<8192x128xf32>, vector<128x256xf32>, vector<8192x256xf32> -> vector<8192x256xf32>
    %get3A_39 = arith.constant 0 : index
    %get3A_40 = arith.constant 0 : index
    %get3A_41 = vector.load %arg10[%get3A_39, %get3A_40] : memref<1x256xf32, #tpu.memory_space<vmem>>, vector<1x256xf32>
    %add3A_42 = vector.broadcast %get3A_41 : vector<1x256xf32> to vector<8192x256xf32>
    %add3A_43 = arith.addf %dot_general3A_38, %add3A_42 : vector<8192x256xf32>
    %reshape3A = vector.shape_cast %add3A_43 : vector<8192x256xf32> to vector<256x32x256xf32>
    %reduce_max3A = arith.constant dense<0xFF800000> : vector<256x256xf32>
    %reduce_max3A_44 = vector.multi_reduction <maximumf>, %reshape3A, %reduce_max3A [1] : vector<256x32x256xf32> to vector<256x256xf32>
    %mul3A = arith.constant 256 : i32
    %mul3A_45 = arith.muli %arg0, %mul3A : i32
    %swap3A = arith.index_cast %mul3A_45 : i32 to index
    %swap3A_46 = arith.constant 0 : index
    %swap3A_47 = vector.load %arg32[%swap3A, %swap3A_46] : memref<1280x256xf32, #tpu.memory_space<vmem>>, vector<256x256xf32>
    tpu.vector_store %arg32[%swap3A, %swap3A_46], %reduce_max3A_44 {strides = array<i32>} : memref<1280x256xf32, #tpu.memory_space<vmem>>, vector<256x256xf32>,
    %eq3A = arith.constant 4 : i32
    %eq3A_48 = arith.cmpi eq, %arg0, %eq3A : i32
    %convert_element_type3A = arith.extui %eq3A_48 : i1 to i32
    %cond3A = arith.constant 0 : i32
    %cond3A_49 = arith.cmpi ne, %convert_element_type3A, %cond3A : i32
    scf.if %cond3A_49 {
      %get3A_50 = arith.constant 0 : index
      %get3A_51 = arith.constant 0 : index
      %get3A_52 = vector.load %arg32[%get3A_50, %get3A_51] : memref<1280x256xf32, #tpu.memory_space<vmem>>, vector<1280x256xf32>
      %get3A_53 = arith.constant 0 : index
      %get3A_54 = arith.constant 0 : index
      %get3A_55 = vector.load %arg11[%get3A_53, %get3A_54] : memref<256x256xf32, #tpu.memory_space<vmem>>, vector<256x256xf32>
      %dot_general3A_56 = arith.constant dense<0.000000e+00> : vector<1280x256xf32>
      %dot_general3A_57 = tpu.matmul %get3A_52, %get3A_55, %dot_general3A_56 {dimension_numbers = #tpu.dot_dimension_numbers<[1], [0], [0], [1], [0, 0, 1, 1], [], []>, transpose_lhs_hint = false} : vector<1280x256xf32>, vector<256x256xf32>, vector<1280x256xf32> -> vector<1280x256xf32>
      %get3A_58 = arith.constant 0 : index
      %get3A_59 = arith.constant 0 : index
      %get3A_60 = vector.load %arg3[%get3A_58, %get3A_59] : memref<1280x4xf32, #tpu.memory_space<vmem>>, vector<1280x4xf32>
      %get3A_61 = arith.constant 0 : index
      %get3A_62 = arith.constant 0 : index
      %get3A_63 = vector.load %arg12[%get3A_61, %get3A_62] : memref<4x256xf32, #tpu.memory_space<vmem>>, vector<4x256xf32>
      %dot_general3A_64 = arith.constant dense<0.000000e+00> : vector<1280x256xf32>
      %dot_general3A_65 = tpu.matmul %get3A_60, %get3A_63, %dot_general3A_64 {dimension_numbers = #tpu.dot_dimension_numbers<[1], [0], [0], [1], [0, 0, 1, 1], [], []>, transpose_lhs_hint = false} : vector<1280x4xf32>, vector<4x256xf32>, vector<1280x256xf32> -> vector<1280x256xf32>
      %add3A_66 = arith.addf %dot_general3A_57, %dot_general3A_65 : vector<1280x256xf32>
      %get3A_67 = arith.constant 0 : index
      %get3A_68 = arith.constant 0 : index
      %get3A_69 = vector.load %arg13[%get3A_67, %get3A_68] : memref<1x256xf32, #tpu.memory_space<vmem>>, vector<1x256xf32>
      %add3A_70 = vector.broadcast %get3A_69 : vector<1x256xf32> to vector<1280x256xf32>
      %add3A_71 = arith.addf %add3A_66, %add3A_70 : vector<1280x256xf32>
      %max3A_72 = arith.constant 0.000000e+00 : f32
      %max3A_73 = vector.broadcast %max3A_72 : f32 to vector<1280x256xf32>
      %max3A_74 = arith.maximumf %add3A_71, %max3A_73 : vector<1280x256xf32>
      %get3A_75 = arith.constant 0 : index
      %get3A_76 = arith.constant 0 : index
      %get3A_77 = vector.load %arg14[%get3A_75, %get3A_76] : memref<256x512xf32, #tpu.memory_space<vmem>>, vector<256x512xf32>
      %dot_general3A_78 = arith.constant dense<0.000000e+00> : vector<1280x512xf32>
      %dot_general3A_79 = tpu.matmul %max3A_74, %get3A_77, %dot_general3A_78 {dimension_numbers = #tpu.dot_dimension_numbers<[1], [0], [0], [1], [0, 0, 1, 1], [], []>, transpose_lhs_hint = false} : vector<1280x256xf32>, vector<256x512xf32>, vector<1280x512xf32> -> vector<1280x512xf32>
      %get3A_80 = arith.constant 0 : index
      %get3A_81 = arith.constant 0 : index
      %get3A_82 = vector.load %arg15[%get3A_80, %get3A_81] : memref<1x512xf32, #tpu.memory_space<vmem>>, vector<1x512xf32>
      %add3A_83 = vector.broadcast %get3A_82 : vector<1x512xf32> to vector<1280x512xf32>
      %add3A_84 = arith.addf %dot_general3A_79, %add3A_83 : vector<1280x512xf32>
      %max3A_85 = arith.constant 0.000000e+00 : f32
      %max3A_86 = vector.broadcast %max3A_85 : f32 to vector<1280x512xf32>
      %max3A_87 = arith.maximumf %add3A_84, %max3A_86 : vector<1280x512xf32>
      %get3A_88 = arith.constant 0 : index
      %get3A_89 = arith.constant 0 : index
      %get3A_90 = vector.load %arg16[%get3A_88, %get3A_89] : memref<512x1024xf32, #tpu.memory_space<vmem>>, vector<512x1024xf32>
      %dot_general3A_91 = arith.constant dense<0.000000e+00> : vector<1280x1024xf32>
      %dot_general3A_92 = tpu.matmul %max3A_87, %get3A_90, %dot_general3A_91 {dimension_numbers = #tpu.dot_dimension_numbers<[1], [0], [0], [1], [0, 0, 1, 1], [], []>, transpose_lhs_hint = false} : vector<1280x512xf32>, vector<512x1024xf32>, vector<1280x1024xf32> -> vector<1280x1024xf32>
      %get3A_93 = arith.constant 0 : index
      %get3A_94 = arith.constant 0 : index
      %get3A_95 = vector.load %arg17[%get3A_93, %get3A_94] : memref<1x1024xf32, #tpu.memory_space<vmem>>, vector<1x1024xf32>
      %add3A_96 = vector.broadcast %get3A_95 : vector<1x1024xf32> to vector<1280x1024xf32>
      %add3A_97 = arith.addf %dot_general3A_92, %add3A_96 : vector<1280x1024xf32>
      %iota3A = tpu.iota {dimensions = array<i32: 0>} : vector<1280x1xi32>
      %jit3A = arith.constant 160 : i32
      %eq3A_98 = arith.constant 0 : i32
      %eq3A_99 = arith.cmpi eq, %jit3A, %eq3A_98 : i32
      %jit3A_100 = arith.constant 1 : i32
      %select_n3A = arith.select %eq3A_99, %jit3A_100, %jit3A : i32
      %rem3A = vector.broadcast %select_n3A : i32 to vector<1280x1xi32>
      %rem3A_101 = arith.remsi %iota3A, %rem3A : vector<1280x1xi32>
      %ne3A = arith.constant 0 : i32
      %ne3A_102 = vector.broadcast %ne3A : i32 to vector<1280x1xi32>
      %ne3A_103 = arith.cmpi ne, %rem3A_101, %ne3A_102 : vector<1280x1xi32>
      %lt3A = arith.constant 0 : i32
      %lt3A_104 = vector.broadcast %lt3A : i32 to vector<1280x1xi32>
      %lt3A_105 = arith.cmpi slt, %rem3A_101, %lt3A_104 : vector<1280x1xi32>
      %lt3A_106 = arith.constant 0 : i32
      %lt3A_107 = arith.cmpi slt, %select_n3A, %lt3A_106 : i32
      %ne3A_108 = vector.broadcast %lt3A_107 : i1 to vector<1280x1xi1>
      %ne3A_109 = vector.broadcast %ne3A_108 : vector<1280x1xi1> to vector<1280x1xi1>
      %ne3A_110 = arith.xori %lt3A_105, %ne3A_109 : vector<1280x1xi1>
      %and3A = arith.andi %ne3A_110, %ne3A_103 : vector<1280x1xi1>
      %add3A_111 = vector.broadcast %select_n3A : i32 to vector<1280x1xi32>
      %add3A_112 = arith.addi %rem3A_101, %add3A_111 : vector<1280x1xi32>
      %select_n3A_113 = arith.select %and3A, %add3A_112, %rem3A_101 : vector<1280x1xi1>, vector<1280x1xi32>
      %lt3A_114 = arith.constant 157 : i32
      %lt3A_115 = vector.broadcast %lt3A_114 : i32 to vector<1280x1xi32>
      %lt3A_116 = arith.cmpi slt, %select_n3A_113, %lt3A_115 : vector<1280x1xi32>
      %jit3A_117 = arith.constant 0xFF800000 : f32
      %broadcast_in_dim3A = vector.shape_cast %lt3A_116 : vector<1280x1xi1> to vector<1280x1xi1>
      %broadcast_in_dim3A_118 = vector.broadcast %broadcast_in_dim3A : vector<1280x1xi1> to vector<1280x1024xi1>
      %broadcast_in_dim3A_119 = vector.broadcast %jit3A_117 : f32 to vector<1280x1024xf32>
      %select_n3A_120 = arith.select %broadcast_in_dim3A_118, %add3A_97, %broadcast_in_dim3A_119 : vector<1280x1024xi1>, vector<1280x1024xf32>
      %reshape3A_121 = vector.shape_cast %select_n3A_120 : vector<1280x1024xf32> to vector<8x160x1024xf32>
      %reduce_max3A_122 = arith.constant dense<0xFF800000> : vector<8x1024xf32>
      %reduce_max3A_123 = vector.multi_reduction <maximumf>, %reshape3A_121, %reduce_max3A_122 [1] : vector<8x160x1024xf32> to vector<8x1024xf32>
      %get3A_124 = arith.constant 0 : index
      %get3A_125 = arith.constant 0 : index
      %get3A_126 = vector.load %arg18[%get3A_124, %get3A_125] : memref<1024x512xf32, #tpu.memory_space<vmem>>, vector<1024x512xf32>
      %dot_general3A_127 = arith.constant dense<0.000000e+00> : vector<8x512xf32>
      %dot_general3A_128 = tpu.matmul %reduce_max3A_123, %get3A_126, %dot_general3A_127 {dimension_numbers = #tpu.dot_dimension_numbers<[1], [0], [0], [1], [0, 0, 1, 1], [], []>, transpose_lhs_hint = false} : vector<8x1024xf32>, vector<1024x512xf32>, vector<8x512xf32> -> vector<8x512xf32>
      %get3A_129 = arith.constant 0 : index
      %get3A_130 = arith.constant 0 : index
      %get3A_131 = vector.load %arg19[%get3A_129, %get3A_130] : memref<1x512xf32, #tpu.memory_space<vmem>>, vector<1x512xf32>
      %add3A_132 = vector.broadcast %get3A_131 : vector<1x512xf32> to vector<8x512xf32>
      %add3A_133 = arith.addf %dot_general3A_128, %add3A_132 : vector<8x512xf32>
      %get3A_134 = arith.constant 0 : index
      %get3A_135 = arith.constant 0 : index
      %get3A_136 = vector.load %arg20[%get3A_134, %get3A_135] : memref<512x256xf32, #tpu.memory_space<vmem>>, vector<512x256xf32>
      %dot_general3A_137 = arith.constant dense<0.000000e+00> : vector<8x256xf32>
      %dot_general3A_138 = tpu.matmul %add3A_133, %get3A_136, %dot_general3A_137 {dimension_numbers = #tpu.dot_dimension_numbers<[1], [0], [0], [1], [0, 0, 1, 1], [], []>, transpose_lhs_hint = false} : vector<8x512xf32>, vector<512x256xf32>, vector<8x256xf32> -> vector<8x256xf32>
      %get3A_139 = arith.constant 0 : index
      %get3A_140 = arith.constant 0 : index
      %get3A_141 = vector.load %arg21[%get3A_139, %get3A_140] : memref<1x256xf32, #tpu.memory_space<vmem>>, vector<1x256xf32>
      %add3A_142 = vector.broadcast %get3A_141 : vector<1x256xf32> to vector<8x256xf32>
      %add3A_143 = arith.addf %dot_general3A_138, %add3A_142 : vector<8x256xf32>
      %get3A_144 = arith.constant 0 : index
      %get3A_145 = arith.constant 0 : index
      %get3A_146 = vector.load %arg22[%get3A_144, %get3A_145] : memref<256x128xf32, #tpu.memory_space<vmem>>, vector<256x128xf32>
      %dot_general3A_147 = arith.constant dense<0.000000e+00> : vector<8x128xf32>
      %dot_general3A_148 = tpu.matmul %add3A_143, %get3A_146, %dot_general3A_147 {dimension_numbers = #tpu.dot_dimension_numbers<[1], [0], [0], [1], [0, 0, 1, 1], [], []>, transpose_lhs_hint = false} : vector<8x256xf32>, vector<256x128xf32>, vector<8x128xf32> -> vector<8x128xf32>
      %get3A_149 = arith.constant 0 : index
      %get3A_150 = arith.constant 0 : index
      %get3A_151 = vector.load %arg23[%get3A_149, %get3A_150] : memref<1x128xf32, #tpu.memory_space<vmem>>, vector<1x128xf32>
      %add3A_152 = vector.broadcast %get3A_151 : vector<1x128xf32> to vector<8x128xf32>
      %add3A_153 = arith.addf %dot_general3A_148, %add3A_152 : vector<8x128xf32>
      %iota3A_154 = tpu.iota {dimensions = array<i32: 1>} : vector<8x128xi32>
      %lt3A_155 = arith.constant 8 : i32
      %lt3A_156 = vector.broadcast %lt3A_155 : i32 to vector<8x128xi32>
      %lt3A_157 = arith.cmpi slt, %iota3A_154, %lt3A_156 : vector<8x128xi32>
      %jit3A_158 = arith.constant 0xFF800000 : f32
      %broadcast_in_dim3A_159 = vector.broadcast %jit3A_158 : f32 to vector<8x128xf32>
      %select_n3A_160 = arith.select %lt3A_157, %add3A_153, %broadcast_in_dim3A_159 : vector<8x128xi1>, vector<8x128xf32>
      %reduce_max3A_161 = arith.constant dense<0xFF800000> : vector<8xf32>
      %reduce_max3A_162 = vector.multi_reduction <maximumf>, %select_n3A_160, %reduce_max3A_161 [1] : vector<8x128xf32> to vector<8xf32>
      %broadcast_in_dim3A_163 = vector.shape_cast %reduce_max3A_162 : vector<8xf32> to vector<8x1xf32>
      %sub3A = vector.broadcast %broadcast_in_dim3A_163 : vector<8x1xf32> to vector<8x128xf32>
      %sub3A_164 = arith.subf %select_n3A_160, %sub3A : vector<8x128xf32>
      %exp3A = math.exp %sub3A_164 : vector<8x128xf32>
      %reduce_sum3A = arith.constant dense<0.000000e+00> : vector<8xf32>
      %reduce_sum3A_165 = vector.multi_reduction <add>, %exp3A, %reduce_sum3A [1] : vector<8x128xf32> to vector<8xf32>
      %broadcast_in_dim3A_166 = vector.shape_cast %reduce_sum3A_165 : vector<8xf32> to vector<8x1xf32>
      %div3A = vector.broadcast %broadcast_in_dim3A_166 : vector<8x1xf32> to vector<8x128xf32>
      %div3A_167 = arith.divf %exp3A, %div3A : vector<8x128xf32>
      %swap3A_168 = arith.constant 0 : index
      %swap3A_169 = arith.constant 0 : index
      %swap3A_170 = vector.load %arg30[%swap3A_168, %swap3A_169] : memref<8x128xf32, #tpu.memory_space<vmem>>, vector<8x128xf32>
      tpu.vector_store %arg30[%swap3A_168, %swap3A_169], %div3A_167 {strides = array<i32>} : memref<8x128xf32, #tpu.memory_space<vmem>>, vector<8x128xf32>,
      %get3A_171 = arith.constant 0 : index
      %get3A_172 = arith.constant 0 : index
      %get3A_173 = vector.load %arg24[%get3A_171, %get3A_172] : memref<1024x512xf32, #tpu.memory_space<vmem>>, vector<1024x512xf32>
      %dot_general3A_174 = arith.constant dense<0.000000e+00> : vector<8x512xf32>
      %dot_general3A_175 = tpu.matmul %reduce_max3A_123, %get3A_173, %dot_general3A_174 {dimension_numbers = #tpu.dot_dimension_numbers<[1], [0], [0], [1], [0, 0, 1, 1], [], []>, transpose_lhs_hint = false} : vector<8x1024xf32>, vector<1024x512xf32>, vector<8x512xf32> -> vector<8x512xf32>
      %get3A_176 = arith.constant 0 : index
      %get3A_177 = arith.constant 0 : index
      %get3A_178 = vector.load %arg25[%get3A_176, %get3A_177] : memref<1x512xf32, #tpu.memory_space<vmem>>, vector<1x512xf32>
      %add3A_179 = vector.broadcast %get3A_178 : vector<1x512xf32> to vector<8x512xf32>
      %add3A_180 = arith.addf %dot_general3A_175, %add3A_179 : vector<8x512xf32>
      %get3A_181 = arith.constant 0 : index
      %get3A_182 = arith.constant 0 : index
      %get3A_183 = vector.load %arg26[%get3A_181, %get3A_182] : memref<512x256xf32, #tpu.memory_space<vmem>>, vector<512x256xf32>
      %dot_general3A_184 = arith.constant dense<0.000000e+00> : vector<8x256xf32>
      %dot_general3A_185 = tpu.matmul %add3A_180, %get3A_183, %dot_general3A_184 {dimension_numbers = #tpu.dot_dimension_numbers<[1], [0], [0], [1], [0, 0, 1, 1], [], []>, transpose_lhs_hint = false} : vector<8x512xf32>, vector<512x256xf32>, vector<8x256xf32> -> vector<8x256xf32>
      %get3A_186 = arith.constant 0 : index
      %get3A_187 = arith.constant 0 : index
      %get3A_188 = vector.load %arg27[%get3A_186, %get3A_187] : memref<1x256xf32, #tpu.memory_space<vmem>>, vector<1x256xf32>
      %add3A_189 = vector.broadcast %get3A_188 : vector<1x256xf32> to vector<8x256xf32>
      %add3A_190 = arith.addf %dot_general3A_185, %add3A_189 : vector<8x256xf32>
      %get3A_191 = arith.constant 0 : index
      %get3A_192 = arith.constant 0 : index
      %get3A_193 = vector.load %arg28[%get3A_191, %get3A_192] : memref<256x128xf32, #tpu.memory_space<vmem>>, vector<256x128xf32>
      %dot_general3A_194 = arith.constant dense<0.000000e+00> : vector<8x128xf32>
      %dot_general3A_195 = tpu.matmul %add3A_190, %get3A_193, %dot_general3A_194 {dimension_numbers = #tpu.dot_dimension_numbers<[1], [0], [0], [1], [0, 0, 1, 1], [], []>, transpose_lhs_hint = false} : vector<8x256xf32>, vector<256x128xf32>, vector<8x128xf32> -> vector<8x128xf32>
      %get3A_196 = arith.constant 0 : index
      %get3A_197 = arith.constant 0 : index
      %get3A_198 = vector.load %arg29[%get3A_196, %get3A_197] : memref<1x128xf32, #tpu.memory_space<vmem>>, vector<1x128xf32>
      %add3A_199 = vector.broadcast %get3A_198 : vector<1x128xf32> to vector<8x128xf32>
      %add3A_200 = arith.addf %dot_general3A_195, %add3A_199 : vector<8x128xf32>
      %swap3A_201 = arith.constant 0 : index
      %swap3A_202 = arith.constant 0 : index
      %swap3A_203 = vector.load %arg31[%swap3A_201, %swap3A_202] : memref<8x128xf32, #tpu.memory_space<vmem>>, vector<8x128xf32>
      tpu.vector_store %arg31[%swap3A_201, %swap3A_202], %add3A_200 {strides = array<i32>} : memref<8x128xf32, #tpu.memory_space<vmem>>, vector<8x128xf32>,
    } else {
    }
    return
  }
  func.func @transform_0(%arg0: i32) -> (i32, i32) {
    %c0_i32 = arith.constant 0 : i32
    %c0_i32_0 = arith.constant 0 : i32
    return %arg0, %c0_i32 : i32, i32
  }
  func.func @transform_1(%arg0: i32) -> (i32, i32) {
    %c0_i32 = arith.constant 0 : i32
    %c0_i32_0 = arith.constant 0 : i32
    return %arg0, %c0_i32 : i32, i32
  }
  func.func @transform_2(%arg0: i32) -> (i32, i32) {
    %c0_i32 = arith.constant 0 : i32
    %c0_i32_0 = arith.constant 0 : i32
    %c0_i32_1 = arith.constant 0 : i32
    return %c0_i32, %c0_i32_0 : i32, i32
  }
  func.func @transform_3(%arg0: i32) -> (i32, i32) {
    %c0_i32 = arith.constant 0 : i32
    %c0_i32_0 = arith.constant 0 : i32
    %c0_i32_1 = arith.constant 0 : i32
    return %c0_i32, %c0_i32_0 : i32, i32
  }
  func.func @transform_4(%arg0: i32) -> (i32, i32) {
    %c0_i32 = arith.constant 0 : i32
    %c0_i32_0 = arith.constant 0 : i32
    %c0_i32_1 = arith.constant 0 : i32
    return %c0_i32, %c0_i32_0 : i32, i32
  }
  func.func @transform_5(%arg0: i32) -> (i32, i32) {
    %c0_i32 = arith.constant 0 : i32
    %c0_i32_0 = arith.constant 0 : i32
    %c0_i32_1 = arith.constant 0 : i32
    return %c0_i32, %c0_i32_0 : i32, i32
  }
  func.func @transform_6(%arg0: i32) -> (i32, i32) {
    %c0_i32 = arith.constant 0 : i32
    %c0_i32_0 = arith.constant 0 : i32
    %c0_i32_1 = arith.constant 0 : i32
    return %c0_i32, %c0_i32_0 : i32, i32
  }
  func.func @transform_7(%arg0: i32) -> (i32, i32) {
    %c0_i32 = arith.constant 0 : i32
    %c0_i32_0 = arith.constant 0 : i32
    %c0_i32_1 = arith.constant 0 : i32
    return %c0_i32, %c0_i32_0 : i32, i32
  }
  func.func @transform_8(%arg0: i32) -> (i32, i32) {
    %c0_i32 = arith.constant 0 : i32
    %c0_i32_0 = arith.constant 0 : i32
    %c0_i32_1 = arith.constant 0 : i32
    return %c0_i32, %c0_i32_0 : i32, i32
  }
  func.func @transform_9(%arg0: i32) -> (i32, i32) {
    %c0_i32 = arith.constant 0 : i32
    %c0_i32_0 = arith.constant 0 : i32
    %c0_i32_1 = arith.constant 0 : i32
    return %c0_i32, %c0_i32_0 : i32, i32
  }
  func.func @transform_10(%arg0: i32) -> (i32, i32) {
    %c0_i32 = arith.constant 0 : i32
    %c0_i32_0 = arith.constant 0 : i32
    %c0_i32_1 = arith.constant 0 : i32
    return %c0_i32, %c0_i32_0 : i32, i32
  }
  func.func @transform_11(%arg0: i32) -> (i32, i32) {
    %c0_i32 = arith.constant 0 : i32
    %c0_i32_0 = arith.constant 0 : i32
    %c0_i32_1 = arith.constant 0 : i32
    return %c0_i32, %c0_i32_0 : i32, i32
  }
  func.func @transform_12(%arg0: i32) -> (i32, i32) {
    %c0_i32 = arith.constant 0 : i32
    %c0_i32_0 = arith.constant 0 : i32
    %c0_i32_1 = arith.constant 0 : i32
    return %c0_i32, %c0_i32_0 : i32, i32
  }
  func.func @transform_13(%arg0: i32) -> (i32, i32) {
    %c0_i32 = arith.constant 0 : i32
    %c0_i32_0 = arith.constant 0 : i32
    %c0_i32_1 = arith.constant 0 : i32
    return %c0_i32, %c0_i32_0 : i32, i32
  }
  func.func @transform_14(%arg0: i32) -> (i32, i32) {
    %c0_i32 = arith.constant 0 : i32
    %c0_i32_0 = arith.constant 0 : i32
    %c0_i32_1 = arith.constant 0 : i32
    return %c0_i32, %c0_i32_0 : i32, i32
  }
  func.func @transform_15(%arg0: i32) -> (i32, i32) {
    %c0_i32 = arith.constant 0 : i32
    %c0_i32_0 = arith.constant 0 : i32
    %c0_i32_1 = arith.constant 0 : i32
    return %c0_i32, %c0_i32_0 : i32, i32
  }
  func.func @transform_16(%arg0: i32) -> (i32, i32) {
    %c0_i32 = arith.constant 0 : i32
    %c0_i32_0 = arith.constant 0 : i32
    %c0_i32_1 = arith.constant 0 : i32
    return %c0_i32, %c0_i32_0 : i32, i32
  }
  func.func @transform_17(%arg0: i32) -> (i32, i32) {
    %c0_i32 = arith.constant 0 : i32
    %c0_i32_0 = arith.constant 0 : i32
    %c0_i32_1 = arith.constant 0 : i32
    return %c0_i32, %c0_i32_0 : i32, i32
  }
  func.func @transform_18(%arg0: i32) -> (i32, i32) {
    %c0_i32 = arith.constant 0 : i32
    %c0_i32_0 = arith.constant 0 : i32
    %c0_i32_1 = arith.constant 0 : i32
    return %c0_i32, %c0_i32_0 : i32, i32
  }
  func.func @transform_19(%arg0: i32) -> (i32, i32) {
    %c0_i32 = arith.constant 0 : i32
    %c0_i32_0 = arith.constant 0 : i32
    %c0_i32_1 = arith.constant 0 : i32
    return %c0_i32, %c0_i32_0 : i32, i32
  }
  func.func @transform_20(%arg0: i32) -> (i32, i32) {
    %c0_i32 = arith.constant 0 : i32
    %c0_i32_0 = arith.constant 0 : i32
    %c0_i32_1 = arith.constant 0 : i32
    return %c0_i32, %c0_i32_0 : i32, i32
  }
  func.func @transform_21(%arg0: i32) -> (i32, i32) {
    %c0_i32 = arith.constant 0 : i32
    %c0_i32_0 = arith.constant 0 : i32
    %c0_i32_1 = arith.constant 0 : i32
    return %c0_i32, %c0_i32_0 : i32, i32
  }
  func.func @transform_22(%arg0: i32) -> (i32, i32) {
    %c0_i32 = arith.constant 0 : i32
    %c0_i32_0 = arith.constant 0 : i32
    %c0_i32_1 = arith.constant 0 : i32
    return %c0_i32, %c0_i32_0 : i32, i32
  }
  func.func @transform_23(%arg0: i32) -> (i32, i32) {
    %c0_i32 = arith.constant 0 : i32
    %c0_i32_0 = arith.constant 0 : i32
    %c0_i32_1 = arith.constant 0 : i32
    return %c0_i32, %c0_i32_0 : i32, i32
  }
  func.func @transform_24(%arg0: i32) -> (i32, i32) {
    %c0_i32 = arith.constant 0 : i32
    %c0_i32_0 = arith.constant 0 : i32
    %c0_i32_1 = arith.constant 0 : i32
    return %c0_i32, %c0_i32_0 : i32, i32
  }
  func.func @transform_25(%arg0: i32) -> (i32, i32) {
    %c0_i32 = arith.constant 0 : i32
    %c0_i32_0 = arith.constant 0 : i32
    %c0_i32_1 = arith.constant 0 : i32
    return %c0_i32, %c0_i32_0 : i32, i32
  }
  func.func @transform_26(%arg0: i32) -> (i32, i32) {
    %c0_i32 = arith.constant 0 : i32
    %c0_i32_0 = arith.constant 0 : i32
    %c0_i32_1 = arith.constant 0 : i32
    return %c0_i32, %c0_i32_0 : i32, i32
  }
  func.func @transform_27(%arg0: i32) -> (i32, i32) {
    %c0_i32 = arith.constant 0 : i32
    %c0_i32_0 = arith.constant 0 : i32
    %c0_i32_1 = arith.constant 0 : i32
    return %c0_i32, %c0_i32_0 : i32, i32
  }
  func.func @transform_28(%arg0: i32) -> (i32, i32) {
    %c0_i32 = arith.constant 0 : i32
    %c0_i32_0 = arith.constant 0 : i32
    %c0_i32_1 = arith.constant 0 : i32
    return %c0_i32, %c0_i32_0 : i32, i32
  }
  func.func @transform_29(%arg0: i32) -> (i32, i32) {
    %c0_i32 = arith.constant 0 : i32
    %c0_i32_0 = arith.constant 0 : i32
    %c0_i32_1 = arith.constant 0 : i32
    return %c0_i32, %c0_i32_0 : i32, i32
  }
  func.func @transform_30(%arg0: i32) -> (i32, i32) {
    %c0_i32 = arith.constant 0 : i32
    %c0_i32_0 = arith.constant 0 : i32
    %c0_i32_1 = arith.constant 0 : i32
    return %c0_i32, %c0_i32_0 : i32, i32
  }
}

</mosaic_0001>

<sc_bundles>
// kernel: kernel.11.cloned.1.call-start
scs
__scs_entry_jumppad:
0x0: {  	(pc) =	sbr.rel $0x88, $3  }
0x1: {  	(tag) =	ssettag $0x0;
	lr =	simm.s32 $0x1  }
0x2: {  	[smem:$0x3F82] =	sst lr;
	_ =	strace $0xD0000000  }
0x3: {  	_ = 	snop  }
0x4: {  	_ = 	snop  }
0x5: {  	_ = 	snop  }
0x6: {  	_ = 	snop  }
0x7: {  	_ = 	snop  }
__scs_overlays_trampoline_lowered:
0x8: {  	[smem:$0x3F91] =	sst s0  }
0x9: {  	[smem:$0x3F92] =	sst s1  }
0xa: {  	[smem:$0x3F93] =	sst s2  }
0xb: {  	[smem:$0x3F94] =	sst s3  }
0xc: {  	[smem:$0x3F95] =	sst s4  }
0xd: {  	[smem:$0x3F96] =	sst s5  }
0xe: {  	[smem:$0x3F97] =	sst s6  }
0xf: {  	[smem:$0x3F98] =	sst s7  }
0x10: {  	[smem:$0x3F99] =	sst s8  }
0x11: {  	[smem:$0x3F9A] =	sst s9;
	s0 =	simm.s32 @!p0 $0x0  }
0x12: {  	s1 =	sld [smem:$0x3F80];
	s0 =	simm.s32 @p0 $0x1  }
0x13: {  	[smem:$0x3F9B] =	sst s0;
	s0 =	simm.s32 @!p1 $0x0  }
0x14: {  	s2 =	sld [smem:$0x3F7F];
	s0 =	simm.s32 @p1 $0x1  }
0x15: {  	[smem:$0x3F9C] =	sst s0;
	s0 =	simm.s32 @!p2 $0x0  }
0x16: {  	s3 =	sld [smem:$0x3FDB];
	s0 =	simm.s32 @p2 $0x1  }
0x17: {  	s4 =	simm.s32 $0x1BF5;
	[smem:$0x3F9E] =	sst s0  }
0x18: {  	s0 =	sld [smem:$0x3F81];
	_ =	swait.ge [sflag:s4], $0x0  }
0x19: {  	s7 =	sld [smem:$0x3F82]  }
0x1a: {  	s8 =	sadd.s32 $0xFFFFE003, lr  }
0x1b: {  	s9 =	sadd.s32 $0xFFFFFEF7, lr;
	s5 =	simm.s32 $0xFFFFFFFF;
	p2 =	slt.u32 s8, $0xFFFFF086  }
0x1c: {  	p1 =	slt.u32 s9, $0xF7A;
	s5 =	simm.s32 @!p2 $0x0  }
0x1d: {  	s5 =	simm.s32 @p1 $0x1;
	p0 =	seq.s32 s7, s2  }
0x1e: {  	s7 =	smul.u32 @!p0 $0xF7A, s2;
	p2 =	seq.s32 @!p0 s5, $0x0  }
0x1f: {  	s9 =	smul.u32 $0xF7A, s1;
	s8 =	simm.s32 @!p0 $0x1BF5;
	p2 =	por !p2, p0  }
0x20: {  	[sflag:s8] =	ssyncset.s32 @!p0 $0xFFFFF086;
	s6 =	sadd.s32 @!p0 s3, s7;
	s7 =	simm.s32 @!p0 $0x108  }
0x21: {  	s3 =	sadd.s32 s3, s9;
	s6 =	sadd.s32 @!p0 $0x88, s6;
	s7 =	simm.s32 @p2 $0x1082  }
0x22: {  	[simem:s7], [sflag:s8] =	dma.local @!p0 [hbm:s6], $0xF7A  }
0x23: {  	s9 =	sor.u32 $0xD0000000, s2;
	s6 =	simm.s32 $0x108;
	_ =	swait.ge @!p0 [sflag:s8], $0x0  }
0x24: {  	s3 =	sadd.s32 $0x88, s3;
	s6 =	simm.s32 @!p1 $0x1082;
	[sflag:s4] =	ssyncset.s32 $0xFFFFF086  }
0x25: {  	[simem:s6], [sflag:s4] =	dma.local [hbm:s3], $0xF7A  }
0x26: {  	[smem:$0x3F82] =	sst s1;
	(tag) =	ssettag s2;
	_ =	strace s9  }
0x27: {  	s1 =	sld [smem:$0x3F92]  }
0x28: {  	s2 =	sld [smem:$0x3F93]  }
0x29: {  	s4 =	sld [smem:$0x3F95]  }
0x2a: {  	p0 =	seq.s32 s5, $0x0;
	s5 =	sld [smem:$0x3F96]  }
0x2b: {  	s6 =	sld [smem:$0x3F97]  }
0x2c: {  	s7 =	sld [smem:$0x3F98]  }
0x2d: {  	s3 =	simm.s32 $0x108;
	s8 =	sld [smem:$0x3F99]  }
0x2e: {  	s3 =	simm.s32 @!p0 $0x1082;
	s9 =	sld [smem:$0x3F9A]  }
0x2f: {  	lr =	sadd.s32 s0, s3;
	s0 =	sld [smem:$0x3F91]  }
0x30: {  	s3 =	sld [smem:$0x3F94]  }
0x31: {  	[smem:$0x3F9D] =	sst s10  }
0x32: {  	s10 =	sld [smem:$0x3F9B];
	_ =	sdelay $0x3  }
0x33: {  	p0 =	seq.s32 s10, $0x1;
	s10 =	sld [smem:$0x3F9D];
	_ =	sdelay $0x3  }
0x34: {  	[smem:$0x3F9D] =	sst s10  }
0x35: {  	s10 =	sld [smem:$0x3F9C];
	_ =	sdelay $0x3  }
0x36: {  	p1 =	seq.s32 s10, $0x1;
	s10 =	sld [smem:$0x3F9D];
	_ =	sdelay $0x3  }
0x37: {  	[smem:$0x3F9D] =	sst s10  }
0x38: {  	s10 =	sld [smem:$0x3F9E]  }
0x39: {  	_ = 	snop;
	(pc) =	sbr.ind lr, $3  }
0x3a: {  	_ = 	snop  }
0x3b: {  	_ = 	snop  }
0x3c: {  	p2 =	seq.s32 s10, $0x1;
	s10 =	sld [smem:$0x3F9D]  }
0x3d: {  	_ =	shalt  }
0x3e: {  	_ =	shalt  }
0x3f: {  	_ =	shalt  }
0x40: {  	_ =	shalt  }
0x41: {  	_ =	shalt  }
0x42: {  	_ =	shalt  }
0x43: {  	_ =	shalt  }
0x44: {  	_ =	shalt  }
0x45: {  	_ =	shalt  }
0x46: {  	_ =	shalt  }
0x47: {  	_ =	shalt  }
0x48: {  	_ =	shalt  }
0x49: {  	_ =	shalt  }
0x4a: {  	_ =	shalt  }
0x4b: {  	_ =	shalt  }
0x4c: {  	_ =	shalt  }
0x4d: {  	_ =	shalt  }
0x4e: {  	_ =	shalt  }
0x4f: {  	_ =	shalt  }
0x50: {  	_ =	shalt  }
0x51: {  	_ =	shalt  }
0x52: {  	_ =	shalt  }
0x53: {  	_ =	shalt  }
0x54: {  	_ =	shalt  }
0x55: {  	_ =	shalt  }
0x56: {  	_ =	shalt  }
0x57: {  	_ =	shalt  }
0x58: {  	_ =	shalt  }
0x59: {  	_ =	shalt  }
0x5a: {  	_ =	shalt  }
0x5b: {  	_ =	shalt  }
0x5c: {  	_ =	shalt  }
0x5d: {  	_ =	shalt  }
0x5e: {  	_ =	shalt  }
0x5f: {  	_ =	shalt  }
0x60: {  	_ =	shalt  }
0x61: {  	_ =	shalt  }
0x62: {  	_ =	shalt  }
0x63: {  	_ =	shalt  }
0x64: {  	_ =	shalt  }
0x65: {  	_ =	shalt  }
0x66: {  	_ =	shalt  }
0x67: {  	_ =	shalt  }
0x68: {  	_ =	shalt  }
0x69: {  	_ =	shalt  }
0x6a: {  	_ =	shalt  }
0x6b: {  	_ =	shalt  }
0x6c: {  	_ =	shalt  }
0x6d: {  	_ =	shalt  }
0x6e: {  	_ =	shalt  }
0x6f: {  	_ =	shalt  }
0x70: {  	_ =	shalt  }
0x71: {  	_ =	shalt  }
0x72: {  	_ =	shalt  }
0x73: {  	_ =	shalt  }
0x74: {  	_ =	shalt  }
0x75: {  	_ =	shalt  }
0x76: {  	_ =	shalt  }
0x77: {  	_ =	shalt  }
0x78: {  	_ =	shalt  }
0x79: {  	_ =	shalt  }
0x7a: {  	_ =	shalt  }
0x7b: {  	_ =	shalt  }
0x7c: {  	_ =	shalt  }
0x7d: {  	_ =	shalt  }
0x7e: {  	_ =	shalt  }
0x7f: {  	_ =	shalt  }
0x80: {  	_ =	shalt  }
0x81: {  	_ =	shalt  }
0x82: {  	_ =	shalt  }
0x83: {  	_ =	shalt  }
0x84: {  	_ =	shalt  }
0x85: {  	_ =	shalt  }
0x86: {  	_ =	shalt  }
0x87: {  	_ =	shalt  }
.Lfunc_end0:
.L_simem_size_0:
called_computation.1_lowered:
.L_overlay_start_0:
0x88: {  	s2 =	sld [smem:$0x3FD9]  }
0x89: {  	s3 =	sld [smem:$0x3FFE];
	_ =	sdelay $0x1  }
0x8a: {  	s1 =	srdreg.scid  }
0x8b: {  	s0 =	sand.u32 $0x1, s1  }
0x8c: {  	s16 =	sshll.u32 s0, $0xA;
	s2 =	sadd.s32 s3, s2  }
0x8d: {  	s2 =	sadd.s32 s2, s16  }
0x8e: {  	[smem:$0x3FA9] =	sst s2  }
0x8f: {  	_ = 	snop  }
0x90: {  	(tm) =	ssettm $0x1  }
0x91: {  	s17 =	sld [smem:$0x3FFB];
	_ =	sdelay $0x3  }
0x92: {  	_ =	strace s17  }
0x93: {  	s2 =	sld [smem:$0x3FFC];
	_ =	sdelay $0x3  }
0x94: {  	_ =	strace s2  }
0x95: {  	s2 =	sld [smem:$0x3FFD];
	_ =	sdelay $0x3  }
0x96: {  	_ =	strace s2  }
0x97: {  	_ =	strace $0x8FFFFFFF  }
0x98: {  	s18 =	sld [smem:$0x3FDB];
	_ =	sdelay $0x1  }
0x99: {  	s19 =	simm.s32 $_scs_section_size  }
0x9a: {  	s4 =	simm.s32 $_size__tile_overlayer_lowered;
	s5 =	simm.s32 $_tile_overlayer_lowered  }
0x9b: {  	s22 =	simm.s32 $0x1BFF;
	s21 =	sshll.u32 s5, $0x1;
	s2 =	sadd.s32 s19, s18  }
0x9c: {  	s6 =	simm.s32 $0x0;
	s20 =	sshll.u32 s4, $0x1;
	s4 =	sadd.s32 s21, s2  }
0x9d: {  	[timem:s6], [sflag:s22] =	dma.local [hbm:s4], s20  }
0x9e: {  	_ =	swait.ge [sflag:s22], s20  }
0x9f: {  	s3 =	ssub.s32 $0x0, s20;
	[sflag:s22] =	ssyncset.done $0x0  }
0xa0: {  	[sflag:s22] =	ssyncadd.s32 s3;
	_ =	sdelay $0x1  }
0xa1: {  	s23 =	simm.s32 $0x1B8B  }
0xa2: {  	_ =	swait.ge [sflag:s23], $0x1  }
0xa3: {  	[sflag:s23] =	ssyncset.done $0x0  }
0xa4: {  	s25 =	simm.s32 $0x1B8E;
	s24 =	sld [smem:$0x3FFE];
	[sflag:s23] =	ssyncadd.s32 $0xFFFFFFFF  }
0xa5: {  	s26 =	simm.s32 $execute0_lowered;
	[smem:$0x3FD2] =	sst s25  }
0xa6: {  	s4 =	sshll.u32 s26, $0x1;
	_ =	strace $0x80000049;
	[dreg:$0x1] =	wrdreg $0xFFFFFFFF  }
0xa7: {  	s28 =	simm.s32 $_size_execute0_lowered;
	s2 =	sadd.s32 s2, s4;
	[dreg:$0x0] =	wrdreg $0x0  }
0xa8: {  	s4 =	sshll.u32 s28, $0x1;
	[dreg:$0x2] =	wrdreg s2  }
0xa9: {  	[dreg:$0x3] =	wrdreg s4  }
0xaa: {  	[dreg:$0x4] =	wrdreg $0xC0  }
0xab: {  	_ =	task [dreg:s6], $0x5FFFF  }
0xac: {  	[dreg:$0x1] =	wrdreg $0xFFFFFFFF  }
0xad: {  	[dreg:$0x0] =	wrdreg $0x60  }
0xae: {  	[dreg:$0x2] =	wrdreg s24  }
0xaf: {  	[dreg:$0x3] =	wrdreg $0x9  }
0xb0: {  	_ =	task.clear_ibuf [dreg:s6], $0x4FFFF;
	_ =	strace $0x90000049  }
0xb1: {  	s29 =	simm.s32 $0x9;
	_ =	strace $0x8000004B  }
0xb2: {  	_ =	swait.ge [sflag:s29], $0x1  }
0xb3: {  	[sflag:s29] =	ssyncadd.s32 $0xFFFFFFFF  }
0xb4: {  	_ =	strace $0x9000004B  }
0xb5: {  	_ =	sfence  }
0xb6: {  	s30 =	sld [smem:$0x0];
	_ =	sdelay $0x2  }
0xb7: {  	s31 =	sshll.u32 s1, $0xD;
	s1 =	sshrl.u32 s1, $0x2  }
0xb8: {  	s3 =	sand.u32 $0x4000, s31;
	s1 =	sadd.s32 s1, s30  }
0xb9: {  	s0 =	sor.u32 s3, s0;
	s1 =	sshll.u32 s1, $0x11  }
0xba: {  	s0 =	sor.u32 s1, s0  }
0xbb: {  	s0 =	sadd.s32 $0x8F2B, s0  }
0xbc: {  	[sflag:s0] =	ssyncadd.remote.s32 $0x1  }
0xbd: {  	_ =	sfence.sel $0xFFFF  }
0xbe: {  	[dreg:$0x0] =	wrdreg $0xFFFFFFFF;
	(pc) =	sbr.abs _section_cstart, $3  }
0xbf: {  	[dreg:$0x1] =	wrdreg $0xFFFFFFFF  }
0xc0: {  	_ =	task.clear_ibuf [dreg:s6], $0x2FFFF;
	_ =	strace $0x9FFFFFFF  }
0xc1: {  	(tm) =	ssettm $0x7FFFFFFF  }
tec
execute0_lowered:
.L_overlay_start_1:
0x0: {  	(tag) =	ssettag $0x1  }
0x1: {  	s0 =	srdreg.scid  }
0x2: {  	s0 =	sand.u32 $0x1, s0  }
0x3: {  	s2 =	stileid.u32;
	s1 =	sshll.u32 s0, $0x4  }
0x4: {  	s3 =	sand.u32 $0x3, s2;
	s1 =	sor.u32 s2, s1  }
0x5: {  	p1 =	sne.s32 s3, $0x0;
	p0 =	seq.s32 s1, $0x0  }
0x6: {  	s5 =	rddreg [dreg:$0x0];
	p0 =	por !p1, !p0  }
0x7: {  	s3 =	smul.u32 $0x28, s3;
	s2 =	simm.s32 $0x1;
	p0 =	por !p0, !p0  }
0x8: {  	s0 =	ssub.s32 $0x2, s0;
	s4 =	sshrl.u32 s1, $0x2;
	s2 =	simm.s32 @!p0 $0x0  }
0x9: {  	s11 =	sshrl.u32 s0, $0x1;
	s7 =	smul.u32 $0x280, s1;
	s4 =	ssub.s32 s4, s2  }
0xa: {  	s8 =	sadd.s32 $0x5400, s5;
	s0 =	ssub.s32 s0, s11;
	s6 =	smul.u32 $0xA0, s4  }
0xb: {  	s7 =	sadd.s32 s7, s5;
	s2 =	simm.s32 $0x0;
	s4 =	smul.u32 $0x280, s4  }
0xc: {  	s0 =	smax.u32 s0, $0x1;
	s19 =	sadd.s32 $0x1CA00, s7;
	[smem:$0x7FF] =	sst s2  }
0xd: {  	_ =	strace $0x8000004A;
	[dreg:$0x2] =	wrdreg s8;
	s10 =	sshrl.u32 s4, $0x3  }
0xe: {  	[dreg:$0xa] =	wrdreg s19;
	s3 =	sadd.s32 s3, s6;
	s6 =	sadd.s32 s10, s5  }
0xf: {  	[dreg:$0x15] =	wrdreg s0;
	s12 =	sadd.s32 $0x1B600, s6  }
0x10: {  	s3 =	sshrl.u32 s3, $0x3;
	s13 =	sadd.s32 $0x1BA00, s6;
	[dreg:$0x3] =	wrdreg s12  }
0x11: {  	s3 =	sadd.s32 s3, s5;
	s6 =	sadd.s32 $0x1BE00, s6;
	[dreg:$0x4] =	wrdreg s13  }
0x12: {  	[dreg:$0x5] =	wrdreg s6;
	s15 =	sadd.s32 $0x1C200, s3  }
0x13: {  	s14 =	smul.u32 $0x28000, s1;
	s16 =	sadd.s32 $0x1C400, s3;
	[dreg:$0x6] =	wrdreg s15  }
0x14: {  	s1 =	smul.u32 $0x5000, s1;
	s17 =	sadd.s32 $0x1C600, s3;
	[dreg:$0x7] =	wrdreg s16  }
0x15: {  	s5 =	sadd.s32 $0x21A00, s5;
	s3 =	sadd.s32 $0x1C800, s3;
	[dreg:$0x8] =	wrdreg s17  }
0x16: {  	s18 =	sshrl.u32 s14, $0x3;
	s20 =	sadd.s32 s5, s1;
	[dreg:$0x9] =	wrdreg s3  }
0x17: {  	s21 =	sadd.s32 s5, s18;
	[dreg:$0xb] =	wrdreg s20;
	s22 =	sadd.s32 $0x800, s20  }
0x18: {  	s23 =	sadd.s32 $0x1000, s21;
	[dreg:$0xc] =	wrdreg s22  }
0x19: {  	s24 =	sadd.s32 $0x1800, s21;
	[dreg:$0xd] =	wrdreg s23  }
0x1a: {  	s25 =	sadd.s32 $0x2000, s21;
	[dreg:$0xe] =	wrdreg s24  }
0x1b: {  	s26 =	sadd.s32 $0x2800, s21;
	[dreg:$0xf] =	wrdreg s25  }
0x1c: {  	s28 =	sadd.s32 $0x3000, s21;
	[dreg:$0x10] =	wrdreg s26  }
.Ltmp0:
0x1d: {  	s29 =	sadd.s32 $0x3800, s21;
	[dreg:$0x11] =	wrdreg s28;
	(pc) =	sbr.rel .LBB2_1-.Ltmp0, $4  }
0x1e: {  	s30 =	sadd.s32 $0x4000, s21;
	[dreg:$0x12] =	wrdreg s29  }
0x1f: {  	s31 =	simm.s32 $0x900;
	s1 =	sadd.s32 $0x4800, s21;
	[dreg:$0x13] =	wrdreg s30  }
0x20: {  	v1 =	vlaneseq.u32;
	s5 =	simm.s32 $0x3;
	s3 =	simm.s32 $0x0;
	[dreg:$0x14] =	wrdreg s1  }
0x21: {  	v2 =	vimm.f32 $0.0e+00;
	v3 =	vimm.s32 $0x0;
	v0 =	vmov s4;
	s25 =	simm.s32 $0x280;
	s26 =	simm.s32 $0x500;
	s1 =	simm.s32 $0xA80  }
.LBB2_7:
0x22: {  	s0 =	rddreg [dreg:$0xa];
	s5 =	simm.s32 $0x3  }
0x23: {  	[hbm4b:s0+s2] =	stream.linear.scatter [tilespmem:s1], [sflag:$0x3], $0x1400, $0x38;
	[tilespmem:$0xA380] =	vst v63  }
0x24: {  	_ =	swait.ge [sflag:s5], $0x1400  }
0x25: {  	s6 =	simm.s32 $0x80;
	s24 =	simm.s32 $0x1E80;
	[sflag:s5] =	ssyncset.done $0x0  }
0x26: {  	s7 =	simm.s32 $0x2380;
	s3 =	rddreg [dreg:$0x2];
	[sflag:s5] =	ssyncadd.s32 $0xFFFFEC00  }
0x27: {  	[tilespmem:s7], [sflag:$0x1] =	stream.indirect.gather [hbm4b:s3+s6], $0x80, s24, s6, $0xb8;
	[tilespmem:$0xA380] =	vst v63  }
0x28: {  	s28 =	simm.s32 $0x1F00;
	s8 =	simm.s32 $0x6380;
	s29 =	simm.s32 $0x1  }
0x29: {  	[tilespmem:s8], [sflag:$0x1] =	stream.indirect.gather [hbm4b:s3+s6], $0x80, s28, s6, $0xb8;
	[tilespmem:$0xA380] =	vst v63  }
0x2a: {  	_ =	swait.ge [sflag:s29], $0x4000  }
0x2b: {  	[sflag:s29] =	ssyncset.done $0x0  }
0x2c: {  	s9 =	simm.s32 $0x2;
	s4 =	rddreg [dreg:$0xb];
	[sflag:s29] =	ssyncadd.s32 $0xFFFFC000  }
0x2d: {  	[hbm4b:s4+s2] =	stream.linear.scatter [tilespmem:s7], [sflag:$0x2], $0x4000, $0x38;
	[tilespmem:$0xA380] =	vst v63  }
0x2e: {  	_ =	swait.ge [sflag:s9], $0x4000  }
0x2f: {  	[sflag:s9] =	ssyncset.done $0x0  }
0x30: {  	s30 =	simm.s32 $0x1F80;
	[sflag:s9] =	ssyncadd.s32 $0xFFFFC000  }
0x31: {  	[tilespmem:s7], [sflag:$0x1] =	stream.indirect.gather [hbm4b:s3+s6], $0x80, s30, s6, $0xb8;
	[tilespmem:$0xA380] =	vst v63  }
0x32: {  	_ =	swait.ge [sflag:s29], $0x4000  }
0x33: {  	[sflag:s29] =	ssyncset.done $0x0  }
0x34: {  	s10 =	rddreg [dreg:$0xc];
	[sflag:s29] =	ssyncadd.s32 $0xFFFFC000  }
0x35: {  	[hbm4b:s10+s2] =	stream.linear.scatter [tilespmem:s8], [sflag:$0x2], $0x4000, $0x38;
	[tilespmem:$0xA380] =	vst v63  }
0x36: {  	_ =	swait.ge [sflag:s9], $0x4000  }
0x37: {  	[sflag:s9] =	ssyncset.done $0x0  }
0x38: {  	s11 =	simm.s32 $0x2000;
	[sflag:s9] =	ssyncadd.s32 $0xFFFFC000  }
0x39: {  	[tilespmem:s8], [sflag:$0x1] =	stream.indirect.gather [hbm4b:s3+s6], $0x80, s11, s6, $0xb8;
	[tilespmem:$0xA380] =	vst v63  }
0x3a: {  	_ =	swait.ge [sflag:s29], $0x4000  }
0x3b: {  	[sflag:s29] =	ssyncset.done $0x0  }
0x3c: {  	s12 =	rddreg [dreg:$0xd];
	[sflag:s29] =	ssyncadd.s32 $0xFFFFC000  }
0x3d: {  	[hbm4b:s12+s2] =	stream.linear.scatter [tilespmem:s7], [sflag:$0x2], $0x4000, $0x38;
	[tilespmem:$0xA380] =	vst v63  }
0x3e: {  	_ =	swait.ge [sflag:s9], $0x4000  }
0x3f: {  	[sflag:s9] =	ssyncset.done $0x0  }
0x40: {  	s13 =	simm.s32 $0x2080;
	[sflag:s9] =	ssyncadd.s32 $0xFFFFC000  }
0x41: {  	[tilespmem:s7], [sflag:$0x1] =	stream.indirect.gather [hbm4b:s3+s6], $0x80, s13, s6, $0xb8;
	[tilespmem:$0xA380] =	vst v63  }
0x42: {  	_ =	swait.ge [sflag:s29], $0x4000  }
0x43: {  	[sflag:s29] =	ssyncset.done $0x0  }
0x44: {  	s14 =	rddreg [dreg:$0xe];
	[sflag:s29] =	ssyncadd.s32 $0xFFFFC000  }
0x45: {  	[hbm4b:s14+s2] =	stream.linear.scatter [tilespmem:s8], [sflag:$0x2], $0x4000, $0x38;
	[tilespmem:$0xA380] =	vst v63  }
0x46: {  	_ =	swait.ge [sflag:s9], $0x4000  }
0x47: {  	[sflag:s9] =	ssyncset.done $0x0  }
0x48: {  	s15 =	simm.s32 $0x2100;
	[sflag:s9] =	ssyncadd.s32 $0xFFFFC000  }
0x49: {  	[tilespmem:s8], [sflag:$0x1] =	stream.indirect.gather [hbm4b:s3+s6], $0x80, s15, s6, $0xb8;
	[tilespmem:$0xA380] =	vst v63  }
0x4a: {  	_ =	swait.ge [sflag:s29], $0x4000  }
0x4b: {  	[sflag:s29] =	ssyncset.done $0x0  }
0x4c: {  	s16 =	rddreg [dreg:$0xf];
	[sflag:s29] =	ssyncadd.s32 $0xFFFFC000  }
0x4d: {  	[hbm4b:s16+s2] =	stream.linear.scatter [tilespmem:s7], [sflag:$0x2], $0x4000, $0x38;
	[tilespmem:$0xA380] =	vst v63  }
0x4e: {  	_ =	swait.ge [sflag:s9], $0x4000  }
0x4f: {  	[sflag:s9] =	ssyncset.done $0x0  }
0x50: {  	s17 =	simm.s32 $0x2180;
	[sflag:s9] =	ssyncadd.s32 $0xFFFFC000  }
0x51: {  	[tilespmem:s7], [sflag:$0x1] =	stream.indirect.gather [hbm4b:s3+s6], $0x80, s17, s6, $0xb8;
	[tilespmem:$0xA380] =	vst v63  }
0x52: {  	_ =	swait.ge [sflag:s29], $0x4000  }
0x53: {  	[sflag:s29] =	ssyncset.done $0x0  }
0x54: {  	s18 =	rddreg [dreg:$0x10];
	[sflag:s29] =	ssyncadd.s32 $0xFFFFC000  }
0x55: {  	[hbm4b:s18+s2] =	stream.linear.scatter [tilespmem:s8], [sflag:$0x2], $0x4000, $0x38;
	[tilespmem:$0xA380] =	vst v63  }
0x56: {  	_ =	swait.ge [sflag:s9], $0x4000  }
0x57: {  	[sflag:s9] =	ssyncset.done $0x0  }
0x58: {  	s19 =	simm.s32 $0x2200;
	[sflag:s9] =	ssyncadd.s32 $0xFFFFC000  }
0x59: {  	[tilespmem:s8], [sflag:$0x1] =	stream.indirect.gather [hbm4b:s3+s6], $0x80, s19, s6, $0xb8;
	[tilespmem:$0xA380] =	vst v63  }
0x5a: {  	_ =	swait.ge [sflag:s29], $0x4000  }
0x5b: {  	[sflag:s29] =	ssyncset.done $0x0  }
0x5c: {  	s20 =	rddreg [dreg:$0x11];
	[sflag:s29] =	ssyncadd.s32 $0xFFFFC000  }
0x5d: {  	[hbm4b:s20+s2] =	stream.linear.scatter [tilespmem:s7], [sflag:$0x2], $0x4000, $0x38;
	[tilespmem:$0xA380] =	vst v63  }
0x5e: {  	_ =	swait.ge [sflag:s9], $0x4000  }
0x5f: {  	[sflag:s9] =	ssyncset.done $0x0  }
0x60: {  	s21 =	simm.s32 $0x2280;
	[sflag:s9] =	ssyncadd.s32 $0xFFFFC000  }
0x61: {  	[tilespmem:s7], [sflag:$0x1] =	stream.indirect.gather [hbm4b:s3+s6], $0x80, s21, s6, $0xb8;
	[tilespmem:$0xA380] =	vst v63  }
0x62: {  	_ =	swait.ge [sflag:s29], $0x4000  }
0x63: {  	[sflag:s29] =	ssyncset.done $0x0  }
0x64: {  	s22 =	rddreg [dreg:$0x12];
	[sflag:s29] =	ssyncadd.s32 $0xFFFFC000  }
0x65: {  	[hbm4b:s22+s2] =	stream.linear.scatter [tilespmem:s8], [sflag:$0x2], $0x4000, $0x38;
	[tilespmem:$0xA380] =	vst v63  }
0x66: {  	_ =	swait.ge [sflag:s9], $0x4000  }
0x67: {  	[sflag:s9] =	ssyncset.done $0x0  }
0x68: {  	s23 =	simm.s32 $0x2300;
	[sflag:s9] =	ssyncadd.s32 $0xFFFFC000  }
0x69: {  	[tilespmem:s8], [sflag:$0x1] =	stream.indirect.gather [hbm4b:s3+s6], $0x80, s23, s6, $0xb8;
	[tilespmem:$0xA380] =	vst v63  }
0x6a: {  	_ =	swait.ge [sflag:s29], $0x4000  }
0x6b: {  	[sflag:s29] =	ssyncset.done $0x0  }
0x6c: {  	s24 =	rddreg [dreg:$0x13];
	[sflag:s29] =	ssyncadd.s32 $0xFFFFC000  }
0x6d: {  	[hbm4b:s24+s2] =	stream.linear.scatter [tilespmem:s7], [sflag:$0x2], $0x4000, $0x38;
	[tilespmem:$0xA380] =	vst v63  }
0x6e: {  	_ =	swait.ge [sflag:s29], $0x4000  }
0x6f: {  	[sflag:s29] =	ssyncset.done $0x0  }
0x70: {  	s28 =	rddreg [dreg:$0x14];
	[sflag:s29] =	ssyncadd.s32 $0xFFFFC000  }
0x71: {  	[hbm4b:s28+s2] =	stream.linear.scatter [tilespmem:s8], [sflag:$0x2], $0x4000, $0x38;
	[tilespmem:$0xA380] =	vst v63  }
0x72: {  	_ =	swait.ge [sflag:s9], $0x4000  }
0x73: {  	[sflag:s9] =	ssyncset.done $0x0  }
0x74: {  	[sflag:s9] =	ssyncadd.s32 $0xFFFFC000  }
0x75: {  	_ =	swait.ge [sflag:s9], $0x4000  }
0x76: {  	s29 =	rddreg [dreg:$0x16]  }
0x77: {  	s30 =	rddreg [dreg:$0x15];
	s3 =	sadd.s32 $0x1, s29  }
0x78: {  	p0 =	sne.s32 s3, s30  }
.Ltmp1:
0x79: {  	_ = 	snop;
	(pc) =	sbr.rel @!p0 .LBB2_8-.Ltmp1, $3  }
0x7a: {  	_ =	sdelay $0x1  }
0x7b: {  	[sflag:s9] =	ssyncset.done $0x0  }
0x7c: {  	[sflag:s9] =	ssyncadd.s32 $0xFFFFC000  }
.LBB2_1:
0x7d: {  	[dreg:$0x16] =	wrdreg s3  }
0x7e: {  	s0 =	rddreg [dreg:$0x3]  }
0x7f: {  	[tilespmem:s2], [sflag:$0x3] =	stream.linear.gather [hbm4b:s0+s2], $0x280, $0x38;
	[tilespmem:$0xA380] =	vst v63  }
0x80: {  	_ =	swait.ge [sflag:s5], $0x280  }
0x81: {  	[sflag:s5] =	ssyncset.done $0x0  }
0x82: {  	s19 =	rddreg [dreg:$0x4];
	[sflag:s5] =	ssyncadd.s32 $0xFFFFFD80  }
0x83: {  	[tilespmem:s25], [sflag:$0x3] =	stream.linear.gather [hbm4b:s19+s2], $0x280, $0x38;
	[tilespmem:$0xA380] =	vst v63  }
0x84: {  	_ =	swait.ge [sflag:s5], $0x280  }
0x85: {  	[sflag:s5] =	ssyncset.done $0x0  }
0x86: {  	s20 =	rddreg [dreg:$0x5];
	[sflag:s5] =	ssyncadd.s32 $0xFFFFFD80  }
0x87: {  	[tilespmem:s26], [sflag:$0x3] =	stream.linear.gather [hbm4b:s20+s2], $0x280, $0x38;
	[tilespmem:$0xA380] =	vst v63  }
0x88: {  	_ =	swait.ge [sflag:s5], $0x280  }
0x89: {  	[sflag:s5] =	ssyncset.done $0x0  }
0x8a: {  	s22 =	simm.s32 $0x780;
	s21 =	rddreg [dreg:$0x6];
	[sflag:s5] =	ssyncadd.s32 $0xFFFFFD80  }
0x8b: {  	[tilespmem:s22], [sflag:$0x3] =	stream.linear.gather [hbm4b:s21+s2], $0x28, $0x38;
	[tilespmem:$0xA380] =	vst v63  }
0x8c: {  	_ =	swait.ge [sflag:s5], $0x28  }
0x8d: {  	[sflag:s5] =	ssyncset.done $0x0  }
0x8e: {  	s24 =	simm.s32 $0x800;
	s23 =	rddreg [dreg:$0x7];
	[sflag:s5] =	ssyncadd.s32 $0xFFFFFFD8  }
0x8f: {  	[tilespmem:s24], [sflag:$0x3] =	stream.linear.gather [hbm4b:s23+s2], $0x28, $0x38;
	[tilespmem:$0xA380] =	vst v63  }
0x90: {  	_ =	swait.ge [sflag:s5], $0x28  }
0x91: {  	[sflag:s5] =	ssyncset.done $0x0  }
0x92: {  	s29 =	simm.s32 $0x880;
	s28 =	rddreg [dreg:$0x8];
	[sflag:s5] =	ssyncadd.s32 $0xFFFFFFD8  }
0x93: {  	[tilespmem:s29], [sflag:$0x3] =	stream.linear.gather [hbm4b:s28+s2], $0x28, $0x38;
	[tilespmem:$0xA380] =	vst v63  }
0x94: {  	_ =	swait.ge [sflag:s5], $0x28  }
0x95: {  	[sflag:s5] =	ssyncset.done $0x0  }
.Ltmp2:
0x96: {  	s30 =	rddreg [dreg:$0x9];
	[sflag:s5] =	ssyncadd.s32 $0xFFFFFFD8;
	(pc) =	sbr.rel .LBB2_2-.Ltmp2, $4  }
0x97: {  	[tilespmem:s31], [sflag:$0x3] =	stream.linear.gather [hbm4b:s30+s2], $0x28, $0x38;
	[tilespmem:$0xA380] =	vst v63  }
0x98: {  	_ =	swait.ge [sflag:s5], $0x28  }
0x99: {  	[sflag:s5] =	ssyncset.done $0x0  }
0x9a: {  	s9 =	simm.s32 $0x0;
	[sflag:s5] =	ssyncadd.s32 $0xFFFFFFD8  }
.LBB2_6:
0x9b: {  	v17 =	vld [tilespmem:$0x980];
	_ =	sdelay $0x6  }
0x9c: {  	s0 =	sshll.u32 s9, $0x7  }
0x9d: {  	v16 =	vmul.u32 $0x4, v1;
	v19 =	vmov s0;
	v18 =	vld.idx.msk [tilespmem:v17+s2+$0x0], $0xffff  }
0x9e: {  	v19 =	vshll.u32 v19, $0x2;
	v20 =	vld.idx.msk [tilespmem:v17+s25+$0x0], $0xffff  }
0x9f: {  	v19 =	vor.u32 v16, v19;
	v17 =	vld.idx.msk [tilespmem:v17+s26+$0x0], $0xffff  }
0xa0: {  	v21 =	vor.u32 $0x1, v19  }
0xa1: {  	v22 =	vor.u32 $0x2, v19  }
0xa2: {  	v23 =	vor.u32 $0x3, v19;
	v18 =	vsub.f32 v18, v14  }
0xa3: {  	v20 =	vsub.f32 v20, v15  }
0xa4: {  	v17 =	vsub.f32 v17, v13;
	[tilespmem:v19+s1+$0x0] =	vst.idx.msk $0xffff, v18  }
0xa5: {  	[tilespmem:v21+s1+$0x0] =	vst.idx.msk $0xffff, v20  }
0xa6: {  	[tilespmem:v22+s1+$0x0] =	vst.idx.msk $0xffff, v17  }
0xa7: {  	[tilespmem:v23+s1+$0x0] =	vst.idx.msk $0xffff, v2  }
0xa8: {  	v17 =	vld [tilespmem:$0x990];
	_ =	sdelay $0x6  }
0xa9: {  	s3 =	sor.u32 $0x10, s0  }
0xaa: {  	v63 =	vmov s3;
	v18 =	vld.idx.msk [tilespmem:v17+s2+$0x0], $0xffff  }
0xab: {  	v19 =	vshll.u32 v63, $0x2;
	v20 =	vld.idx.msk [tilespmem:v17+s25+$0x0], $0xffff  }
0xac: {  	v19 =	vor.u32 v16, v19;
	v17 =	vld.idx.msk [tilespmem:v17+s26+$0x0], $0xffff  }
0xad: {  	v24 =	vor.u32 $0x1, v19  }
0xae: {  	v25 =	vor.u32 $0x2, v19  }
0xaf: {  	v27 =	vor.u32 $0x3, v19;
	v26 =	vsub.f32 v18, v14  }
0xb0: {  	v28 =	vsub.f32 v20, v15  }
0xb1: {  	v29 =	vsub.f32 v17, v13;
	[tilespmem:v19+s1+$0x0] =	vst.idx.msk $0xffff, v26  }
0xb2: {  	[tilespmem:v24+s1+$0x0] =	vst.idx.msk $0xffff, v28  }
0xb3: {  	[tilespmem:v25+s1+$0x0] =	vst.idx.msk $0xffff, v29  }
0xb4: {  	[tilespmem:v27+s1+$0x0] =	vst.idx.msk $0xffff, v2  }
0xb5: {  	v13 =	vld [tilespmem:$0x980];
	_ =	sdelay $0x4  }
0xb6: {  	s0 =	sand.u32 $0x3FFFFF80, s0;
	v13 =	vadd.s32 v0, v13  }
0xb7: {  	[tilespmem:s0+$0x1E80] =	vst v13  }
0xb8: {  	v13 =	vld [tilespmem:$0x990];
	_ =	sdelay $0x4  }
0xb9: {  	v13 =	vadd.s32 v0, v13  }
0xba: {  	[tilespmem:s0+$0x1E90] =	vst v13  }
0xbb: {  	v13 =	vld [tilespmem:$0x9B0];
	_ =	sdelay $0x6  }
0xbc: {  	s22 =	sshll.u32 s12, $0x5  }
0xbd: {  	v30 =	vmov s22;
	v14 =	vld.idx.msk [tilespmem:v13+s2+$0x0], $0xffff  }
0xbe: {  	v15 =	vshll.u32 v30, $0x2;
	v31 =	vld.idx.msk [tilespmem:v13+s25+$0x0], $0xffff  }
0xbf: {  	v15 =	vor.u32 v16, v15;
	v13 =	vld.idx.msk [tilespmem:v13+s26+$0x0], $0xffff  }
0xc0: {  	v32 =	vor.u32 $0x1, v15  }
0xc1: {  	v33 =	vor.u32 $0x2, v15  }
0xc2: {  	v34 =	vor.u32 $0x3, v15;
	v14 =	vsub.f32 v14, v11  }
0xc3: {  	v17 =	vsub.f32 v31, v12  }
0xc4: {  	v13 =	vsub.f32 v13, v10;
	[tilespmem:v15+s1+$0x0] =	vst.idx.msk $0xffff, v14  }
0xc5: {  	[tilespmem:v32+s1+$0x0] =	vst.idx.msk $0xffff, v17  }
0xc6: {  	[tilespmem:v33+s1+$0x0] =	vst.idx.msk $0xffff, v13  }
0xc7: {  	[tilespmem:v34+s1+$0x0] =	vst.idx.msk $0xffff, v2  }
0xc8: {  	v13 =	vld [tilespmem:$0x9C0];
	_ =	sdelay $0x6  }
0xc9: {  	s23 =	sor.u32 $0x10, s22  }
0xca: {  	v35 =	vmov s23;
	v14 =	vld.idx.msk [tilespmem:v13+s2+$0x0], $0xffff  }
0xcb: {  	v15 =	vshll.u32 v35, $0x2;
	v17 =	vld.idx.msk [tilespmem:v13+s25+$0x0], $0xffff  }
0xcc: {  	v15 =	vor.u32 v16, v15;
	v13 =	vld.idx.msk [tilespmem:v13+s26+$0x0], $0xffff  }
0xcd: {  	v36 =	vor.u32 $0x1, v15  }
0xce: {  	v37 =	vor.u32 $0x2, v15  }
0xcf: {  	v39 =	vor.u32 $0x3, v15;
	v38 =	vsub.f32 v14, v11  }
0xd0: {  	v40 =	vsub.f32 v17, v12  }
0xd1: {  	v41 =	vsub.f32 v13, v10;
	[tilespmem:v15+s1+$0x0] =	vst.idx.msk $0xffff, v38  }
0xd2: {  	[tilespmem:v36+s1+$0x0] =	vst.idx.msk $0xffff, v40  }
0xd3: {  	[tilespmem:v37+s1+$0x0] =	vst.idx.msk $0xffff, v41  }
0xd4: {  	[tilespmem:v39+s1+$0x0] =	vst.idx.msk $0xffff, v2  }
0xd5: {  	v10 =	vld [tilespmem:$0x9B0];
	_ =	sdelay $0x4  }
0xd6: {  	v10 =	vadd.s32 v0, v10  }
0xd7: {  	[tilespmem:s22+$0x1E80] =	vst v10  }
0xd8: {  	v10 =	vld [tilespmem:$0x9C0];
	_ =	sdelay $0x4  }
0xd9: {  	s0 =	sor.u32 $0x30, s22;
	v10 =	vadd.s32 v0, v10  }
0xda: {  	[tilespmem:s0+$0x1E80] =	vst v10  }
0xdb: {  	v10 =	vld [tilespmem:$0x9E0];
	_ =	sdelay $0x6  }
0xdc: {  	s24 =	sshll.u32 s11, $0x5  }
0xdd: {  	v42 =	vmov s24;
	v11 =	vld.idx.msk [tilespmem:v10+s2+$0x0], $0xffff  }
0xde: {  	v12 =	vshll.u32 v42, $0x2;
	v43 =	vld.idx.msk [tilespmem:v10+s25+$0x0], $0xffff  }
0xdf: {  	v12 =	vor.u32 v16, v12;
	v10 =	vld.idx.msk [tilespmem:v10+s26+$0x0], $0xffff  }
0xe0: {  	v44 =	vor.u32 $0x1, v12  }
0xe1: {  	v45 =	vor.u32 $0x2, v12  }
0xe2: {  	v46 =	vor.u32 $0x3, v12;
	v11 =	vsub.f32 v11, v7  }
0xe3: {  	v13 =	vsub.f32 v43, v8  }
0xe4: {  	v10 =	vsub.f32 v10, v9;
	[tilespmem:v12+s1+$0x0] =	vst.idx.msk $0xffff, v11  }
0xe5: {  	[tilespmem:v44+s1+$0x0] =	vst.idx.msk $0xffff, v13  }
0xe6: {  	[tilespmem:v45+s1+$0x0] =	vst.idx.msk $0xffff, v10  }
0xe7: {  	[tilespmem:v46+s1+$0x0] =	vst.idx.msk $0xffff, v2  }
0xe8: {  	v10 =	vld [tilespmem:$0x9F0];
	_ =	sdelay $0x6  }
0xe9: {  	s28 =	sor.u32 $0x10, s24  }
0xea: {  	v47 =	vmov s28;
	v11 =	vld.idx.msk [tilespmem:v10+s2+$0x0], $0xffff  }
0xeb: {  	v12 =	vshll.u32 v47, $0x2;
	v13 =	vld.idx.msk [tilespmem:v10+s25+$0x0], $0xffff  }
0xec: {  	v12 =	vor.u32 v16, v12;
	v10 =	vld.idx.msk [tilespmem:v10+s26+$0x0], $0xffff  }
0xed: {  	v48 =	vor.u32 $0x1, v12  }
0xee: {  	v49 =	vor.u32 $0x2, v12  }
0xef: {  	v51 =	vor.u32 $0x3, v12;
	v50 =	vsub.f32 v11, v7  }
0xf0: {  	v52 =	vsub.f32 v13, v8  }
0xf1: {  	v53 =	vsub.f32 v10, v9;
	[tilespmem:v12+s1+$0x0] =	vst.idx.msk $0xffff, v50  }
0xf2: {  	[tilespmem:v48+s1+$0x0] =	vst.idx.msk $0xffff, v52  }
0xf3: {  	[tilespmem:v49+s1+$0x0] =	vst.idx.msk $0xffff, v53  }
0xf4: {  	[tilespmem:v51+s1+$0x0] =	vst.idx.msk $0xffff, v2  }
0xf5: {  	v7 =	vld [tilespmem:$0x9E0];
	_ =	sdelay $0x4  }
0xf6: {  	v7 =	vadd.s32 v0, v7  }
0xf7: {  	[tilespmem:s24+$0x1E80] =	vst v7  }
0xf8: {  	v7 =	vld [tilespmem:$0x9F0];
	_ =	sdelay $0x4  }
0xf9: {  	s0 =	sor.u32 $0x50, s24;
	v7 =	vadd.s32 v0, v7  }
0xfa: {  	[tilespmem:s0+$0x1E80] =	vst v7  }
0xfb: {  	v7 =	vld [tilespmem:$0xA10];
	_ =	sdelay $0x6  }
0xfc: {  	s29 =	sshll.u32 s10, $0x5  }
0xfd: {  	v54 =	vmov s29;
	v8 =	vld.idx.msk [tilespmem:v7+s2+$0x0], $0xffff  }
0xfe: {  	v9 =	vshll.u32 v54, $0x2;
	v55 =	vld.idx.msk [tilespmem:v7+s25+$0x0], $0xffff  }
0xff: {  	v9 =	vor.u32 v16, v9;
	v7 =	vld.idx.msk [tilespmem:v7+s26+$0x0], $0xffff  }
0x100: {  	v56 =	vor.u32 $0x1, v9  }
0x101: {  	v57 =	vor.u32 $0x2, v9  }
0x102: {  	v58 =	vor.u32 $0x3, v9;
	v8 =	vsub.f32 v8, v6  }
0x103: {  	v10 =	vsub.f32 v55, v5  }
0x104: {  	v7 =	vsub.f32 v7, v4;
	[tilespmem:v9+s1+$0x0] =	vst.idx.msk $0xffff, v8  }
0x105: {  	[tilespmem:v56+s1+$0x0] =	vst.idx.msk $0xffff, v10  }
0x106: {  	[tilespmem:v57+s1+$0x0] =	vst.idx.msk $0xffff, v7  }
0x107: {  	[tilespmem:v58+s1+$0x0] =	vst.idx.msk $0xffff, v2  }
0x108: {  	v7 =	vld [tilespmem:$0xA20];
	_ =	sdelay $0x6  }
0x109: {  	s30 =	sor.u32 $0x10, s29  }
0x10a: {  	v59 =	vmov s30;
	v8 =	vld.idx.msk [tilespmem:v7+s2+$0x0], $0xffff  }
0x10b: {  	v9 =	vshll.u32 v59, $0x2;
	v10 =	vld.idx.msk [tilespmem:v7+s25+$0x0], $0xffff  }
0x10c: {  	v9 =	vor.u32 v16, v9;
	v7 =	vld.idx.msk [tilespmem:v7+s26+$0x0], $0xffff  }
0x10d: {  	v60 =	vor.u32 $0x1, v9  }
0x10e: {  	v61 =	vor.u32 $0x2, v9  }
0x10f: {  	v63 =	vor.u32 $0x3, v9;
	v62 =	vsub.f32 v8, v6  }
0x110: {  	v5 =	vsub.f32 v10, v5  }
0x111: {  	v4 =	vsub.f32 v7, v4;
	[tilespmem:v9+s1+$0x0] =	vst.idx.msk $0xffff, v62  }
0x112: {  	[tilespmem:v60+s1+$0x0] =	vst.idx.msk $0xffff, v5  }
0x113: {  	[tilespmem:v61+s1+$0x0] =	vst.idx.msk $0xffff, v4  }
0x114: {  	[tilespmem:v63+s1+$0x0] =	vst.idx.msk $0xffff, v2  }
0x115: {  	v4 =	vld [tilespmem:$0xA10];
	_ =	sdelay $0x4  }
0x116: {  	v4 =	vadd.s32 v0, v4  }
0x117: {  	[tilespmem:s29+$0x1E80] =	vst v4  }
0x118: {  	s9 =	sadd.s32 $0x1, s9;
	v4 =	vld [tilespmem:$0xA20]  }
0x119: {  	p0 =	sne.s32 s9, $0xA  }
.Ltmp3:
0x11a: {  	_ = 	snop;
	(pc) =	sbr.rel @!p0 .LBB2_7-.Ltmp3, $3  }
0x11b: {  	_ =	sdelay $0x1  }
0x11c: {  	s0 =	sor.u32 $0x70, s29;
	v4 =	vadd.s32 v0, v4  }
0x11d: {  	[tilespmem:s0+$0x1E80] =	vst v4  }
.LBB2_2:
0x11e: {  	s0 =	sshll.u32 s9, $0x2  }
0x11f: {  	v4 =	vmov s0  }
0x120: {  	v4 =	vbroadcast v4, $0x0;
	_ =	sdelay $0x5  }
0x121: {  	s12 =	sor.u32 $0x1, s0;
	v5 =	vld.idx.msk [tilespmem:v4+s31+$0x0], $0xffff  }
0x122: {  	v6 =	vmov s12  }
0x123: {  	s3 =	simm.s32 $0x780;
	v6 =	vbroadcast v6, $0x0  }
0x124: {  	s4 =	simm.s32 $0x800;
	v14 =	vld.idx.msk [tilespmem:v4+s3+$0x0], $0xffff  }
0x125: {  	s5 =	simm.s32 $0x880;
	v15 =	vld.idx.msk [tilespmem:v4+s4+$0x0], $0xffff  }
0x126: {  	v13 =	vld.idx.msk [tilespmem:v4+s5+$0x0], $0xffff;
	[tilespmem:$0x980] =	vst v5  }
0x127: {  	[tilespmem:$0x990] =	vst v5  }
0x128: {  	[tilespmem:$0x9A0] =	vst v5  }
0x129: {  	s11 =	sor.u32 $0x2, s0;
	v4 =	vld.idx.msk [tilespmem:v6+s31+$0x0], $0xffff  }
0x12a: {  	v5 =	vmov s11  }
0x12b: {  	v5 =	vbroadcast v5, $0x0  }
0x12c: {  	v11 =	vld.idx.msk [tilespmem:v6+s3+$0x0], $0xffff  }
0x12d: {  	v12 =	vld.idx.msk [tilespmem:v6+s4+$0x0], $0xffff  }
0x12e: {  	v10 =	vld.idx.msk [tilespmem:v6+s5+$0x0], $0xffff;
	[tilespmem:$0x9B0] =	vst v4  }
0x12f: {  	[tilespmem:$0x9C0] =	vst v4  }
0x130: {  	[tilespmem:$0x9D0] =	vst v4  }
0x131: {  	v4 =	vld.idx.msk [tilespmem:v5+s31+$0x0], $0xffff;
	_ =	sdelay $0x1  }
0x132: {  	s10 =	sshllo.u32 s9, $0x2  }
0x133: {  	v16 =	vmov s10;
	v7 =	vld.idx.msk [tilespmem:v5+s3+$0x0], $0xffff  }
0x134: {  	v8 =	vld.idx.msk [tilespmem:v5+s4+$0x0], $0xffff  }
0x135: {  	v9 =	vld.idx.msk [tilespmem:v5+s5+$0x0], $0xffff;
	[tilespmem:$0x9E0] =	vst v4  }
0x136: {  	[tilespmem:$0x9F0] =	vst v4  }
0x137: {  	[tilespmem:$0xA00] =	vst v4  }
0x138: {  	v17 =	vld.idx.msk [tilespmem:v16+s31+$0x0], $0xffff;
	_ =	sdelay $0x2  }
.Ltmp4:
0x139: {  	v6 =	vld.idx.msk [tilespmem:v16+s3+$0x0], $0xffff;
	(pc) =	sbr.rel .LBB2_3-.Ltmp4, $4  }
0x13a: {  	v5 =	vld.idx.msk [tilespmem:v16+s4+$0x0], $0xffff  }
0x13b: {  	s18 =	simm.s32 $0x0;
	s14 =	simm.s32 $0x30;
	v4 =	vld.idx.msk [tilespmem:v16+s5+$0x0], $0xffff;
	[tilespmem:$0xA10] =	vst v17  }
0x13c: {  	s15 =	simm.s32 $0x520;
	s16 =	simm.s32 $0x2A0;
	s17 =	simm.s32 $0x20;
	[tilespmem:$0xA20] =	vst v17  }
0x13d: {  	s19 =	simm.s32 $0x0;
	s20 =	simm.s32 $0x0;
	s21 =	simm.s32 $0x0;
	[tilespmem:$0xA30] =	vst v17  }
.LBB2_5:
0x13e: {  	s14 =	sadd.s32 $0x40, s14  }
0x13f: {  	p0 =	sne.s32 s14, $0x2B0  }
.Ltmp5:
0x140: {  	_ = 	snop;
	(pc) =	sbr.rel @!p0 .LBB2_6-.Ltmp5, $2  }
0x141: {  	_ =	sdelay $0x2  }
0x142: {  	s15 =	sadd.s32 $0x40, s15;
	s16 =	sadd.s32 $0x40, s16;
	s17 =	sadd.s32 $0x40, s17  }
.LBB2_3:
0x143: {  	v16 =	vld [tilespmem:s17+$0xFFFFFFE0]  }
0x144: {  	v17 =	vld [tilespmem:s16+$0xFFFFFFE0]  }
0x145: {  	v20 =	vld [tilespmem:s15+$0xFFFFFFE0]  }
0x146: {  	v25 =	vld [tilespmem:s17+$0xFFFFFFF0]  }
0x147: {  	v26 =	vld [tilespmem:s15+$0xFFFFFFF0]  }
0x148: {  	v32 =	vld [tilespmem:s16+$0x0];
	v18 =	vsub.f32 v16, v14  }
0x149: {  	v33 =	vld [tilespmem:s15+$0x0];
	v19 =	vsub.f32 v17, v15;
	v21 =	vsub.f32 v16, v11  }
0x14a: {  	v22 =	vsub.f32 v17, v12;
	v23 =	vsub.f32 v20, v13  }
0x14b: {  	v24 =	vsub.f32 v20, v10;
	v27 =	vsub.f32 v25, v14  }
0x14c: {  	v29 =	vsub.f32 v26, v10;
	v31 =	vsub.f32 v26, v9  }
0x14d: {  	v34 =	vsub.f32 v32, v8;
	v18 =	vmul.f32 v18, v18;
	v19 =	vmul.f32 v19, v19  }
0x14e: {  	v35 =	vsub.f32 v33, v10;
	v21 =	vmul.f32 v21, v21;
	v22 =	vmul.f32 v22, v22  }
0x14f: {  	v36 =	vsub.f32 v33, v9;
	v18 =	vadd.f32 v19, v18  }
0x150: {  	v37 =	vld [tilespmem:s17+$0x10];
	v19 =	vmul.f32 v23, v23;
	v21 =	vadd.f32 v22, v21;
	v22 =	vmul.f32 v24, v24  }
0x151: {  	v23 =	vsub.f32 v16, v7;
	v24 =	vsub.f32 v17, v8  }
0x152: {  	v19 =	vadd.f32 v19, v18;
	v18 =	vadd.f32 v22, v21;
	v21 =	vld [tilespmem:s16+$0xFFFFFFF0]  }
0x153: {  	v22 =	vsub.f32 v20, v9;
	v23 =	vmul.f32 v23, v23;
	v24 =	vmul.f32 v24, v24  }
0x154: {  	v16 =	vsub.f32 v16, v6;
	v17 =	vsub.f32 v17, v5  }
0x155: {  	v53 =	vsub.f32 v37, v11;
	v23 =	vadd.f32 v24, v23;
	v22 =	vmul.f32 v22, v22  }
0x156: {  	v20 =	vsub.f32 v20, v4;
	v16 =	vmul.f32 v16, v16;
	v24 =	vmul.f32 v17, v17  }
0x157: {  	v17 =	vadd.f32 v22, v23;
	v22 =	vsub.f32 v21, v15  }
0x158: {  	v52 =	vld [tilespmem:s15+$0x10];
	v20 =	vmul.f32 v20, v20;
	v16 =	vadd.f32 v24, v16;
	v23 =	vmul.f32 v27, v27  }
0x159: {  	v24 =	vsub.f32 v25, v11;
	v27 =	vsub.f32 v21, v12;
	v22 =	vmul.f32 v22, v22  }
0x15a: {  	v28 =	vsub.f32 v21, v8;
	v16 =	vadd.f32 v20, v16  }
0x15b: {  	v20 =	vsub.f32 v26, v13;
	v22 =	vadd.f32 v22, v23  }
0x15c: {  	v23 =	vmul.f32 v24, v24;
	v24 =	vmul.f32 v27, v27;
	v27 =	vsub.f32 v25, v7  }
0x15d: {  	v30 =	vld [tilespmem:s17+$0x0];
	v55 =	vsub.f32 v52, v13;
	v38 =	vsub.f32 v52, v10;
	v28 =	vmul.f32 v28, v28  }
0x15e: {  	v21 =	vsub.f32 v21, v5;
	v20 =	vmul.f32 v20, v20;
	v27 =	vmul.f32 v27, v27  }
0x15f: {  	v29 =	vmul.f32 v29, v29;
	v25 =	vsub.f32 v25, v6;
	v23 =	vadd.f32 v24, v23  }
0x160: {  	v24 =	vadd.f32 v20, v22;
	v20 =	vadd.f32 v28, v27  }
0x161: {  	v22 =	vadd.f32 v29, v23;
	v23 =	vmul.f32 v25, v25;
	v25 =	vsub.f32 v26, v4  }
0x162: {  	v21 =	vmul.f32 v21, v21;
	v26 =	vsub.f32 v32, v15;
	v28 =	vsub.f32 v30, v11  }
0x163: {  	v27 =	vmul.f32 v31, v31;
	v29 =	vsub.f32 v32, v12;
	v31 =	vsub.f32 v30, v7  }
0x164: {  	v34 =	vmul.f32 v34, v34;
	v21 =	vadd.f32 v21, v23;
	v23 =	vsub.f32 v30, v14  }
0x165: {  	v20 =	vadd.f32 v27, v20;
	v26 =	vmul.f32 v26, v26;
	v28 =	vmul.f32 v28, v28  }
0x166: {  	v27 =	vsub.f32 v33, v13;
	v29 =	vmul.f32 v29, v29;
	v23 =	vmul.f32 v23, v23  }
0x167: {  	v58 =	vsub.f32 v52, v9;
	v25 =	vmul.f32 v25, v25;
	v31 =	vmul.f32 v31, v31  }
0x168: {  	v23 =	vadd.f32 v26, v23;
	v26 =	vmul.f32 v27, v27;
	v27 =	vadd.f32 v29, v28;
	v28 =	vld [tilespmem:s16+$0x10]  }
0x169: {  	v59 =	vsub.f32 v37, v6;
	v60 =	vsub.f32 v52, v4;
	v29 =	vmul.f32 v35, v35  }
0x16a: {  	v51 =	vmul.f32 v36, v36;
	v31 =	vadd.f32 v34, v31;
	v21 =	vadd.f32 v25, v21  }
0x16b: {  	v56 =	vmul.f32 v38, v38;
	v26 =	vadd.f32 v26, v23;
	v25 =	vadd.f32 v29, v27  }
0x16c: {  	vm12 =	vle.f32 v19, $1.600000110e-01;
	v23 =	vadd.f32 v51, v31;
	v27 =	vsub.f32 v30, v6  }
0x16d: {  	vm13 =	vle.f32 v24, $1.600000110e-01;
	v30 =	vsub.f32 v37, v14;
	v31 =	vsub.f32 v28, v15  }
0x16e: {  	vm6 =	vle.f32 v18, $1.600000110e-01;
	vm1 =	vle.f32 v17, $1.600000110e-01;
	vm0 =	vmor vm12, vm13  }
0x16f: {  	v33 =	vsub.f32 v33, v4;
	v30 =	vmul.f32 v30, v30;
	v31 =	vmul.f32 v31, v31  }
0x170: {  	vm8 =	vle.f32 v22, $1.600000110e-01;
	v29 =	vsub.f32 v32, v5;
	v54 =	vsub.f32 v28, v12  }
0x171: {  	v32 =	vmul.f32 v53, v53;
	v30 =	vadd.f32 v31, v30;
	v31 =	vmul.f32 v55, v55  }
0x172: {  	vm3 =	vle.f32 v20, $1.600000110e-01;
	v27 =	vmul.f32 v27, v27;
	v34 =	vmul.f32 v54, v54  }
0x173: {  	v29 =	vmul.f32 v29, v29;
	vm14 =	vle.f32 v26, $1.600000110e-01;
	v31 =	vadd.f32 v31, v30  }
0x174: {  	vm7 =	vle.f32 v25, $1.600000110e-01;
	v57 =	vsub.f32 v28, v8;
	v32 =	vadd.f32 v34, v32  }
0x175: {  	vm0 =	vmor vm0, vm14;
	v30 =	vsub.f32 v37, v7;
	vm15 =	vle.f32 v31, $1.600000110e-01  }
0x176: {  	v29 =	vadd.f32 v29, v27;
	v27 =	vadd.f32 v56, v32;
	vm0 =	vmor vm0, vm15  }
0x177: {  	v32 =	vmul.f32 v57, v57;
	v30 =	vmul.f32 v30, v30;
	vm0 =	vmor vm6, vm0  }
0x178: {  	v28 =	vsub.f32 v28, v5;
	vm11 =	vle.f32 v27, $1.600000110e-01;
	vm0 =	vmor vm8, vm0  }
0x179: {  	v30 =	vadd.f32 v32, v30;
	v32 =	vmul.f32 v58, v58;
	vm0 =	vmor vm7, vm0  }
0x17a: {  	v28 =	vmul.f32 v28, v28;
	v34 =	vmul.f32 v59, v59;
	vm0 =	vmor vm11, vm0  }
0x17b: {  	v33 =	vmul.f32 v33, v33;
	v30 =	vadd.f32 v32, v30;
	vm0 =	vmor vm1, vm0  }
0x17c: {  	vm4 =	vle.f32 v23, $1.600000110e-01;
	v28 =	vadd.f32 v28, v34;
	vm0 =	vmor vm3, vm0  }
0x17d: {  	v32 =	vmul.f32 v60, v60;
	vm10 =	vle.f32 v30, $1.600000110e-01;
	vm0 =	vmor vm4, vm0  }
0x17e: {  	vm9 =	vle.f32 v16, $1.600000110e-01;
	v29 =	vadd.f32 v33, v29;
	vm0 =	vmor vm10, vm0  }
0x17f: {  	vm5 =	vle.f32 v21, $1.600000110e-01;
	v28 =	vadd.f32 v32, v28;
	vm0 =	vmor vm9, vm0  }
0x180: {  	v61 =	vimm.s32 $0x0;
	vm2 =	vle.f32 v29, $1.600000110e-01;
	vm0 =	vmor vm5, vm0  }
0x181: {  	v35 =	vsel vm1, $0xFFFFFFFF, v61;
	vm1 =	vle.f32 v28, $1.600000110e-01;
	vm0 =	vmor vm2, vm0  }
0x182: {  	vm0 =	vmor vm1, vm0  }
0x183: {  	v63 =	vsel vm0, $0x3F800000, v2  }
0x184: {  	(xrf0) =	vmax.scan.msk.f32 $0xffff, v63;
	_ =	sdelay $0x1  }
0x185: {  	v62 =	vimm.s32 $0x0  }
0x186: {  	v32 =	vsel vm1, $0xFFFFFFFF, v62;
	_ =	sdelay $0x2  }
0x187: {  	[tilespmem:$0x1FFF0] =	vst v32;
	v32, _, _ =	vpop (xrf0)  }
0x188: {  	(v2sf) =	vpush v32, $0xF;
	_ =	sdelay $0xe  }
0x189: {  	s0 =	spop (v2sf)  }
0x18a: {  	p0 =	sgt.f32 s0, $0.0e+00  }
.Ltmp6:
0x18b: {  	_ = 	snop;
	(pc) =	sbr.rel @!p0 .LBB2_5-.Ltmp6, $2  }
0x18c: {  	_ =	sdelay $0x2  }
0x18d: {  	[tilespmem:$0x1FFE0] =	vst v35  }
0x18e: {  	v32 =	vsel vm12, $0x1, v3  }
0x18f: {  	(xrf0) =	vadd.scan.msk.s32 $0xffff, v32;
	_ =	sdelay $0x2  }
0x190: {  	v63 =	vsel vm13, $0x1, v3  }
0x191: {  	(xrf0) =	vadd.scan.msk.s32 $0xffff, v63;
	_ =	sdelay $0x1  }
0x192: {  	v33, _, _ =	vpop (xrf0)  }
0x193: {  	v36 =	vsel vm14, $0x1, v3;
	(v2sf) =	vpush v33, $0xF  }
0x194: {  	v37 =	vsel vm15, $0x1, v3;
	(xrf0) =	vadd.scan.msk.s32 $0xffff, v36  }
0x195: {  	v38 =	vsel vm6, $0x1, v3;
	(xrf0) =	vadd.scan.msk.s32 $0xffff, v37  }
0x196: {  	(xrf0) =	vadd.scan.msk.s32 $0xffff, v38;
	v39, _, _ =	vpop (xrf0)  }
0x197: {  	(v2sf) =	vpush v39, $0xF;
	_ =	sdelay $0x2  }
0x198: {  	v41, _, _ =	vpop (xrf0)  }
0x199: {  	(v2sf) =	vpush v41, $0xF;
	v42, _, _ =	vpop (xrf0)  }
0x19a: {  	(v2sf) =	vpush v42, $0xF;
	v43, _, _ =	vpop (xrf0)  }
0x19b: {  	(v2sf) =	vpush v43, $0xF  }
0x19c: {  	v40 =	vsel vm8, $0x1, v3  }
0x19d: {  	(xrf0) =	vadd.scan.msk.s32 $0xffff, v40;
	_ =	sdelay $0x2  }
0x19e: {  	p4 =	sgt.s32 s21, $0x1F;
	p1 =	slt.s32 s21, $0x20;
	s0 =	spop (v2sf)  }
0x19f: {  	p3 =	slt.s32 @!p4 s0, $0x1;
	s0 =	simm.s32 @!p1 $0x0  }
0x1a0: {  	s5 =	sadd.s32 s21, s0  }
0x1a1: {  	v33, _, _ =	vpop (xrf0);
	p0 =	sgt.s32 s5, $0x1F  }
0x1a2: {  	v46 =	vld [tilespmem:$0x1FFE0];
	(v2sf) =	vpush v33, $0xF;
	s0 =	spop (v2sf);
	s3 =	simm.s32 @!p0 $0x0  }
0x1a3: {  	p1 =	slt.s32 @!p0 s0, $0x1;
	s3 =	simm.s32 @p0 $0x1  }
0x1a4: {  	[smem:$0x7EA] =	sst s3;
	s3 =	simm.s32 @!p1 $0x0  }
0x1a5: {  	s3 =	simm.s32 @p1 $0x1  }
0x1a6: {  	v44 =	vsel vm7, $0x1, v3;
	p1 =	slt.s32 s5, $0x20;
	[smem:$0x7E9] =	sst s3;
	s3 =	spop (v2sf)  }
0x1a7: {  	v45 =	vsel vm11, $0x1, v3;
	vm0 =	vnez.u8 v46;
	(xrf0) =	vadd.scan.msk.s32 $0xffff, v44;
	s0 =	simm.s32 @!p1 $0x0;
	s22 =	spop (v2sf)  }
0x1a8: {  	p5 =	sgt.s32 s20, $0x1F;
	v32 =	vsel vm0, $0x1, v3;
	(xrf0) =	vadd.scan.msk.s32 $0xffff, v45;
	s8 =	sadd.s32 s5, s0;
	s0 =	spop (v2sf)  }
0x1a9: {  	(xrf0) =	vadd.scan.msk.s32 $0xffff, v32;
	p0 =	slt.s32 @!p5 s0, $0x1  }
0x1aa: {  	s6 =	sld [smem:$0x7EA];
	p2 =	sgt.s32 s8, $0x1F;
	s4 =	simm.s32 @!p0 $0x0  }
0x1ab: {  	s30 =	sld [smem:$0x7E9];
	s4 =	simm.s32 @p0 $0x1;
	p0 =	slt.s32 @!p2 s3, $0x1  }
0x1ac: {  	[smem:$0x7EC] =	sst s4;
	s4 =	simm.s32 @!p0 $0x0  }
0x1ad: {  	p6 =	slt.s32 s20, $0x20;
	v48, _, _ =	vpop (xrf0);
	p1 =	por p3, p4;
	s4 =	simm.s32 @p0 $0x1  }
0x1ae: {  	v50, _, _ =	vpop (xrf0);
	(v2sf) =	vpush v48, $0xF;
	s0 =	simm.s32 @!p6 $0x0;
	[smem:$0x7EB] =	sst s4;
	s4 =	simm.s32 @!p1 $0x0  }
0x1af: {  	v52, _, _ =	vpop (xrf0);
	(v2sf) =	vpush v50, $0xF;
	p6 =	seq.s32 s6, $0x1;
	p4 =	seq.s32 s30, $0x1;
	s4 =	simm.s32 @p1 $0x1  }
0x1b0: {  	(v2sf) =	vpush v52, $0xF;
	p0 =	slt.s32 s8, $0x20;
	[smem:$0x7EE] =	sst s4;
	s4 =	sadd.s32 s20, s0  }
0x1b1: {  	v47 =	vsel vm3, $0x1, v3;
	s7 =	sld [smem:$0x7EB];
	s0 =	spop (v2sf);
	p3 =	sgt.s32 s4, $0x1F  }
0x1b2: {  	v49 =	vsel vm4, $0x1, v3;
	(xrf0) =	vadd.scan.msk.s32 $0xffff, v47;
	p4 =	por p4, p6;
	s3 =	simm.s32 @!p0 $0x0;
	p1 =	slt.s32 @!p3 s0, $0x1  }
0x1b3: {  	v51 =	vsel vm10, $0x1, v3;
	(xrf0) =	vadd.scan.msk.s32 $0xffff, v49;
	s13 =	sld [smem:$0x7EC];
	s23 =	sadd.s32 s8, s3;
	s3 =	simm.s32 @!p1 $0x0  }
0x1b4: {  	v53 =	vsel vm9, $0x1, v3;
	(xrf0) =	vadd.scan.msk.s32 $0xffff, v51;
	p0 =	sgt.s32 s23, $0x1F;
	p6 =	seq.s32 s7, $0x1;
	s3 =	simm.s32 @p1 $0x1  }
0x1b5: {  	(xrf0) =	vadd.scan.msk.s32 $0xffff, v53;
	p1 =	slt.s32 s4, $0x20;
	[smem:$0x7ED] =	sst s3;
	s3 =	simm.s32 @!p4 $0x0  }
0x1b6: {  	p2 =	por p6, p2;
	s0 =	simm.s32 @!p1 $0x0;
	s3 =	simm.s32 @p4 $0x1  }
0x1b7: {  	p1 =	slt.s32 @!p0 s22, $0x1;
	[smem:$0x7F0] =	sst s3;
	s3 =	simm.s32 @!p2 $0x0  }
0x1b8: {  	v54, _, _ =	vpop (xrf0);
	p0 =	por p1, p0;
	s3 =	simm.s32 @p2 $0x1  }
0x1b9: {  	(v2sf) =	vpush v54, $0xF;
	v56, _, _ =	vpop (xrf0);
	p2 =	seq.s32 s13, $0x1;
	[smem:$0x7F2] =	sst s3;
	s3 =	simm.s32 @!p0 $0x0  }
0x1ba: {  	v57, _, _ =	vpop (xrf0);
	(v2sf) =	vpush v56, $0xF;
	s3 =	simm.s32 @p0 $0x1;
	p0 =	por p2, p5  }
0x1bb: {  	v58, _, _ =	vpop (xrf0);
	(v2sf) =	vpush v57, $0xF;
	s24 =	sadd.s32 s4, s0;
	s0 =	simm.s32 @!p0 $0x0  }
0x1bc: {  	(v2sf) =	vpush v58, $0xF;
	s0 =	simm.s32 @p0 $0x1  }
0x1bd: {  	v55 =	vsel vm5, $0x1, v3;
	v61 =	vld [tilespmem:$0x1FFF0];
	p6 =	sgt.s32 s19, $0x1F;
	[smem:$0x7F4] =	sst s0;
	s0 =	spop (v2sf)  }
0x1be: {  	(xrf0) =	vadd.scan.msk.s32 $0xffff, v55;
	s28 =	sld [smem:$0x7ED];
	p1 =	slt.s32 s24, $0x20;
	s13 =	spop (v2sf)  }
0x1bf: {  	[smem:$0x7F3] =	sst s3;
	p0 =	sgt.s32 s24, $0x1F;
	s3 =	spop (v2sf)  }
0x1c0: {  	p2 =	slt.s32 @!p0 s0, $0x1;
	s0 =	simm.s32 @!p1 $0x0;
	p1 =	slt.s32 @!p6 s3, $0x1  }
0x1c1: {  	p4 =	seq.s32 s28, $0x1;
	s6 =	simm.s32 @!p1 $0x0  }
0x1c2: {  	v59 =	vsel vm2, $0x1, v3;
	vm15 =	vnez.u8 v61;
	s6 =	simm.s32 @p1 $0x1;
	p1 =	por p4, p3  }
0x1c3: {  	v32 =	vsel vm15, $0x1, v3;
	(xrf0) =	vadd.scan.msk.s32 $0xffff, v59;
	[smem:$0x7F1] =	sst s6;
	s6 =	simm.s32 @!p1 $0x0  }
0x1c4: {  	v60, _, _ =	vpop (xrf0);
	(xrf0) =	vadd.scan.msk.s32 $0xffff, v32;
	s0 =	sadd.s32 s24, s0;
	p0 =	por p2, p0;
	s6 =	simm.s32 @p1 $0x1  }
0x1c5: {  	p4 =	sgt.s32 s0, $0x1F;
	[smem:$0x7F5] =	sst s6;
	s6 =	simm.s32 @!p0 $0x0  }
0x1c6: {  	s6 =	simm.s32 @p0 $0x1;
	p0 =	slt.s32 @!p4 s13, $0x1  }
0x1c7: {  	p0 =	por p0, p4  }
0x1c8: {  	s7 =	spop (v2sf);
	[smem:$0x7F6] =	sst s6;
	s6 =	simm.s32 @!p0 $0x0  }
0x1c9: {  	v62, _, _ =	vpop (xrf0);
	(v2sf) =	vpush v60, $0xF;
	s28 =	spop (v2sf);
	s6 =	simm.s32 @p0 $0x1  }
0x1ca: {  	v63, _, _ =	vpop (xrf0);
	(v2sf) =	vpush v62, $0xF;
	[smem:$0x7F7] =	sst s6;
	s6 =	spop (v2sf)  }
0x1cb: {  	(v2sf) =	vpush v63, $0xF;
	s30 =	spop (v2sf);
	[smem:$0x7EF] =	sst s1  }
0x1cc: {  	s1 =	sld [smem:$0x7EE];
	_ =	sdelay $0x2  }
0x1cd: {  	p3 =	seq.s32 s1, $0x1;
	s1 =	sld [smem:$0x7EF];
	_ =	sdelay $0x1  }
0x1ce: {  	p0 =	sgt.s32 s18, $0x1F  }
0x1cf: {  	[smem:$0x7EF] =	sst s1;
	s1 =	simm.s32 @!p0 $0x0  }
0x1d0: {  	s1 =	simm.s32 @p0 $0x1  }
0x1d1: {  	s29 =	sadd.s32 $0xFFFFFFD0, s14;
	p5 =	slt.s32 s19, $0x20;
	[smem:$0x7FA] =	sst s1  }
0x1d2: {  	v32 =	vor.u32 s29, v1;
	s29 =	sadd.s32 $0xFFFFFFE0, s14;
	s3 =	simm.s32 @!p5 $0x0;
	s1 =	sld [smem:$0x7EF]  }
0x1d3: {  	s3 =	sadd.s32 s19, s3;
	vm0 =	vle.f32 @!p3 v19, $1.600000110e-01;
	v19 =	vor.u32 s29, v1;
	s29 =	sld [smem:$0x7F0]  }
0x1d4: {  	p1 =	sgt.s32 s3, $0x1F;
	p4 =	slt.s32 s3, $0x20  }
0x1d5: {  	p2 =	slt.s32 @!p1 s7, $0x1;
	s7 =	simm.s32 @!p4 $0x0;
	p4 =	slt.s32 @!p0 s30, $0x1  }
0x1d6: {  	[tilespmem:s21+$0x980] =	vst.msk @!p3 vm0, v32;
	p3 =	seq.s32 s29, $0x1;
	s29 =	simm.s32 @!p4 $0x0  }
0x1d7: {  	s29 =	simm.s32 @p4 $0x1  }
0x1d8: {  	[smem:$0x7F9] =	sst s29  }
0x1d9: {  	s29 =	sld [smem:$0x7F1];
	_ =	sdelay $0x2  }
0x1da: {  	vm0 =	vle.f32 @!p3 v24, $1.600000110e-01;
	p4 =	seq.s32 s29, $0x1;
	s29 =	sld [smem:$0x7F2]  }
0x1db: {  	p0 =	slt.s32 s18, $0x20;
	[tilespmem:s5+$0x980] =	vst.msk @!p3 vm0, v19;
	p3 =	por p4, p6  }
0x1dc: {  	s30 =	simm.s32 @!p0 $0x0;
	s21 =	sadd.s32 $0xFFFFFFF0, s14;
	s5 =	simm.s32 @!p3 $0x0  }
0x1dd: {  	v24 =	vor.u32 s21, v1;
	s21 =	sld [smem:$0x7F3];
	s5 =	simm.s32 @p3 $0x1;
	p0 =	seq.s32 s29, $0x1  }
0x1de: {  	[smem:$0x7F8] =	sst s5;
	vm0 =	vle.f32 @!p0 v26, $1.600000110e-01;
	s5 =	sadd.s32 s3, s7;
	s7 =	sadd.s32 s18, s30  }
0x1df: {  	p6 =	por p2, p1;
	[tilespmem:s8+$0x980] =	vst.msk @!p0 vm0, v24;
	p0 =	sgt.s32 s7, $0x1F  }
0x1e0: {  	p1 =	seq.s32 s21, $0x1;
	s29 =	sld [smem:$0x7F4];
	s21 =	simm.s32 @!p0 $0x0  }
0x1e1: {  	s30 =	sld [smem:$0x7F5];
	s21 =	simm.s32 @p0 $0x1  }
0x1e2: {  	p2 =	sgt.s32 s5, $0x1F;
	[smem:$0x7FC] =	sst s21  }
0x1e3: {  	v26 =	vor.u32 s14, v1;
	vm0 =	vle.f32 @!p1 v31, $1.600000110e-01;
	s8 =	spop (v2sf);
	p3 =	slt.s32 s5, $0x20;
	s21 =	sld [smem:$0x7F6]  }
0x1e4: {  	[tilespmem:s23+$0x980] =	vst.msk @!p1 vm0, v26;
	p1 =	seq.s32 s29, $0x1;
	p5 =	slt.s32 @!p2 s28, $0x1;
	s28 =	simm.s32 @!p3 $0x0  }
0x1e5: {  	s29 =	sld [smem:$0x7F7];
	p3 =	slt.s32 s23, $0x20;
	vm0 =	vle.f32 @!p1 v18, $1.600000110e-01;
	p4 =	seq.s32 s30, $0x1  }
0x1e6: {  	p5 =	por p5, p2;
	[tilespmem:s20+$0x9B0] =	vst.msk @!p1 vm0, v32;
	vm0 =	vle.f32 @!p4 v22, $1.600000110e-01;
	p1 =	slt.s32 @!p0 s8, $0x1;
	p0 =	seq.s32 s21, $0x1  }
0x1e7: {  	s30 =	sld [smem:$0x7F8];
	s22 =	simm.s32 @!p3 $0x0;
	s20 =	simm.s32 @!p1 $0x0;
	[tilespmem:s4+$0x9B0] =	vst.msk @!p4 vm0, v19;
	vm0 =	vle.f32 @!p0 v25, $1.600000110e-01  }
0x1e8: {  	s20 =	simm.s32 @p1 $0x1;
	p1 =	slt.s32 s7, $0x20;
	[tilespmem:s24+$0x9B0] =	vst.msk @!p0 vm0, v24;
	p0 =	seq.s32 s29, $0x1  }
0x1e9: {  	s4 =	spop (v2sf);
	[smem:$0x7FB] =	sst s20;
	s8 =	simm.s32 @!p1 $0x0;
	vm0 =	vle.f32 @!p0 v27, $1.600000110e-01  }
0x1ea: {  	s20 =	sld [smem:$0x7F9];
	s8 =	sadd.s32 s7, s8;
	[tilespmem:s0+$0x9B0] =	vst.msk @!p0 vm0, v26;
	p0 =	seq.s32 s30, $0x1  }
0x1eb: {  	s21 =	sld [smem:$0x7FA];
	s24 =	sadd.s32 s5, s28;
	p4 =	sgt.s32 s8, $0x1F;
	vm0 =	vle.f32 @!p0 v17, $1.600000110e-01  }
0x1ec: {  	s28 =	sld [smem:$0x7FB];
	p1 =	sgt.s32 s24, $0x1F;
	[tilespmem:s19+$0x9E0] =	vst.msk @!p0 vm0, v32;
	p0 =	slt.s32 @!p4 s4, $0x1  }
0x1ed: {  	s29 =	sld [smem:$0x7FC];
	p2 =	slt.s32 @!p1 s6, $0x1;
	s19 =	simm.s32 @!p0 $0x0  }
0x1ee: {  	p1 =	por p2, p1;
	p2 =	slt.s32 s0, $0x20;
	vm0 =	vle.f32 @!p6 v20, $1.600000110e-01;
	s19 =	simm.s32 @p0 $0x1  }
0x1ef: {  	p3 =	seq.s32 s28, $0x1;
	[tilespmem:s3+$0x9E0] =	vst.msk @!p6 vm0, v19;
	vm0 =	vle.f32 @!p5 v23, $1.600000110e-01;
	p6 =	seq.s32 s21, $0x1;
	[smem:$0x7FD] =	sst s19  }
0x1f0: {  	p0 =	slt.s32 s8, $0x20;
	[tilespmem:s5+$0x9E0] =	vst.msk @!p5 vm0, v24;
	p5 =	seq.s32 s20, $0x1;
	s30 =	sld [smem:$0x7FD]  }
0x1f1: {  	vm0 =	vle.f32 @!p1 v30, $1.600000110e-01;
	s4 =	simm.s32 @!p0 $0x0;
	p0 =	por p5, p6;
	p5 =	seq.s32 s29, $0x1  }
0x1f2: {  	[tilespmem:s24+$0x9E0] =	vst.msk @!p1 vm0, v26;
	s3 =	sadd.s32 s8, s4;
	p1 =	por p3, p5;
	s4 =	spop (v2sf)  }
.Ltmp7:
0x1f3: {  	vm0 =	vle.f32 @!p0 v16, $1.600000110e-01;
	p3 =	sgt.s32 s3, $0x1F;
	p6 =	seq.s32 s30, $0x1;
	(pc) =	sbr.rel .LBB2_5-.Ltmp7, $4  }
0x1f4: {  	s13 =	simm.s32 @!p2 $0x0;
	[tilespmem:s18+$0xA10] =	vst.msk @!p0 vm0, v32;
	vm0 =	vle.f32 @!p1 v21, $1.600000110e-01;
	p2 =	slt.s32 @!p3 s4, $0x1;
	p0 =	por p6, p4  }
0x1f5: {  	[tilespmem:s7+$0xA10] =	vst.msk @!p1 vm0, v19;
	p1 =	slt.s32 s24, $0x20;
	p2 =	por p2, p3;
	p3 =	slt.s32 s3, $0x20;
	vm0 =	vle.f32 @!p0 v29, $1.600000110e-01  }
0x1f6: {  	s21 =	sadd.s32 s23, s22;
	s6 =	simm.s32 @!p1 $0x0;
	s4 =	simm.s32 @!p3 $0x0;
	[tilespmem:s8+$0xA10] =	vst.msk @!p0 vm0, v24;
	vm0 =	vle.f32 @!p2 v28, $1.600000110e-01  }
0x1f7: {  	s20 =	sadd.s32 s0, s13;
	s19 =	sadd.s32 s24, s6;
	s18 =	sadd.s32 s3, s4;
	[tilespmem:s3+$0xA10] =	vst.msk @!p2 vm0, v26  }
.LBB2_8:
0x1f8: {  	_ =	sfence.sel $0x180000  }
0x1f9: {  	[bflag:$0x0] =	sbarrier.arrive $0xFFFF  }
0x1fa: {  	_ =	strace $0x9000004A  }
0x1fb: {  	s0 =	stileid.u32;
	[bflag:$0x2] =	sbarrier.arrive $0xFFFF  }
0x1fc: {  	p0 =	sne.s32 s0, $0x0;
	s0 =	rddreg [dreg:$0x1]  }
0x1fd: {  	s0 =	sadd.s32 @!p0 $0x100000, s0  }
0x1fe: {  	[sflag:s0] =	ssyncadd.tile.s32 @!p0 $0x1;
	_ =	shalt  }
.Lfunc_end2:
_tile_overlayer_lowered:
.L_overlay_start_2:
0x1ff: {  	(tag) =	ssettag $0x2  }
0x200: {  	s0 =	rddreg [dreg:$0x0];
	s2 =	stileid.u32  }
0x201: {  	s1 =	rddreg [dreg:$0x1];
	p0 =	sne.s32 s2, $0x0  }
0x202: {  	s3 =	rddreg [dreg:$0x2];
	[bflag:$0x3] =	sbarrier.arrive $0xFFFF;
	s2 =	simm.s32 @!p0 $0x1C03  }
0x203: {  	[timem:s3], [sflag:s2] =	dma.local @!p0 [hbm:s0], s1  }
0x204: {  	s0 =	simm.s32 @!p0 $0x3  }
0x205: {  	_ =	swait.ge @!p0 [sflag:s0], s1  }
0x206: {  	s1 =	ssub.s32 @!p0 $0x0, s1;
	[sflag:s0] =	ssyncset.done @!p0 $0x0  }
0x207: {  	[sflag:s0] =	ssyncadd.s32 @!p0 s1  }
0x208: {  	[bflag:$0x3] =	sbarrier.arrive $0xFFFF  }
0x209: {  	_ =	shalt  }

// kernel: kernel.8.cloned.1.call-start
scs
__scs_entry_jumppad:
0x0: {  	(pc) =	sbr.rel $0x88, $3  }
0x1: {  	(tag) =	ssettag $0x0;
	lr =	simm.s32 $0x1  }
0x2: {  	[smem:$0x3F82] =	sst lr;
	_ =	strace $0xD0000000  }
0x3: {  	_ = 	snop  }
0x4: {  	_ = 	snop  }
0x5: {  	_ = 	snop  }
0x6: {  	_ = 	snop  }
0x7: {  	_ = 	snop  }
__scs_overlays_trampoline_lowered:
0x8: {  	[smem:$0x3F91] =	sst s0  }
0x9: {  	[smem:$0x3F92] =	sst s1  }
0xa: {  	[smem:$0x3F93] =	sst s2  }
0xb: {  	[smem:$0x3F94] =	sst s3  }
0xc: {  	[smem:$0x3F95] =	sst s4  }
0xd: {  	[smem:$0x3F96] =	sst s5  }
0xe: {  	[smem:$0x3F97] =	sst s6  }
0xf: {  	[smem:$0x3F98] =	sst s7  }
0x10: {  	[smem:$0x3F99] =	sst s8  }
0x11: {  	[smem:$0x3F9A] =	sst s9;
	s0 =	simm.s32 @!p0 $0x0  }
0x12: {  	s1 =	sld [smem:$0x3F80];
	s0 =	simm.s32 @p0 $0x1  }
0x13: {  	[smem:$0x3F9B] =	sst s0;
	s0 =	simm.s32 @!p1 $0x0  }
0x14: {  	s2 =	sld [smem:$0x3F7F];
	s0 =	simm.s32 @p1 $0x1  }
0x15: {  	[smem:$0x3F9C] =	sst s0;
	s0 =	simm.s32 @!p2 $0x0  }
0x16: {  	s3 =	sld [smem:$0x3FDB];
	s0 =	simm.s32 @p2 $0x1  }
0x17: {  	s4 =	simm.s32 $0x1BF5;
	[smem:$0x3F9E] =	sst s0  }
0x18: {  	s0 =	sld [smem:$0x3F81];
	_ =	swait.ge [sflag:s4], $0x0  }
0x19: {  	s7 =	sld [smem:$0x3F82]  }
0x1a: {  	s8 =	sadd.s32 $0xFFFFE003, lr  }
0x1b: {  	s9 =	sadd.s32 $0xFFFFFEF7, lr;
	s5 =	simm.s32 $0xFFFFFFFF;
	p2 =	slt.u32 s8, $0xFFFFF086  }
0x1c: {  	p1 =	slt.u32 s9, $0xF7A;
	s5 =	simm.s32 @!p2 $0x0  }
0x1d: {  	s5 =	simm.s32 @p1 $0x1;
	p0 =	seq.s32 s7, s2  }
0x1e: {  	s7 =	smul.u32 @!p0 $0xF7A, s2;
	p2 =	seq.s32 @!p0 s5, $0x0  }
0x1f: {  	s9 =	smul.u32 $0xF7A, s1;
	s8 =	simm.s32 @!p0 $0x1BF5;
	p2 =	por !p2, p0  }
0x20: {  	[sflag:s8] =	ssyncset.s32 @!p0 $0xFFFFF086;
	s6 =	sadd.s32 @!p0 s3, s7;
	s7 =	simm.s32 @!p0 $0x108  }
0x21: {  	s3 =	sadd.s32 s3, s9;
	s6 =	sadd.s32 @!p0 $0x88, s6;
	s7 =	simm.s32 @p2 $0x1082  }
0x22: {  	[simem:s7], [sflag:s8] =	dma.local @!p0 [hbm:s6], $0xF7A  }
0x23: {  	s9 =	sor.u32 $0xD0000000, s2;
	s6 =	simm.s32 $0x108;
	_ =	swait.ge @!p0 [sflag:s8], $0x0  }
0x24: {  	s3 =	sadd.s32 $0x88, s3;
	s6 =	simm.s32 @!p1 $0x1082;
	[sflag:s4] =	ssyncset.s32 $0xFFFFF086  }
0x25: {  	[simem:s6], [sflag:s4] =	dma.local [hbm:s3], $0xF7A  }
0x26: {  	[smem:$0x3F82] =	sst s1;
	(tag) =	ssettag s2;
	_ =	strace s9  }
0x27: {  	s1 =	sld [smem:$0x3F92]  }
0x28: {  	s2 =	sld [smem:$0x3F93]  }
0x29: {  	s4 =	sld [smem:$0x3F95]  }
0x2a: {  	p0 =	seq.s32 s5, $0x0;
	s5 =	sld [smem:$0x3F96]  }
0x2b: {  	s6 =	sld [smem:$0x3F97]  }
0x2c: {  	s7 =	sld [smem:$0x3F98]  }
0x2d: {  	s3 =	simm.s32 $0x108;
	s8 =	sld [smem:$0x3F99]  }
0x2e: {  	s3 =	simm.s32 @!p0 $0x1082;
	s9 =	sld [smem:$0x3F9A]  }
0x2f: {  	lr =	sadd.s32 s0, s3;
	s0 =	sld [smem:$0x3F91]  }
0x30: {  	s3 =	sld [smem:$0x3F94]  }
0x31: {  	[smem:$0x3F9D] =	sst s10  }
0x32: {  	s10 =	sld [smem:$0x3F9B];
	_ =	sdelay $0x3  }
0x33: {  	p0 =	seq.s32 s10, $0x1;
	s10 =	sld [smem:$0x3F9D];
	_ =	sdelay $0x3  }
0x34: {  	[smem:$0x3F9D] =	sst s10  }
0x35: {  	s10 =	sld [smem:$0x3F9C];
	_ =	sdelay $0x3  }
0x36: {  	p1 =	seq.s32 s10, $0x1;
	s10 =	sld [smem:$0x3F9D];
	_ =	sdelay $0x3  }
0x37: {  	[smem:$0x3F9D] =	sst s10  }
0x38: {  	s10 =	sld [smem:$0x3F9E]  }
0x39: {  	_ = 	snop;
	(pc) =	sbr.ind lr, $3  }
0x3a: {  	_ = 	snop  }
0x3b: {  	_ = 	snop  }
0x3c: {  	p2 =	seq.s32 s10, $0x1;
	s10 =	sld [smem:$0x3F9D]  }
0x3d: {  	_ =	shalt  }
0x3e: {  	_ =	shalt  }
0x3f: {  	_ =	shalt  }
0x40: {  	_ =	shalt  }
0x41: {  	_ =	shalt  }
0x42: {  	_ =	shalt  }
0x43: {  	_ =	shalt  }
0x44: {  	_ =	shalt  }
0x45: {  	_ =	shalt  }
0x46: {  	_ =	shalt  }
0x47: {  	_ =	shalt  }
0x48: {  	_ =	shalt  }
0x49: {  	_ =	shalt  }
0x4a: {  	_ =	shalt  }
0x4b: {  	_ =	shalt  }
0x4c: {  	_ =	shalt  }
0x4d: {  	_ =	shalt  }
0x4e: {  	_ =	shalt  }
0x4f: {  	_ =	shalt  }
0x50: {  	_ =	shalt  }
0x51: {  	_ =	shalt  }
0x52: {  	_ =	shalt  }
0x53: {  	_ =	shalt  }
0x54: {  	_ =	shalt  }
0x55: {  	_ =	shalt  }
0x56: {  	_ =	shalt  }
0x57: {  	_ =	shalt  }
0x58: {  	_ =	shalt  }
0x59: {  	_ =	shalt  }
0x5a: {  	_ =	shalt  }
0x5b: {  	_ =	shalt  }
0x5c: {  	_ =	shalt  }
0x5d: {  	_ =	shalt  }
0x5e: {  	_ =	shalt  }
0x5f: {  	_ =	shalt  }
0x60: {  	_ =	shalt  }
0x61: {  	_ =	shalt  }
0x62: {  	_ =	shalt  }
0x63: {  	_ =	shalt  }
0x64: {  	_ =	shalt  }
0x65: {  	_ =	shalt  }
0x66: {  	_ =	shalt  }
0x67: {  	_ =	shalt  }
0x68: {  	_ =	shalt  }
0x69: {  	_ =	shalt  }
0x6a: {  	_ =	shalt  }
0x6b: {  	_ =	shalt  }
0x6c: {  	_ =	shalt  }
0x6d: {  	_ =	shalt  }
0x6e: {  	_ =	shalt  }
0x6f: {  	_ =	shalt  }
0x70: {  	_ =	shalt  }
0x71: {  	_ =	shalt  }
0x72: {  	_ =	shalt  }
0x73: {  	_ =	shalt  }
0x74: {  	_ =	shalt  }
0x75: {  	_ =	shalt  }
0x76: {  	_ =	shalt  }
0x77: {  	_ =	shalt  }
0x78: {  	_ =	shalt  }
0x79: {  	_ =	shalt  }
0x7a: {  	_ =	shalt  }
0x7b: {  	_ =	shalt  }
0x7c: {  	_ =	shalt  }
0x7d: {  	_ =	shalt  }
0x7e: {  	_ =	shalt  }
0x7f: {  	_ =	shalt  }
0x80: {  	_ =	shalt  }
0x81: {  	_ =	shalt  }
0x82: {  	_ =	shalt  }
0x83: {  	_ =	shalt  }
0x84: {  	_ =	shalt  }
0x85: {  	_ =	shalt  }
0x86: {  	_ =	shalt  }
0x87: {  	_ =	shalt  }
.Lfunc_end0:
.L_simem_size_0:
called_computation_lowered:
.L_overlay_start_0:
0x88: {  	s2 =	sld [smem:$0x3FD9]  }
0x89: {  	s3 =	sld [smem:$0x3FFE];
	_ =	sdelay $0x1  }
0x8a: {  	s1 =	srdreg.scid  }
0x8b: {  	s0 =	sand.u32 $0x1, s1  }
0x8c: {  	s16 =	sshll.u32 s0, $0xA;
	s2 =	sadd.s32 s3, s2  }
0x8d: {  	s2 =	sadd.s32 s2, s16  }
0x8e: {  	[smem:$0x3FA9] =	sst s2  }
0x8f: {  	_ = 	snop  }
0x90: {  	(tm) =	ssettm $0x1  }
0x91: {  	s17 =	sld [smem:$0x3FFB];
	_ =	sdelay $0x3  }
0x92: {  	_ =	strace s17  }
0x93: {  	s2 =	sld [smem:$0x3FFC];
	_ =	sdelay $0x3  }
0x94: {  	_ =	strace s2  }
0x95: {  	s2 =	sld [smem:$0x3FFD];
	_ =	sdelay $0x3  }
0x96: {  	_ =	strace s2  }
0x97: {  	_ =	strace $0x8FFFFFFF  }
0x98: {  	s18 =	sld [smem:$0x3FDB];
	_ =	sdelay $0x1  }
0x99: {  	s19 =	simm.s32 $_scs_section_size  }
0x9a: {  	s4 =	simm.s32 $_size__tile_overlayer_lowered;
	s5 =	simm.s32 $_tile_overlayer_lowered  }
0x9b: {  	s22 =	simm.s32 $0x1BFF;
	s21 =	sshll.u32 s5, $0x1;
	s2 =	sadd.s32 s19, s18  }
0x9c: {  	s6 =	simm.s32 $0x0;
	s20 =	sshll.u32 s4, $0x1;
	s4 =	sadd.s32 s21, s2  }
0x9d: {  	[timem:s6], [sflag:s22] =	dma.local [hbm:s4], s20  }
0x9e: {  	_ =	swait.ge [sflag:s22], s20  }
0x9f: {  	s3 =	ssub.s32 $0x0, s20;
	[sflag:s22] =	ssyncset.done $0x0  }
0xa0: {  	[sflag:s22] =	ssyncadd.s32 s3;
	_ =	sdelay $0x1  }
0xa1: {  	s23 =	simm.s32 $0x1B8B  }
0xa2: {  	_ =	swait.ge [sflag:s23], $0x1  }
0xa3: {  	[sflag:s23] =	ssyncset.done $0x0  }
0xa4: {  	s25 =	simm.s32 $0x1B8E;
	s24 =	sld [smem:$0x3FFE];
	[sflag:s23] =	ssyncadd.s32 $0xFFFFFFFF  }
0xa5: {  	s26 =	simm.s32 $execute0_lowered;
	[smem:$0x3FD2] =	sst s25  }
0xa6: {  	s4 =	sshll.u32 s26, $0x1;
	_ =	strace $0x80000046;
	[dreg:$0x1] =	wrdreg $0xFFFFFFFF  }
0xa7: {  	s28 =	simm.s32 $_size_execute0_lowered;
	s2 =	sadd.s32 s2, s4;
	[dreg:$0x0] =	wrdreg $0x0  }
0xa8: {  	s4 =	sshll.u32 s28, $0x1;
	[dreg:$0x2] =	wrdreg s2  }
0xa9: {  	[dreg:$0x3] =	wrdreg s4  }
0xaa: {  	[dreg:$0x4] =	wrdreg $0xC0  }
0xab: {  	_ =	task [dreg:s6], $0x5FFFF  }
0xac: {  	[dreg:$0x1] =	wrdreg $0xFFFFFFFF  }
0xad: {  	[dreg:$0x0] =	wrdreg $0x60  }
0xae: {  	[dreg:$0x2] =	wrdreg s24  }
0xaf: {  	[dreg:$0x3] =	wrdreg $0x9  }
0xb0: {  	_ =	task.clear_ibuf [dreg:s6], $0x4FFFF;
	_ =	strace $0x90000046  }
0xb1: {  	s29 =	simm.s32 $0x9;
	_ =	strace $0x80000048  }
0xb2: {  	_ =	swait.ge [sflag:s29], $0x1  }
0xb3: {  	[sflag:s29] =	ssyncadd.s32 $0xFFFFFFFF  }
0xb4: {  	_ =	strace $0x90000048  }
0xb5: {  	_ =	sfence  }
0xb6: {  	s30 =	sld [smem:$0x0];
	_ =	sdelay $0x2  }
0xb7: {  	s31 =	sshll.u32 s1, $0xD;
	s1 =	sshrl.u32 s1, $0x2  }
0xb8: {  	s3 =	sand.u32 $0x4000, s31;
	s1 =	sadd.s32 s1, s30  }
0xb9: {  	s0 =	sor.u32 s3, s0;
	s1 =	sshll.u32 s1, $0x11  }
0xba: {  	s0 =	sor.u32 s1, s0  }
0xbb: {  	s0 =	sadd.s32 $0x8F2B, s0  }
0xbc: {  	[sflag:s0] =	ssyncadd.remote.s32 $0x1  }
0xbd: {  	_ =	sfence.sel $0xFFFF  }
0xbe: {  	[dreg:$0x0] =	wrdreg $0xFFFFFFFF;
	(pc) =	sbr.abs _section_cstart, $3  }
0xbf: {  	[dreg:$0x1] =	wrdreg $0xFFFFFFFF  }
0xc0: {  	_ =	task.clear_ibuf [dreg:s6], $0x2FFFF;
	_ =	strace $0x9FFFFFFF  }
0xc1: {  	(tm) =	ssettm $0x7FFFFFFF  }
tec
execute0_lowered:
.L_overlay_start_1:
0x0: {  	(tag) =	ssettag $0x1  }
0x1: {  	s0 =	srdreg.scid  }
0x2: {  	s0 =	sand.u32 $0x1, s0  }
0x3: {  	s2 =	stileid.u32;
	s1 =	sshll.u32 s0, $0x4  }
0x4: {  	s3 =	sand.u32 $0x3, s2;
	s1 =	sor.u32 s2, s1  }
0x5: {  	p1 =	sne.s32 s3, $0x0;
	p0 =	seq.s32 s1, $0x0  }
0x6: {  	s5 =	rddreg [dreg:$0x0];
	s13 =	simm.s32 $0x500;
	p0 =	por !p1, !p0  }
0x7: {  	s0 =	ssub.s32 $0x2, s0;
	s2 =	simm.s32 $0x1;
	p0 =	por !p0, !p0  }
0x8: {  	s4 =	sshrl.u32 s1, $0x2;
	s1 =	smul.u32 $0xA00, s1;
	s2 =	simm.s32 @!p0 $0x0  }
0x9: {  	s7 =	smul.u32 $0xA0, s3;
	s24 =	sshrl.u32 s0, $0x1;
	s4 =	ssub.s32 s4, s2  }
0xa: {  	s0 =	ssub.s32 s0, s24;
	s1 =	sadd.s32 s1, s5;
	s6 =	smul.u32 $0x500, s4  }
0xb: {  	s0 =	smax.u32 s0, $0x1;
	s1 =	sadd.s32 $0x7600, s1;
	s2 =	simm.s32 $0x0  }
0xc: {  	s4 =	smul.u32 $0x280, s4;
	[smem:$0x7FF] =	sst s2;
	s6 =	sshrl.u32 s6, $0x3  }
0xd: {  	_ =	strace $0x80000047;
	[dreg:$0x9] =	wrdreg s1;
	s6 =	sadd.s32 s6, s5  }
0xe: {  	[dreg:$0xa] =	wrdreg s0;
	s4 =	sadd.s32 s7, s4;
	s25 =	sadd.s32 $0x5400, s6  }
0xf: {  	s4 =	sshrl.u32 s4, $0x3;
	s26 =	sadd.s32 $0x5A00, s6;
	[dreg:$0x2] =	wrdreg s25  }
0x10: {  	s4 =	sadd.s32 s4, s5;
	s28 =	sadd.s32 $0x6000, s6;
	[dreg:$0x3] =	wrdreg s26  }
.Ltmp0:
0x11: {  	[dreg:$0x4] =	wrdreg s28;
	s29 =	sadd.s32 $0x6600, s4;
	(pc) =	sbr.rel .LBB2_1-.Ltmp0, $4  }
0x12: {  	s14 =	simm.s32 $0xA00;
	s30 =	sadd.s32 $0x6A00, s4;
	[dreg:$0x5] =	wrdreg s29  }
0x13: {  	s18 =	simm.s32 $0x1200;
	s31 =	sadd.s32 $0x6E00, s4;
	[dreg:$0x6] =	wrdreg s30  }
0x14: {  	s19 =	simm.s32 $0x1400;
	s4 =	sadd.s32 $0x7200, s4;
	[dreg:$0x7] =	wrdreg s31  }
0x15: {  	v0 =	vlaneseq.u32;
	v1 =	vimm.f32 $0.0e+00;
	v2 =	vimm.s32 $0x0;
	s3 =	simm.s32 $0x1;
	s1 =	simm.s32 $0x0;
	[dreg:$0x8] =	wrdreg s4  }
.LBB2_7:
0x16: {  	s0 =	rddreg [dreg:$0x9];
	s3 =	simm.s32 $0x1  }
0x17: {  	[hbm4b:s0+s2] =	stream.linear.scatter [tilespmem:s19], [sflag:$0x1], $0x5000, $0x38;
	[tilespmem:$0x6400] =	vst v63  }
0x18: {  	_ =	swait.ge [sflag:s3], $0x5000  }
0x19: {  	s1 =	rddreg [dreg:$0xb]  }
0x1a: {  	s31 =	rddreg [dreg:$0xa];
	s1 =	sadd.s32 $0x1, s1  }
0x1b: {  	p0 =	sne.s32 s1, s31  }
.Ltmp1:
0x1c: {  	_ = 	snop;
	(pc) =	sbr.rel @!p0 .LBB2_8-.Ltmp1, $3  }
0x1d: {  	_ =	sdelay $0x1  }
0x1e: {  	[sflag:s3] =	ssyncset.done $0x0  }
0x1f: {  	[sflag:s3] =	ssyncadd.s32 $0xFFFFB000  }
.LBB2_1:
0x20: {  	[dreg:$0xb] =	wrdreg s1  }
0x21: {  	s0 =	rddreg [dreg:$0x2]  }
0x22: {  	[tilespmem:s2], [sflag:$0x1] =	stream.linear.gather [hbm4b:s0+s2], $0x500, $0x38;
	[tilespmem:$0x6400] =	vst v63  }
0x23: {  	_ =	swait.ge [sflag:s3], $0x500  }
0x24: {  	[sflag:s3] =	ssyncset.done $0x0  }
0x25: {  	s22 =	rddreg [dreg:$0x3];
	[sflag:s3] =	ssyncadd.s32 $0xFFFFFB00  }
0x26: {  	[tilespmem:s13], [sflag:$0x1] =	stream.linear.gather [hbm4b:s22+s2], $0x500, $0x38;
	[tilespmem:$0x6400] =	vst v63  }
0x27: {  	_ =	swait.ge [sflag:s3], $0x500  }
0x28: {  	[sflag:s3] =	ssyncset.done $0x0  }
0x29: {  	s23 =	rddreg [dreg:$0x4];
	[sflag:s3] =	ssyncadd.s32 $0xFFFFFB00  }
0x2a: {  	[tilespmem:s14], [sflag:$0x1] =	stream.linear.gather [hbm4b:s23+s2], $0x500, $0x38;
	[tilespmem:$0x6400] =	vst v63  }
0x2b: {  	_ =	swait.ge [sflag:s3], $0x500  }
0x2c: {  	[sflag:s3] =	ssyncset.done $0x0  }
0x2d: {  	s25 =	simm.s32 $0xF00;
	s24 =	rddreg [dreg:$0x5];
	[sflag:s3] =	ssyncadd.s32 $0xFFFFFB00  }
0x2e: {  	[tilespmem:s25], [sflag:$0x1] =	stream.linear.gather [hbm4b:s24+s2], $0xA0, $0x38;
	[tilespmem:$0x6400] =	vst v63  }
0x2f: {  	_ =	swait.ge [sflag:s3], $0xA0  }
0x30: {  	[sflag:s3] =	ssyncset.done $0x0  }
0x31: {  	s28 =	simm.s32 $0x1000;
	s26 =	rddreg [dreg:$0x6];
	[sflag:s3] =	ssyncadd.s32 $0xFFFFFF60  }
0x32: {  	[tilespmem:s28], [sflag:$0x1] =	stream.linear.gather [hbm4b:s26+s2], $0xA0, $0x38;
	[tilespmem:$0x6400] =	vst v63  }
0x33: {  	_ =	swait.ge [sflag:s3], $0xA0  }
0x34: {  	[sflag:s3] =	ssyncset.done $0x0  }
0x35: {  	s30 =	simm.s32 $0x1100;
	s29 =	rddreg [dreg:$0x7];
	[sflag:s3] =	ssyncadd.s32 $0xFFFFFF60  }
0x36: {  	[tilespmem:s30], [sflag:$0x1] =	stream.linear.gather [hbm4b:s29+s2], $0xA0, $0x38;
	[tilespmem:$0x6400] =	vst v63  }
0x37: {  	_ =	swait.ge [sflag:s3], $0xA0  }
0x38: {  	[sflag:s3] =	ssyncset.done $0x0  }
.Ltmp2:
0x39: {  	s31 =	rddreg [dreg:$0x8];
	[sflag:s3] =	ssyncadd.s32 $0xFFFFFF60;
	(pc) =	sbr.rel .LBB2_2-.Ltmp2, $4  }
0x3a: {  	[tilespmem:s18], [sflag:$0x1] =	stream.linear.gather [hbm4b:s31+s2], $0xA0, $0x38;
	[tilespmem:$0x6400] =	vst v63  }
0x3b: {  	_ =	swait.ge [sflag:s3], $0xA0  }
0x3c: {  	[sflag:s3] =	ssyncset.done $0x0  }
0x3d: {  	s21 =	simm.s32 $0x0;
	[sflag:s3] =	ssyncadd.s32 $0xFFFFFF60  }
.LBB2_6:
0x3e: {  	v16 =	vld [tilespmem:$0x1300];
	_ =	sdelay $0x6  }
0x3f: {  	s0 =	sshll.u32 s21, $0x7  }
0x40: {  	v15 =	vmul.u32 $0x4, v0;
	v18 =	vmov s0;
	v17 =	vld.idx.msk [tilespmem:v16+s2+$0x0], $0xffff  }
0x41: {  	v18 =	vshll.u32 v18, $0x2;
	v19 =	vld.idx.msk [tilespmem:v16+s13+$0x0], $0xffff  }
0x42: {  	v18 =	vor.u32 v15, v18;
	v16 =	vld.idx.msk [tilespmem:v16+s14+$0x0], $0xffff  }
0x43: {  	v20 =	vor.u32 $0x1, v18  }
0x44: {  	v21 =	vor.u32 $0x2, v18  }
0x45: {  	v22 =	vor.u32 $0x3, v18;
	v17 =	vsub.f32 v17, v13  }
0x46: {  	v19 =	vsub.f32 v19, v14  }
0x47: {  	v16 =	vsub.f32 v16, v12;
	[tilespmem:v18+s19+$0x0] =	vst.idx.msk $0xffff, v17  }
0x48: {  	[tilespmem:v20+s19+$0x0] =	vst.idx.msk $0xffff, v19  }
0x49: {  	[tilespmem:v21+s19+$0x0] =	vst.idx.msk $0xffff, v16  }
0x4a: {  	[tilespmem:v22+s19+$0x0] =	vst.idx.msk $0xffff, v1  }
0x4b: {  	v16 =	vld [tilespmem:$0x1310];
	_ =	sdelay $0x6  }
0x4c: {  	s0 =	sor.u32 $0x10, s0  }
0x4d: {  	v62 =	vmov s0;
	v17 =	vld.idx.msk [tilespmem:v16+s2+$0x0], $0xffff  }
0x4e: {  	v18 =	vshll.u32 v62, $0x2;
	v19 =	vld.idx.msk [tilespmem:v16+s13+$0x0], $0xffff  }
0x4f: {  	v18 =	vor.u32 v15, v18;
	v16 =	vld.idx.msk [tilespmem:v16+s14+$0x0], $0xffff  }
0x50: {  	v63 =	vor.u32 $0x1, v18  }
0x51: {  	v24 =	vor.u32 $0x2, v18  }
0x52: {  	v26 =	vor.u32 $0x3, v18;
	v25 =	vsub.f32 v17, v13  }
0x53: {  	v27 =	vsub.f32 v19, v14  }
0x54: {  	v28 =	vsub.f32 v16, v12;
	[tilespmem:v18+s19+$0x0] =	vst.idx.msk $0xffff, v25  }
0x55: {  	[tilespmem:v63+s19+$0x0] =	vst.idx.msk $0xffff, v27  }
0x56: {  	[tilespmem:v24+s19+$0x0] =	vst.idx.msk $0xffff, v28  }
0x57: {  	[tilespmem:v26+s19+$0x0] =	vst.idx.msk $0xffff, v1  }
0x58: {  	v12 =	vld [tilespmem:$0x1330];
	_ =	sdelay $0x6  }
0x59: {  	s29 =	sshll.u32 s24, $0x5  }
0x5a: {  	v29 =	vmov s29;
	v13 =	vld.idx.msk [tilespmem:v12+s2+$0x0], $0xffff  }
0x5b: {  	v14 =	vshll.u32 v29, $0x2;
	v30 =	vld.idx.msk [tilespmem:v12+s13+$0x0], $0xffff  }
0x5c: {  	v14 =	vor.u32 v15, v14;
	v12 =	vld.idx.msk [tilespmem:v12+s14+$0x0], $0xffff  }
0x5d: {  	v31 =	vor.u32 $0x1, v14  }
0x5e: {  	v32 =	vor.u32 $0x2, v14  }
0x5f: {  	v33 =	vor.u32 $0x3, v14;
	v13 =	vsub.f32 v13, v10  }
0x60: {  	v16 =	vsub.f32 v30, v11  }
0x61: {  	v12 =	vsub.f32 v12, v9;
	[tilespmem:v14+s19+$0x0] =	vst.idx.msk $0xffff, v13  }
0x62: {  	[tilespmem:v31+s19+$0x0] =	vst.idx.msk $0xffff, v16  }
0x63: {  	[tilespmem:v32+s19+$0x0] =	vst.idx.msk $0xffff, v12  }
0x64: {  	[tilespmem:v33+s19+$0x0] =	vst.idx.msk $0xffff, v1  }
0x65: {  	v12 =	vld [tilespmem:$0x1340];
	_ =	sdelay $0x6  }
0x66: {  	s0 =	sor.u32 $0x10, s29  }
0x67: {  	v34 =	vmov s0;
	v13 =	vld.idx.msk [tilespmem:v12+s2+$0x0], $0xffff  }
0x68: {  	v14 =	vshll.u32 v34, $0x2;
	v16 =	vld.idx.msk [tilespmem:v12+s13+$0x0], $0xffff  }
0x69: {  	v14 =	vor.u32 v15, v14;
	v12 =	vld.idx.msk [tilespmem:v12+s14+$0x0], $0xffff  }
0x6a: {  	v35 =	vor.u32 $0x1, v14  }
0x6b: {  	v36 =	vor.u32 $0x2, v14  }
0x6c: {  	v38 =	vor.u32 $0x3, v14;
	v37 =	vsub.f32 v13, v10  }
0x6d: {  	v39 =	vsub.f32 v16, v11  }
0x6e: {  	v40 =	vsub.f32 v12, v9;
	[tilespmem:v14+s19+$0x0] =	vst.idx.msk $0xffff, v37  }
0x6f: {  	[tilespmem:v35+s19+$0x0] =	vst.idx.msk $0xffff, v39  }
0x70: {  	[tilespmem:v36+s19+$0x0] =	vst.idx.msk $0xffff, v40  }
0x71: {  	[tilespmem:v38+s19+$0x0] =	vst.idx.msk $0xffff, v1  }
0x72: {  	v9 =	vld [tilespmem:$0x1360];
	_ =	sdelay $0x6  }
0x73: {  	s30 =	sshll.u32 s23, $0x5  }
0x74: {  	v41 =	vmov s30;
	v10 =	vld.idx.msk [tilespmem:v9+s2+$0x0], $0xffff  }
0x75: {  	v11 =	vshll.u32 v41, $0x2;
	v42 =	vld.idx.msk [tilespmem:v9+s13+$0x0], $0xffff  }
0x76: {  	v11 =	vor.u32 v15, v11;
	v9 =	vld.idx.msk [tilespmem:v9+s14+$0x0], $0xffff  }
0x77: {  	v43 =	vor.u32 $0x1, v11  }
0x78: {  	v44 =	vor.u32 $0x2, v11  }
0x79: {  	v45 =	vor.u32 $0x3, v11;
	v10 =	vsub.f32 v10, v6  }
0x7a: {  	v12 =	vsub.f32 v42, v7  }
0x7b: {  	v9 =	vsub.f32 v9, v8;
	[tilespmem:v11+s19+$0x0] =	vst.idx.msk $0xffff, v10  }
0x7c: {  	[tilespmem:v43+s19+$0x0] =	vst.idx.msk $0xffff, v12  }
0x7d: {  	[tilespmem:v44+s19+$0x0] =	vst.idx.msk $0xffff, v9  }
0x7e: {  	[tilespmem:v45+s19+$0x0] =	vst.idx.msk $0xffff, v1  }
0x7f: {  	v9 =	vld [tilespmem:$0x1370];
	_ =	sdelay $0x6  }
0x80: {  	s0 =	sor.u32 $0x10, s30  }
0x81: {  	v46 =	vmov s0;
	v10 =	vld.idx.msk [tilespmem:v9+s2+$0x0], $0xffff  }
0x82: {  	v11 =	vshll.u32 v46, $0x2;
	v12 =	vld.idx.msk [tilespmem:v9+s13+$0x0], $0xffff  }
0x83: {  	v11 =	vor.u32 v15, v11;
	v9 =	vld.idx.msk [tilespmem:v9+s14+$0x0], $0xffff  }
0x84: {  	v47 =	vor.u32 $0x1, v11  }
0x85: {  	v48 =	vor.u32 $0x2, v11  }
0x86: {  	v50 =	vor.u32 $0x3, v11;
	v49 =	vsub.f32 v10, v6  }
0x87: {  	v51 =	vsub.f32 v12, v7  }
0x88: {  	v52 =	vsub.f32 v9, v8;
	[tilespmem:v11+s19+$0x0] =	vst.idx.msk $0xffff, v49  }
0x89: {  	[tilespmem:v47+s19+$0x0] =	vst.idx.msk $0xffff, v51  }
0x8a: {  	[tilespmem:v48+s19+$0x0] =	vst.idx.msk $0xffff, v52  }
0x8b: {  	[tilespmem:v50+s19+$0x0] =	vst.idx.msk $0xffff, v1  }
0x8c: {  	v6 =	vld [tilespmem:$0x1390];
	_ =	sdelay $0x6  }
0x8d: {  	s31 =	sshll.u32 s22, $0x5  }
0x8e: {  	v53 =	vmov s31;
	v7 =	vld.idx.msk [tilespmem:v6+s2+$0x0], $0xffff  }
0x8f: {  	v8 =	vshll.u32 v53, $0x2;
	v54 =	vld.idx.msk [tilespmem:v6+s13+$0x0], $0xffff  }
0x90: {  	v8 =	vor.u32 v15, v8;
	v6 =	vld.idx.msk [tilespmem:v6+s14+$0x0], $0xffff  }
0x91: {  	v55 =	vor.u32 $0x1, v8  }
0x92: {  	v56 =	vor.u32 $0x2, v8  }
0x93: {  	v57 =	vor.u32 $0x3, v8;
	v7 =	vsub.f32 v7, v5  }
0x94: {  	v9 =	vsub.f32 v54, v4  }
0x95: {  	v6 =	vsub.f32 v6, v3;
	[tilespmem:v8+s19+$0x0] =	vst.idx.msk $0xffff, v7  }
0x96: {  	[tilespmem:v55+s19+$0x0] =	vst.idx.msk $0xffff, v9  }
0x97: {  	[tilespmem:v56+s19+$0x0] =	vst.idx.msk $0xffff, v6  }
0x98: {  	[tilespmem:v57+s19+$0x0] =	vst.idx.msk $0xffff, v1  }
0x99: {  	v6 =	vld [tilespmem:$0x13A0];
	_ =	sdelay $0x6  }
0x9a: {  	s0 =	sor.u32 $0x10, s31  }
0x9b: {  	v58 =	vmov s0;
	v7 =	vld.idx.msk [tilespmem:v6+s2+$0x0], $0xffff  }
0x9c: {  	v8 =	vshll.u32 v58, $0x2;
	v9 =	vld.idx.msk [tilespmem:v6+s13+$0x0], $0xffff  }
0x9d: {  	v8 =	vor.u32 v15, v8;
	v6 =	vld.idx.msk [tilespmem:v6+s14+$0x0], $0xffff  }
0x9e: {  	v59 =	vor.u32 $0x1, v8  }
0x9f: {  	s21 =	sadd.s32 $0x1, s21;
	v60 =	vor.u32 $0x2, v8  }
0xa0: {  	p0 =	sne.s32 s21, $0x28;
	v62 =	vor.u32 $0x3, v8;
	v61 =	vsub.f32 v7, v5  }
.Ltmp3:
0xa1: {  	v63 =	vsub.f32 v9, v4;
	(pc) =	sbr.rel @!p0 .LBB2_7-.Ltmp3, $4  }
0xa2: {  	v3 =	vsub.f32 v6, v3;
	[tilespmem:v8+s19+$0x0] =	vst.idx.msk $0xffff, v61  }
0xa3: {  	[tilespmem:v59+s19+$0x0] =	vst.idx.msk $0xffff, v63  }
0xa4: {  	[tilespmem:v60+s19+$0x0] =	vst.idx.msk $0xffff, v3  }
0xa5: {  	[tilespmem:v62+s19+$0x0] =	vst.idx.msk $0xffff, v1  }
.LBB2_2:
0xa6: {  	s0 =	sshll.u32 s21, $0x2  }
0xa7: {  	v3 =	vmov s0  }
0xa8: {  	v3 =	vbroadcast v3, $0x0;
	_ =	sdelay $0x5  }
0xa9: {  	s24 =	sor.u32 $0x1, s0;
	v4 =	vld.idx.msk [tilespmem:v3+s18+$0x0], $0xffff  }
0xaa: {  	v5 =	vmov s24  }
0xab: {  	s1 =	simm.s32 $0xF00;
	v5 =	vbroadcast v5, $0x0  }
0xac: {  	s3 =	simm.s32 $0x1000;
	v13 =	vld.idx.msk [tilespmem:v3+s1+$0x0], $0xffff  }
0xad: {  	s4 =	simm.s32 $0x1100;
	v14 =	vld.idx.msk [tilespmem:v3+s3+$0x0], $0xffff  }
0xae: {  	v12 =	vld.idx.msk [tilespmem:v3+s4+$0x0], $0xffff;
	[tilespmem:$0x1300] =	vst v4  }
0xaf: {  	[tilespmem:$0x1310] =	vst v4  }
0xb0: {  	[tilespmem:$0x1320] =	vst v4  }
0xb1: {  	s23 =	sor.u32 $0x2, s0;
	v3 =	vld.idx.msk [tilespmem:v5+s18+$0x0], $0xffff  }
0xb2: {  	v4 =	vmov s23  }
0xb3: {  	v4 =	vbroadcast v4, $0x0  }
0xb4: {  	v10 =	vld.idx.msk [tilespmem:v5+s1+$0x0], $0xffff  }
0xb5: {  	v11 =	vld.idx.msk [tilespmem:v5+s3+$0x0], $0xffff  }
0xb6: {  	v9 =	vld.idx.msk [tilespmem:v5+s4+$0x0], $0xffff;
	[tilespmem:$0x1330] =	vst v3  }
0xb7: {  	[tilespmem:$0x1340] =	vst v3  }
0xb8: {  	[tilespmem:$0x1350] =	vst v3  }
0xb9: {  	v3 =	vld.idx.msk [tilespmem:v4+s18+$0x0], $0xffff;
	_ =	sdelay $0x1  }
0xba: {  	s22 =	sshllo.u32 s21, $0x2  }
0xbb: {  	v15 =	vmov s22;
	v6 =	vld.idx.msk [tilespmem:v4+s1+$0x0], $0xffff  }
0xbc: {  	v7 =	vld.idx.msk [tilespmem:v4+s3+$0x0], $0xffff  }
0xbd: {  	v8 =	vld.idx.msk [tilespmem:v4+s4+$0x0], $0xffff;
	[tilespmem:$0x1360] =	vst v3  }
0xbe: {  	[tilespmem:$0x1370] =	vst v3  }
0xbf: {  	[tilespmem:$0x1380] =	vst v3  }
0xc0: {  	v16 =	vld.idx.msk [tilespmem:v15+s18+$0x0], $0xffff;
	_ =	sdelay $0x2  }
.Ltmp4:
0xc1: {  	v5 =	vld.idx.msk [tilespmem:v15+s1+$0x0], $0xffff;
	(pc) =	sbr.rel .LBB2_3-.Ltmp4, $4  }
0xc2: {  	v4 =	vld.idx.msk [tilespmem:v15+s3+$0x0], $0xffff  }
0xc3: {  	s30 =	simm.s32 $0x0;
	s25 =	simm.s32 $0x30;
	v3 =	vld.idx.msk [tilespmem:v15+s4+$0x0], $0xffff;
	[tilespmem:$0x1390] =	vst v16  }
0xc4: {  	s26 =	simm.s32 $0xA20;
	s28 =	simm.s32 $0x520;
	s29 =	simm.s32 $0x20;
	[tilespmem:$0x13A0] =	vst v16  }
0xc5: {  	s31 =	simm.s32 $0x0;
	s0 =	simm.s32 $0x0;
	s1 =	simm.s32 $0x0;
	[tilespmem:$0x13B0] =	vst v16  }
.LBB2_5:
0xc6: {  	s25 =	sadd.s32 $0x40, s25  }
0xc7: {  	p0 =	sne.s32 s25, $0x530  }
.Ltmp5:
0xc8: {  	_ = 	snop;
	(pc) =	sbr.rel @!p0 .LBB2_6-.Ltmp5, $2  }
0xc9: {  	_ =	sdelay $0x2  }
0xca: {  	s26 =	sadd.s32 $0x40, s26;
	s28 =	sadd.s32 $0x40, s28;
	s29 =	sadd.s32 $0x40, s29  }
.LBB2_3:
0xcb: {  	v15 =	vld [tilespmem:s29+$0xFFFFFFE0]  }
0xcc: {  	v16 =	vld [tilespmem:s28+$0xFFFFFFE0]  }
0xcd: {  	v19 =	vld [tilespmem:s26+$0xFFFFFFE0]  }
0xce: {  	v24 =	vld [tilespmem:s29+$0xFFFFFFF0]  }
0xcf: {  	v25 =	vld [tilespmem:s26+$0xFFFFFFF0]  }
0xd0: {  	v31 =	vld [tilespmem:s28+$0x0];
	v17 =	vsub.f32 v15, v13  }
0xd1: {  	v32 =	vld [tilespmem:s26+$0x0];
	v18 =	vsub.f32 v16, v14;
	v20 =	vsub.f32 v15, v10  }
0xd2: {  	v21 =	vsub.f32 v16, v11;
	v22 =	vsub.f32 v19, v12  }
0xd3: {  	v23 =	vsub.f32 v19, v9;
	v26 =	vsub.f32 v24, v13  }
0xd4: {  	v28 =	vsub.f32 v25, v9;
	v30 =	vsub.f32 v25, v8  }
0xd5: {  	v33 =	vsub.f32 v31, v7;
	v17 =	vmul.f32 v17, v17;
	v18 =	vmul.f32 v18, v18  }
0xd6: {  	v34 =	vsub.f32 v32, v9;
	v20 =	vmul.f32 v20, v20;
	v21 =	vmul.f32 v21, v21  }
0xd7: {  	v35 =	vsub.f32 v32, v8;
	v17 =	vadd.f32 v18, v17  }
0xd8: {  	v58 =	vld [tilespmem:s26+$0x10];
	v18 =	vmul.f32 v22, v22;
	v20 =	vadd.f32 v21, v20;
	v21 =	vmul.f32 v23, v23  }
0xd9: {  	v22 =	vsub.f32 v15, v6;
	v23 =	vsub.f32 v16, v7  }
0xda: {  	v18 =	vadd.f32 v18, v17;
	v17 =	vadd.f32 v21, v20;
	v20 =	vld [tilespmem:s28+$0xFFFFFFF0]  }
0xdb: {  	v21 =	vsub.f32 v19, v8;
	v22 =	vmul.f32 v22, v22;
	v23 =	vmul.f32 v23, v23  }
0xdc: {  	v15 =	vsub.f32 v15, v5;
	v16 =	vsub.f32 v16, v4  }
0xdd: {  	v60 =	vsub.f32 v58, v12;
	v22 =	vadd.f32 v23, v22;
	v21 =	vmul.f32 v21, v21  }
0xde: {  	v19 =	vsub.f32 v19, v3;
	v15 =	vmul.f32 v15, v15;
	v23 =	vmul.f32 v16, v16  }
0xdf: {  	v16 =	vadd.f32 v21, v22;
	v21 =	vsub.f32 v20, v14  }
0xe0: {  	v19 =	vmul.f32 v19, v19;
	v15 =	vadd.f32 v23, v15;
	v22 =	vmul.f32 v26, v26  }
0xe1: {  	v23 =	vsub.f32 v24, v10;
	v26 =	vsub.f32 v20, v11;
	v21 =	vmul.f32 v21, v21  }
0xe2: {  	v27 =	vsub.f32 v20, v7;
	v15 =	vadd.f32 v19, v15  }
0xe3: {  	v19 =	vsub.f32 v25, v12;
	v21 =	vadd.f32 v21, v22  }
0xe4: {  	v22 =	vmul.f32 v23, v23;
	v23 =	vmul.f32 v26, v26;
	v26 =	vsub.f32 v24, v6  }
0xe5: {  	v29 =	vld [tilespmem:s29+$0x0];
	v28 =	vmul.f32 v28, v28;
	v20 =	vsub.f32 v20, v4;
	v19 =	vmul.f32 v19, v19  }
0xe6: {  	v27 =	vmul.f32 v27, v27;
	v22 =	vadd.f32 v23, v22;
	v26 =	vmul.f32 v26, v26  }
0xe7: {  	v33 =	vmul.f32 v33, v33;
	v24 =	vsub.f32 v24, v5;
	v23 =	vadd.f32 v19, v21  }
0xe8: {  	v20 =	vmul.f32 v20, v20;
	v19 =	vadd.f32 v27, v26;
	v21 =	vadd.f32 v28, v22  }
0xe9: {  	v22 =	vmul.f32 v24, v24;
	v24 =	vsub.f32 v25, v3;
	v25 =	vsub.f32 v31, v14  }
0xea: {  	v26 =	vmul.f32 v30, v30;
	v27 =	vsub.f32 v29, v10;
	v28 =	vsub.f32 v31, v11  }
0xeb: {  	v57 =	vmul.f32 v35, v35;
	v20 =	vadd.f32 v20, v22;
	v22 =	vsub.f32 v29, v13  }
0xec: {  	v30 =	vsub.f32 v29, v6;
	v19 =	vadd.f32 v26, v19;
	v25 =	vmul.f32 v25, v25  }
0xed: {  	v26 =	vsub.f32 v32, v12;
	v27 =	vmul.f32 v27, v27;
	v22 =	vmul.f32 v22, v22  }
0xee: {  	v37 =	vsub.f32 v58, v9;
	v28 =	vmul.f32 v28, v28;
	v30 =	vmul.f32 v30, v30  }
0xef: {  	v36 =	vld [tilespmem:s29+$0x10];
	v24 =	vmul.f32 v24, v24;
	v22 =	vadd.f32 v25, v22;
	v25 =	vmul.f32 v26, v26  }
0xf0: {  	v30 =	vadd.f32 v33, v30;
	v26 =	vadd.f32 v28, v27;
	v27 =	vld [tilespmem:s28+$0x10];
	v28 =	vmul.f32 v34, v34  }
0xf1: {  	v20 =	vadd.f32 v24, v20;
	v25 =	vadd.f32 v25, v22  }
0xf2: {  	v24 =	vadd.f32 v28, v26;
	v22 =	vadd.f32 v57, v30  }
0xf3: {  	v26 =	vsub.f32 v29, v5;
	v28 =	vsub.f32 v31, v4  }
0xf4: {  	v63 =	vimm.s32 $0x0;
	v29 =	vsub.f32 v36, v13;
	v31 =	vsub.f32 v36, v10  }
0xf5: {  	v61 =	vmul.f32 v37, v37;
	v30 =	vsub.f32 v27, v14;
	v59 =	vsub.f32 v27, v11  }
0xf6: {  	v62 =	vsub.f32 v36, v5;
	v29 =	vmul.f32 v29, v29;
	v31 =	vmul.f32 v31, v31  }
0xf7: {  	vm12 =	vle.f32 v18, $4.000000280e-02;
	v30 =	vmul.f32 v30, v30;
	v33 =	vmul.f32 v59, v59  }
0xf8: {  	vm6 =	vle.f32 v17, $4.000000280e-02;
	v26 =	vmul.f32 v26, v26;
	v28 =	vmul.f32 v28, v28  }
0xf9: {  	v29 =	vadd.f32 v30, v29;
	v31 =	vadd.f32 v33, v31;
	v30 =	vmul.f32 v60, v60  }
0xfa: {  	vm1 =	vle.f32 v16, $4.000000280e-02;
	vm13 =	vle.f32 v23, $4.000000280e-02;
	v28 =	vadd.f32 v28, v26  }
0xfb: {  	vm0 =	vmor vm12, vm13;
	v30 =	vadd.f32 v30, v29;
	v26 =	vadd.f32 v61, v31  }
0xfc: {  	vm14 =	vle.f32 v25, $4.000000280e-02;
	v29 =	vsub.f32 v36, v6;
	v31 =	vsub.f32 v27, v7  }
0xfd: {  	vm8 =	vle.f32 v21, $4.000000280e-02;
	v32 =	vsub.f32 v32, v3;
	vm0 =	vmor vm0, vm14  }
0xfe: {  	v29 =	vmul.f32 v29, v29;
	v31 =	vmul.f32 v31, v31;
	vm15 =	vle.f32 v30, $4.000000280e-02  }
0xff: {  	vm3 =	vle.f32 v19, $4.000000280e-02;
	v32 =	vmul.f32 v32, v32;
	vm0 =	vmor vm0, vm15  }
0x100: {  	v29 =	vadd.f32 v31, v29;
	v31 =	vsub.f32 v58, v8;
	vm0 =	vmor vm6, vm0  }
0x101: {  	vm7 =	vle.f32 v24, $4.000000280e-02;
	v27 =	vsub.f32 v27, v4;
	vm0 =	vmor vm8, vm0  }
0x102: {  	vm11 =	vle.f32 v26, $4.000000280e-02;
	v31 =	vmul.f32 v31, v31;
	vm0 =	vmor vm7, vm0  }
0x103: {  	v33 =	vmul.f32 v62, v62;
	v27 =	vmul.f32 v27, v27;
	vm0 =	vmor vm11, vm0  }
0x104: {  	v29 =	vadd.f32 v31, v29;
	v31 =	vsub.f32 v58, v3;
	vm0 =	vmor vm1, vm0  }
0x105: {  	vm4 =	vle.f32 v22, $4.000000280e-02;
	v27 =	vadd.f32 v27, v33;
	vm0 =	vmor vm3, vm0  }
0x106: {  	vm10 =	vle.f32 v29, $4.000000280e-02;
	v31 =	vmul.f32 v31, v31;
	vm0 =	vmor vm4, vm0  }
0x107: {  	vm9 =	vle.f32 v15, $4.000000280e-02;
	v28 =	vadd.f32 v32, v28;
	vm0 =	vmor vm10, vm0  }
0x108: {  	vm5 =	vle.f32 v20, $4.000000280e-02;
	v27 =	vadd.f32 v31, v27;
	vm0 =	vmor vm9, vm0  }
0x109: {  	v34 =	vsel vm1, $0xFFFFFFFF, v63;
	vm2 =	vle.f32 v28, $4.000000280e-02;
	vm0 =	vmor vm5, vm0  }
0x10a: {  	v31 =	vimm.s32 $0x0;
	vm0 =	vmor vm2, vm0;
	vm1 =	vle.f32 v27, $4.000000280e-02  }
0x10b: {  	v31 =	vsel vm1, $0xFFFFFFFF, v31;
	vm0 =	vmor vm1, vm0  }
0x10c: {  	[tilespmem:$0x1FFF0] =	vst v31;
	v31 =	vsel vm0, $0x3F800000, v1  }
0x10d: {  	(xrf0) =	vmax.scan.msk.f32 $0xffff, v31;
	_ =	sdelay $0x5  }
0x10e: {  	v31, _, _ =	vpop (xrf0)  }
0x10f: {  	(v2sf) =	vpush v31, $0xF;
	_ =	sdelay $0xe  }
0x110: {  	s4 =	spop (v2sf)  }
0x111: {  	p0 =	sgt.f32 s4, $0.0e+00  }
.Ltmp6:
0x112: {  	_ = 	snop;
	(pc) =	sbr.rel @!p0 .LBB2_5-.Ltmp6, $2  }
0x113: {  	_ =	sdelay $0x2  }
0x114: {  	[tilespmem:$0x1FFE0] =	vst v34  }
0x115: {  	v31 =	vsel vm12, $0x1, v2  }
0x116: {  	(xrf0) =	vadd.scan.msk.s32 $0xffff, v31;
	_ =	sdelay $0x2  }
0x117: {  	v35 =	vsel vm13, $0x1, v2  }
0x118: {  	(xrf0) =	vadd.scan.msk.s32 $0xffff, v35  }
0x119: {  	v36 =	vsel vm14, $0x1, v2  }
0x11a: {  	(xrf0) =	vadd.scan.msk.s32 $0xffff, v36;
	v32, _, _ =	vpop (xrf0)  }
0x11b: {  	v37 =	vsel vm15, $0x1, v2;
	(v2sf) =	vpush v32, $0xF  }
0x11c: {  	v38 =	vsel vm6, $0x1, v2;
	(xrf0) =	vadd.scan.msk.s32 $0xffff, v37  }
0x11d: {  	(xrf0) =	vadd.scan.msk.s32 $0xffff, v38  }
0x11e: {  	v39, _, _ =	vpop (xrf0)  }
0x11f: {  	(v2sf) =	vpush v39, $0xF  }
0x120: {  	v41, _, _ =	vpop (xrf0)  }
0x121: {  	(v2sf) =	vpush v41, $0xF  }
0x122: {  	v42, _, _ =	vpop (xrf0)  }
0x123: {  	v40 =	vsel vm8, $0x1, v2;
	(v2sf) =	vpush v42, $0xF;
	v43, _, _ =	vpop (xrf0)  }
0x124: {  	(xrf0) =	vadd.scan.msk.s32 $0xffff, v40;
	(v2sf) =	vpush v43, $0xF;
	_ =	sdelay $0x2  }
0x125: {  	v44 =	vsel vm7, $0x1, v2  }
0x126: {  	(xrf0) =	vadd.scan.msk.s32 $0xffff, v44  }
0x127: {  	v46 =	vld [tilespmem:$0x1FFE0]  }
0x128: {  	p4 =	sgt.s32 s0, $0x1F;
	p1 =	slt.s32 s0, $0x20;
	v32, _, _ =	vpop (xrf0);
	s4 =	spop (v2sf)  }
0x129: {  	v45 =	vsel vm11, $0x1, v2;
	(v2sf) =	vpush v32, $0xF;
	p3 =	slt.s32 @!p4 s4, $0x1;
	s4 =	simm.s32 @!p1 $0x0  }
0x12a: {  	(xrf0) =	vadd.scan.msk.s32 $0xffff, v45;
	s8 =	sadd.s32 s0, s4  }
0x12b: {  	p0 =	sgt.s32 s8, $0x1F  }
0x12c: {  	p5 =	sgt.s32 s1, $0x1F;
	vm0 =	vnez.u8 v46;
	v48, _, _ =	vpop (xrf0);
	s5 =	spop (v2sf);
	s3 =	simm.s32 @!p0 $0x0  }
0x12d: {  	p6 =	slt.s32 s1, $0x20;
	v31 =	vsel vm0, $0x1, v2;
	(v2sf) =	vpush v48, $0xF;
	p1 =	slt.s32 @!p0 s5, $0x1;
	s3 =	simm.s32 @p0 $0x1  }
0x12e: {  	(xrf0) =	vadd.scan.msk.s32 $0xffff, v31;
	s6 =	spop (v2sf);
	[smem:$0x7EA] =	sst s3;
	s3 =	simm.s32 @!p1 $0x0  }
0x12f: {  	s3 =	simm.s32 @p1 $0x1;
	p1 =	slt.s32 s8, $0x20;
	s20 =	sld [smem:$0x7EA]  }
0x130: {  	v50, _, _ =	vpop (xrf0);
	s4 =	spop (v2sf);
	[smem:$0x7E9] =	sst s3;
	s5 =	simm.s32 @!p1 $0x0  }
0x131: {  	(v2sf) =	vpush v50, $0xF;
	p1 =	por p3, p4;
	s10 =	sadd.s32 s8, s5;
	s5 =	spop (v2sf)  }
0x132: {  	s17 =	sld [smem:$0x7E9];
	p2 =	sgt.s32 s10, $0x1F;
	p0 =	slt.s32 @!p5 s5, $0x1  }
0x133: {  	s5 =	simm.s32 @!p6 $0x0;
	p6 =	seq.s32 s20, $0x1;
	s3 =	simm.s32 @!p0 $0x0  }
0x134: {  	v52, _, _ =	vpop (xrf0);
	s11 =	sadd.s32 s1, s5;
	s3 =	simm.s32 @p0 $0x1;
	p0 =	slt.s32 @!p2 s6, $0x1  }
0x135: {  	(v2sf) =	vpush v52, $0xF;
	p3 =	sgt.s32 s11, $0x1F;
	[smem:$0x7EC] =	sst s3;
	s3 =	simm.s32 @!p0 $0x0  }
0x136: {  	s3 =	simm.s32 @p0 $0x1;
	p0 =	slt.s32 s10, $0x20;
	s9 =	sld [smem:$0x7EC]  }
0x137: {  	p4 =	seq.s32 s17, $0x1;
	[smem:$0x7EB] =	sst s3;
	s6 =	simm.s32 @!p0 $0x0  }
0x138: {  	v47 =	vsel vm3, $0x1, v2;
	s3 =	simm.s32 @!p1 $0x0;
	s5 =	sadd.s32 s10, s6;
	s6 =	spop (v2sf)  }
0x139: {  	v49 =	vsel vm4, $0x1, v2;
	(xrf0) =	vadd.scan.msk.s32 $0xffff, v47;
	s3 =	simm.s32 @p1 $0x1;
	s7 =	sld [smem:$0x7EB];
	p1 =	slt.s32 @!p3 s6, $0x1  }
0x13a: {  	v51 =	vsel vm10, $0x1, v2;
	(xrf0) =	vadd.scan.msk.s32 $0xffff, v49;
	p4 =	por p4, p6;
	[smem:$0x7EE] =	sst s3;
	s3 =	simm.s32 @!p1 $0x0  }
0x13b: {  	v53 =	vsel vm9, $0x1, v2;
	(xrf0) =	vadd.scan.msk.s32 $0xffff, v51;
	p0 =	sgt.s32 s5, $0x1F;
	s3 =	simm.s32 @p1 $0x1;
	p1 =	slt.s32 s11, $0x20  }
0x13c: {  	(xrf0) =	vadd.scan.msk.s32 $0xffff, v53;
	p6 =	seq.s32 s7, $0x1;
	s7 =	spop (v2sf);
	[smem:$0x7ED] =	sst s3  }
0x13d: {  	s3 =	simm.s32 @!p4 $0x0;
	s6 =	simm.s32 @!p1 $0x0;
	p1 =	slt.s32 @!p0 s4, $0x1  }
0x13e: {  	p2 =	por p6, p2;
	p6 =	sgt.s32 s31, $0x1F;
	s3 =	simm.s32 @p4 $0x1  }
0x13f: {  	v54, _, _ =	vpop (xrf0);
	p0 =	por p1, p0;
	[smem:$0x7F0] =	sst s3;
	s3 =	simm.s32 @!p2 $0x0  }
0x140: {  	(v2sf) =	vpush v54, $0xF;
	v56, _, _ =	vpop (xrf0);
	s12 =	sadd.s32 s11, s6;
	s6 =	spop (v2sf);
	s3 =	simm.s32 @p2 $0x1  }
0x141: {  	v57, _, _ =	vpop (xrf0);
	(v2sf) =	vpush v56, $0xF;
	p2 =	seq.s32 s9, $0x1;
	[smem:$0x7F2] =	sst s3;
	s3 =	simm.s32 @!p0 $0x0  }
0x142: {  	v58, _, _ =	vpop (xrf0);
	(v2sf) =	vpush v57, $0xF;
	s15 =	sld [smem:$0x7ED];
	s3 =	simm.s32 @p0 $0x1;
	p0 =	por p2, p5  }
0x143: {  	(v2sf) =	vpush v58, $0xF;
	p1 =	slt.s32 s12, $0x20;
	[smem:$0x7F3] =	sst s3;
	s3 =	simm.s32 @!p0 $0x0  }
0x144: {  	v55 =	vsel vm5, $0x1, v2;
	v61 =	vld [tilespmem:$0x1FFF0];
	s9 =	spop (v2sf);
	s3 =	simm.s32 @p0 $0x1;
	p0 =	sgt.s32 s12, $0x1F  }
0x145: {  	(xrf0) =	vadd.scan.msk.s32 $0xffff, v55;
	p2 =	slt.s32 @!p0 s7, $0x1;
	s7 =	simm.s32 @!p1 $0x0;
	p1 =	slt.s32 @!p6 s9, $0x1  }
0x146: {  	p4 =	seq.s32 s15, $0x1;
	[smem:$0x7F4] =	sst s3;
	s3 =	simm.s32 @!p1 $0x0  }
0x147: {  	s3 =	simm.s32 @p1 $0x1;
	p1 =	por p4, p3  }
0x148: {  	[smem:$0x7F1] =	sst s3;
	s3 =	simm.s32 @!p1 $0x0  }
0x149: {  	v59 =	vsel vm2, $0x1, v2;
	vm15 =	vnez.u8 v61;
	s7 =	sadd.s32 s12, s7;
	p0 =	por p2, p0;
	s3 =	simm.s32 @p1 $0x1  }
0x14a: {  	v31 =	vsel vm15, $0x1, v2;
	(xrf0) =	vadd.scan.msk.s32 $0xffff, v59;
	p4 =	sgt.s32 s7, $0x1F;
	[smem:$0x7F5] =	sst s3;
	s3 =	simm.s32 @!p0 $0x0  }
0x14b: {  	v60, _, _ =	vpop (xrf0);
	(xrf0) =	vadd.scan.msk.s32 $0xffff, v31;
	s3 =	simm.s32 @p0 $0x1;
	p0 =	slt.s32 @!p4 s6, $0x1  }
0x14c: {  	p0 =	por p0, p4  }
0x14d: {  	[smem:$0x7F6] =	sst s3;
	s3 =	simm.s32 @!p0 $0x0  }
0x14e: {  	s3 =	simm.s32 @p0 $0x1  }
0x14f: {  	p5 =	slt.s32 s31, $0x20;
	[smem:$0x7F7] =	sst s3;
	s3 =	spop (v2sf)  }
0x150: {  	v62, _, _ =	vpop (xrf0);
	(v2sf) =	vpush v60, $0xF;
	s9 =	simm.s32 @!p5 $0x0;
	s15 =	spop (v2sf)  }
0x151: {  	v63, _, _ =	vpop (xrf0);
	(v2sf) =	vpush v62, $0xF;
	s20 =	sadd.s32 s31, s9;
	s9 =	spop (v2sf)  }
0x152: {  	(v2sf) =	vpush v63, $0xF;
	s17 =	spop (v2sf);
	[smem:$0x7EF] =	sst s0  }
0x153: {  	s0 =	sld [smem:$0x7EE];
	_ =	sdelay $0x2  }
0x154: {  	p3 =	seq.s32 s0, $0x1;
	s0 =	sld [smem:$0x7EF];
	_ =	sdelay $0x1  }
0x155: {  	p0 =	sgt.s32 s30, $0x1F  }
0x156: {  	[smem:$0x7EF] =	sst s0;
	s0 =	simm.s32 @!p0 $0x0  }
0x157: {  	s0 =	simm.s32 @p0 $0x1  }
0x158: {  	s16 =	sadd.s32 $0xFFFFFFD0, s25;
	[smem:$0x7FA] =	sst s0  }
0x159: {  	v31 =	vor.u32 s16, v0;
	s16 =	sadd.s32 $0xFFFFFFE0, s25;
	s0 =	sld [smem:$0x7EF]  }
0x15a: {  	vm0 =	vle.f32 @!p3 v18, $4.000000280e-02;
	v18 =	vor.u32 s16, v0;
	s16 =	sld [smem:$0x7F0]  }
0x15b: {  	p1 =	sgt.s32 s20, $0x1F;
	p4 =	slt.s32 s20, $0x20  }
0x15c: {  	p2 =	slt.s32 @!p1 s3, $0x1;
	s3 =	simm.s32 @!p4 $0x0;
	p4 =	slt.s32 @!p0 s17, $0x1  }
0x15d: {  	[tilespmem:s0+$0x1300] =	vst.msk @!p3 vm0, v31;
	p3 =	seq.s32 s16, $0x1;
	s16 =	simm.s32 @!p4 $0x0  }
0x15e: {  	s16 =	simm.s32 @p4 $0x1  }
0x15f: {  	[smem:$0x7F9] =	sst s16  }
0x160: {  	s16 =	sld [smem:$0x7F1];
	_ =	sdelay $0x2  }
0x161: {  	vm0 =	vle.f32 @!p3 v23, $4.000000280e-02;
	p4 =	seq.s32 s16, $0x1  }
0x162: {  	[tilespmem:s8+$0x1300] =	vst.msk @!p3 vm0, v18;
	p3 =	por p4, p6  }
0x163: {  	s8 =	simm.s32 @!p3 $0x0  }
0x164: {  	s8 =	simm.s32 @p3 $0x1  }
0x165: {  	[smem:$0x7F8] =	sst s8  }
0x166: {  	s8 =	sld [smem:$0x7F2];
	_ =	sdelay $0x1  }
0x167: {  	p0 =	slt.s32 s30, $0x20  }
0x168: {  	s17 =	simm.s32 @!p0 $0x0;
	s0 =	sadd.s32 $0xFFFFFFF0, s25;
	p0 =	seq.s32 s8, $0x1  }
0x169: {  	v23 =	vor.u32 s0, v0;
	s0 =	sadd.s32 s20, s3;
	s3 =	sadd.s32 s30, s17;
	vm0 =	vle.f32 @!p0 v25, $4.000000280e-02  }
0x16a: {  	[tilespmem:s10+$0x1300] =	vst.msk @!p0 vm0, v23;
	p0 =	sgt.s32 s3, $0x1F  }
0x16b: {  	s16 =	sld [smem:$0x7F3];
	s10 =	simm.s32 @!p0 $0x0  }
0x16c: {  	s17 =	sld [smem:$0x7F4];
	s10 =	simm.s32 @p0 $0x1  }
0x16d: {  	[smem:$0x7FC] =	sst s10  }
0x16e: {  	p6 =	por p2, p1;
	p1 =	seq.s32 s16, $0x1;
	s10 =	sld [smem:$0x7F5]  }
0x16f: {  	v25 =	vor.u32 s25, v0;
	vm0 =	vle.f32 @!p1 v30, $4.000000280e-02  }
0x170: {  	[tilespmem:s5+$0x1300] =	vst.msk @!p1 vm0, v25;
	p1 =	seq.s32 s17, $0x1  }
0x171: {  	vm0 =	vle.f32 @!p1 v17, $4.000000280e-02;
	p4 =	seq.s32 s10, $0x1  }
0x172: {  	p2 =	sgt.s32 s0, $0x1F;
	[tilespmem:s1+$0x1330] =	vst.msk @!p1 vm0, v31;
	vm0 =	vle.f32 @!p4 v21, $4.000000280e-02  }
0x173: {  	p5 =	slt.s32 @!p2 s15, $0x1;
	[tilespmem:s11+$0x1330] =	vst.msk @!p4 vm0, v18;
	s11 =	sld [smem:$0x7F6]  }
0x174: {  	p3 =	slt.s32 s0, $0x20;
	p5 =	por p5, p2  }
0x175: {  	s16 =	sld [smem:$0x7F7];
	s15 =	simm.s32 @!p3 $0x0;
	s8 =	spop (v2sf)  }
0x176: {  	p3 =	slt.s32 s5, $0x20;
	p1 =	slt.s32 @!p0 s8, $0x1;
	p0 =	seq.s32 s11, $0x1  }
0x177: {  	s4 =	simm.s32 @!p3 $0x0;
	s17 =	sld [smem:$0x7F8];
	s1 =	simm.s32 @!p1 $0x0;
	vm0 =	vle.f32 @!p0 v24, $4.000000280e-02  }
0x178: {  	s1 =	simm.s32 @p1 $0x1;
	p1 =	slt.s32 s3, $0x20;
	[tilespmem:s12+$0x1330] =	vst.msk @!p0 vm0, v23;
	p0 =	seq.s32 s16, $0x1  }
0x179: {  	[smem:$0x7FB] =	sst s1;
	s8 =	simm.s32 @!p1 $0x0;
	s1 =	spop (v2sf);
	vm0 =	vle.f32 @!p0 v26, $4.000000280e-02  }
0x17a: {  	s10 =	sadd.s32 s0, s15;
	s8 =	sadd.s32 s3, s8;
	[tilespmem:s7+$0x1330] =	vst.msk @!p0 vm0, v25;
	p0 =	seq.s32 s17, $0x1  }
0x17b: {  	s15 =	sld [smem:$0x7FA];
	p1 =	sgt.s32 s10, $0x1F;
	p4 =	sgt.s32 s8, $0x1F;
	vm0 =	vle.f32 @!p0 v16, $4.000000280e-02  }
0x17c: {  	p2 =	slt.s32 @!p1 s9, $0x1;
	s16 =	sld [smem:$0x7FB];
	[tilespmem:s31+$0x1360] =	vst.msk @!p0 vm0, v31;
	p0 =	slt.s32 @!p4 s1, $0x1  }
0x17d: {  	p1 =	por p2, p1;
	s12 =	sld [smem:$0x7F9];
	s11 =	simm.s32 @!p0 $0x0  }
0x17e: {  	p2 =	slt.s32 s7, $0x20;
	s17 =	sld [smem:$0x7FC];
	vm0 =	vle.f32 @!p6 v19, $4.000000280e-02;
	s11 =	simm.s32 @p0 $0x1  }
0x17f: {  	p3 =	seq.s32 s16, $0x1;
	[tilespmem:s20+$0x1360] =	vst.msk @!p6 vm0, v18;
	vm0 =	vle.f32 @!p5 v22, $4.000000280e-02;
	p6 =	seq.s32 s15, $0x1;
	[smem:$0x7FD] =	sst s11  }
0x180: {  	p0 =	slt.s32 s8, $0x20;
	[tilespmem:s0+$0x1360] =	vst.msk @!p5 vm0, v23;
	p5 =	seq.s32 s12, $0x1;
	s20 =	sld [smem:$0x7FD]  }
0x181: {  	vm0 =	vle.f32 @!p1 v29, $4.000000280e-02;
	s1 =	simm.s32 @!p0 $0x0;
	p0 =	por p5, p6;
	p5 =	seq.s32 s17, $0x1  }
0x182: {  	s12 =	spop (v2sf);
	[tilespmem:s10+$0x1360] =	vst.msk @!p1 vm0, v25;
	s11 =	sadd.s32 s8, s1;
	p1 =	por p3, p5  }
.Ltmp7:
0x183: {  	vm0 =	vle.f32 @!p0 v15, $4.000000280e-02;
	p3 =	sgt.s32 s11, $0x1F;
	p6 =	seq.s32 s20, $0x1;
	(pc) =	sbr.rel .LBB2_5-.Ltmp7, $4  }
0x184: {  	s6 =	simm.s32 @!p2 $0x0;
	[tilespmem:s30+$0x1390] =	vst.msk @!p0 vm0, v31;
	vm0 =	vle.f32 @!p1 v20, $4.000000280e-02;
	p2 =	slt.s32 @!p3 s12, $0x1;
	p0 =	por p6, p4  }
0x185: {  	[tilespmem:s3+$0x1390] =	vst.msk @!p1 vm0, v18;
	p1 =	slt.s32 s10, $0x20;
	p2 =	por p2, p3;
	p3 =	slt.s32 s11, $0x20;
	vm0 =	vle.f32 @!p0 v28, $4.000000280e-02  }
0x186: {  	s0 =	sadd.s32 s5, s4;
	s9 =	simm.s32 @!p1 $0x0;
	s12 =	simm.s32 @!p3 $0x0;
	[tilespmem:s8+$0x1390] =	vst.msk @!p0 vm0, v23;
	vm0 =	vle.f32 @!p2 v27, $4.000000280e-02  }
0x187: {  	s1 =	sadd.s32 s7, s6;
	s31 =	sadd.s32 s10, s9;
	s30 =	sadd.s32 s11, s12;
	[tilespmem:s11+$0x1390] =	vst.msk @!p2 vm0, v25  }
.LBB2_8:
0x188: {  	_ =	sfence.sel $0x180000  }
0x189: {  	[bflag:$0x0] =	sbarrier.arrive $0xFFFF  }
0x18a: {  	_ =	strace $0x90000047  }
0x18b: {  	s0 =	stileid.u32;
	[bflag:$0x2] =	sbarrier.arrive $0xFFFF  }
0x18c: {  	p0 =	sne.s32 s0, $0x0;
	s0 =	rddreg [dreg:$0x1]  }
0x18d: {  	s0 =	sadd.s32 @!p0 $0x100000, s0  }
0x18e: {  	[sflag:s0] =	ssyncadd.tile.s32 @!p0 $0x1;
	_ =	shalt  }
.Lfunc_end2:
_tile_overlayer_lowered:
.L_overlay_start_2:
0x18f: {  	(tag) =	ssettag $0x2  }
0x190: {  	s0 =	rddreg [dreg:$0x0];
	s2 =	stileid.u32  }
0x191: {  	s1 =	rddreg [dreg:$0x1];
	p0 =	sne.s32 s2, $0x0  }
0x192: {  	s3 =	rddreg [dreg:$0x2];
	[bflag:$0x3] =	sbarrier.arrive $0xFFFF;
	s2 =	simm.s32 @!p0 $0x1C01  }
0x193: {  	[timem:s3], [sflag:s2] =	dma.local @!p0 [hbm:s0], s1  }
0x194: {  	s0 =	simm.s32 @!p0 $0x1  }
0x195: {  	_ =	swait.ge @!p0 [sflag:s0], s1  }
0x196: {  	s1 =	ssub.s32 @!p0 $0x0, s1;
	[sflag:s0] =	ssyncset.done @!p0 $0x0  }
0x197: {  	[sflag:s0] =	ssyncadd.s32 @!p0 s1  }
0x198: {  	[bflag:$0x3] =	sbarrier.arrive $0xFFFF  }
0x199: {  	_ =	shalt  }

</sc_bundles>
